<compile_context>
chip_gen: v7x
topology: tpu7x:2x2x1
jax: 0.10.2.dev20260603
libtpu: 0.0.44.dev20260713+nightly
codegen_flags: <defaults>
</compile_context>

<pallas_src>
import functools

import jax
import jax.numpy as jnp
from jax import lax
from jax.experimental import pallas as pl
from jax.experimental.pallas import tpu as pltpu
from jax.experimental.pallas import tpu_sc as plsc

_INFO = plsc.get_sparse_core_info()
NC = _INFO.num_cores
NS = _INFO.num_subcores
L = _INFO.num_lanes
NW = NC * NS

N_DST = 10000
D = 128
BATCH = 128
SHARE0 = 640
SHARE = 624
assert SHARE0 + (NS - 1) * SHARE == N_DST


def _i32(x):
    return jnp.int32(x)


def _sc_partial_sums(src_emb, sidx, didx, ept, nbf, tail):
    mesh = plsc.VectorSubcoreMesh(core_axis_name="c", subcore_axis_name="s")

    assert nbf >= 3 and 0 < tail <= L and tail % 8 == 0

    @functools.partial(
        pl.kernel,
        mesh=mesh,
        out_type=jax.ShapeDtypeStruct((NC, N_DST, D), jnp.float32),
        scratch_types=[
            pltpu.VMEM((4, 2, BATCH), jnp.int32),
            pltpu.VMEM((3, BATCH, D), jnp.float32),
            pltpu.VMEM_SHARED((N_DST, D), jnp.float32),
            pltpu.SemaphoreType.DMA,
            pltpu.SemaphoreType.DMA,
            pltpu.SemaphoreType.DMA,
            pltpu.SemaphoreType.DMA,
            pltpu.SemaphoreType.DMA,
            pltpu.SemaphoreType.DMA,
            pltpu.SemaphoreType.DMA,
            pltpu.SemaphoreType.DMA,
            pltpu.SemaphoreType.DMA,
            pltpu.SemaphoreType.DMA,
        ],
    )
    def body(src_hbm, sidx_hbm, didx_hbm, out_hbm, ibufs, rows_v, acc_sh,
             is0, is1, is2, is3, gs0, gs1, gs2, ss0, ss1, ss2):
        cid = lax.axis_index("c")
        sid = lax.axis_index("s")
        wid = sid * NC + cid
        tile_base = wid * ept
        isems = (is0, is1, is2, is3)
        gsems = (gs0, gs1, gs2)
        ssems = (ss0, ss1, ss2)

        def _ifetch(jb, k):
            off = tile_base + jb * BATCH
            return (
                pltpu.make_async_copy(
                    sidx_hbm.at[pl.ds(off, BATCH)],
                    ibufs.at[_i32(k), _i32(0)], isems[k]),
                pltpu.make_async_copy(
                    didx_hbm.at[pl.ds(off, BATCH)],
                    ibufs.at[_i32(k), _i32(1)], isems[k]),
            )

        def _istart(jb, k):
            a, b = _ifetch(jb, k)
            a.start()
            b.start()

        def _iwait(jb, k):
            a, b = _ifetch(jb, k)
            a.wait()
            b.wait()

        def _gath(k4, r3):
            return pltpu.make_async_copy(
                src_hbm.at[ibufs.at[_i32(k4), _i32(0)]],
                rows_v.at[_i32(r3)], gsems[r3])

        def _scat_start(k4, r3):
            pltpu.async_copy(
                rows_v.at[_i32(r3)],
                acc_sh.at[ibufs.at[_i32(k4), _i32(1)]],
                ssems[r3], add=True)

        def _scat_wait(k4, r3):
            pltpu.make_async_copy(
                rows_v.at[_i32(r3)],
                acc_sh.at[ibufs.at[_i32(k4), _i32(1)]],
                ssems[r3]).wait()

        _istart(_i32(0), 0)
        _istart(_i32(1), 1)
        _istart(_i32(2), 2)

        @pl.loop(_i32(0), _i32(BATCH))
        def _zrow(i):
            for c in range(D // L):
                rows_v[_i32(2), i, pl.ds(c * L, L)] = jnp.zeros(
                    (L,), jnp.float32)

        def _zdescs0():
            return [pltpu.make_async_copy(
                        rows_v.at[_i32(2)],
                        acc_sh.at[pl.ds(k * BATCH, BATCH)], ss2)
                    for k in range(SHARE0 // BATCH)]

        def _zdescs():
            zbase = SHARE0 + (sid - 1) * SHARE
            out = [pltpu.make_async_copy(
                       rows_v.at[_i32(2)],
                       acc_sh.at[pl.ds(zbase + k * BATCH, BATCH)], ss2)
                   for k in range(SHARE // BATCH)]
            zrem = SHARE % BATCH
            if zrem:
                out.append(pltpu.make_async_copy(
                    rows_v.at[_i32(2)].at[pl.ds(0, zrem)],
                    acc_sh.at[pl.ds(zbase + (SHARE // BATCH) * BATCH, zrem)],
                    ss2))
            return out

        @pl.when(sid == 0)
        def _zero0():
            for c in _zdescs0():
                c.start()

        @pl.when(sid > 0)
        def _zero():
            for c in _zdescs():
                c.start()

        _iwait(_i32(0), 0)
        _gath(0, 0).start()
        _iwait(_i32(1), 1)
        _gath(1, 1).start()

        @pl.when(sid == 0)
        def _zwait0():
            for c in _zdescs0():
                c.wait()

        @pl.when(sid > 0)
        def _zwait():
            for c in _zdescs():
                c.wait()

        plsc.subcore_barrier()


        @pl.loop(_i32(0), _i32(nbf), step=_i32(12))
        def _step(j):
            for b in range(12):
                jb = j + b

                def _one(jb=jb, b=b):
                    _gath(b % 4, b % 3).wait()
                    _scat_start(b % 4, b % 3)

                    if b == 0:
                        @pl.when(jb > 0)
                        def _drain():
                            _scat_wait((b - 1) % 4, (b - 1) % 3)
                    else:
                        _scat_wait((b - 1) % 4, (b - 1) % 3)

                    @pl.when(jb + 3 < nbf)
                    def _pref():
                        _istart(jb + 3, (b + 3) % 4)

                    @pl.when(jb + 2 < nbf)
                    def _next():
                        _iwait(jb + 2, (b + 2) % 4)
                        _gath((b + 2) % 4, (b + 2) % 3).start()

                if b == 0:
                    _one()
                else:
                    pl.when(jb < nbf)(_one)

        _scat_wait((nbf - 1) % 4, (nbf - 1) % 3)
        toff = tile_base + nbf * BATCH
        pltpu.sync_copy(sidx_hbm.at[pl.ds(toff, tail)],
                        ibufs.at[_i32(0), _i32(0)].at[pl.ds(0, tail)])
        pltpu.sync_copy(didx_hbm.at[pl.ds(toff, tail)],
                        ibufs.at[_i32(0), _i32(1)].at[pl.ds(0, tail)])
        vs = ibufs[_i32(0), _i32(0), pl.ds(0, L)]
        vd = ibufs[_i32(0), _i32(1), pl.ds(0, L)]
        pltpu.async_copy(src_hbm.at[vs],
                         rows_v.at[_i32(0)].at[pl.ds(0, tail)], gs0).wait()
        pltpu.sync_copy(rows_v.at[_i32(0)].at[pl.ds(0, tail)],
                        acc_sh.at[vd], add=True)
        plsc.subcore_barrier()

        @pl.when(sid == 0)
        def _pub0():
            pltpu.sync_copy(acc_sh.at[pl.ds(0, SHARE0)],
                            out_hbm.at[cid, pl.ds(0, SHARE0)])

        @pl.when(sid > 0)
        def _pub():
            pbase = SHARE0 + (sid - 1) * SHARE
            pltpu.sync_copy(acc_sh.at[pl.ds(pbase, SHARE)],
                            out_hbm.at[cid, pl.ds(pbase, SHARE)])

    return body(src_emb, sidx, didx)


def _merge_partials(partials):
    blk = 2000

    def body(p_ref, o_ref):
        o_ref[...] = jnp.sum(p_ref[...], axis=0)

    return pl.pallas_call(
        body,
        out_shape=jax.ShapeDtypeStruct((N_DST, D), jnp.float32),
        grid=(N_DST // blk,),
        in_specs=[pl.BlockSpec((NC, blk, D), lambda i: (i * 0, i, i * 0))],
        out_specs=pl.BlockSpec((blk, D), lambda i: (i, i * 0)),
    )(partials)


def kernel(src_emb, edge_index):
    e = edge_index.shape[1]
    assert e % NW == 0
    ept = e // NW
    nbf = ept // BATCH
    tail = ept - nbf * BATCH

    sidx = edge_index[0].astype(jnp.int32)
    didx = edge_index[1].astype(jnp.int32)
    partials = _sc_partial_sums(src_emb, sidx, didx, ept, nbf, tail)
    return _merge_partials(partials)

# --- scband reference (transcript-rebuilt; emitter-appended) ---
"""Pipeline reference for scband-hetero-conv-14147622273721 (READ-ONLY COPY).

The authoritative reference and input builder live on the scoring server;
editing this copy changes nothing except your own understanding.
"""

import jax
jax.config.update('jax_enable_x64', True)
import jax.numpy as jnp
import numpy as np

N_SRC = 10000
N_DST = 10000
E = 320000
D = 128


def setup_inputs(seed: int = 0) -> dict:
    key = jax.random.key(seed)
    k1, k2 = jax.random.split(key)
    src_emb = jax.random.normal(k1, (N_SRC, D), dtype=jnp.float32)
    edge_index = jax.random.randint(k2, (2, E), 0, N_SRC, dtype=jnp.int64)
    return {"src_emb": src_emb, "edge_index": edge_index}


def reference(src_emb, edge_index):
    # HeteroConv forward: copy src node features onto edges (copy_u -> 'm'),
    # then update_all with copy_e + sum reduce, i.e. for each dst node d:
    #   dst_emb[d] = sum over edges (s -> d) of src_emb[s]
    src_idx = edge_index[0]
    dst_idx = edge_index[1]
    messages = jnp.take(src_emb, src_idx, axis=0)  # copy_u: gather src features per edge
    dst_emb = jax.ops.segment_sum(messages, dst_idx, num_segments=N_DST)  # fn.sum reduce
    return dst_emb

if __name__ == "__main__":
    import jax
    _d = setup_inputs()
    print(jax.jit(kernel)(*tuple(_d.values())))

</pallas_src>

<mosaic_0001>
#map = affine_map<(d0, d1) -> (0, 0)>
#map1 = affine_map<(d0, d1) -> (0)>
#map2 = affine_map<(d0, d1) -> (0, 0, 0)>
module attributes {stable_mosaic.version = 14 : i64} {
  func.func @body(%arg0: i32, %arg1: i32, %arg2: memref<10000x128xf32, #tpu.memory_space<hbm>>, %arg3: memref<320000xi32, #tpu.memory_space<hbm>>, %arg4: memref<320000xi32, #tpu.memory_space<hbm>>, %arg5: memref<2x10000x128xf32, #tpu.memory_space<hbm>>, %arg6: memref<4x2x128xi32, #tpu.memory_space<vmem>>, %arg7: memref<3x128x128xf32, #tpu.memory_space<vmem>>, %arg8: memref<10000x128xf32, #tpu.memory_space<vmem_shared>>, %arg9: memref<!tpu.dma_semaphore, #tpu.memory_space<semaphore_mem>>, %arg10: memref<!tpu.dma_semaphore, #tpu.memory_space<semaphore_mem>>, %arg11: memref<!tpu.dma_semaphore, #tpu.memory_space<semaphore_mem>>, %arg12: memref<!tpu.dma_semaphore, #tpu.memory_space<semaphore_mem>>, %arg13: memref<!tpu.dma_semaphore, #tpu.memory_space<semaphore_mem>>, %arg14: memref<!tpu.dma_semaphore, #tpu.memory_space<semaphore_mem>>, %arg15: memref<!tpu.dma_semaphore, #tpu.memory_space<semaphore_mem>>, %arg16: memref<!tpu.dma_semaphore, #tpu.memory_space<semaphore_mem>>, %arg17: memref<!tpu.dma_semaphore, #tpu.memory_space<semaphore_mem>>, %arg18: memref<!tpu.dma_semaphore, #tpu.memory_space<semaphore_mem>>) attributes {dimension_semantics = [#tpu.dimension_semantics<core_parallel>, #tpu.dimension_semantics<subcore_parallel>], iteration_bounds = array<i64: 2, 16>, scalar_prefetch = 0 : i64, scratch_operands = 13 : i64, tpu.core_type = #tpu.core_type<sc_vector_subcore>, window_params = [{transform_indices = #map}, {transform_indices = #map1}, {transform_indices = #map1}, {transform_indices = #map2}]} {
    %mul3A = arith.constant 2 : i32
    %mul3A_0 = arith.muli %arg1, %mul3A : i32
    %add3A = arith.addi %mul3A_0, %arg0 : i32
    %mul3A_1 = arith.constant 10000 : i32
    %mul3A_2 = arith.muli %add3A, %mul3A_1 : i32
    %mul3A_3 = arith.constant 0 : i32
    %mul3A_4 = arith.constant 128 : i32
    %mul3A_5 = arith.muli %mul3A_3, %mul3A_4 : i32
    %add3A_6 = arith.addi %mul3A_2, %mul3A_5 : i32
    %dma_start3A = arith.constant 0 : i32
    %dma_start3A_7 = arith.constant 0 : i32
    %dma_start3A_8 = arith.constant 0 : i32
    %dma_start3A_9 = tpu.memref_slice %arg6[%dma_start3A, %dma_start3A_7, %dma_start3A_8] : memref<4x2x128xi32, #tpu.memory_space<vmem>> -> memref<1x1x128xi32, #tpu.memory_space<vmem>>
    %dma_start3A_10 = tpu.memref_squeeze %dma_start3A_9 : memref<1x1x128xi32, #tpu.memory_space<vmem>> -> memref<128xi32, #tpu.memory_space<vmem>>
    %dma_start3A_11 = tpu.memref_slice %arg3[%add3A_6] : memref<320000xi32, #tpu.memory_space<hbm>> -> memref<128xi32, #tpu.memory_space<hbm>>
    %dma_start3A_12 = arith.constant 0 : i32
    %dma_start3A_13 = tpu.memref_slice %arg6[%dma_start3A, %dma_start3A_7, %dma_start3A_12] : memref<4x2x128xi32, #tpu.memory_space<vmem>> -> memref<1x1x128xi32, #tpu.memory_space<vmem>>
    %dma_start3A_14 = tpu.memref_squeeze %dma_start3A_13 : memref<1x1x128xi32, #tpu.memory_space<vmem>> -> memref<128xi32, #tpu.memory_space<vmem>>
    %dma_start3A_15 = tpu.memref_slice %arg3[%add3A_6] : memref<320000xi32, #tpu.memory_space<hbm>> -> memref<128xi32, #tpu.memory_space<hbm>>
    tpu.enqueue_dma source(%dma_start3A_15 : memref<128xi32, #tpu.memory_space<hbm>>) target(%dma_start3A_14 : memref<128xi32, #tpu.memory_space<vmem>>) target_semaphore(%arg9 : memref<!tpu.dma_semaphore, #tpu.memory_space<semaphore_mem>>)
    %dma_start3A_16 = arith.constant 0 : i32
    %dma_start3A_17 = arith.constant 1 : i32
    %dma_start3A_18 = arith.constant 0 : i32
    %dma_start3A_19 = tpu.memref_slice %arg6[%dma_start3A_16, %dma_start3A_17, %dma_start3A_18] : memref<4x2x128xi32, #tpu.memory_space<vmem>> -> memref<1x1x128xi32, #tpu.memory_space<vmem>>
    %dma_start3A_20 = tpu.memref_squeeze %dma_start3A_19 : memref<1x1x128xi32, #tpu.memory_space<vmem>> -> memref<128xi32, #tpu.memory_space<vmem>>
    %dma_start3A_21 = tpu.memref_slice %arg4[%add3A_6] : memref<320000xi32, #tpu.memory_space<hbm>> -> memref<128xi32, #tpu.memory_space<hbm>>
    %dma_start3A_22 = arith.constant 0 : i32
    %dma_start3A_23 = tpu.memref_slice %arg6[%dma_start3A_16, %dma_start3A_17, %dma_start3A_22] : memref<4x2x128xi32, #tpu.memory_space<vmem>> -> memref<1x1x128xi32, #tpu.memory_space<vmem>>
    %dma_start3A_24 = tpu.memref_squeeze %dma_start3A_23 : memref<1x1x128xi32, #tpu.memory_space<vmem>> -> memref<128xi32, #tpu.memory_space<vmem>>
    %dma_start3A_25 = tpu.memref_slice %arg4[%add3A_6] : memref<320000xi32, #tpu.memory_space<hbm>> -> memref<128xi32, #tpu.memory_space<hbm>>
    tpu.enqueue_dma source(%dma_start3A_25 : memref<128xi32, #tpu.memory_space<hbm>>) target(%dma_start3A_24 : memref<128xi32, #tpu.memory_space<vmem>>) target_semaphore(%arg9 : memref<!tpu.dma_semaphore, #tpu.memory_space<semaphore_mem>>)
    %mul3A_26 = arith.constant 1 : i32
    %mul3A_27 = arith.constant 128 : i32
    %mul3A_28 = arith.muli %mul3A_26, %mul3A_27 : i32
    %add3A_29 = arith.addi %mul3A_2, %mul3A_28 : i32
    %dma_start3A_30 = arith.constant 1 : i32
    %dma_start3A_31 = arith.constant 0 : i32
    %dma_start3A_32 = arith.constant 0 : i32
    %dma_start3A_33 = tpu.memref_slice %arg6[%dma_start3A_30, %dma_start3A_31, %dma_start3A_32] : memref<4x2x128xi32, #tpu.memory_space<vmem>> -> memref<1x1x128xi32, #tpu.memory_space<vmem>>
    %dma_start3A_34 = tpu.memref_squeeze %dma_start3A_33 : memref<1x1x128xi32, #tpu.memory_space<vmem>> -> memref<128xi32, #tpu.memory_space<vmem>>
    %dma_start3A_35 = tpu.memref_slice %arg3[%add3A_29] : memref<320000xi32, #tpu.memory_space<hbm>> -> memref<128xi32, #tpu.memory_space<hbm>>
    %dma_start3A_36 = arith.constant 0 : i32
    %dma_start3A_37 = tpu.memref_slice %arg6[%dma_start3A_30, %dma_start3A_31, %dma_start3A_36] : memref<4x2x128xi32, #tpu.memory_space<vmem>> -> memref<1x1x128xi32, #tpu.memory_space<vmem>>
    %dma_start3A_38 = tpu.memref_squeeze %dma_start3A_37 : memref<1x1x128xi32, #tpu.memory_space<vmem>> -> memref<128xi32, #tpu.memory_space<vmem>>
    %dma_start3A_39 = tpu.memref_slice %arg3[%add3A_29] : memref<320000xi32, #tpu.memory_space<hbm>> -> memref<128xi32, #tpu.memory_space<hbm>>
    tpu.enqueue_dma source(%dma_start3A_39 : memref<128xi32, #tpu.memory_space<hbm>>) target(%dma_start3A_38 : memref<128xi32, #tpu.memory_space<vmem>>) target_semaphore(%arg10 : memref<!tpu.dma_semaphore, #tpu.memory_space<semaphore_mem>>)
    %dma_start3A_40 = arith.constant 1 : i32
    %dma_start3A_41 = arith.constant 1 : i32
    %dma_start3A_42 = arith.constant 0 : i32
    %dma_start3A_43 = tpu.memref_slice %arg6[%dma_start3A_40, %dma_start3A_41, %dma_start3A_42] : memref<4x2x128xi32, #tpu.memory_space<vmem>> -> memref<1x1x128xi32, #tpu.memory_space<vmem>>
    %dma_start3A_44 = tpu.memref_squeeze %dma_start3A_43 : memref<1x1x128xi32, #tpu.memory_space<vmem>> -> memref<128xi32, #tpu.memory_space<vmem>>
    %dma_start3A_45 = tpu.memref_slice %arg4[%add3A_29] : memref<320000xi32, #tpu.memory_space<hbm>> -> memref<128xi32, #tpu.memory_space<hbm>>
    %dma_start3A_46 = arith.constant 0 : i32
    %dma_start3A_47 = tpu.memref_slice %arg6[%dma_start3A_40, %dma_start3A_41, %dma_start3A_46] : memref<4x2x128xi32, #tpu.memory_space<vmem>> -> memref<1x1x128xi32, #tpu.memory_space<vmem>>
    %dma_start3A_48 = tpu.memref_squeeze %dma_start3A_47 : memref<1x1x128xi32, #tpu.memory_space<vmem>> -> memref<128xi32, #tpu.memory_space<vmem>>
    %dma_start3A_49 = tpu.memref_slice %arg4[%add3A_29] : memref<320000xi32, #tpu.memory_space<hbm>> -> memref<128xi32, #tpu.memory_space<hbm>>
    tpu.enqueue_dma source(%dma_start3A_49 : memref<128xi32, #tpu.memory_space<hbm>>) target(%dma_start3A_48 : memref<128xi32, #tpu.memory_space<vmem>>) target_semaphore(%arg10 : memref<!tpu.dma_semaphore, #tpu.memory_space<semaphore_mem>>)
    %mul3A_50 = arith.constant 2 : i32
    %mul3A_51 = arith.constant 128 : i32
    %mul3A_52 = arith.muli %mul3A_50, %mul3A_51 : i32
    %add3A_53 = arith.addi %mul3A_2, %mul3A_52 : i32
    %dma_start3A_54 = arith.constant 2 : i32
    %dma_start3A_55 = arith.constant 0 : i32
    %dma_start3A_56 = arith.constant 0 : i32
    %dma_start3A_57 = tpu.memref_slice %arg6[%dma_start3A_54, %dma_start3A_55, %dma_start3A_56] : memref<4x2x128xi32, #tpu.memory_space<vmem>> -> memref<1x1x128xi32, #tpu.memory_space<vmem>>
    %dma_start3A_58 = tpu.memref_squeeze %dma_start3A_57 : memref<1x1x128xi32, #tpu.memory_space<vmem>> -> memref<128xi32, #tpu.memory_space<vmem>>
    %dma_start3A_59 = tpu.memref_slice %arg3[%add3A_53] : memref<320000xi32, #tpu.memory_space<hbm>> -> memref<128xi32, #tpu.memory_space<hbm>>
    %dma_start3A_60 = arith.constant 0 : i32
    %dma_start3A_61 = tpu.memref_slice %arg6[%dma_start3A_54, %dma_start3A_55, %dma_start3A_60] : memref<4x2x128xi32, #tpu.memory_space<vmem>> -> memref<1x1x128xi32, #tpu.memory_space<vmem>>
    %dma_start3A_62 = tpu.memref_squeeze %dma_start3A_61 : memref<1x1x128xi32, #tpu.memory_space<vmem>> -> memref<128xi32, #tpu.memory_space<vmem>>
    %dma_start3A_63 = tpu.memref_slice %arg3[%add3A_53] : memref<320000xi32, #tpu.memory_space<hbm>> -> memref<128xi32, #tpu.memory_space<hbm>>
    tpu.enqueue_dma source(%dma_start3A_63 : memref<128xi32, #tpu.memory_space<hbm>>) target(%dma_start3A_62 : memref<128xi32, #tpu.memory_space<vmem>>) target_semaphore(%arg11 : memref<!tpu.dma_semaphore, #tpu.memory_space<semaphore_mem>>)
    %dma_start3A_64 = arith.constant 2 : i32
    %dma_start3A_65 = arith.constant 1 : i32
    %dma_start3A_66 = arith.constant 0 : i32
    %dma_start3A_67 = tpu.memref_slice %arg6[%dma_start3A_64, %dma_start3A_65, %dma_start3A_66] : memref<4x2x128xi32, #tpu.memory_space<vmem>> -> memref<1x1x128xi32, #tpu.memory_space<vmem>>
    %dma_start3A_68 = tpu.memref_squeeze %dma_start3A_67 : memref<1x1x128xi32, #tpu.memory_space<vmem>> -> memref<128xi32, #tpu.memory_space<vmem>>
    %dma_start3A_69 = tpu.memref_slice %arg4[%add3A_53] : memref<320000xi32, #tpu.memory_space<hbm>> -> memref<128xi32, #tpu.memory_space<hbm>>
    %dma_start3A_70 = arith.constant 0 : i32
    %dma_start3A_71 = tpu.memref_slice %arg6[%dma_start3A_64, %dma_start3A_65, %dma_start3A_70] : memref<4x2x128xi32, #tpu.memory_space<vmem>> -> memref<1x1x128xi32, #tpu.memory_space<vmem>>
    %dma_start3A_72 = tpu.memref_squeeze %dma_start3A_71 : memref<1x1x128xi32, #tpu.memory_space<vmem>> -> memref<128xi32, #tpu.memory_space<vmem>>
    %dma_start3A_73 = tpu.memref_slice %arg4[%add3A_53] : memref<320000xi32, #tpu.memory_space<hbm>> -> memref<128xi32, #tpu.memory_space<hbm>>
    tpu.enqueue_dma source(%dma_start3A_73 : memref<128xi32, #tpu.memory_space<hbm>>) target(%dma_start3A_72 : memref<128xi32, #tpu.memory_space<vmem>>) target_semaphore(%arg11 : memref<!tpu.dma_semaphore, #tpu.memory_space<semaphore_mem>>)
    %sub3A = arith.constant 128 : i32
    %sub3A_74 = arith.constant 0 : i32
    %sub3A_75 = arith.subi %sub3A, %sub3A_74 : i32
    %sub3A_76 = arith.constant 1 : i32
    %sub3A_77 = arith.constant 1 : i32
    %sub3A_78 = arith.subi %sub3A_76, %sub3A_77 : i32
    %add3A_79 = arith.addi %sub3A_75, %sub3A_78 : i32
    %div3A = arith.constant 1 : i32
    %div3A_80 = arith.divsi %add3A_79, %div3A : i32
    %while3A = arith.constant 1 : i32
    %while3A_81 = arith.constant 0 : i32
    %while3A_82 = arith.constant 0 : i32
    %while3A_83 = arith.subi %div3A_80, %while3A_82 : i32
    %while3A_84 = arith.addi %while3A_82, %while3A_83 : i32
    %while3A_85 = arith.constant 1 : i32
    %while3A_86 = arith.divsi %while3A_83, %while3A_85 : i32
    %while3A_87 = arith.muli %while3A_86, %while3A_85 : i32
    %while3A_88 = arith.addi %while3A_82, %while3A_87 : i32
    %while3A_89 = arith.constant 1 : i32
    scf.for %while3A_265 = %while3A_82 to %while3A_88 step %while3A_89  : i32 {
      %mul3A_266 = arith.muli %while3A_265, %while3A : i32
      %add3A_267 = arith.addi %while3A_81, %mul3A_266 : i32
      %broadcast_in_dim3A = arith.constant 0.000000e+00 : f32
      %broadcast_in_dim3A_268 = vector.broadcast %broadcast_in_dim3A : f32 to vector<16xf32>
      %swap3A = arith.constant 2 : i32
      %swap3A_269 = arith.index_cast %swap3A : i32 to index
      %swap3A_270 = arith.index_cast %add3A_267 : i32 to index
      %swap3A_271 = arith.constant 0 : index
      %swap3A_272 = tpu.vector_load %arg7[%swap3A_269, %swap3A_270, %swap3A_271] {strides = array<i32>} : memref<3x128x128xf32, #tpu.memory_space<vmem>>, vector<1x1x16xf32>,
      %swap3A_273 = vector.shape_cast %swap3A_272 : vector<1x1x16xf32> to vector<16xf32>
      %swap3A_274 = vector.shape_cast %broadcast_in_dim3A_268 : vector<16xf32> to vector<1x1x16xf32>
      tpu.vector_store %arg7[%swap3A_269, %swap3A_270, %swap3A_271], %swap3A_274 {strides = array<i32>} : memref<3x128x128xf32, #tpu.memory_space<vmem>>, vector<1x1x16xf32>,
      %broadcast_in_dim3A_275 = arith.constant 0.000000e+00 : f32
      %broadcast_in_dim3A_276 = vector.broadcast %broadcast_in_dim3A_275 : f32 to vector<16xf32>
      %swap3A_277 = arith.constant 2 : i32
      %swap3A_278 = arith.index_cast %swap3A_277 : i32 to index
      %swap3A_279 = arith.index_cast %add3A_267 : i32 to index
      %swap3A_280 = arith.constant 16 : index
      %swap3A_281 = tpu.vector_load %arg7[%swap3A_278, %swap3A_279, %swap3A_280] {strides = array<i32>} : memref<3x128x128xf32, #tpu.memory_space<vmem>>, vector<1x1x16xf32>,
      %swap3A_282 = vector.shape_cast %swap3A_281 : vector<1x1x16xf32> to vector<16xf32>
      %swap3A_283 = vector.shape_cast %broadcast_in_dim3A_276 : vector<16xf32> to vector<1x1x16xf32>
      tpu.vector_store %arg7[%swap3A_278, %swap3A_279, %swap3A_280], %swap3A_283 {strides = array<i32>} : memref<3x128x128xf32, #tpu.memory_space<vmem>>, vector<1x1x16xf32>,
      %broadcast_in_dim3A_284 = arith.constant 0.000000e+00 : f32
      %broadcast_in_dim3A_285 = vector.broadcast %broadcast_in_dim3A_284 : f32 to vector<16xf32>
      %swap3A_286 = arith.constant 2 : i32
      %swap3A_287 = arith.index_cast %swap3A_286 : i32 to index
      %swap3A_288 = arith.index_cast %add3A_267 : i32 to index
      %swap3A_289 = arith.constant 32 : index
      %swap3A_290 = tpu.vector_load %arg7[%swap3A_287, %swap3A_288, %swap3A_289] {strides = array<i32>} : memref<3x128x128xf32, #tpu.memory_space<vmem>>, vector<1x1x16xf32>,
      %swap3A_291 = vector.shape_cast %swap3A_290 : vector<1x1x16xf32> to vector<16xf32>
      %swap3A_292 = vector.shape_cast %broadcast_in_dim3A_285 : vector<16xf32> to vector<1x1x16xf32>
      tpu.vector_store %arg7[%swap3A_287, %swap3A_288, %swap3A_289], %swap3A_292 {strides = array<i32>} : memref<3x128x128xf32, #tpu.memory_space<vmem>>, vector<1x1x16xf32>,
      %broadcast_in_dim3A_293 = arith.constant 0.000000e+00 : f32
      %broadcast_in_dim3A_294 = vector.broadcast %broadcast_in_dim3A_293 : f32 to vector<16xf32>
      %swap3A_295 = arith.constant 2 : i32
      %swap3A_296 = arith.index_cast %swap3A_295 : i32 to index
      %swap3A_297 = arith.index_cast %add3A_267 : i32 to index
      %swap3A_298 = arith.constant 48 : index
      %swap3A_299 = tpu.vector_load %arg7[%swap3A_296, %swap3A_297, %swap3A_298] {strides = array<i32>} : memref<3x128x128xf32, #tpu.memory_space<vmem>>, vector<1x1x16xf32>,
      %swap3A_300 = vector.shape_cast %swap3A_299 : vector<1x1x16xf32> to vector<16xf32>
      %swap3A_301 = vector.shape_cast %broadcast_in_dim3A_294 : vector<16xf32> to vector<1x1x16xf32>
      tpu.vector_store %arg7[%swap3A_296, %swap3A_297, %swap3A_298], %swap3A_301 {strides = array<i32>} : memref<3x128x128xf32, #tpu.memory_space<vmem>>, vector<1x1x16xf32>,
      %broadcast_in_dim3A_302 = arith.constant 0.000000e+00 : f32
      %broadcast_in_dim3A_303 = vector.broadcast %broadcast_in_dim3A_302 : f32 to vector<16xf32>
      %swap3A_304 = arith.constant 2 : i32
      %swap3A_305 = arith.index_cast %swap3A_304 : i32 to index
      %swap3A_306 = arith.index_cast %add3A_267 : i32 to index
      %swap3A_307 = arith.constant 64 : index
      %swap3A_308 = tpu.vector_load %arg7[%swap3A_305, %swap3A_306, %swap3A_307] {strides = array<i32>} : memref<3x128x128xf32, #tpu.memory_space<vmem>>, vector<1x1x16xf32>,
      %swap3A_309 = vector.shape_cast %swap3A_308 : vector<1x1x16xf32> to vector<16xf32>
      %swap3A_310 = vector.shape_cast %broadcast_in_dim3A_303 : vector<16xf32> to vector<1x1x16xf32>
      tpu.vector_store %arg7[%swap3A_305, %swap3A_306, %swap3A_307], %swap3A_310 {strides = array<i32>} : memref<3x128x128xf32, #tpu.memory_space<vmem>>, vector<1x1x16xf32>,
      %broadcast_in_dim3A_311 = arith.constant 0.000000e+00 : f32
      %broadcast_in_dim3A_312 = vector.broadcast %broadcast_in_dim3A_311 : f32 to vector<16xf32>
      %swap3A_313 = arith.constant 2 : i32
      %swap3A_314 = arith.index_cast %swap3A_313 : i32 to index
      %swap3A_315 = arith.index_cast %add3A_267 : i32 to index
      %swap3A_316 = arith.constant 80 : index
      %swap3A_317 = tpu.vector_load %arg7[%swap3A_314, %swap3A_315, %swap3A_316] {strides = array<i32>} : memref<3x128x128xf32, #tpu.memory_space<vmem>>, vector<1x1x16xf32>,
      %swap3A_318 = vector.shape_cast %swap3A_317 : vector<1x1x16xf32> to vector<16xf32>
      %swap3A_319 = vector.shape_cast %broadcast_in_dim3A_312 : vector<16xf32> to vector<1x1x16xf32>
      tpu.vector_store %arg7[%swap3A_314, %swap3A_315, %swap3A_316], %swap3A_319 {strides = array<i32>} : memref<3x128x128xf32, #tpu.memory_space<vmem>>, vector<1x1x16xf32>,
      %broadcast_in_dim3A_320 = arith.constant 0.000000e+00 : f32
      %broadcast_in_dim3A_321 = vector.broadcast %broadcast_in_dim3A_320 : f32 to vector<16xf32>
      %swap3A_322 = arith.constant 2 : i32
      %swap3A_323 = arith.index_cast %swap3A_322 : i32 to index
      %swap3A_324 = arith.index_cast %add3A_267 : i32 to index
      %swap3A_325 = arith.constant 96 : index
      %swap3A_326 = tpu.vector_load %arg7[%swap3A_323, %swap3A_324, %swap3A_325] {strides = array<i32>} : memref<3x128x128xf32, #tpu.memory_space<vmem>>, vector<1x1x16xf32>,
      %swap3A_327 = vector.shape_cast %swap3A_326 : vector<1x1x16xf32> to vector<16xf32>
      %swap3A_328 = vector.shape_cast %broadcast_in_dim3A_321 : vector<16xf32> to vector<1x1x16xf32>
      tpu.vector_store %arg7[%swap3A_323, %swap3A_324, %swap3A_325], %swap3A_328 {strides = array<i32>} : memref<3x128x128xf32, #tpu.memory_space<vmem>>, vector<1x1x16xf32>,
      %broadcast_in_dim3A_329 = arith.constant 0.000000e+00 : f32
      %broadcast_in_dim3A_330 = vector.broadcast %broadcast_in_dim3A_329 : f32 to vector<16xf32>
      %swap3A_331 = arith.constant 2 : i32
      %swap3A_332 = arith.index_cast %swap3A_331 : i32 to index
      %swap3A_333 = arith.index_cast %add3A_267 : i32 to index
      %swap3A_334 = arith.constant 112 : index
      %swap3A_335 = tpu.vector_load %arg7[%swap3A_332, %swap3A_333, %swap3A_334] {strides = array<i32>} : memref<3x128x128xf32, #tpu.memory_space<vmem>>, vector<1x1x16xf32>,
      %swap3A_336 = vector.shape_cast %swap3A_335 : vector<1x1x16xf32> to vector<16xf32>
      %swap3A_337 = vector.shape_cast %broadcast_in_dim3A_330 : vector<16xf32> to vector<1x1x16xf32>
      tpu.vector_store %arg7[%swap3A_332, %swap3A_333, %swap3A_334], %swap3A_337 {strides = array<i32>} : memref<3x128x128xf32, #tpu.memory_space<vmem>>, vector<1x1x16xf32>,
    }
    %while3A_90 = arith.constant 1 : i32
    scf.for %while3A_265 = %while3A_88 to %while3A_84 step %while3A_90  : i32 {
      %mul3A_266 = arith.muli %while3A_265, %while3A : i32
      %add3A_267 = arith.addi %while3A_81, %mul3A_266 : i32
      %broadcast_in_dim3A = arith.constant 0.000000e+00 : f32
      %broadcast_in_dim3A_268 = vector.broadcast %broadcast_in_dim3A : f32 to vector<16xf32>
      %swap3A = arith.constant 2 : i32
      %swap3A_269 = arith.index_cast %swap3A : i32 to index
      %swap3A_270 = arith.index_cast %add3A_267 : i32 to index
      %swap3A_271 = arith.constant 0 : index
      %swap3A_272 = tpu.vector_load %arg7[%swap3A_269, %swap3A_270, %swap3A_271] {strides = array<i32>} : memref<3x128x128xf32, #tpu.memory_space<vmem>>, vector<1x1x16xf32>,
      %swap3A_273 = vector.shape_cast %swap3A_272 : vector<1x1x16xf32> to vector<16xf32>
      %swap3A_274 = vector.shape_cast %broadcast_in_dim3A_268 : vector<16xf32> to vector<1x1x16xf32>
      tpu.vector_store %arg7[%swap3A_269, %swap3A_270, %swap3A_271], %swap3A_274 {strides = array<i32>} : memref<3x128x128xf32, #tpu.memory_space<vmem>>, vector<1x1x16xf32>,
      %broadcast_in_dim3A_275 = arith.constant 0.000000e+00 : f32
      %broadcast_in_dim3A_276 = vector.broadcast %broadcast_in_dim3A_275 : f32 to vector<16xf32>
      %swap3A_277 = arith.constant 2 : i32
      %swap3A_278 = arith.index_cast %swap3A_277 : i32 to index
      %swap3A_279 = arith.index_cast %add3A_267 : i32 to index
      %swap3A_280 = arith.constant 16 : index
      %swap3A_281 = tpu.vector_load %arg7[%swap3A_278, %swap3A_279, %swap3A_280] {strides = array<i32>} : memref<3x128x128xf32, #tpu.memory_space<vmem>>, vector<1x1x16xf32>,
      %swap3A_282 = vector.shape_cast %swap3A_281 : vector<1x1x16xf32> to vector<16xf32>
      %swap3A_283 = vector.shape_cast %broadcast_in_dim3A_276 : vector<16xf32> to vector<1x1x16xf32>
      tpu.vector_store %arg7[%swap3A_278, %swap3A_279, %swap3A_280], %swap3A_283 {strides = array<i32>} : memref<3x128x128xf32, #tpu.memory_space<vmem>>, vector<1x1x16xf32>,
      %broadcast_in_dim3A_284 = arith.constant 0.000000e+00 : f32
      %broadcast_in_dim3A_285 = vector.broadcast %broadcast_in_dim3A_284 : f32 to vector<16xf32>
      %swap3A_286 = arith.constant 2 : i32
      %swap3A_287 = arith.index_cast %swap3A_286 : i32 to index
      %swap3A_288 = arith.index_cast %add3A_267 : i32 to index
      %swap3A_289 = arith.constant 32 : index
      %swap3A_290 = tpu.vector_load %arg7[%swap3A_287, %swap3A_288, %swap3A_289] {strides = array<i32>} : memref<3x128x128xf32, #tpu.memory_space<vmem>>, vector<1x1x16xf32>,
      %swap3A_291 = vector.shape_cast %swap3A_290 : vector<1x1x16xf32> to vector<16xf32>
      %swap3A_292 = vector.shape_cast %broadcast_in_dim3A_285 : vector<16xf32> to vector<1x1x16xf32>
      tpu.vector_store %arg7[%swap3A_287, %swap3A_288, %swap3A_289], %swap3A_292 {strides = array<i32>} : memref<3x128x128xf32, #tpu.memory_space<vmem>>, vector<1x1x16xf32>,
      %broadcast_in_dim3A_293 = arith.constant 0.000000e+00 : f32
      %broadcast_in_dim3A_294 = vector.broadcast %broadcast_in_dim3A_293 : f32 to vector<16xf32>
      %swap3A_295 = arith.constant 2 : i32
      %swap3A_296 = arith.index_cast %swap3A_295 : i32 to index
      %swap3A_297 = arith.index_cast %add3A_267 : i32 to index
      %swap3A_298 = arith.constant 48 : index
      %swap3A_299 = tpu.vector_load %arg7[%swap3A_296, %swap3A_297, %swap3A_298] {strides = array<i32>} : memref<3x128x128xf32, #tpu.memory_space<vmem>>, vector<1x1x16xf32>,
      %swap3A_300 = vector.shape_cast %swap3A_299 : vector<1x1x16xf32> to vector<16xf32>
      %swap3A_301 = vector.shape_cast %broadcast_in_dim3A_294 : vector<16xf32> to vector<1x1x16xf32>
      tpu.vector_store %arg7[%swap3A_296, %swap3A_297, %swap3A_298], %swap3A_301 {strides = array<i32>} : memref<3x128x128xf32, #tpu.memory_space<vmem>>, vector<1x1x16xf32>,
      %broadcast_in_dim3A_302 = arith.constant 0.000000e+00 : f32
      %broadcast_in_dim3A_303 = vector.broadcast %broadcast_in_dim3A_302 : f32 to vector<16xf32>
      %swap3A_304 = arith.constant 2 : i32
      %swap3A_305 = arith.index_cast %swap3A_304 : i32 to index
      %swap3A_306 = arith.index_cast %add3A_267 : i32 to index
      %swap3A_307 = arith.constant 64 : index
      %swap3A_308 = tpu.vector_load %arg7[%swap3A_305, %swap3A_306, %swap3A_307] {strides = array<i32>} : memref<3x128x128xf32, #tpu.memory_space<vmem>>, vector<1x1x16xf32>,
      %swap3A_309 = vector.shape_cast %swap3A_308 : vector<1x1x16xf32> to vector<16xf32>
      %swap3A_310 = vector.shape_cast %broadcast_in_dim3A_303 : vector<16xf32> to vector<1x1x16xf32>
      tpu.vector_store %arg7[%swap3A_305, %swap3A_306, %swap3A_307], %swap3A_310 {strides = array<i32>} : memref<3x128x128xf32, #tpu.memory_space<vmem>>, vector<1x1x16xf32>,
      %broadcast_in_dim3A_311 = arith.constant 0.000000e+00 : f32
      %broadcast_in_dim3A_312 = vector.broadcast %broadcast_in_dim3A_311 : f32 to vector<16xf32>
      %swap3A_313 = arith.constant 2 : i32
      %swap3A_314 = arith.index_cast %swap3A_313 : i32 to index
      %swap3A_315 = arith.index_cast %add3A_267 : i32 to index
      %swap3A_316 = arith.constant 80 : index
      %swap3A_317 = tpu.vector_load %arg7[%swap3A_314, %swap3A_315, %swap3A_316] {strides = array<i32>} : memref<3x128x128xf32, #tpu.memory_space<vmem>>, vector<1x1x16xf32>,
      %swap3A_318 = vector.shape_cast %swap3A_317 : vector<1x1x16xf32> to vector<16xf32>
      %swap3A_319 = vector.shape_cast %broadcast_in_dim3A_312 : vector<16xf32> to vector<1x1x16xf32>
      tpu.vector_store %arg7[%swap3A_314, %swap3A_315, %swap3A_316], %swap3A_319 {strides = array<i32>} : memref<3x128x128xf32, #tpu.memory_space<vmem>>, vector<1x1x16xf32>,
      %broadcast_in_dim3A_320 = arith.constant 0.000000e+00 : f32
      %broadcast_in_dim3A_321 = vector.broadcast %broadcast_in_dim3A_320 : f32 to vector<16xf32>
      %swap3A_322 = arith.constant 2 : i32
      %swap3A_323 = arith.index_cast %swap3A_322 : i32 to index
      %swap3A_324 = arith.index_cast %add3A_267 : i32 to index
      %swap3A_325 = arith.constant 96 : index
      %swap3A_326 = tpu.vector_load %arg7[%swap3A_323, %swap3A_324, %swap3A_325] {strides = array<i32>} : memref<3x128x128xf32, #tpu.memory_space<vmem>>, vector<1x1x16xf32>,
      %swap3A_327 = vector.shape_cast %swap3A_326 : vector<1x1x16xf32> to vector<16xf32>
      %swap3A_328 = vector.shape_cast %broadcast_in_dim3A_321 : vector<16xf32> to vector<1x1x16xf32>
      tpu.vector_store %arg7[%swap3A_323, %swap3A_324, %swap3A_325], %swap3A_328 {strides = array<i32>} : memref<3x128x128xf32, #tpu.memory_space<vmem>>, vector<1x1x16xf32>,
      %broadcast_in_dim3A_329 = arith.constant 0.000000e+00 : f32
      %broadcast_in_dim3A_330 = vector.broadcast %broadcast_in_dim3A_329 : f32 to vector<16xf32>
      %swap3A_331 = arith.constant 2 : i32
      %swap3A_332 = arith.index_cast %swap3A_331 : i32 to index
      %swap3A_333 = arith.index_cast %add3A_267 : i32 to index
      %swap3A_334 = arith.constant 112 : index
      %swap3A_335 = tpu.vector_load %arg7[%swap3A_332, %swap3A_333, %swap3A_334] {strides = array<i32>} : memref<3x128x128xf32, #tpu.memory_space<vmem>>, vector<1x1x16xf32>,
      %swap3A_336 = vector.shape_cast %swap3A_335 : vector<1x1x16xf32> to vector<16xf32>
      %swap3A_337 = vector.shape_cast %broadcast_in_dim3A_330 : vector<16xf32> to vector<1x1x16xf32>
      tpu.vector_store %arg7[%swap3A_332, %swap3A_333, %swap3A_334], %swap3A_337 {strides = array<i32>} : memref<3x128x128xf32, #tpu.memory_space<vmem>>, vector<1x1x16xf32>,
    }
    %eq3A = arith.constant 0 : i32
    %eq3A_91 = arith.cmpi eq, %arg1, %eq3A : i32
    %convert_element_type3A = arith.extui %eq3A_91 : i1 to i32
    %cond3A = arith.constant 0 : i32
    %cond3A_92 = arith.cmpi ne, %convert_element_type3A, %cond3A : i32
    scf.if %cond3A_92 {
      %dma_start3A_265 = arith.constant 2 : i32
      %dma_start3A_266 = arith.constant 0 : i32
      %dma_start3A_267 = arith.constant 0 : i32
      %dma_start3A_268 = tpu.memref_slice %arg7[%dma_start3A_265, %dma_start3A_266, %dma_start3A_267] : memref<3x128x128xf32, #tpu.memory_space<vmem>> -> memref<1x128x128xf32, #tpu.memory_space<vmem>>
      %dma_start3A_269 = tpu.memref_squeeze %dma_start3A_268 : memref<1x128x128xf32, #tpu.memory_space<vmem>> -> memref<128x128xf32, #tpu.memory_space<vmem>>
      %dma_start3A_270 = arith.constant 0 : i32
      %dma_start3A_271 = arith.constant 0 : i32
      %dma_start3A_272 = tpu.memref_slice %arg8[%dma_start3A_270, %dma_start3A_271] : memref<10000x128xf32, #tpu.memory_space<vmem_shared>> -> memref<128x128xf32, #tpu.memory_space<vmem_shared>>
      %dma_start3A_273 = arith.constant 0 : i32
      %dma_start3A_274 = arith.constant 0 : i32
      %dma_start3A_275 = tpu.memref_slice %arg8[%dma_start3A_273, %dma_start3A_274] : memref<10000x128xf32, #tpu.memory_space<vmem_shared>> -> memref<128x128xf32, #tpu.memory_space<vmem_shared>>
      %dma_start3A_276 = arith.constant 0 : i32
      %dma_start3A_277 = arith.constant 0 : i32
      %dma_start3A_278 = tpu.memref_slice %arg7[%dma_start3A_265, %dma_start3A_276, %dma_start3A_277] : memref<3x128x128xf32, #tpu.memory_space<vmem>> -> memref<1x128x128xf32, #tpu.memory_space<vmem>>
      %dma_start3A_279 = tpu.memref_squeeze %dma_start3A_278 : memref<1x128x128xf32, #tpu.memory_space<vmem>> -> memref<128x128xf32, #tpu.memory_space<vmem>>
      tpu.enqueue_dma source(%dma_start3A_279 : memref<128x128xf32, #tpu.memory_space<vmem>>) target(%dma_start3A_275 : memref<128x128xf32, #tpu.memory_space<vmem_shared>>) target_semaphore(%arg18 : memref<!tpu.dma_semaphore, #tpu.memory_space<semaphore_mem>>)
      %dma_start3A_280 = arith.constant 2 : i32
      %dma_start3A_281 = arith.constant 0 : i32
      %dma_start3A_282 = arith.constant 0 : i32
      %dma_start3A_283 = tpu.memref_slice %arg7[%dma_start3A_280, %dma_start3A_281, %dma_start3A_282] : memref<3x128x128xf32, #tpu.memory_space<vmem>> -> memref<1x128x128xf32, #tpu.memory_space<vmem>>
      %dma_start3A_284 = tpu.memref_squeeze %dma_start3A_283 : memref<1x128x128xf32, #tpu.memory_space<vmem>> -> memref<128x128xf32, #tpu.memory_space<vmem>>
      %dma_start3A_285 = arith.constant 128 : i32
      %dma_start3A_286 = arith.constant 0 : i32
      %dma_start3A_287 = tpu.memref_slice %arg8[%dma_start3A_285, %dma_start3A_286] : memref<10000x128xf32, #tpu.memory_space<vmem_shared>> -> memref<128x128xf32, #tpu.memory_space<vmem_shared>>
      %dma_start3A_288 = arith.constant 128 : i32
      %dma_start3A_289 = arith.constant 0 : i32
      %dma_start3A_290 = tpu.memref_slice %arg8[%dma_start3A_288, %dma_start3A_289] : memref<10000x128xf32, #tpu.memory_space<vmem_shared>> -> memref<128x128xf32, #tpu.memory_space<vmem_shared>>
      %dma_start3A_291 = arith.constant 0 : i32
      %dma_start3A_292 = arith.constant 0 : i32
      %dma_start3A_293 = tpu.memref_slice %arg7[%dma_start3A_280, %dma_start3A_291, %dma_start3A_292] : memref<3x128x128xf32, #tpu.memory_space<vmem>> -> memref<1x128x128xf32, #tpu.memory_space<vmem>>
      %dma_start3A_294 = tpu.memref_squeeze %dma_start3A_293 : memref<1x128x128xf32, #tpu.memory_space<vmem>> -> memref<128x128xf32, #tpu.memory_space<vmem>>
      tpu.enqueue_dma source(%dma_start3A_294 : memref<128x128xf32, #tpu.memory_space<vmem>>) target(%dma_start3A_290 : memref<128x128xf32, #tpu.memory_space<vmem_shared>>) target_semaphore(%arg18 : memref<!tpu.dma_semaphore, #tpu.memory_space<semaphore_mem>>)
      %dma_start3A_295 = arith.constant 2 : i32
      %dma_start3A_296 = arith.constant 0 : i32
      %dma_start3A_297 = arith.constant 0 : i32
      %dma_start3A_298 = tpu.memref_slice %arg7[%dma_start3A_295, %dma_start3A_296, %dma_start3A_297] : memref<3x128x128xf32, #tpu.memory_space<vmem>> -> memref<1x128x128xf32, #tpu.memory_space<vmem>>
      %dma_start3A_299 = tpu.memref_squeeze %dma_start3A_298 : memref<1x128x128xf32, #tpu.memory_space<vmem>> -> memref<128x128xf32, #tpu.memory_space<vmem>>
      %dma_start3A_300 = arith.constant 256 : i32
      %dma_start3A_301 = arith.constant 0 : i32
      %dma_start3A_302 = tpu.memref_slice %arg8[%dma_start3A_300, %dma_start3A_301] : memref<10000x128xf32, #tpu.memory_space<vmem_shared>> -> memref<128x128xf32, #tpu.memory_space<vmem_shared>>
      %dma_start3A_303 = arith.constant 256 : i32
      %dma_start3A_304 = arith.constant 0 : i32
      %dma_start3A_305 = tpu.memref_slice %arg8[%dma_start3A_303, %dma_start3A_304] : memref<10000x128xf32, #tpu.memory_space<vmem_shared>> -> memref<128x128xf32, #tpu.memory_space<vmem_shared>>
      %dma_start3A_306 = arith.constant 0 : i32
      %dma_start3A_307 = arith.constant 0 : i32
      %dma_start3A_308 = tpu.memref_slice %arg7[%dma_start3A_295, %dma_start3A_306, %dma_start3A_307] : memref<3x128x128xf32, #tpu.memory_space<vmem>> -> memref<1x128x128xf32, #tpu.memory_space<vmem>>
      %dma_start3A_309 = tpu.memref_squeeze %dma_start3A_308 : memref<1x128x128xf32, #tpu.memory_space<vmem>> -> memref<128x128xf32, #tpu.memory_space<vmem>>
      tpu.enqueue_dma source(%dma_start3A_309 : memref<128x128xf32, #tpu.memory_space<vmem>>) target(%dma_start3A_305 : memref<128x128xf32, #tpu.memory_space<vmem_shared>>) target_semaphore(%arg18 : memref<!tpu.dma_semaphore, #tpu.memory_space<semaphore_mem>>)
      %dma_start3A_310 = arith.constant 2 : i32
      %dma_start3A_311 = arith.constant 0 : i32
      %dma_start3A_312 = arith.constant 0 : i32
      %dma_start3A_313 = tpu.memref_slice %arg7[%dma_start3A_310, %dma_start3A_311, %dma_start3A_312] : memref<3x128x128xf32, #tpu.memory_space<vmem>> -> memref<1x128x128xf32, #tpu.memory_space<vmem>>
      %dma_start3A_314 = tpu.memref_squeeze %dma_start3A_313 : memref<1x128x128xf32, #tpu.memory_space<vmem>> -> memref<128x128xf32, #tpu.memory_space<vmem>>
      %dma_start3A_315 = arith.constant 384 : i32
      %dma_start3A_316 = arith.constant 0 : i32
      %dma_start3A_317 = tpu.memref_slice %arg8[%dma_start3A_315, %dma_start3A_316] : memref<10000x128xf32, #tpu.memory_space<vmem_shared>> -> memref<128x128xf32, #tpu.memory_space<vmem_shared>>
      %dma_start3A_318 = arith.constant 384 : i32
      %dma_start3A_319 = arith.constant 0 : i32
      %dma_start3A_320 = tpu.memref_slice %arg8[%dma_start3A_318, %dma_start3A_319] : memref<10000x128xf32, #tpu.memory_space<vmem_shared>> -> memref<128x128xf32, #tpu.memory_space<vmem_shared>>
      %dma_start3A_321 = arith.constant 0 : i32
      %dma_start3A_322 = arith.constant 0 : i32
      %dma_start3A_323 = tpu.memref_slice %arg7[%dma_start3A_310, %dma_start3A_321, %dma_start3A_322] : memref<3x128x128xf32, #tpu.memory_space<vmem>> -> memref<1x128x128xf32, #tpu.memory_space<vmem>>
      %dma_start3A_324 = tpu.memref_squeeze %dma_start3A_323 : memref<1x128x128xf32, #tpu.memory_space<vmem>> -> memref<128x128xf32, #tpu.memory_space<vmem>>
      tpu.enqueue_dma source(%dma_start3A_324 : memref<128x128xf32, #tpu.memory_space<vmem>>) target(%dma_start3A_320 : memref<128x128xf32, #tpu.memory_space<vmem_shared>>) target_semaphore(%arg18 : memref<!tpu.dma_semaphore, #tpu.memory_space<semaphore_mem>>)
      %dma_start3A_325 = arith.constant 2 : i32
      %dma_start3A_326 = arith.constant 0 : i32
      %dma_start3A_327 = arith.constant 0 : i32
      %dma_start3A_328 = tpu.memref_slice %arg7[%dma_start3A_325, %dma_start3A_326, %dma_start3A_327] : memref<3x128x128xf32, #tpu.memory_space<vmem>> -> memref<1x128x128xf32, #tpu.memory_space<vmem>>
      %dma_start3A_329 = tpu.memref_squeeze %dma_start3A_328 : memref<1x128x128xf32, #tpu.memory_space<vmem>> -> memref<128x128xf32, #tpu.memory_space<vmem>>
      %dma_start3A_330 = arith.constant 512 : i32
      %dma_start3A_331 = arith.constant 0 : i32
      %dma_start3A_332 = tpu.memref_slice %arg8[%dma_start3A_330, %dma_start3A_331] : memref<10000x128xf32, #tpu.memory_space<vmem_shared>> -> memref<128x128xf32, #tpu.memory_space<vmem_shared>>
      %dma_start3A_333 = arith.constant 512 : i32
      %dma_start3A_334 = arith.constant 0 : i32
      %dma_start3A_335 = tpu.memref_slice %arg8[%dma_start3A_333, %dma_start3A_334] : memref<10000x128xf32, #tpu.memory_space<vmem_shared>> -> memref<128x128xf32, #tpu.memory_space<vmem_shared>>
      %dma_start3A_336 = arith.constant 0 : i32
      %dma_start3A_337 = arith.constant 0 : i32
      %dma_start3A_338 = tpu.memref_slice %arg7[%dma_start3A_325, %dma_start3A_336, %dma_start3A_337] : memref<3x128x128xf32, #tpu.memory_space<vmem>> -> memref<1x128x128xf32, #tpu.memory_space<vmem>>
      %dma_start3A_339 = tpu.memref_squeeze %dma_start3A_338 : memref<1x128x128xf32, #tpu.memory_space<vmem>> -> memref<128x128xf32, #tpu.memory_space<vmem>>
      tpu.enqueue_dma source(%dma_start3A_339 : memref<128x128xf32, #tpu.memory_space<vmem>>) target(%dma_start3A_335 : memref<128x128xf32, #tpu.memory_space<vmem_shared>>) target_semaphore(%arg18 : memref<!tpu.dma_semaphore, #tpu.memory_space<semaphore_mem>>)
    } else {
    }
    %gt3A = arith.constant 0 : i32
    %gt3A_93 = arith.cmpi sgt, %arg1, %gt3A : i32
    %convert_element_type3A_94 = arith.extui %gt3A_93 : i1 to i32
    %cond3A_95 = arith.constant 0 : i32
    %cond3A_96 = arith.cmpi ne, %convert_element_type3A_94, %cond3A_95 : i32
    scf.if %cond3A_96 {
      %sub3A_265 = arith.constant 1 : i32
      %sub3A_266 = arith.subi %arg1, %sub3A_265 : i32
      %mul3A_267 = arith.constant 624 : i32
      %mul3A_268 = arith.muli %sub3A_266, %mul3A_267 : i32
      %add3A_269 = arith.constant 640 : i32
      %add3A_270 = arith.addi %add3A_269, %mul3A_268 : i32
      %add3A_271 = arith.constant 0 : i32
      %add3A_272 = arith.addi %add3A_270, %add3A_271 : i32
      %add3A_273 = arith.constant 128 : i32
      %add3A_274 = arith.addi %add3A_270, %add3A_273 : i32
      %add3A_275 = arith.constant 256 : i32
      %add3A_276 = arith.addi %add3A_270, %add3A_275 : i32
      %add3A_277 = arith.constant 384 : i32
      %add3A_278 = arith.addi %add3A_270, %add3A_277 : i32
      %add3A_279 = arith.constant 512 : i32
      %add3A_280 = arith.addi %add3A_270, %add3A_279 : i32
      %dma_start3A_281 = arith.constant 2 : i32
      %dma_start3A_282 = arith.constant 0 : i32
      %dma_start3A_283 = arith.constant 0 : i32
      %dma_start3A_284 = tpu.memref_slice %arg7[%dma_start3A_281, %dma_start3A_282, %dma_start3A_283] : memref<3x128x128xf32, #tpu.memory_space<vmem>> -> memref<1x128x128xf32, #tpu.memory_space<vmem>>
      %dma_start3A_285 = tpu.memref_squeeze %dma_start3A_284 : memref<1x128x128xf32, #tpu.memory_space<vmem>> -> memref<128x128xf32, #tpu.memory_space<vmem>>
      %dma_start3A_286 = arith.constant 0 : i32
      %dma_start3A_287 = tpu.memref_slice %arg8[%add3A_272, %dma_start3A_286] : memref<10000x128xf32, #tpu.memory_space<vmem_shared>> -> memref<128x128xf32, #tpu.memory_space<vmem_shared>>
      %dma_start3A_288 = arith.constant 0 : i32
      %dma_start3A_289 = tpu.memref_slice %arg8[%add3A_272, %dma_start3A_288] : memref<10000x128xf32, #tpu.memory_space<vmem_shared>> -> memref<128x128xf32, #tpu.memory_space<vmem_shared>>
      %dma_start3A_290 = arith.constant 0 : i32
      %dma_start3A_291 = arith.constant 0 : i32
      %dma_start3A_292 = tpu.memref_slice %arg7[%dma_start3A_281, %dma_start3A_290, %dma_start3A_291] : memref<3x128x128xf32, #tpu.memory_space<vmem>> -> memref<1x128x128xf32, #tpu.memory_space<vmem>>
      %dma_start3A_293 = tpu.memref_squeeze %dma_start3A_292 : memref<1x128x128xf32, #tpu.memory_space<vmem>> -> memref<128x128xf32, #tpu.memory_space<vmem>>
      tpu.enqueue_dma source(%dma_start3A_293 : memref<128x128xf32, #tpu.memory_space<vmem>>) target(%dma_start3A_289 : memref<128x128xf32, #tpu.memory_space<vmem_shared>>) target_semaphore(%arg18 : memref<!tpu.dma_semaphore, #tpu.memory_space<semaphore_mem>>)
      %dma_start3A_294 = arith.constant 2 : i32
      %dma_start3A_295 = arith.constant 0 : i32
      %dma_start3A_296 = arith.constant 0 : i32
      %dma_start3A_297 = tpu.memref_slice %arg7[%dma_start3A_294, %dma_start3A_295, %dma_start3A_296] : memref<3x128x128xf32, #tpu.memory_space<vmem>> -> memref<1x128x128xf32, #tpu.memory_space<vmem>>
      %dma_start3A_298 = tpu.memref_squeeze %dma_start3A_297 : memref<1x128x128xf32, #tpu.memory_space<vmem>> -> memref<128x128xf32, #tpu.memory_space<vmem>>
      %dma_start3A_299 = arith.constant 0 : i32
      %dma_start3A_300 = tpu.memref_slice %arg8[%add3A_274, %dma_start3A_299] : memref<10000x128xf32, #tpu.memory_space<vmem_shared>> -> memref<128x128xf32, #tpu.memory_space<vmem_shared>>
      %dma_start3A_301 = arith.constant 0 : i32
      %dma_start3A_302 = tpu.memref_slice %arg8[%add3A_274, %dma_start3A_301] : memref<10000x128xf32, #tpu.memory_space<vmem_shared>> -> memref<128x128xf32, #tpu.memory_space<vmem_shared>>
      %dma_start3A_303 = arith.constant 0 : i32
      %dma_start3A_304 = arith.constant 0 : i32
      %dma_start3A_305 = tpu.memref_slice %arg7[%dma_start3A_294, %dma_start3A_303, %dma_start3A_304] : memref<3x128x128xf32, #tpu.memory_space<vmem>> -> memref<1x128x128xf32, #tpu.memory_space<vmem>>
      %dma_start3A_306 = tpu.memref_squeeze %dma_start3A_305 : memref<1x128x128xf32, #tpu.memory_space<vmem>> -> memref<128x128xf32, #tpu.memory_space<vmem>>
      tpu.enqueue_dma source(%dma_start3A_306 : memref<128x128xf32, #tpu.memory_space<vmem>>) target(%dma_start3A_302 : memref<128x128xf32, #tpu.memory_space<vmem_shared>>) target_semaphore(%arg18 : memref<!tpu.dma_semaphore, #tpu.memory_space<semaphore_mem>>)
      %dma_start3A_307 = arith.constant 2 : i32
      %dma_start3A_308 = arith.constant 0 : i32
      %dma_start3A_309 = arith.constant 0 : i32
      %dma_start3A_310 = tpu.memref_slice %arg7[%dma_start3A_307, %dma_start3A_308, %dma_start3A_309] : memref<3x128x128xf32, #tpu.memory_space<vmem>> -> memref<1x128x128xf32, #tpu.memory_space<vmem>>
      %dma_start3A_311 = tpu.memref_squeeze %dma_start3A_310 : memref<1x128x128xf32, #tpu.memory_space<vmem>> -> memref<128x128xf32, #tpu.memory_space<vmem>>
      %dma_start3A_312 = arith.constant 0 : i32
      %dma_start3A_313 = tpu.memref_slice %arg8[%add3A_276, %dma_start3A_312] : memref<10000x128xf32, #tpu.memory_space<vmem_shared>> -> memref<128x128xf32, #tpu.memory_space<vmem_shared>>
      %dma_start3A_314 = arith.constant 0 : i32
      %dma_start3A_315 = tpu.memref_slice %arg8[%add3A_276, %dma_start3A_314] : memref<10000x128xf32, #tpu.memory_space<vmem_shared>> -> memref<128x128xf32, #tpu.memory_space<vmem_shared>>
      %dma_start3A_316 = arith.constant 0 : i32
      %dma_start3A_317 = arith.constant 0 : i32
      %dma_start3A_318 = tpu.memref_slice %arg7[%dma_start3A_307, %dma_start3A_316, %dma_start3A_317] : memref<3x128x128xf32, #tpu.memory_space<vmem>> -> memref<1x128x128xf32, #tpu.memory_space<vmem>>
      %dma_start3A_319 = tpu.memref_squeeze %dma_start3A_318 : memref<1x128x128xf32, #tpu.memory_space<vmem>> -> memref<128x128xf32, #tpu.memory_space<vmem>>
      tpu.enqueue_dma source(%dma_start3A_319 : memref<128x128xf32, #tpu.memory_space<vmem>>) target(%dma_start3A_315 : memref<128x128xf32, #tpu.memory_space<vmem_shared>>) target_semaphore(%arg18 : memref<!tpu.dma_semaphore, #tpu.memory_space<semaphore_mem>>)
      %dma_start3A_320 = arith.constant 2 : i32
      %dma_start3A_321 = arith.constant 0 : i32
      %dma_start3A_322 = arith.constant 0 : i32
      %dma_start3A_323 = tpu.memref_slice %arg7[%dma_start3A_320, %dma_start3A_321, %dma_start3A_322] : memref<3x128x128xf32, #tpu.memory_space<vmem>> -> memref<1x128x128xf32, #tpu.memory_space<vmem>>
      %dma_start3A_324 = tpu.memref_squeeze %dma_start3A_323 : memref<1x128x128xf32, #tpu.memory_space<vmem>> -> memref<128x128xf32, #tpu.memory_space<vmem>>
      %dma_start3A_325 = arith.constant 0 : i32
      %dma_start3A_326 = tpu.memref_slice %arg8[%add3A_278, %dma_start3A_325] : memref<10000x128xf32, #tpu.memory_space<vmem_shared>> -> memref<128x128xf32, #tpu.memory_space<vmem_shared>>
      %dma_start3A_327 = arith.constant 0 : i32
      %dma_start3A_328 = tpu.memref_slice %arg8[%add3A_278, %dma_start3A_327] : memref<10000x128xf32, #tpu.memory_space<vmem_shared>> -> memref<128x128xf32, #tpu.memory_space<vmem_shared>>
      %dma_start3A_329 = arith.constant 0 : i32
      %dma_start3A_330 = arith.constant 0 : i32
      %dma_start3A_331 = tpu.memref_slice %arg7[%dma_start3A_320, %dma_start3A_329, %dma_start3A_330] : memref<3x128x128xf32, #tpu.memory_space<vmem>> -> memref<1x128x128xf32, #tpu.memory_space<vmem>>
      %dma_start3A_332 = tpu.memref_squeeze %dma_start3A_331 : memref<1x128x128xf32, #tpu.memory_space<vmem>> -> memref<128x128xf32, #tpu.memory_space<vmem>>
      tpu.enqueue_dma source(%dma_start3A_332 : memref<128x128xf32, #tpu.memory_space<vmem>>) target(%dma_start3A_328 : memref<128x128xf32, #tpu.memory_space<vmem_shared>>) target_semaphore(%arg18 : memref<!tpu.dma_semaphore, #tpu.memory_space<semaphore_mem>>)
      %dma_start3A_333 = arith.constant 2 : i32
      %dma_start3A_334 = arith.constant 0 : i32
      %dma_start3A_335 = arith.constant 0 : i32
      %dma_start3A_336 = tpu.memref_slice %arg7[%dma_start3A_333, %dma_start3A_334, %dma_start3A_335] : memref<3x128x128xf32, #tpu.memory_space<vmem>> -> memref<1x128x128xf32, #tpu.memory_space<vmem>>
      %dma_start3A_337 = tpu.memref_squeeze %dma_start3A_336 : memref<1x128x128xf32, #tpu.memory_space<vmem>> -> memref<128x128xf32, #tpu.memory_space<vmem>>
      %dma_start3A_338 = arith.constant 0 : i32
      %dma_start3A_339 = arith.constant 0 : i32
      %dma_start3A_340 = tpu.memref_slice %dma_start3A_337[%dma_start3A_338, %dma_start3A_339] : memref<128x128xf32, #tpu.memory_space<vmem>> -> memref<112x128xf32, #tpu.memory_space<vmem>>
      %dma_start3A_341 = arith.constant 0 : i32
      %dma_start3A_342 = tpu.memref_slice %arg8[%add3A_280, %dma_start3A_341] : memref<10000x128xf32, #tpu.memory_space<vmem_shared>> -> memref<112x128xf32, #tpu.memory_space<vmem_shared>>
      %dma_start3A_343 = arith.constant 0 : i32
      %dma_start3A_344 = tpu.memref_slice %arg8[%add3A_280, %dma_start3A_343] : memref<10000x128xf32, #tpu.memory_space<vmem_shared>> -> memref<112x128xf32, #tpu.memory_space<vmem_shared>>
      %dma_start3A_345 = arith.constant 0 : i32
      %dma_start3A_346 = arith.constant 0 : i32
      %dma_start3A_347 = tpu.memref_slice %arg7[%dma_start3A_333, %dma_start3A_345, %dma_start3A_346] : memref<3x128x128xf32, #tpu.memory_space<vmem>> -> memref<1x128x128xf32, #tpu.memory_space<vmem>>
      %dma_start3A_348 = tpu.memref_squeeze %dma_start3A_347 : memref<1x128x128xf32, #tpu.memory_space<vmem>> -> memref<128x128xf32, #tpu.memory_space<vmem>>
      %dma_start3A_349 = arith.constant 0 : i32
      %dma_start3A_350 = arith.constant 0 : i32
      %dma_start3A_351 = tpu.memref_slice %dma_start3A_348[%dma_start3A_349, %dma_start3A_350] : memref<128x128xf32, #tpu.memory_space<vmem>> -> memref<112x128xf32, #tpu.memory_space<vmem>>
      tpu.enqueue_dma source(%dma_start3A_351 : memref<112x128xf32, #tpu.memory_space<vmem>>) target(%dma_start3A_344 : memref<112x128xf32, #tpu.memory_space<vmem_shared>>) target_semaphore(%arg18 : memref<!tpu.dma_semaphore, #tpu.memory_space<semaphore_mem>>)
    } else {
    }
    %mul3A_97 = arith.constant 0 : i32
    %mul3A_98 = arith.constant 128 : i32
    %mul3A_99 = arith.muli %mul3A_97, %mul3A_98 : i32
    %add3A_100 = arith.addi %mul3A_2, %mul3A_99 : i32
    %dma_wait3A = arith.constant 0 : i32
    %dma_wait3A_101 = arith.constant 0 : i32
    %dma_wait3A_102 = arith.constant 0 : i32
    %dma_wait3A_103 = tpu.memref_slice %arg6[%dma_wait3A, %dma_wait3A_101, %dma_wait3A_102] : memref<4x2x128xi32, #tpu.memory_space<vmem>> -> memref<1x1x128xi32, #tpu.memory_space<vmem>>
    %dma_wait3A_104 = tpu.memref_squeeze %dma_wait3A_103 : memref<1x1x128xi32, #tpu.memory_space<vmem>> -> memref<128xi32, #tpu.memory_space<vmem>>
    %dma_wait3A_105 = tpu.memref_slice %arg3[%add3A_100] : memref<320000xi32, #tpu.memory_space<hbm>> -> memref<128xi32, #tpu.memory_space<hbm>>
    %dma_wait3A_106 = arith.constant 0 : i32
    %dma_wait3A_107 = tpu.memref_slice %arg6[%dma_wait3A, %dma_wait3A_101, %dma_wait3A_106] : memref<4x2x128xi32, #tpu.memory_space<vmem>> -> memref<1x1x128xi32, #tpu.memory_space<vmem>>
    %dma_wait3A_108 = tpu.memref_squeeze %dma_wait3A_107 : memref<1x1x128xi32, #tpu.memory_space<vmem>> -> memref<128xi32, #tpu.memory_space<vmem>>
    %dma_wait3A_109 = tpu.memref_slice %arg3[%add3A_100] : memref<320000xi32, #tpu.memory_space<hbm>> -> memref<128xi32, #tpu.memory_space<hbm>>
    tpu.wait_dma2 semaphore(%arg9 : memref<!tpu.dma_semaphore, #tpu.memory_space<semaphore_mem>>) src(%dma_wait3A_109 : memref<128xi32, #tpu.memory_space<hbm>>) dst(%dma_wait3A_108 : memref<128xi32, #tpu.memory_space<vmem>>)
    %dma_wait3A_110 = arith.constant 0 : i32
    %dma_wait3A_111 = arith.constant 1 : i32
    %dma_wait3A_112 = arith.constant 0 : i32
    %dma_wait3A_113 = tpu.memref_slice %arg6[%dma_wait3A_110, %dma_wait3A_111, %dma_wait3A_112] : memref<4x2x128xi32, #tpu.memory_space<vmem>> -> memref<1x1x128xi32, #tpu.memory_space<vmem>>
    %dma_wait3A_114 = tpu.memref_squeeze %dma_wait3A_113 : memref<1x1x128xi32, #tpu.memory_space<vmem>> -> memref<128xi32, #tpu.memory_space<vmem>>
    %dma_wait3A_115 = tpu.memref_slice %arg4[%add3A_100] : memref<320000xi32, #tpu.memory_space<hbm>> -> memref<128xi32, #tpu.memory_space<hbm>>
    %dma_wait3A_116 = arith.constant 0 : i32
    %dma_wait3A_117 = tpu.memref_slice %arg6[%dma_wait3A_110, %dma_wait3A_111, %dma_wait3A_116] : memref<4x2x128xi32, #tpu.memory_space<vmem>> -> memref<1x1x128xi32, #tpu.memory_space<vmem>>
    %dma_wait3A_118 = tpu.memref_squeeze %dma_wait3A_117 : memref<1x1x128xi32, #tpu.memory_space<vmem>> -> memref<128xi32, #tpu.memory_space<vmem>>
    %dma_wait3A_119 = tpu.memref_slice %arg4[%add3A_100] : memref<320000xi32, #tpu.memory_space<hbm>> -> memref<128xi32, #tpu.memory_space<hbm>>
    tpu.wait_dma2 semaphore(%arg9 : memref<!tpu.dma_semaphore, #tpu.memory_space<semaphore_mem>>) src(%dma_wait3A_119 : memref<128xi32, #tpu.memory_space<hbm>>) dst(%dma_wait3A_118 : memref<128xi32, #tpu.memory_space<vmem>>)
    %dma_start3A_120 = arith.constant 0 : i32
    %dma_start3A_121 = arith.constant 0 : i32
    %dma_start3A_122 = arith.constant 0 : i32
    %dma_start3A_123 = arith.constant 0 : i32
    %dma_start3A_124 = arith.constant 0 : i32
    %dma_start3A_125 = tpu.memref_slice %arg7[%dma_start3A_122, %dma_start3A_123, %dma_start3A_124] : memref<3x128x128xf32, #tpu.memory_space<vmem>> -> memref<1x128x128xf32, #tpu.memory_space<vmem>>
    %dma_start3A_126 = tpu.memref_squeeze %dma_start3A_125 : memref<1x128x128xf32, #tpu.memory_space<vmem>> -> memref<128x128xf32, #tpu.memory_space<vmem>>
    %dma_start3A_127 = arith.constant 0 : i32
    %dma_start3A_128 = tpu.memref_slice %arg6[%dma_start3A_120, %dma_start3A_121, %dma_start3A_127] : memref<4x2x128xi32, #tpu.memory_space<vmem>> -> memref<1x1x128xi32, #tpu.memory_space<vmem>>
    %dma_start3A_129 = tpu.memref_squeeze %dma_start3A_128 : memref<1x1x128xi32, #tpu.memory_space<vmem>> -> memref<128xi32, #tpu.memory_space<vmem>>
    %dma_start3A_130 = arith.constant 0 : i32
    %dma_start3A_131 = arith.constant 0 : i32
    %dma_start3A_132 = tpu.memref_slice %arg2[%dma_start3A_130, %dma_start3A_131] : memref<10000x128xf32, #tpu.memory_space<hbm>> -> memref<10000x128xf32, #tpu.memory_space<hbm>>
    tpu.enqueue_indirect_dma source(%dma_start3A_132 : memref<10000x128xf32, #tpu.memory_space<hbm>>) target(%dma_start3A_126 : memref<128x128xf32, #tpu.memory_space<vmem>>) offsets(%dma_start3A_129 : memref<128xi32, #tpu.memory_space<vmem>>) semaphore(%arg13 : memref<!tpu.dma_semaphore, #tpu.memory_space<semaphore_mem>>)
    %mul3A_133 = arith.constant 1 : i32
    %mul3A_134 = arith.constant 128 : i32
    %mul3A_135 = arith.muli %mul3A_133, %mul3A_134 : i32
    %add3A_136 = arith.addi %mul3A_2, %mul3A_135 : i32
    %dma_wait3A_137 = arith.constant 1 : i32
    %dma_wait3A_138 = arith.constant 0 : i32
    %dma_wait3A_139 = arith.constant 0 : i32
    %dma_wait3A_140 = tpu.memref_slice %arg6[%dma_wait3A_137, %dma_wait3A_138, %dma_wait3A_139] : memref<4x2x128xi32, #tpu.memory_space<vmem>> -> memref<1x1x128xi32, #tpu.memory_space<vmem>>
    %dma_wait3A_141 = tpu.memref_squeeze %dma_wait3A_140 : memref<1x1x128xi32, #tpu.memory_space<vmem>> -> memref<128xi32, #tpu.memory_space<vmem>>
    %dma_wait3A_142 = tpu.memref_slice %arg3[%add3A_136] : memref<320000xi32, #tpu.memory_space<hbm>> -> memref<128xi32, #tpu.memory_space<hbm>>
    %dma_wait3A_143 = arith.constant 0 : i32
    %dma_wait3A_144 = tpu.memref_slice %arg6[%dma_wait3A_137, %dma_wait3A_138, %dma_wait3A_143] : memref<4x2x128xi32, #tpu.memory_space<vmem>> -> memref<1x1x128xi32, #tpu.memory_space<vmem>>
    %dma_wait3A_145 = tpu.memref_squeeze %dma_wait3A_144 : memref<1x1x128xi32, #tpu.memory_space<vmem>> -> memref<128xi32, #tpu.memory_space<vmem>>
    %dma_wait3A_146 = tpu.memref_slice %arg3[%add3A_136] : memref<320000xi32, #tpu.memory_space<hbm>> -> memref<128xi32, #tpu.memory_space<hbm>>
    tpu.wait_dma2 semaphore(%arg10 : memref<!tpu.dma_semaphore, #tpu.memory_space<semaphore_mem>>) src(%dma_wait3A_146 : memref<128xi32, #tpu.memory_space<hbm>>) dst(%dma_wait3A_145 : memref<128xi32, #tpu.memory_space<vmem>>)
    %dma_wait3A_147 = arith.constant 1 : i32
    %dma_wait3A_148 = arith.constant 1 : i32
    %dma_wait3A_149 = arith.constant 0 : i32
    %dma_wait3A_150 = tpu.memref_slice %arg6[%dma_wait3A_147, %dma_wait3A_148, %dma_wait3A_149] : memref<4x2x128xi32, #tpu.memory_space<vmem>> -> memref<1x1x128xi32, #tpu.memory_space<vmem>>
    %dma_wait3A_151 = tpu.memref_squeeze %dma_wait3A_150 : memref<1x1x128xi32, #tpu.memory_space<vmem>> -> memref<128xi32, #tpu.memory_space<vmem>>
    %dma_wait3A_152 = tpu.memref_slice %arg4[%add3A_136] : memref<320000xi32, #tpu.memory_space<hbm>> -> memref<128xi32, #tpu.memory_space<hbm>>
    %dma_wait3A_153 = arith.constant 0 : i32
    %dma_wait3A_154 = tpu.memref_slice %arg6[%dma_wait3A_147, %dma_wait3A_148, %dma_wait3A_153] : memref<4x2x128xi32, #tpu.memory_space<vmem>> -> memref<1x1x128xi32, #tpu.memory_space<vmem>>
    %dma_wait3A_155 = tpu.memref_squeeze %dma_wait3A_154 : memref<1x1x128xi32, #tpu.memory_space<vmem>> -> memref<128xi32, #tpu.memory_space<vmem>>
    %dma_wait3A_156 = tpu.memref_slice %arg4[%add3A_136] : memref<320000xi32, #tpu.memory_space<hbm>> -> memref<128xi32, #tpu.memory_space<hbm>>
    tpu.wait_dma2 semaphore(%arg10 : memref<!tpu.dma_semaphore, #tpu.memory_space<semaphore_mem>>) src(%dma_wait3A_156 : memref<128xi32, #tpu.memory_space<hbm>>) dst(%dma_wait3A_155 : memref<128xi32, #tpu.memory_space<vmem>>)
    %dma_start3A_157 = arith.constant 1 : i32
    %dma_start3A_158 = arith.constant 0 : i32
    %dma_start3A_159 = arith.constant 1 : i32
    %dma_start3A_160 = arith.constant 0 : i32
    %dma_start3A_161 = arith.constant 0 : i32
    %dma_start3A_162 = tpu.memref_slice %arg7[%dma_start3A_159, %dma_start3A_160, %dma_start3A_161] : memref<3x128x128xf32, #tpu.memory_space<vmem>> -> memref<1x128x128xf32, #tpu.memory_space<vmem>>
    %dma_start3A_163 = tpu.memref_squeeze %dma_start3A_162 : memref<1x128x128xf32, #tpu.memory_space<vmem>> -> memref<128x128xf32, #tpu.memory_space<vmem>>
    %dma_start3A_164 = arith.constant 0 : i32
    %dma_start3A_165 = tpu.memref_slice %arg6[%dma_start3A_157, %dma_start3A_158, %dma_start3A_164] : memref<4x2x128xi32, #tpu.memory_space<vmem>> -> memref<1x1x128xi32, #tpu.memory_space<vmem>>
    %dma_start3A_166 = tpu.memref_squeeze %dma_start3A_165 : memref<1x1x128xi32, #tpu.memory_space<vmem>> -> memref<128xi32, #tpu.memory_space<vmem>>
    %dma_start3A_167 = arith.constant 0 : i32
    %dma_start3A_168 = arith.constant 0 : i32
    %dma_start3A_169 = tpu.memref_slice %arg2[%dma_start3A_167, %dma_start3A_168] : memref<10000x128xf32, #tpu.memory_space<hbm>> -> memref<10000x128xf32, #tpu.memory_space<hbm>>
    tpu.enqueue_indirect_dma source(%dma_start3A_169 : memref<10000x128xf32, #tpu.memory_space<hbm>>) target(%dma_start3A_163 : memref<128x128xf32, #tpu.memory_space<vmem>>) offsets(%dma_start3A_166 : memref<128xi32, #tpu.memory_space<vmem>>) semaphore(%arg14 : memref<!tpu.dma_semaphore, #tpu.memory_space<semaphore_mem>>)
    %eq3A_170 = arith.constant 0 : i32
    %eq3A_171 = arith.cmpi eq, %arg1, %eq3A_170 : i32
    %convert_element_type3A_172 = arith.extui %eq3A_171 : i1 to i32
    %cond3A_173 = arith.constant 0 : i32
    %cond3A_174 = arith.cmpi ne, %convert_element_type3A_172, %cond3A_173 : i32
    scf.if %cond3A_174 {
      %dma_wait3A_265 = arith.constant 2 : i32
      %dma_wait3A_266 = arith.constant 0 : i32
      %dma_wait3A_267 = arith.constant 0 : i32
      %dma_wait3A_268 = tpu.memref_slice %arg7[%dma_wait3A_265, %dma_wait3A_266, %dma_wait3A_267] : memref<3x128x128xf32, #tpu.memory_space<vmem>> -> memref<1x128x128xf32, #tpu.memory_space<vmem>>
      %dma_wait3A_269 = tpu.memref_squeeze %dma_wait3A_268 : memref<1x128x128xf32, #tpu.memory_space<vmem>> -> memref<128x128xf32, #tpu.memory_space<vmem>>
      %dma_wait3A_270 = arith.constant 0 : i32
      %dma_wait3A_271 = arith.constant 0 : i32
      %dma_wait3A_272 = tpu.memref_slice %arg8[%dma_wait3A_270, %dma_wait3A_271] : memref<10000x128xf32, #tpu.memory_space<vmem_shared>> -> memref<128x128xf32, #tpu.memory_space<vmem_shared>>
      %dma_wait3A_273 = arith.constant 0 : i32
      %dma_wait3A_274 = arith.constant 0 : i32
      %dma_wait3A_275 = tpu.memref_slice %arg8[%dma_wait3A_273, %dma_wait3A_274] : memref<10000x128xf32, #tpu.memory_space<vmem_shared>> -> memref<128x128xf32, #tpu.memory_space<vmem_shared>>
      %dma_wait3A_276 = arith.constant 0 : i32
      %dma_wait3A_277 = arith.constant 0 : i32
      %dma_wait3A_278 = tpu.memref_slice %arg7[%dma_wait3A_265, %dma_wait3A_276, %dma_wait3A_277] : memref<3x128x128xf32, #tpu.memory_space<vmem>> -> memref<1x128x128xf32, #tpu.memory_space<vmem>>
      %dma_wait3A_279 = tpu.memref_squeeze %dma_wait3A_278 : memref<1x128x128xf32, #tpu.memory_space<vmem>> -> memref<128x128xf32, #tpu.memory_space<vmem>>
      tpu.wait_dma2 semaphore(%arg18 : memref<!tpu.dma_semaphore, #tpu.memory_space<semaphore_mem>>) src(%dma_wait3A_279 : memref<128x128xf32, #tpu.memory_space<vmem>>) dst(%dma_wait3A_275 : memref<128x128xf32, #tpu.memory_space<vmem_shared>>)
      %dma_wait3A_280 = arith.constant 2 : i32
      %dma_wait3A_281 = arith.constant 0 : i32
      %dma_wait3A_282 = arith.constant 0 : i32
      %dma_wait3A_283 = tpu.memref_slice %arg7[%dma_wait3A_280, %dma_wait3A_281, %dma_wait3A_282] : memref<3x128x128xf32, #tpu.memory_space<vmem>> -> memref<1x128x128xf32, #tpu.memory_space<vmem>>
      %dma_wait3A_284 = tpu.memref_squeeze %dma_wait3A_283 : memref<1x128x128xf32, #tpu.memory_space<vmem>> -> memref<128x128xf32, #tpu.memory_space<vmem>>
      %dma_wait3A_285 = arith.constant 128 : i32
      %dma_wait3A_286 = arith.constant 0 : i32
      %dma_wait3A_287 = tpu.memref_slice %arg8[%dma_wait3A_285, %dma_wait3A_286] : memref<10000x128xf32, #tpu.memory_space<vmem_shared>> -> memref<128x128xf32, #tpu.memory_space<vmem_shared>>
      %dma_wait3A_288 = arith.constant 128 : i32
      %dma_wait3A_289 = arith.constant 0 : i32
      %dma_wait3A_290 = tpu.memref_slice %arg8[%dma_wait3A_288, %dma_wait3A_289] : memref<10000x128xf32, #tpu.memory_space<vmem_shared>> -> memref<128x128xf32, #tpu.memory_space<vmem_shared>>
      %dma_wait3A_291 = arith.constant 0 : i32
      %dma_wait3A_292 = arith.constant 0 : i32
      %dma_wait3A_293 = tpu.memref_slice %arg7[%dma_wait3A_280, %dma_wait3A_291, %dma_wait3A_292] : memref<3x128x128xf32, #tpu.memory_space<vmem>> -> memref<1x128x128xf32, #tpu.memory_space<vmem>>
      %dma_wait3A_294 = tpu.memref_squeeze %dma_wait3A_293 : memref<1x128x128xf32, #tpu.memory_space<vmem>> -> memref<128x128xf32, #tpu.memory_space<vmem>>
      tpu.wait_dma2 semaphore(%arg18 : memref<!tpu.dma_semaphore, #tpu.memory_space<semaphore_mem>>) src(%dma_wait3A_294 : memref<128x128xf32, #tpu.memory_space<vmem>>) dst(%dma_wait3A_290 : memref<128x128xf32, #tpu.memory_space<vmem_shared>>)
      %dma_wait3A_295 = arith.constant 2 : i32
      %dma_wait3A_296 = arith.constant 0 : i32
      %dma_wait3A_297 = arith.constant 0 : i32
      %dma_wait3A_298 = tpu.memref_slice %arg7[%dma_wait3A_295, %dma_wait3A_296, %dma_wait3A_297] : memref<3x128x128xf32, #tpu.memory_space<vmem>> -> memref<1x128x128xf32, #tpu.memory_space<vmem>>
      %dma_wait3A_299 = tpu.memref_squeeze %dma_wait3A_298 : memref<1x128x128xf32, #tpu.memory_space<vmem>> -> memref<128x128xf32, #tpu.memory_space<vmem>>
      %dma_wait3A_300 = arith.constant 256 : i32
      %dma_wait3A_301 = arith.constant 0 : i32
      %dma_wait3A_302 = tpu.memref_slice %arg8[%dma_wait3A_300, %dma_wait3A_301] : memref<10000x128xf32, #tpu.memory_space<vmem_shared>> -> memref<128x128xf32, #tpu.memory_space<vmem_shared>>
      %dma_wait3A_303 = arith.constant 256 : i32
      %dma_wait3A_304 = arith.constant 0 : i32
      %dma_wait3A_305 = tpu.memref_slice %arg8[%dma_wait3A_303, %dma_wait3A_304] : memref<10000x128xf32, #tpu.memory_space<vmem_shared>> -> memref<128x128xf32, #tpu.memory_space<vmem_shared>>
      %dma_wait3A_306 = arith.constant 0 : i32
      %dma_wait3A_307 = arith.constant 0 : i32
      %dma_wait3A_308 = tpu.memref_slice %arg7[%dma_wait3A_295, %dma_wait3A_306, %dma_wait3A_307] : memref<3x128x128xf32, #tpu.memory_space<vmem>> -> memref<1x128x128xf32, #tpu.memory_space<vmem>>
      %dma_wait3A_309 = tpu.memref_squeeze %dma_wait3A_308 : memref<1x128x128xf32, #tpu.memory_space<vmem>> -> memref<128x128xf32, #tpu.memory_space<vmem>>
      tpu.wait_dma2 semaphore(%arg18 : memref<!tpu.dma_semaphore, #tpu.memory_space<semaphore_mem>>) src(%dma_wait3A_309 : memref<128x128xf32, #tpu.memory_space<vmem>>) dst(%dma_wait3A_305 : memref<128x128xf32, #tpu.memory_space<vmem_shared>>)
      %dma_wait3A_310 = arith.constant 2 : i32
      %dma_wait3A_311 = arith.constant 0 : i32
      %dma_wait3A_312 = arith.constant 0 : i32
      %dma_wait3A_313 = tpu.memref_slice %arg7[%dma_wait3A_310, %dma_wait3A_311, %dma_wait3A_312] : memref<3x128x128xf32, #tpu.memory_space<vmem>> -> memref<1x128x128xf32, #tpu.memory_space<vmem>>
      %dma_wait3A_314 = tpu.memref_squeeze %dma_wait3A_313 : memref<1x128x128xf32, #tpu.memory_space<vmem>> -> memref<128x128xf32, #tpu.memory_space<vmem>>
      %dma_wait3A_315 = arith.constant 384 : i32
      %dma_wait3A_316 = arith.constant 0 : i32
      %dma_wait3A_317 = tpu.memref_slice %arg8[%dma_wait3A_315, %dma_wait3A_316] : memref<10000x128xf32, #tpu.memory_space<vmem_shared>> -> memref<128x128xf32, #tpu.memory_space<vmem_shared>>
      %dma_wait3A_318 = arith.constant 384 : i32
      %dma_wait3A_319 = arith.constant 0 : i32
      %dma_wait3A_320 = tpu.memref_slice %arg8[%dma_wait3A_318, %dma_wait3A_319] : memref<10000x128xf32, #tpu.memory_space<vmem_shared>> -> memref<128x128xf32, #tpu.memory_space<vmem_shared>>
      %dma_wait3A_321 = arith.constant 0 : i32
      %dma_wait3A_322 = arith.constant 0 : i32
      %dma_wait3A_323 = tpu.memref_slice %arg7[%dma_wait3A_310, %dma_wait3A_321, %dma_wait3A_322] : memref<3x128x128xf32, #tpu.memory_space<vmem>> -> memref<1x128x128xf32, #tpu.memory_space<vmem>>
      %dma_wait3A_324 = tpu.memref_squeeze %dma_wait3A_323 : memref<1x128x128xf32, #tpu.memory_space<vmem>> -> memref<128x128xf32, #tpu.memory_space<vmem>>
      tpu.wait_dma2 semaphore(%arg18 : memref<!tpu.dma_semaphore, #tpu.memory_space<semaphore_mem>>) src(%dma_wait3A_324 : memref<128x128xf32, #tpu.memory_space<vmem>>) dst(%dma_wait3A_320 : memref<128x128xf32, #tpu.memory_space<vmem_shared>>)
      %dma_wait3A_325 = arith.constant 2 : i32
      %dma_wait3A_326 = arith.constant 0 : i32
      %dma_wait3A_327 = arith.constant 0 : i32
      %dma_wait3A_328 = tpu.memref_slice %arg7[%dma_wait3A_325, %dma_wait3A_326, %dma_wait3A_327] : memref<3x128x128xf32, #tpu.memory_space<vmem>> -> memref<1x128x128xf32, #tpu.memory_space<vmem>>
      %dma_wait3A_329 = tpu.memref_squeeze %dma_wait3A_328 : memref<1x128x128xf32, #tpu.memory_space<vmem>> -> memref<128x128xf32, #tpu.memory_space<vmem>>
      %dma_wait3A_330 = arith.constant 512 : i32
      %dma_wait3A_331 = arith.constant 0 : i32
      %dma_wait3A_332 = tpu.memref_slice %arg8[%dma_wait3A_330, %dma_wait3A_331] : memref<10000x128xf32, #tpu.memory_space<vmem_shared>> -> memref<128x128xf32, #tpu.memory_space<vmem_shared>>
      %dma_wait3A_333 = arith.constant 512 : i32
      %dma_wait3A_334 = arith.constant 0 : i32
      %dma_wait3A_335 = tpu.memref_slice %arg8[%dma_wait3A_333, %dma_wait3A_334] : memref<10000x128xf32, #tpu.memory_space<vmem_shared>> -> memref<128x128xf32, #tpu.memory_space<vmem_shared>>
      %dma_wait3A_336 = arith.constant 0 : i32
      %dma_wait3A_337 = arith.constant 0 : i32
      %dma_wait3A_338 = tpu.memref_slice %arg7[%dma_wait3A_325, %dma_wait3A_336, %dma_wait3A_337] : memref<3x128x128xf32, #tpu.memory_space<vmem>> -> memref<1x128x128xf32, #tpu.memory_space<vmem>>
      %dma_wait3A_339 = tpu.memref_squeeze %dma_wait3A_338 : memref<1x128x128xf32, #tpu.memory_space<vmem>> -> memref<128x128xf32, #tpu.memory_space<vmem>>
      tpu.wait_dma2 semaphore(%arg18 : memref<!tpu.dma_semaphore, #tpu.memory_space<semaphore_mem>>) src(%dma_wait3A_339 : memref<128x128xf32, #tpu.memory_space<vmem>>) dst(%dma_wait3A_335 : memref<128x128xf32, #tpu.memory_space<vmem_shared>>)
    } else {
    }
    %gt3A_175 = arith.constant 0 : i32
    %gt3A_176 = arith.cmpi sgt, %arg1, %gt3A_175 : i32
    %convert_element_type3A_177 = arith.extui %gt3A_176 : i1 to i32
    %cond3A_178 = arith.constant 0 : i32
    %cond3A_179 = arith.cmpi ne, %convert_element_type3A_177, %cond3A_178 : i32
    scf.if %cond3A_179 {
      %sub3A_265 = arith.constant 1 : i32
      %sub3A_266 = arith.subi %arg1, %sub3A_265 : i32
      %mul3A_267 = arith.constant 624 : i32
      %mul3A_268 = arith.muli %sub3A_266, %mul3A_267 : i32
      %add3A_269 = arith.constant 640 : i32
      %add3A_270 = arith.addi %add3A_269, %mul3A_268 : i32
      %add3A_271 = arith.constant 0 : i32
      %add3A_272 = arith.addi %add3A_270, %add3A_271 : i32
      %add3A_273 = arith.constant 128 : i32
      %add3A_274 = arith.addi %add3A_270, %add3A_273 : i32
      %add3A_275 = arith.constant 256 : i32
      %add3A_276 = arith.addi %add3A_270, %add3A_275 : i32
      %add3A_277 = arith.constant 384 : i32
      %add3A_278 = arith.addi %add3A_270, %add3A_277 : i32
      %add3A_279 = arith.constant 512 : i32
      %add3A_280 = arith.addi %add3A_270, %add3A_279 : i32
      %dma_wait3A_281 = arith.constant 2 : i32
      %dma_wait3A_282 = arith.constant 0 : i32
      %dma_wait3A_283 = arith.constant 0 : i32
      %dma_wait3A_284 = tpu.memref_slice %arg7[%dma_wait3A_281, %dma_wait3A_282, %dma_wait3A_283] : memref<3x128x128xf32, #tpu.memory_space<vmem>> -> memref<1x128x128xf32, #tpu.memory_space<vmem>>
      %dma_wait3A_285 = tpu.memref_squeeze %dma_wait3A_284 : memref<1x128x128xf32, #tpu.memory_space<vmem>> -> memref<128x128xf32, #tpu.memory_space<vmem>>
      %dma_wait3A_286 = arith.constant 0 : i32
      %dma_wait3A_287 = tpu.memref_slice %arg8[%add3A_272, %dma_wait3A_286] : memref<10000x128xf32, #tpu.memory_space<vmem_shared>> -> memref<128x128xf32, #tpu.memory_space<vmem_shared>>
      %dma_wait3A_288 = arith.constant 0 : i32
      %dma_wait3A_289 = tpu.memref_slice %arg8[%add3A_272, %dma_wait3A_288] : memref<10000x128xf32, #tpu.memory_space<vmem_shared>> -> memref<128x128xf32, #tpu.memory_space<vmem_shared>>
      %dma_wait3A_290 = arith.constant 0 : i32
      %dma_wait3A_291 = arith.constant 0 : i32
      %dma_wait3A_292 = tpu.memref_slice %arg7[%dma_wait3A_281, %dma_wait3A_290, %dma_wait3A_291] : memref<3x128x128xf32, #tpu.memory_space<vmem>> -> memref<1x128x128xf32, #tpu.memory_space<vmem>>
      %dma_wait3A_293 = tpu.memref_squeeze %dma_wait3A_292 : memref<1x128x128xf32, #tpu.memory_space<vmem>> -> memref<128x128xf32, #tpu.memory_space<vmem>>
      tpu.wait_dma2 semaphore(%arg18 : memref<!tpu.dma_semaphore, #tpu.memory_space<semaphore_mem>>) src(%dma_wait3A_293 : memref<128x128xf32, #tpu.memory_space<vmem>>) dst(%dma_wait3A_289 : memref<128x128xf32, #tpu.memory_space<vmem_shared>>)
      %dma_wait3A_294 = arith.constant 2 : i32
      %dma_wait3A_295 = arith.constant 0 : i32
      %dma_wait3A_296 = arith.constant 0 : i32
      %dma_wait3A_297 = tpu.memref_slice %arg7[%dma_wait3A_294, %dma_wait3A_295, %dma_wait3A_296] : memref<3x128x128xf32, #tpu.memory_space<vmem>> -> memref<1x128x128xf32, #tpu.memory_space<vmem>>
      %dma_wait3A_298 = tpu.memref_squeeze %dma_wait3A_297 : memref<1x128x128xf32, #tpu.memory_space<vmem>> -> memref<128x128xf32, #tpu.memory_space<vmem>>
      %dma_wait3A_299 = arith.constant 0 : i32
      %dma_wait3A_300 = tpu.memref_slice %arg8[%add3A_274, %dma_wait3A_299] : memref<10000x128xf32, #tpu.memory_space<vmem_shared>> -> memref<128x128xf32, #tpu.memory_space<vmem_shared>>
      %dma_wait3A_301 = arith.constant 0 : i32
      %dma_wait3A_302 = tpu.memref_slice %arg8[%add3A_274, %dma_wait3A_301] : memref<10000x128xf32, #tpu.memory_space<vmem_shared>> -> memref<128x128xf32, #tpu.memory_space<vmem_shared>>
      %dma_wait3A_303 = arith.constant 0 : i32
      %dma_wait3A_304 = arith.constant 0 : i32
      %dma_wait3A_305 = tpu.memref_slice %arg7[%dma_wait3A_294, %dma_wait3A_303, %dma_wait3A_304] : memref<3x128x128xf32, #tpu.memory_space<vmem>> -> memref<1x128x128xf32, #tpu.memory_space<vmem>>
      %dma_wait3A_306 = tpu.memref_squeeze %dma_wait3A_305 : memref<1x128x128xf32, #tpu.memory_space<vmem>> -> memref<128x128xf32, #tpu.memory_space<vmem>>
      tpu.wait_dma2 semaphore(%arg18 : memref<!tpu.dma_semaphore, #tpu.memory_space<semaphore_mem>>) src(%dma_wait3A_306 : memref<128x128xf32, #tpu.memory_space<vmem>>) dst(%dma_wait3A_302 : memref<128x128xf32, #tpu.memory_space<vmem_shared>>)
      %dma_wait3A_307 = arith.constant 2 : i32
      %dma_wait3A_308 = arith.constant 0 : i32
      %dma_wait3A_309 = arith.constant 0 : i32
      %dma_wait3A_310 = tpu.memref_slice %arg7[%dma_wait3A_307, %dma_wait3A_308, %dma_wait3A_309] : memref<3x128x128xf32, #tpu.memory_space<vmem>> -> memref<1x128x128xf32, #tpu.memory_space<vmem>>
      %dma_wait3A_311 = tpu.memref_squeeze %dma_wait3A_310 : memref<1x128x128xf32, #tpu.memory_space<vmem>> -> memref<128x128xf32, #tpu.memory_space<vmem>>
      %dma_wait3A_312 = arith.constant 0 : i32
      %dma_wait3A_313 = tpu.memref_slice %arg8[%add3A_276, %dma_wait3A_312] : memref<10000x128xf32, #tpu.memory_space<vmem_shared>> -> memref<128x128xf32, #tpu.memory_space<vmem_shared>>
      %dma_wait3A_314 = arith.constant 0 : i32
      %dma_wait3A_315 = tpu.memref_slice %arg8[%add3A_276, %dma_wait3A_314] : memref<10000x128xf32, #tpu.memory_space<vmem_shared>> -> memref<128x128xf32, #tpu.memory_space<vmem_shared>>
      %dma_wait3A_316 = arith.constant 0 : i32
      %dma_wait3A_317 = arith.constant 0 : i32
      %dma_wait3A_318 = tpu.memref_slice %arg7[%dma_wait3A_307, %dma_wait3A_316, %dma_wait3A_317] : memref<3x128x128xf32, #tpu.memory_space<vmem>> -> memref<1x128x128xf32, #tpu.memory_space<vmem>>
      %dma_wait3A_319 = tpu.memref_squeeze %dma_wait3A_318 : memref<1x128x128xf32, #tpu.memory_space<vmem>> -> memref<128x128xf32, #tpu.memory_space<vmem>>
      tpu.wait_dma2 semaphore(%arg18 : memref<!tpu.dma_semaphore, #tpu.memory_space<semaphore_mem>>) src(%dma_wait3A_319 : memref<128x128xf32, #tpu.memory_space<vmem>>) dst(%dma_wait3A_315 : memref<128x128xf32, #tpu.memory_space<vmem_shared>>)
      %dma_wait3A_320 = arith.constant 2 : i32
      %dma_wait3A_321 = arith.constant 0 : i32
      %dma_wait3A_322 = arith.constant 0 : i32
      %dma_wait3A_323 = tpu.memref_slice %arg7[%dma_wait3A_320, %dma_wait3A_321, %dma_wait3A_322] : memref<3x128x128xf32, #tpu.memory_space<vmem>> -> memref<1x128x128xf32, #tpu.memory_space<vmem>>
      %dma_wait3A_324 = tpu.memref_squeeze %dma_wait3A_323 : memref<1x128x128xf32, #tpu.memory_space<vmem>> -> memref<128x128xf32, #tpu.memory_space<vmem>>
      %dma_wait3A_325 = arith.constant 0 : i32
      %dma_wait3A_326 = tpu.memref_slice %arg8[%add3A_278, %dma_wait3A_325] : memref<10000x128xf32, #tpu.memory_space<vmem_shared>> -> memref<128x128xf32, #tpu.memory_space<vmem_shared>>
      %dma_wait3A_327 = arith.constant 0 : i32
      %dma_wait3A_328 = tpu.memref_slice %arg8[%add3A_278, %dma_wait3A_327] : memref<10000x128xf32, #tpu.memory_space<vmem_shared>> -> memref<128x128xf32, #tpu.memory_space<vmem_shared>>
      %dma_wait3A_329 = arith.constant 0 : i32
      %dma_wait3A_330 = arith.constant 0 : i32
      %dma_wait3A_331 = tpu.memref_slice %arg7[%dma_wait3A_320, %dma_wait3A_329, %dma_wait3A_330] : memref<3x128x128xf32, #tpu.memory_space<vmem>> -> memref<1x128x128xf32, #tpu.memory_space<vmem>>
      %dma_wait3A_332 = tpu.memref_squeeze %dma_wait3A_331 : memref<1x128x128xf32, #tpu.memory_space<vmem>> -> memref<128x128xf32, #tpu.memory_space<vmem>>
      tpu.wait_dma2 semaphore(%arg18 : memref<!tpu.dma_semaphore, #tpu.memory_space<semaphore_mem>>) src(%dma_wait3A_332 : memref<128x128xf32, #tpu.memory_space<vmem>>) dst(%dma_wait3A_328 : memref<128x128xf32, #tpu.memory_space<vmem_shared>>)
      %dma_wait3A_333 = arith.constant 2 : i32
      %dma_wait3A_334 = arith.constant 0 : i32
      %dma_wait3A_335 = arith.constant 0 : i32
      %dma_wait3A_336 = tpu.memref_slice %arg7[%dma_wait3A_333, %dma_wait3A_334, %dma_wait3A_335] : memref<3x128x128xf32, #tpu.memory_space<vmem>> -> memref<1x128x128xf32, #tpu.memory_space<vmem>>
      %dma_wait3A_337 = tpu.memref_squeeze %dma_wait3A_336 : memref<1x128x128xf32, #tpu.memory_space<vmem>> -> memref<128x128xf32, #tpu.memory_space<vmem>>
      %dma_wait3A_338 = arith.constant 0 : i32
      %dma_wait3A_339 = arith.constant 0 : i32
      %dma_wait3A_340 = tpu.memref_slice %dma_wait3A_337[%dma_wait3A_338, %dma_wait3A_339] : memref<128x128xf32, #tpu.memory_space<vmem>> -> memref<112x128xf32, #tpu.memory_space<vmem>>
      %dma_wait3A_341 = arith.constant 0 : i32
      %dma_wait3A_342 = tpu.memref_slice %arg8[%add3A_280, %dma_wait3A_341] : memref<10000x128xf32, #tpu.memory_space<vmem_shared>> -> memref<112x128xf32, #tpu.memory_space<vmem_shared>>
      %dma_wait3A_343 = arith.constant 0 : i32
      %dma_wait3A_344 = tpu.memref_slice %arg8[%add3A_280, %dma_wait3A_343] : memref<10000x128xf32, #tpu.memory_space<vmem_shared>> -> memref<112x128xf32, #tpu.memory_space<vmem_shared>>
      %dma_wait3A_345 = arith.constant 0 : i32
      %dma_wait3A_346 = arith.constant 0 : i32
      %dma_wait3A_347 = tpu.memref_slice %arg7[%dma_wait3A_333, %dma_wait3A_345, %dma_wait3A_346] : memref<3x128x128xf32, #tpu.memory_space<vmem>> -> memref<1x128x128xf32, #tpu.memory_space<vmem>>
      %dma_wait3A_348 = tpu.memref_squeeze %dma_wait3A_347 : memref<1x128x128xf32, #tpu.memory_space<vmem>> -> memref<128x128xf32, #tpu.memory_space<vmem>>
      %dma_wait3A_349 = arith.constant 0 : i32
      %dma_wait3A_350 = arith.constant 0 : i32
      %dma_wait3A_351 = tpu.memref_slice %dma_wait3A_348[%dma_wait3A_349, %dma_wait3A_350] : memref<128x128xf32, #tpu.memory_space<vmem>> -> memref<112x128xf32, #tpu.memory_space<vmem>>
      tpu.wait_dma2 semaphore(%arg18 : memref<!tpu.dma_semaphore, #tpu.memory_space<semaphore_mem>>) src(%dma_wait3A_351 : memref<112x128xf32, #tpu.memory_space<vmem>>) dst(%dma_wait3A_344 : memref<112x128xf32, #tpu.memory_space<vmem_shared>>)
    } else {
    }
    %barrier3A = arith.constant 0 : index
    tpu.barrier barrier_id(%barrier3A)
    %sub3A_180 = arith.constant 78 : i32
    %sub3A_181 = arith.constant 0 : i32
    %sub3A_182 = arith.subi %sub3A_180, %sub3A_181 : i32
    %sub3A_183 = arith.constant 12 : i32
    %sub3A_184 = arith.constant 1 : i32
    %sub3A_185 = arith.subi %sub3A_183, %sub3A_184 : i32
    %add3A_186 = arith.addi %sub3A_182, %sub3A_185 : i32
    %div3A_187 = arith.constant 12 : i32
    %div3A_188 = arith.divsi %add3A_186, %div3A_187 : i32
    %while3A_189 = arith.constant 12 : i32
    %while3A_190 = arith.constant 0 : i32
    %while3A_191 = arith.constant 0 : i32
    %while3A_192 = arith.subi %div3A_188, %while3A_191 : i32
    %while3A_193 = arith.addi %while3A_191, %while3A_192 : i32
    %while3A_194 = arith.constant 1 : i32
    %while3A_195 = arith.divsi %while3A_192, %while3A_194 : i32
    %while3A_196 = arith.muli %while3A_195, %while3A_194 : i32
    %while3A_197 = arith.addi %while3A_191, %while3A_196 : i32
    %while3A_198 = arith.constant 1 : i32
    scf.for %while3A_265 = %while3A_191 to %while3A_197 step %while3A_198  : i32 {
      %mul3A_266 = arith.muli %while3A_265, %while3A_189 : i32
      %add3A_267 = arith.addi %while3A_190, %mul3A_266 : i32
      %add3A_268 = arith.constant 0 : i32
      %add3A_269 = arith.addi %add3A_267, %add3A_268 : i32
      %dma_wait3A_270 = arith.constant 0 : i32
      %dma_wait3A_271 = arith.constant 0 : i32
      %dma_wait3A_272 = arith.constant 0 : i32
      %dma_wait3A_273 = arith.constant 0 : i32
      %dma_wait3A_274 = arith.constant 0 : i32
      %dma_wait3A_275 = tpu.memref_slice %arg7[%dma_wait3A_272, %dma_wait3A_273, %dma_wait3A_274] : memref<3x128x128xf32, #tpu.memory_space<vmem>> -> memref<1x128x128xf32, #tpu.memory_space<vmem>>
      %dma_wait3A_276 = tpu.memref_squeeze %dma_wait3A_275 : memref<1x128x128xf32, #tpu.memory_space<vmem>> -> memref<128x128xf32, #tpu.memory_space<vmem>>
      %dma_wait3A_277 = arith.constant 0 : i32
      %dma_wait3A_278 = tpu.memref_slice %arg6[%dma_wait3A_270, %dma_wait3A_271, %dma_wait3A_277] : memref<4x2x128xi32, #tpu.memory_space<vmem>> -> memref<1x1x128xi32, #tpu.memory_space<vmem>>
      %dma_wait3A_279 = tpu.memref_squeeze %dma_wait3A_278 : memref<1x1x128xi32, #tpu.memory_space<vmem>> -> memref<128xi32, #tpu.memory_space<vmem>>
      %dma_wait3A_280 = arith.constant 0 : i32
      %dma_wait3A_281 = arith.constant 0 : i32
      %dma_wait3A_282 = tpu.memref_slice %arg2[%dma_wait3A_280, %dma_wait3A_281] : memref<10000x128xf32, #tpu.memory_space<hbm>> -> memref<10000x128xf32, #tpu.memory_space<hbm>>
      tpu.wait_indirect_dma semaphore(%arg13 : memref<!tpu.dma_semaphore, #tpu.memory_space<semaphore_mem>>) src(%dma_wait3A_282 : memref<10000x128xf32, #tpu.memory_space<hbm>>) dst(%dma_wait3A_276 : memref<128x128xf32, #tpu.memory_space<vmem>>)
      %dma_start3A_283 = arith.constant 0 : i32
      %dma_start3A_284 = arith.constant 0 : i32
      %dma_start3A_285 = arith.constant 1 : i32
      %dma_start3A_286 = arith.constant 0 : i32
      %dma_start3A_287 = arith.constant 0 : i32
      %dma_start3A_288 = tpu.memref_slice %arg7[%dma_start3A_283, %dma_start3A_286, %dma_start3A_287] : memref<3x128x128xf32, #tpu.memory_space<vmem>> -> memref<1x128x128xf32, #tpu.memory_space<vmem>>
      %dma_start3A_289 = tpu.memref_squeeze %dma_start3A_288 : memref<1x128x128xf32, #tpu.memory_space<vmem>> -> memref<128x128xf32, #tpu.memory_space<vmem>>
      %dma_start3A_290 = arith.constant 0 : i32
      %dma_start3A_291 = tpu.memref_slice %arg6[%dma_start3A_284, %dma_start3A_285, %dma_start3A_290] : memref<4x2x128xi32, #tpu.memory_space<vmem>> -> memref<1x1x128xi32, #tpu.memory_space<vmem>>
      %dma_start3A_292 = tpu.memref_squeeze %dma_start3A_291 : memref<1x1x128xi32, #tpu.memory_space<vmem>> -> memref<128xi32, #tpu.memory_space<vmem>>
      %dma_start3A_293 = arith.constant 0 : i32
      %dma_start3A_294 = arith.constant 0 : i32
      %dma_start3A_295 = tpu.memref_slice %arg8[%dma_start3A_293, %dma_start3A_294] : memref<10000x128xf32, #tpu.memory_space<vmem_shared>> -> memref<10000x128xf32, #tpu.memory_space<vmem_shared>>
      tpu.enqueue_indirect_dma source(%dma_start3A_289 : memref<128x128xf32, #tpu.memory_space<vmem>>) target(%dma_start3A_295 : memref<10000x128xf32, #tpu.memory_space<vmem_shared>>) offsets(%dma_start3A_292 : memref<128xi32, #tpu.memory_space<vmem>>) semaphore(%arg16 : memref<!tpu.dma_semaphore, #tpu.memory_space<semaphore_mem>>) {add = true}
      %gt3A_296 = arith.constant 0 : i32
      %gt3A_297 = arith.cmpi sgt, %add3A_269, %gt3A_296 : i32
      %convert_element_type3A_298 = arith.extui %gt3A_297 : i1 to i32
      %cond3A_299 = arith.constant 0 : i32
      %cond3A_300 = arith.cmpi ne, %convert_element_type3A_298, %cond3A_299 : i32
      scf.if %cond3A_300 {
        %dma_wait3A_391 = arith.constant 2 : i32
        %dma_wait3A_392 = arith.constant 3 : i32
        %dma_wait3A_393 = arith.constant 1 : i32
        %dma_wait3A_394 = arith.constant 0 : i32
        %dma_wait3A_395 = arith.constant 0 : i32
        %dma_wait3A_396 = tpu.memref_slice %arg7[%dma_wait3A_391, %dma_wait3A_394, %dma_wait3A_395] : memref<3x128x128xf32, #tpu.memory_space<vmem>> -> memref<1x128x128xf32, #tpu.memory_space<vmem>>
        %dma_wait3A_397 = tpu.memref_squeeze %dma_wait3A_396 : memref<1x128x128xf32, #tpu.memory_space<vmem>> -> memref<128x128xf32, #tpu.memory_space<vmem>>
        %dma_wait3A_398 = arith.constant 0 : i32
        %dma_wait3A_399 = tpu.memref_slice %arg6[%dma_wait3A_392, %dma_wait3A_393, %dma_wait3A_398] : memref<4x2x128xi32, #tpu.memory_space<vmem>> -> memref<1x1x128xi32, #tpu.memory_space<vmem>>
        %dma_wait3A_400 = tpu.memref_squeeze %dma_wait3A_399 : memref<1x1x128xi32, #tpu.memory_space<vmem>> -> memref<128xi32, #tpu.memory_space<vmem>>
        %dma_wait3A_401 = arith.constant 0 : i32
        %dma_wait3A_402 = arith.constant 0 : i32
        %dma_wait3A_403 = tpu.memref_slice %arg8[%dma_wait3A_401, %dma_wait3A_402] : memref<10000x128xf32, #tpu.memory_space<vmem_shared>> -> memref<10000x128xf32, #tpu.memory_space<vmem_shared>>
        tpu.wait_indirect_dma semaphore(%arg18 : memref<!tpu.dma_semaphore, #tpu.memory_space<semaphore_mem>>) src(%dma_wait3A_397 : memref<128x128xf32, #tpu.memory_space<vmem>>) dst(%dma_wait3A_403 : memref<10000x128xf32, #tpu.memory_space<vmem_shared>>)
      } else {
      }
      %add3A_301 = arith.constant 3 : i32
      %add3A_302 = arith.addi %add3A_269, %add3A_301 : i32
      %lt3A = arith.constant 78 : i32
      %lt3A_303 = arith.cmpi slt, %add3A_302, %lt3A : i32
      %convert_element_type3A_304 = arith.extui %lt3A_303 : i1 to i32
      %cond3A_305 = arith.constant 0 : i32
      %cond3A_306 = arith.cmpi ne, %convert_element_type3A_304, %cond3A_305 : i32
      scf.if %cond3A_306 {
        %add3A_391 = arith.constant 3 : i32
        %add3A_392 = arith.addi %add3A_269, %add3A_391 : i32
        %mul3A_393 = arith.constant 128 : i32
        %mul3A_394 = arith.muli %add3A_392, %mul3A_393 : i32
        %add3A_395 = arith.addi %mul3A_2, %mul3A_394 : i32
        %dma_start3A_396 = arith.constant 3 : i32
        %dma_start3A_397 = arith.constant 0 : i32
        %dma_start3A_398 = arith.constant 0 : i32
        %dma_start3A_399 = tpu.memref_slice %arg6[%dma_start3A_396, %dma_start3A_397, %dma_start3A_398] : memref<4x2x128xi32, #tpu.memory_space<vmem>> -> memref<1x1x128xi32, #tpu.memory_space<vmem>>
        %dma_start3A_400 = tpu.memref_squeeze %dma_start3A_399 : memref<1x1x128xi32, #tpu.memory_space<vmem>> -> memref<128xi32, #tpu.memory_space<vmem>>
        %dma_start3A_401 = tpu.memref_slice %arg3[%add3A_395] : memref<320000xi32, #tpu.memory_space<hbm>> -> memref<128xi32, #tpu.memory_space<hbm>>
        %dma_start3A_402 = arith.constant 0 : i32
        %dma_start3A_403 = tpu.memref_slice %arg6[%dma_start3A_396, %dma_start3A_397, %dma_start3A_402] : memref<4x2x128xi32, #tpu.memory_space<vmem>> -> memref<1x1x128xi32, #tpu.memory_space<vmem>>
        %dma_start3A_404 = tpu.memref_squeeze %dma_start3A_403 : memref<1x1x128xi32, #tpu.memory_space<vmem>> -> memref<128xi32, #tpu.memory_space<vmem>>
        %dma_start3A_405 = tpu.memref_slice %arg3[%add3A_395] : memref<320000xi32, #tpu.memory_space<hbm>> -> memref<128xi32, #tpu.memory_space<hbm>>
        tpu.enqueue_dma source(%dma_start3A_405 : memref<128xi32, #tpu.memory_space<hbm>>) target(%dma_start3A_404 : memref<128xi32, #tpu.memory_space<vmem>>) target_semaphore(%arg12 : memref<!tpu.dma_semaphore, #tpu.memory_space<semaphore_mem>>)
        %dma_start3A_406 = arith.constant 3 : i32
        %dma_start3A_407 = arith.constant 1 : i32
        %dma_start3A_408 = arith.constant 0 : i32
        %dma_start3A_409 = tpu.memref_slice %arg6[%dma_start3A_406, %dma_start3A_407, %dma_start3A_408] : memref<4x2x128xi32, #tpu.memory_space<vmem>> -> memref<1x1x128xi32, #tpu.memory_space<vmem>>
        %dma_start3A_410 = tpu.memref_squeeze %dma_start3A_409 : memref<1x1x128xi32, #tpu.memory_space<vmem>> -> memref<128xi32, #tpu.memory_space<vmem>>
        %dma_start3A_411 = tpu.memref_slice %arg4[%add3A_395] : memref<320000xi32, #tpu.memory_space<hbm>> -> memref<128xi32, #tpu.memory_space<hbm>>
        %dma_start3A_412 = arith.constant 0 : i32
        %dma_start3A_413 = tpu.memref_slice %arg6[%dma_start3A_406, %dma_start3A_407, %dma_start3A_412] : memref<4x2x128xi32, #tpu.memory_space<vmem>> -> memref<1x1x128xi32, #tpu.memory_space<vmem>>
        %dma_start3A_414 = tpu.memref_squeeze %dma_start3A_413 : memref<1x1x128xi32, #tpu.memory_space<vmem>> -> memref<128xi32, #tpu.memory_space<vmem>>
        %dma_start3A_415 = tpu.memref_slice %arg4[%add3A_395] : memref<320000xi32, #tpu.memory_space<hbm>> -> memref<128xi32, #tpu.memory_space<hbm>>
        tpu.enqueue_dma source(%dma_start3A_415 : memref<128xi32, #tpu.memory_space<hbm>>) target(%dma_start3A_414 : memref<128xi32, #tpu.memory_space<vmem>>) target_semaphore(%arg12 : memref<!tpu.dma_semaphore, #tpu.memory_space<semaphore_mem>>)
      } else {
      }
      %add3A_307 = arith.constant 2 : i32
      %add3A_308 = arith.addi %add3A_269, %add3A_307 : i32
      %lt3A_309 = arith.constant 78 : i32
      %lt3A_310 = arith.cmpi slt, %add3A_308, %lt3A_309 : i32
      %convert_element_type3A_311 = arith.extui %lt3A_310 : i1 to i32
      %cond3A_312 = arith.constant 0 : i32
      %cond3A_313 = arith.cmpi ne, %convert_element_type3A_311, %cond3A_312 : i32
      scf.if %cond3A_313 {
        %add3A_391 = arith.constant 2 : i32
        %add3A_392 = arith.addi %add3A_269, %add3A_391 : i32
        %mul3A_393 = arith.constant 128 : i32
        %mul3A_394 = arith.muli %add3A_392, %mul3A_393 : i32
        %add3A_395 = arith.addi %mul3A_2, %mul3A_394 : i32
        %dma_wait3A_396 = arith.constant 2 : i32
        %dma_wait3A_397 = arith.constant 0 : i32
        %dma_wait3A_398 = arith.constant 0 : i32
        %dma_wait3A_399 = tpu.memref_slice %arg6[%dma_wait3A_396, %dma_wait3A_397, %dma_wait3A_398] : memref<4x2x128xi32, #tpu.memory_space<vmem>> -> memref<1x1x128xi32, #tpu.memory_space<vmem>>
        %dma_wait3A_400 = tpu.memref_squeeze %dma_wait3A_399 : memref<1x1x128xi32, #tpu.memory_space<vmem>> -> memref<128xi32, #tpu.memory_space<vmem>>
        %dma_wait3A_401 = tpu.memref_slice %arg3[%add3A_395] : memref<320000xi32, #tpu.memory_space<hbm>> -> memref<128xi32, #tpu.memory_space<hbm>>
        %dma_wait3A_402 = arith.constant 0 : i32
        %dma_wait3A_403 = tpu.memref_slice %arg6[%dma_wait3A_396, %dma_wait3A_397, %dma_wait3A_402] : memref<4x2x128xi32, #tpu.memory_space<vmem>> -> memref<1x1x128xi32, #tpu.memory_space<vmem>>
        %dma_wait3A_404 = tpu.memref_squeeze %dma_wait3A_403 : memref<1x1x128xi32, #tpu.memory_space<vmem>> -> memref<128xi32, #tpu.memory_space<vmem>>
        %dma_wait3A_405 = tpu.memref_slice %arg3[%add3A_395] : memref<320000xi32, #tpu.memory_space<hbm>> -> memref<128xi32, #tpu.memory_space<hbm>>
        tpu.wait_dma2 semaphore(%arg11 : memref<!tpu.dma_semaphore, #tpu.memory_space<semaphore_mem>>) src(%dma_wait3A_405 : memref<128xi32, #tpu.memory_space<hbm>>) dst(%dma_wait3A_404 : memref<128xi32, #tpu.memory_space<vmem>>)
        %dma_wait3A_406 = arith.constant 2 : i32
        %dma_wait3A_407 = arith.constant 1 : i32
        %dma_wait3A_408 = arith.constant 0 : i32
        %dma_wait3A_409 = tpu.memref_slice %arg6[%dma_wait3A_406, %dma_wait3A_407, %dma_wait3A_408] : memref<4x2x128xi32, #tpu.memory_space<vmem>> -> memref<1x1x128xi32, #tpu.memory_space<vmem>>
        %dma_wait3A_410 = tpu.memref_squeeze %dma_wait3A_409 : memref<1x1x128xi32, #tpu.memory_space<vmem>> -> memref<128xi32, #tpu.memory_space<vmem>>
        %dma_wait3A_411 = tpu.memref_slice %arg4[%add3A_395] : memref<320000xi32, #tpu.memory_space<hbm>> -> memref<128xi32, #tpu.memory_space<hbm>>
        %dma_wait3A_412 = arith.constant 0 : i32
        %dma_wait3A_413 = tpu.memref_slice %arg6[%dma_wait3A_406, %dma_wait3A_407, %dma_wait3A_412] : memref<4x2x128xi32, #tpu.memory_space<vmem>> -> memref<1x1x128xi32, #tpu.memory_space<vmem>>
        %dma_wait3A_414 = tpu.memref_squeeze %dma_wait3A_413 : memref<1x1x128xi32, #tpu.memory_space<vmem>> -> memref<128xi32, #tpu.memory_space<vmem>>
        %dma_wait3A_415 = tpu.memref_slice %arg4[%add3A_395] : memref<320000xi32, #tpu.memory_space<hbm>> -> memref<128xi32, #tpu.memory_space<hbm>>
        tpu.wait_dma2 semaphore(%arg11 : memref<!tpu.dma_semaphore, #tpu.memory_space<semaphore_mem>>) src(%dma_wait3A_415 : memref<128xi32, #tpu.memory_space<hbm>>) dst(%dma_wait3A_414 : memref<128xi32, #tpu.memory_space<vmem>>)
        %dma_start3A_416 = arith.constant 2 : i32
        %dma_start3A_417 = arith.constant 0 : i32
        %dma_start3A_418 = arith.constant 2 : i32
        %dma_start3A_419 = arith.constant 0 : i32
        %dma_start3A_420 = arith.constant 0 : i32
        %dma_start3A_421 = tpu.memref_slice %arg7[%dma_start3A_418, %dma_start3A_419, %dma_start3A_420] : memref<3x128x128xf32, #tpu.memory_space<vmem>> -> memref<1x128x128xf32, #tpu.memory_space<vmem>>
        %dma_start3A_422 = tpu.memref_squeeze %dma_start3A_421 : memref<1x128x128xf32, #tpu.memory_space<vmem>> -> memref<128x128xf32, #tpu.memory_space<vmem>>
        %dma_start3A_423 = arith.constant 0 : i32
        %dma_start3A_424 = tpu.memref_slice %arg6[%dma_start3A_416, %dma_start3A_417, %dma_start3A_423] : memref<4x2x128xi32, #tpu.memory_space<vmem>> -> memref<1x1x128xi32, #tpu.memory_space<vmem>>
        %dma_start3A_425 = tpu.memref_squeeze %dma_start3A_424 : memref<1x1x128xi32, #tpu.memory_space<vmem>> -> memref<128xi32, #tpu.memory_space<vmem>>
        %dma_start3A_426 = arith.constant 0 : i32
        %dma_start3A_427 = arith.constant 0 : i32
        %dma_start3A_428 = tpu.memref_slice %arg2[%dma_start3A_426, %dma_start3A_427] : memref<10000x128xf32, #tpu.memory_space<hbm>> -> memref<10000x128xf32, #tpu.memory_space<hbm>>
        tpu.enqueue_indirect_dma source(%dma_start3A_428 : memref<10000x128xf32, #tpu.memory_space<hbm>>) target(%dma_start3A_422 : memref<128x128xf32, #tpu.memory_space<vmem>>) offsets(%dma_start3A_425 : memref<128xi32, #tpu.memory_space<vmem>>) semaphore(%arg15 : memref<!tpu.dma_semaphore, #tpu.memory_space<semaphore_mem>>)
      } else {
      }
      %add3A_314 = arith.constant 1 : i32
      %add3A_315 = arith.addi %add3A_267, %add3A_314 : i32
      %lt3A_316 = arith.constant 78 : i32
      %lt3A_317 = arith.cmpi slt, %add3A_315, %lt3A_316 : i32
      %convert_element_type3A_318 = arith.extui %lt3A_317 : i1 to i32
      %cond3A_319 = arith.constant 0 : i32
      %cond3A_320 = arith.cmpi ne, %convert_element_type3A_318, %cond3A_319 : i32
      scf.if %cond3A_320 {
        %dma_wait3A_391 = arith.constant 1 : i32
        %dma_wait3A_392 = arith.constant 0 : i32
        %dma_wait3A_393 = arith.constant 1 : i32
        %dma_wait3A_394 = arith.constant 0 : i32
        %dma_wait3A_395 = arith.constant 0 : i32
        %dma_wait3A_396 = tpu.memref_slice %arg7[%dma_wait3A_393, %dma_wait3A_394, %dma_wait3A_395] : memref<3x128x128xf32, #tpu.memory_space<vmem>> -> memref<1x128x128xf32, #tpu.memory_space<vmem>>
        %dma_wait3A_397 = tpu.memref_squeeze %dma_wait3A_396 : memref<1x128x128xf32, #tpu.memory_space<vmem>> -> memref<128x128xf32, #tpu.memory_space<vmem>>
        %dma_wait3A_398 = arith.constant 0 : i32
        %dma_wait3A_399 = tpu.memref_slice %arg6[%dma_wait3A_391, %dma_wait3A_392, %dma_wait3A_398] : memref<4x2x128xi32, #tpu.memory_space<vmem>> -> memref<1x1x128xi32, #tpu.memory_space<vmem>>
        %dma_wait3A_400 = tpu.memref_squeeze %dma_wait3A_399 : memref<1x1x128xi32, #tpu.memory_space<vmem>> -> memref<128xi32, #tpu.memory_space<vmem>>
        %dma_wait3A_401 = arith.constant 0 : i32
        %dma_wait3A_402 = arith.constant 0 : i32
        %dma_wait3A_403 = tpu.memref_slice %arg2[%dma_wait3A_401, %dma_wait3A_402] : memref<10000x128xf32, #tpu.memory_space<hbm>> -> memref<10000x128xf32, #tpu.memory_space<hbm>>
        tpu.wait_indirect_dma semaphore(%arg14 : memref<!tpu.dma_semaphore, #tpu.memory_space<semaphore_mem>>) src(%dma_wait3A_403 : memref<10000x128xf32, #tpu.memory_space<hbm>>) dst(%dma_wait3A_397 : memref<128x128xf32, #tpu.memory_space<vmem>>)
        %dma_start3A_404 = arith.constant 1 : i32
        %dma_start3A_405 = arith.constant 1 : i32
        %dma_start3A_406 = arith.constant 1 : i32
        %dma_start3A_407 = arith.constant 0 : i32
        %dma_start3A_408 = arith.constant 0 : i32
        %dma_start3A_409 = tpu.memref_slice %arg7[%dma_start3A_404, %dma_start3A_407, %dma_start3A_408] : memref<3x128x128xf32, #tpu.memory_space<vmem>> -> memref<1x128x128xf32, #tpu.memory_space<vmem>>
        %dma_start3A_410 = tpu.memref_squeeze %dma_start3A_409 : memref<1x128x128xf32, #tpu.memory_space<vmem>> -> memref<128x128xf32, #tpu.memory_space<vmem>>
        %dma_start3A_411 = arith.constant 0 : i32
        %dma_start3A_412 = tpu.memref_slice %arg6[%dma_start3A_405, %dma_start3A_406, %dma_start3A_411] : memref<4x2x128xi32, #tpu.memory_space<vmem>> -> memref<1x1x128xi32, #tpu.memory_space<vmem>>
        %dma_start3A_413 = tpu.memref_squeeze %dma_start3A_412 : memref<1x1x128xi32, #tpu.memory_space<vmem>> -> memref<128xi32, #tpu.memory_space<vmem>>
        %dma_start3A_414 = arith.constant 0 : i32
        %dma_start3A_415 = arith.constant 0 : i32
        %dma_start3A_416 = tpu.memref_slice %arg8[%dma_start3A_414, %dma_start3A_415] : memref<10000x128xf32, #tpu.memory_space<vmem_shared>> -> memref<10000x128xf32, #tpu.memory_space<vmem_shared>>
        tpu.enqueue_indirect_dma source(%dma_start3A_410 : memref<128x128xf32, #tpu.memory_space<vmem>>) target(%dma_start3A_416 : memref<10000x128xf32, #tpu.memory_space<vmem_shared>>) offsets(%dma_start3A_413 : memref<128xi32, #tpu.memory_space<vmem>>) semaphore(%arg17 : memref<!tpu.dma_semaphore, #tpu.memory_space<semaphore_mem>>) {add = true}
        %dma_wait3A_417 = arith.constant 0 : i32
        %dma_wait3A_418 = arith.constant 0 : i32
        %dma_wait3A_419 = arith.constant 1 : i32
        %dma_wait3A_420 = arith.constant 0 : i32
        %dma_wait3A_421 = arith.constant 0 : i32
        %dma_wait3A_422 = tpu.memref_slice %arg7[%dma_wait3A_417, %dma_wait3A_420, %dma_wait3A_421] : memref<3x128x128xf32, #tpu.memory_space<vmem>> -> memref<1x128x128xf32, #tpu.memory_space<vmem>>
        %dma_wait3A_423 = tpu.memref_squeeze %dma_wait3A_422 : memref<1x128x128xf32, #tpu.memory_space<vmem>> -> memref<128x128xf32, #tpu.memory_space<vmem>>
        %dma_wait3A_424 = arith.constant 0 : i32
        %dma_wait3A_425 = tpu.memref_slice %arg6[%dma_wait3A_418, %dma_wait3A_419, %dma_wait3A_424] : memref<4x2x128xi32, #tpu.memory_space<vmem>> -> memref<1x1x128xi32, #tpu.memory_space<vmem>>
        %dma_wait3A_426 = tpu.memref_squeeze %dma_wait3A_425 : memref<1x1x128xi32, #tpu.memory_space<vmem>> -> memref<128xi32, #tpu.memory_space<vmem>>
        %dma_wait3A_427 = arith.constant 0 : i32
        %dma_wait3A_428 = arith.constant 0 : i32
        %dma_wait3A_429 = tpu.memref_slice %arg8[%dma_wait3A_427, %dma_wait3A_428] : memref<10000x128xf32, #tpu.memory_space<vmem_shared>> -> memref<10000x128xf32, #tpu.memory_space<vmem_shared>>
        tpu.wait_indirect_dma semaphore(%arg16 : memref<!tpu.dma_semaphore, #tpu.memory_space<semaphore_mem>>) src(%dma_wait3A_423 : memref<128x128xf32, #tpu.memory_space<vmem>>) dst(%dma_wait3A_429 : memref<10000x128xf32, #tpu.memory_space<vmem_shared>>)
        %add3A_430 = arith.constant 3 : i32
        %add3A_431 = arith.addi %add3A_315, %add3A_430 : i32
        %lt3A_432 = arith.constant 78 : i32
        %lt3A_433 = arith.cmpi slt, %add3A_431, %lt3A_432 : i32
        %convert_element_type3A_434 = arith.extui %lt3A_433 : i1 to i32
        %cond3A_435 = arith.constant 0 : i32
        %cond3A_436 = arith.cmpi ne, %convert_element_type3A_434, %cond3A_435 : i32
        scf.if %cond3A_436 {
          %add3A_444 = arith.constant 3 : i32
          %add3A_445 = arith.addi %add3A_315, %add3A_444 : i32
          %mul3A_446 = arith.constant 128 : i32
          %mul3A_447 = arith.muli %add3A_445, %mul3A_446 : i32
          %add3A_448 = arith.addi %mul3A_2, %mul3A_447 : i32
          %dma_start3A_449 = arith.constant 0 : i32
          %dma_start3A_450 = arith.constant 0 : i32
          %dma_start3A_451 = arith.constant 0 : i32
          %dma_start3A_452 = tpu.memref_slice %arg6[%dma_start3A_449, %dma_start3A_450, %dma_start3A_451] : memref<4x2x128xi32, #tpu.memory_space<vmem>> -> memref<1x1x128xi32, #tpu.memory_space<vmem>>
          %dma_start3A_453 = tpu.memref_squeeze %dma_start3A_452 : memref<1x1x128xi32, #tpu.memory_space<vmem>> -> memref<128xi32, #tpu.memory_space<vmem>>
          %dma_start3A_454 = tpu.memref_slice %arg3[%add3A_448] : memref<320000xi32, #tpu.memory_space<hbm>> -> memref<128xi32, #tpu.memory_space<hbm>>
          %dma_start3A_455 = arith.constant 0 : i32
          %dma_start3A_456 = tpu.memref_slice %arg6[%dma_start3A_449, %dma_start3A_450, %dma_start3A_455] : memref<4x2x128xi32, #tpu.memory_space<vmem>> -> memref<1x1x128xi32, #tpu.memory_space<vmem>>
          %dma_start3A_457 = tpu.memref_squeeze %dma_start3A_456 : memref<1x1x128xi32, #tpu.memory_space<vmem>> -> memref<128xi32, #tpu.memory_space<vmem>>
          %dma_start3A_458 = tpu.memref_slice %arg3[%add3A_448] : memref<320000xi32, #tpu.memory_space<hbm>> -> memref<128xi32, #tpu.memory_space<hbm>>
          tpu.enqueue_dma source(%dma_start3A_458 : memref<128xi32, #tpu.memory_space<hbm>>) target(%dma_start3A_457 : memref<128xi32, #tpu.memory_space<vmem>>) target_semaphore(%arg9 : memref<!tpu.dma_semaphore, #tpu.memory_space<semaphore_mem>>)
          %dma_start3A_459 = arith.constant 0 : i32
          %dma_start3A_460 = arith.constant 1 : i32
          %dma_start3A_461 = arith.constant 0 : i32
          %dma_start3A_462 = tpu.memref_slice %arg6[%dma_start3A_459, %dma_start3A_460, %dma_start3A_461] : memref<4x2x128xi32, #tpu.memory_space<vmem>> -> memref<1x1x128xi32, #tpu.memory_space<vmem>>
          %dma_start3A_463 = tpu.memref_squeeze %dma_start3A_462 : memref<1x1x128xi32, #tpu.memory_space<vmem>> -> memref<128xi32, #tpu.memory_space<vmem>>
          %dma_start3A_464 = tpu.memref_slice %arg4[%add3A_448] : memref<320000xi32, #tpu.memory_space<hbm>> -> memref<128xi32, #tpu.memory_space<hbm>>
          %dma_start3A_465 = arith.constant 0 : i32
          %dma_start3A_466 = tpu.memref_slice %arg6[%dma_start3A_459, %dma_start3A_460, %dma_start3A_465] : memref<4x2x128xi32, #tpu.memory_space<vmem>> -> memref<1x1x128xi32, #tpu.memory_space<vmem>>
          %dma_start3A_467 = tpu.memref_squeeze %dma_start3A_466 : memref<1x1x128xi32, #tpu.memory_space<vmem>> -> memref<128xi32, #tpu.memory_space<vmem>>
          %dma_start3A_468 = tpu.memref_slice %arg4[%add3A_448] : memref<320000xi32, #tpu.memory_space<hbm>> -> memref<128xi32, #tpu.memory_space<hbm>>
          tpu.enqueue_dma source(%dma_start3A_468 : memref<128xi32, #tpu.memory_space<hbm>>) target(%dma_start3A_467 : memref<128xi32, #tpu.memory_space<vmem>>) target_semaphore(%arg9 : memref<!tpu.dma_semaphore, #tpu.memory_space<semaphore_mem>>)
        } else {
        }
        %add3A_437 = arith.constant 2 : i32
        %add3A_438 = arith.addi %add3A_315, %add3A_437 : i32
        %lt3A_439 = arith.constant 78 : i32
        %lt3A_440 = arith.cmpi slt, %add3A_438, %lt3A_439 : i32
        %convert_element_type3A_441 = arith.extui %lt3A_440 : i1 to i32
        %cond3A_442 = arith.constant 0 : i32
        %cond3A_443 = arith.cmpi ne, %convert_element_type3A_441, %cond3A_442 : i32
        scf.if %cond3A_443 {
          %add3A_444 = arith.constant 2 : i32
          %add3A_445 = arith.addi %add3A_315, %add3A_444 : i32
          %mul3A_446 = arith.constant 128 : i32
          %mul3A_447 = arith.muli %add3A_445, %mul3A_446 : i32
          %add3A_448 = arith.addi %mul3A_2, %mul3A_447 : i32
          %dma_wait3A_449 = arith.constant 3 : i32
          %dma_wait3A_450 = arith.constant 0 : i32
          %dma_wait3A_451 = arith.constant 0 : i32
          %dma_wait3A_452 = tpu.memref_slice %arg6[%dma_wait3A_449, %dma_wait3A_450, %dma_wait3A_451] : memref<4x2x128xi32, #tpu.memory_space<vmem>> -> memref<1x1x128xi32, #tpu.memory_space<vmem>>
          %dma_wait3A_453 = tpu.memref_squeeze %dma_wait3A_452 : memref<1x1x128xi32, #tpu.memory_space<vmem>> -> memref<128xi32, #tpu.memory_space<vmem>>
          %dma_wait3A_454 = tpu.memref_slice %arg3[%add3A_448] : memref<320000xi32, #tpu.memory_space<hbm>> -> memref<128xi32, #tpu.memory_space<hbm>>
          %dma_wait3A_455 = arith.constant 0 : i32
          %dma_wait3A_456 = tpu.memref_slice %arg6[%dma_wait3A_449, %dma_wait3A_450, %dma_wait3A_455] : memref<4x2x128xi32, #tpu.memory_space<vmem>> -> memref<1x1x128xi32, #tpu.memory_space<vmem>>
          %dma_wait3A_457 = tpu.memref_squeeze %dma_wait3A_456 : memref<1x1x128xi32, #tpu.memory_space<vmem>> -> memref<128xi32, #tpu.memory_space<vmem>>
          %dma_wait3A_458 = tpu.memref_slice %arg3[%add3A_448] : memref<320000xi32, #tpu.memory_space<hbm>> -> memref<128xi32, #tpu.memory_space<hbm>>
          tpu.wait_dma2 semaphore(%arg12 : memref<!tpu.dma_semaphore, #tpu.memory_space<semaphore_mem>>) src(%dma_wait3A_458 : memref<128xi32, #tpu.memory_space<hbm>>) dst(%dma_wait3A_457 : memref<128xi32, #tpu.memory_space<vmem>>)
          %dma_wait3A_459 = arith.constant 3 : i32
          %dma_wait3A_460 = arith.constant 1 : i32
          %dma_wait3A_461 = arith.constant 0 : i32
          %dma_wait3A_462 = tpu.memref_slice %arg6[%dma_wait3A_459, %dma_wait3A_460, %dma_wait3A_461] : memref<4x2x128xi32, #tpu.memory_space<vmem>> -> memref<1x1x128xi32, #tpu.memory_space<vmem>>
          %dma_wait3A_463 = tpu.memref_squeeze %dma_wait3A_462 : memref<1x1x128xi32, #tpu.memory_space<vmem>> -> memref<128xi32, #tpu.memory_space<vmem>>
          %dma_wait3A_464 = tpu.memref_slice %arg4[%add3A_448] : memref<320000xi32, #tpu.memory_space<hbm>> -> memref<128xi32, #tpu.memory_space<hbm>>
          %dma_wait3A_465 = arith.constant 0 : i32
          %dma_wait3A_466 = tpu.memref_slice %arg6[%dma_wait3A_459, %dma_wait3A_460, %dma_wait3A_465] : memref<4x2x128xi32, #tpu.memory_space<vmem>> -> memref<1x1x128xi32, #tpu.memory_space<vmem>>
          %dma_wait3A_467 = tpu.memref_squeeze %dma_wait3A_466 : memref<1x1x128xi32, #tpu.memory_space<vmem>> -> memref<128xi32, #tpu.memory_space<vmem>>
          %dma_wait3A_468 = tpu.memref_slice %arg4[%add3A_448] : memref<320000xi32, #tpu.memory_space<hbm>> -> memref<128xi32, #tpu.memory_space<hbm>>
          tpu.wait_dma2 semaphore(%arg12 : memref<!tpu.dma_semaphore, #tpu.memory_space<semaphore_mem>>) src(%dma_wait3A_468 : memref<128xi32, #tpu.memory_space<hbm>>) dst(%dma_wait3A_467 : memref<128xi32, #tpu.memory_space<vmem>>)
          %dma_start3A_469 = arith.constant 3 : i32
          %dma_start3A_470 = arith.constant 0 : i32
          %dma_start3A_471 = arith.constant 0 : i32
          %dma_start3A_472 = arith.constant 0 : i32
          %dma_start3A_473 = arith.constant 0 : i32
          %dma_start3A_474 = tpu.memref_slice %arg7[%dma_start3A_471, %dma_start3A_472, %dma_start3A_473] : memref<3x128x128xf32, #tpu.memory_space<vmem>> -> memref<1x128x128xf32, #tpu.memory_space<vmem>>
          %dma_start3A_475 = tpu.memref_squeeze %dma_start3A_474 : memref<1x128x128xf32, #tpu.memory_space<vmem>> -> memref<128x128xf32, #tpu.memory_space<vmem>>
          %dma_start3A_476 = arith.constant 0 : i32
          %dma_start3A_477 = tpu.memref_slice %arg6[%dma_start3A_469, %dma_start3A_470, %dma_start3A_476] : memref<4x2x128xi32, #tpu.memory_space<vmem>> -> memref<1x1x128xi32, #tpu.memory_space<vmem>>
          %dma_start3A_478 = tpu.memref_squeeze %dma_start3A_477 : memref<1x1x128xi32, #tpu.memory_space<vmem>> -> memref<128xi32, #tpu.memory_space<vmem>>
          %dma_start3A_479 = arith.constant 0 : i32
          %dma_start3A_480 = arith.constant 0 : i32
          %dma_start3A_481 = tpu.memref_slice %arg2[%dma_start3A_479, %dma_start3A_480] : memref<10000x128xf32, #tpu.memory_space<hbm>> -> memref<10000x128xf32, #tpu.memory_space<hbm>>
          tpu.enqueue_indirect_dma source(%dma_start3A_481 : memref<10000x128xf32, #tpu.memory_space<hbm>>) target(%dma_start3A_475 : memref<128x128xf32, #tpu.memory_space<vmem>>) offsets(%dma_start3A_478 : memref<128xi32, #tpu.memory_space<vmem>>) semaphore(%arg13 : memref<!tpu.dma_semaphore, #tpu.memory_space<semaphore_mem>>)
        } else {
        }
      } else {
      }
      %add3A_321 = arith.constant 2 : i32
      %add3A_322 = arith.addi %add3A_267, %add3A_321 : i32
      %lt3A_323 = arith.constant 78 : i32
      %lt3A_324 = arith.cmpi slt, %add3A_322, %lt3A_323 : i32
      %convert_element_type3A_325 = arith.extui %lt3A_324 : i1 to i32
      %cond3A_326 = arith.constant 0 : i32
      %cond3A_327 = arith.cmpi ne, %convert_element_type3A_325, %cond3A_326 : i32
      scf.if %cond3A_327 {
        %dma_wait3A_391 = arith.constant 2 : i32
        %dma_wait3A_392 = arith.constant 0 : i32
        %dma_wait3A_393 = arith.constant 2 : i32
        %dma_wait3A_394 = arith.constant 0 : i32
        %dma_wait3A_395 = arith.constant 0 : i32
        %dma_wait3A_396 = tpu.memref_slice %arg7[%dma_wait3A_393, %dma_wait3A_394, %dma_wait3A_395] : memref<3x128x128xf32, #tpu.memory_space<vmem>> -> memref<1x128x128xf32, #tpu.memory_space<vmem>>
        %dma_wait3A_397 = tpu.memref_squeeze %dma_wait3A_396 : memref<1x128x128xf32, #tpu.memory_space<vmem>> -> memref<128x128xf32, #tpu.memory_space<vmem>>
        %dma_wait3A_398 = arith.constant 0 : i32
        %dma_wait3A_399 = tpu.memref_slice %arg6[%dma_wait3A_391, %dma_wait3A_392, %dma_wait3A_398] : memref<4x2x128xi32, #tpu.memory_space<vmem>> -> memref<1x1x128xi32, #tpu.memory_space<vmem>>
        %dma_wait3A_400 = tpu.memref_squeeze %dma_wait3A_399 : memref<1x1x128xi32, #tpu.memory_space<vmem>> -> memref<128xi32, #tpu.memory_space<vmem>>
        %dma_wait3A_401 = arith.constant 0 : i32
        %dma_wait3A_402 = arith.constant 0 : i32
        %dma_wait3A_403 = tpu.memref_slice %arg2[%dma_wait3A_401, %dma_wait3A_402] : memref<10000x128xf32, #tpu.memory_space<hbm>> -> memref<10000x128xf32, #tpu.memory_space<hbm>>
        tpu.wait_indirect_dma semaphore(%arg15 : memref<!tpu.dma_semaphore, #tpu.memory_space<semaphore_mem>>) src(%dma_wait3A_403 : memref<10000x128xf32, #tpu.memory_space<hbm>>) dst(%dma_wait3A_397 : memref<128x128xf32, #tpu.memory_space<vmem>>)
        %dma_start3A_404 = arith.constant 2 : i32
        %dma_start3A_405 = arith.constant 2 : i32
        %dma_start3A_406 = arith.constant 1 : i32
        %dma_start3A_407 = arith.constant 0 : i32
        %dma_start3A_408 = arith.constant 0 : i32
        %dma_start3A_409 = tpu.memref_slice %arg7[%dma_start3A_404, %dma_start3A_407, %dma_start3A_408] : memref<3x128x128xf32, #tpu.memory_space<vmem>> -> memref<1x128x128xf32, #tpu.memory_space<vmem>>
        %dma_start3A_410 = tpu.memref_squeeze %dma_start3A_409 : memref<1x128x128xf32, #tpu.memory_space<vmem>> -> memref<128x128xf32, #tpu.memory_space<vmem>>
        %dma_start3A_411 = arith.constant 0 : i32
        %dma_start3A_412 = tpu.memref_slice %arg6[%dma_start3A_405, %dma_start3A_406, %dma_start3A_411] : memref<4x2x128xi32, #tpu.memory_space<vmem>> -> memref<1x1x128xi32, #tpu.memory_space<vmem>>
        %dma_start3A_413 = tpu.memref_squeeze %dma_start3A_412 : memref<1x1x128xi32, #tpu.memory_space<vmem>> -> memref<128xi32, #tpu.memory_space<vmem>>
        %dma_start3A_414 = arith.constant 0 : i32
        %dma_start3A_415 = arith.constant 0 : i32
        %dma_start3A_416 = tpu.memref_slice %arg8[%dma_start3A_414, %dma_start3A_415] : memref<10000x128xf32, #tpu.memory_space<vmem_shared>> -> memref<10000x128xf32, #tpu.memory_space<vmem_shared>>
        tpu.enqueue_indirect_dma source(%dma_start3A_410 : memref<128x128xf32, #tpu.memory_space<vmem>>) target(%dma_start3A_416 : memref<10000x128xf32, #tpu.memory_space<vmem_shared>>) offsets(%dma_start3A_413 : memref<128xi32, #tpu.memory_space<vmem>>) semaphore(%arg18 : memref<!tpu.dma_semaphore, #tpu.memory_space<semaphore_mem>>) {add = true}
        %dma_wait3A_417 = arith.constant 1 : i32
        %dma_wait3A_418 = arith.constant 1 : i32
        %dma_wait3A_419 = arith.constant 1 : i32
        %dma_wait3A_420 = arith.constant 0 : i32
        %dma_wait3A_421 = arith.constant 0 : i32
        %dma_wait3A_422 = tpu.memref_slice %arg7[%dma_wait3A_417, %dma_wait3A_420, %dma_wait3A_421] : memref<3x128x128xf32, #tpu.memory_space<vmem>> -> memref<1x128x128xf32, #tpu.memory_space<vmem>>
        %dma_wait3A_423 = tpu.memref_squeeze %dma_wait3A_422 : memref<1x128x128xf32, #tpu.memory_space<vmem>> -> memref<128x128xf32, #tpu.memory_space<vmem>>
        %dma_wait3A_424 = arith.constant 0 : i32
        %dma_wait3A_425 = tpu.memref_slice %arg6[%dma_wait3A_418, %dma_wait3A_419, %dma_wait3A_424] : memref<4x2x128xi32, #tpu.memory_space<vmem>> -> memref<1x1x128xi32, #tpu.memory_space<vmem>>
        %dma_wait3A_426 = tpu.memref_squeeze %dma_wait3A_425 : memref<1x1x128xi32, #tpu.memory_space<vmem>> -> memref<128xi32, #tpu.memory_space<vmem>>
        %dma_wait3A_427 = arith.constant 0 : i32
        %dma_wait3A_428 = arith.constant 0 : i32
        %dma_wait3A_429 = tpu.memref_slice %arg8[%dma_wait3A_427, %dma_wait3A_428] : memref<10000x128xf32, #tpu.memory_space<vmem_shared>> -> memref<10000x128xf32, #tpu.memory_space<vmem_shared>>
        tpu.wait_indirect_dma semaphore(%arg17 : memref<!tpu.dma_semaphore, #tpu.memory_space<semaphore_mem>>) src(%dma_wait3A_423 : memref<128x128xf32, #tpu.memory_space<vmem>>) dst(%dma_wait3A_429 : memref<10000x128xf32, #tpu.memory_space<vmem_shared>>)
        %add3A_430 = arith.constant 3 : i32
        %add3A_431 = arith.addi %add3A_322, %add3A_430 : i32
        %lt3A_432 = arith.constant 78 : i32
        %lt3A_433 = arith.cmpi slt, %add3A_431, %lt3A_432 : i32
        %convert_element_type3A_434 = arith.extui %lt3A_433 : i1 to i32
        %cond3A_435 = arith.constant 0 : i32
        %cond3A_436 = arith.cmpi ne, %convert_element_type3A_434, %cond3A_435 : i32
        scf.if %cond3A_436 {
          %add3A_444 = arith.constant 3 : i32
          %add3A_445 = arith.addi %add3A_322, %add3A_444 : i32
          %mul3A_446 = arith.constant 128 : i32
          %mul3A_447 = arith.muli %add3A_445, %mul3A_446 : i32
          %add3A_448 = arith.addi %mul3A_2, %mul3A_447 : i32
          %dma_start3A_449 = arith.constant 1 : i32
          %dma_start3A_450 = arith.constant 0 : i32
          %dma_start3A_451 = arith.constant 0 : i32
          %dma_start3A_452 = tpu.memref_slice %arg6[%dma_start3A_449, %dma_start3A_450, %dma_start3A_451] : memref<4x2x128xi32, #tpu.memory_space<vmem>> -> memref<1x1x128xi32, #tpu.memory_space<vmem>>
          %dma_start3A_453 = tpu.memref_squeeze %dma_start3A_452 : memref<1x1x128xi32, #tpu.memory_space<vmem>> -> memref<128xi32, #tpu.memory_space<vmem>>
          %dma_start3A_454 = tpu.memref_slice %arg3[%add3A_448] : memref<320000xi32, #tpu.memory_space<hbm>> -> memref<128xi32, #tpu.memory_space<hbm>>
          %dma_start3A_455 = arith.constant 0 : i32
          %dma_start3A_456 = tpu.memref_slice %arg6[%dma_start3A_449, %dma_start3A_450, %dma_start3A_455] : memref<4x2x128xi32, #tpu.memory_space<vmem>> -> memref<1x1x128xi32, #tpu.memory_space<vmem>>
          %dma_start3A_457 = tpu.memref_squeeze %dma_start3A_456 : memref<1x1x128xi32, #tpu.memory_space<vmem>> -> memref<128xi32, #tpu.memory_space<vmem>>
          %dma_start3A_458 = tpu.memref_slice %arg3[%add3A_448] : memref<320000xi32, #tpu.memory_space<hbm>> -> memref<128xi32, #tpu.memory_space<hbm>>
          tpu.enqueue_dma source(%dma_start3A_458 : memref<128xi32, #tpu.memory_space<hbm>>) target(%dma_start3A_457 : memref<128xi32, #tpu.memory_space<vmem>>) target_semaphore(%arg10 : memref<!tpu.dma_semaphore, #tpu.memory_space<semaphore_mem>>)
          %dma_start3A_459 = arith.constant 1 : i32
          %dma_start3A_460 = arith.constant 1 : i32
          %dma_start3A_461 = arith.constant 0 : i32
          %dma_start3A_462 = tpu.memref_slice %arg6[%dma_start3A_459, %dma_start3A_460, %dma_start3A_461] : memref<4x2x128xi32, #tpu.memory_space<vmem>> -> memref<1x1x128xi32, #tpu.memory_space<vmem>>
          %dma_start3A_463 = tpu.memref_squeeze %dma_start3A_462 : memref<1x1x128xi32, #tpu.memory_space<vmem>> -> memref<128xi32, #tpu.memory_space<vmem>>
          %dma_start3A_464 = tpu.memref_slice %arg4[%add3A_448] : memref<320000xi32, #tpu.memory_space<hbm>> -> memref<128xi32, #tpu.memory_space<hbm>>
          %dma_start3A_465 = arith.constant 0 : i32
          %dma_start3A_466 = tpu.memref_slice %arg6[%dma_start3A_459, %dma_start3A_460, %dma_start3A_465] : memref<4x2x128xi32, #tpu.memory_space<vmem>> -> memref<1x1x128xi32, #tpu.memory_space<vmem>>
          %dma_start3A_467 = tpu.memref_squeeze %dma_start3A_466 : memref<1x1x128xi32, #tpu.memory_space<vmem>> -> memref<128xi32, #tpu.memory_space<vmem>>
          %dma_start3A_468 = tpu.memref_slice %arg4[%add3A_448] : memref<320000xi32, #tpu.memory_space<hbm>> -> memref<128xi32, #tpu.memory_space<hbm>>
          tpu.enqueue_dma source(%dma_start3A_468 : memref<128xi32, #tpu.memory_space<hbm>>) target(%dma_start3A_467 : memref<128xi32, #tpu.memory_space<vmem>>) target_semaphore(%arg10 : memref<!tpu.dma_semaphore, #tpu.memory_space<semaphore_mem>>)
        } else {
        }
        %add3A_437 = arith.constant 2 : i32
        %add3A_438 = arith.addi %add3A_322, %add3A_437 : i32
        %lt3A_439 = arith.constant 78 : i32
        %lt3A_440 = arith.cmpi slt, %add3A_438, %lt3A_439 : i32
        %convert_element_type3A_441 = arith.extui %lt3A_440 : i1 to i32
        %cond3A_442 = arith.constant 0 : i32
        %cond3A_443 = arith.cmpi ne, %convert_element_type3A_441, %cond3A_442 : i32
        scf.if %cond3A_443 {
          %add3A_444 = arith.constant 2 : i32
          %add3A_445 = arith.addi %add3A_322, %add3A_444 : i32
          %mul3A_446 = arith.constant 128 : i32
          %mul3A_447 = arith.muli %add3A_445, %mul3A_446 : i32
          %add3A_448 = arith.addi %mul3A_2, %mul3A_447 : i32
          %dma_wait3A_449 = arith.constant 0 : i32
          %dma_wait3A_450 = arith.constant 0 : i32
          %dma_wait3A_451 = arith.constant 0 : i32
          %dma_wait3A_452 = tpu.memref_slice %arg6[%dma_wait3A_449, %dma_wait3A_450, %dma_wait3A_451] : memref<4x2x128xi32, #tpu.memory_space<vmem>> -> memref<1x1x128xi32, #tpu.memory_space<vmem>>
          %dma_wait3A_453 = tpu.memref_squeeze %dma_wait3A_452 : memref<1x1x128xi32, #tpu.memory_space<vmem>> -> memref<128xi32, #tpu.memory_space<vmem>>
          %dma_wait3A_454 = tpu.memref_slice %arg3[%add3A_448] : memref<320000xi32, #tpu.memory_space<hbm>> -> memref<128xi32, #tpu.memory_space<hbm>>
          %dma_wait3A_455 = arith.constant 0 : i32
          %dma_wait3A_456 = tpu.memref_slice %arg6[%dma_wait3A_449, %dma_wait3A_450, %dma_wait3A_455] : memref<4x2x128xi32, #tpu.memory_space<vmem>> -> memref<1x1x128xi32, #tpu.memory_space<vmem>>
          %dma_wait3A_457 = tpu.memref_squeeze %dma_wait3A_456 : memref<1x1x128xi32, #tpu.memory_space<vmem>> -> memref<128xi32, #tpu.memory_space<vmem>>
          %dma_wait3A_458 = tpu.memref_slice %arg3[%add3A_448] : memref<320000xi32, #tpu.memory_space<hbm>> -> memref<128xi32, #tpu.memory_space<hbm>>
          tpu.wait_dma2 semaphore(%arg9 : memref<!tpu.dma_semaphore, #tpu.memory_space<semaphore_mem>>) src(%dma_wait3A_458 : memref<128xi32, #tpu.memory_space<hbm>>) dst(%dma_wait3A_457 : memref<128xi32, #tpu.memory_space<vmem>>)
          %dma_wait3A_459 = arith.constant 0 : i32
          %dma_wait3A_460 = arith.constant 1 : i32
          %dma_wait3A_461 = arith.constant 0 : i32
          %dma_wait3A_462 = tpu.memref_slice %arg6[%dma_wait3A_459, %dma_wait3A_460, %dma_wait3A_461] : memref<4x2x128xi32, #tpu.memory_space<vmem>> -> memref<1x1x128xi32, #tpu.memory_space<vmem>>
          %dma_wait3A_463 = tpu.memref_squeeze %dma_wait3A_462 : memref<1x1x128xi32, #tpu.memory_space<vmem>> -> memref<128xi32, #tpu.memory_space<vmem>>
          %dma_wait3A_464 = tpu.memref_slice %arg4[%add3A_448] : memref<320000xi32, #tpu.memory_space<hbm>> -> memref<128xi32, #tpu.memory_space<hbm>>
          %dma_wait3A_465 = arith.constant 0 : i32
          %dma_wait3A_466 = tpu.memref_slice %arg6[%dma_wait3A_459, %dma_wait3A_460, %dma_wait3A_465] : memref<4x2x128xi32, #tpu.memory_space<vmem>> -> memref<1x1x128xi32, #tpu.memory_space<vmem>>
          %dma_wait3A_467 = tpu.memref_squeeze %dma_wait3A_466 : memref<1x1x128xi32, #tpu.memory_space<vmem>> -> memref<128xi32, #tpu.memory_space<vmem>>
          %dma_wait3A_468 = tpu.memref_slice %arg4[%add3A_448] : memref<320000xi32, #tpu.memory_space<hbm>> -> memref<128xi32, #tpu.memory_space<hbm>>
          tpu.wait_dma2 semaphore(%arg9 : memref<!tpu.dma_semaphore, #tpu.memory_space<semaphore_mem>>) src(%dma_wait3A_468 : memref<128xi32, #tpu.memory_space<hbm>>) dst(%dma_wait3A_467 : memref<128xi32, #tpu.memory_space<vmem>>)
          %dma_start3A_469 = arith.constant 0 : i32
          %dma_start3A_470 = arith.constant 0 : i32
          %dma_start3A_471 = arith.constant 1 : i32
          %dma_start3A_472 = arith.constant 0 : i32
          %dma_start3A_473 = arith.constant 0 : i32
          %dma_start3A_474 = tpu.memref_slice %arg7[%dma_start3A_471, %dma_start3A_472, %dma_start3A_473] : memref<3x128x128xf32, #tpu.memory_space<vmem>> -> memref<1x128x128xf32, #tpu.memory_space<vmem>>
          %dma_start3A_475 = tpu.memref_squeeze %dma_start3A_474 : memref<1x128x128xf32, #tpu.memory_space<vmem>> -> memref<128x128xf32, #tpu.memory_space<vmem>>
          %dma_start3A_476 = arith.constant 0 : i32
          %dma_start3A_477 = tpu.memref_slice %arg6[%dma_start3A_469, %dma_start3A_470, %dma_start3A_476] : memref<4x2x128xi32, #tpu.memory_space<vmem>> -> memref<1x1x128xi32, #tpu.memory_space<vmem>>
          %dma_start3A_478 = tpu.memref_squeeze %dma_start3A_477 : memref<1x1x128xi32, #tpu.memory_space<vmem>> -> memref<128xi32, #tpu.memory_space<vmem>>
          %dma_start3A_479 = arith.constant 0 : i32
          %dma_start3A_480 = arith.constant 0 : i32
          %dma_start3A_481 = tpu.memref_slice %arg2[%dma_start3A_479, %dma_start3A_480] : memref<10000x128xf32, #tpu.memory_space<hbm>> -> memref<10000x128xf32, #tpu.memory_space<hbm>>
          tpu.enqueue_indirect_dma source(%dma_start3A_481 : memref<10000x128xf32, #tpu.memory_space<hbm>>) target(%dma_start3A_475 : memref<128x128xf32, #tpu.memory_space<vmem>>) offsets(%dma_start3A_478 : memref<128xi32, #tpu.memory_space<vmem>>) semaphore(%arg14 : memref<!tpu.dma_semaphore, #tpu.memory_space<semaphore_mem>>)
        } else {
        }
      } else {
      }
      %add3A_328 = arith.constant 3 : i32
      %add3A_329 = arith.addi %add3A_267, %add3A_328 : i32
      %lt3A_330 = arith.constant 78 : i32
      %lt3A_331 = arith.cmpi slt, %add3A_329, %lt3A_330 : i32
      %convert_element_type3A_332 = arith.extui %lt3A_331 : i1 to i32
      %cond3A_333 = arith.constant 0 : i32
      %cond3A_334 = arith.cmpi ne, %convert_element_type3A_332, %cond3A_333 : i32
      scf.if %cond3A_334 {
        %dma_wait3A_391 = arith.constant 3 : i32
        %dma_wait3A_392 = arith.constant 0 : i32
        %dma_wait3A_393 = arith.constant 0 : i32
        %dma_wait3A_394 = arith.constant 0 : i32
        %dma_wait3A_395 = arith.constant 0 : i32
        %dma_wait3A_396 = tpu.memref_slice %arg7[%dma_wait3A_393, %dma_wait3A_394, %dma_wait3A_395] : memref<3x128x128xf32, #tpu.memory_space<vmem>> -> memref<1x128x128xf32, #tpu.memory_space<vmem>>
        %dma_wait3A_397 = tpu.memref_squeeze %dma_wait3A_396 : memref<1x128x128xf32, #tpu.memory_space<vmem>> -> memref<128x128xf32, #tpu.memory_space<vmem>>
        %dma_wait3A_398 = arith.constant 0 : i32
        %dma_wait3A_399 = tpu.memref_slice %arg6[%dma_wait3A_391, %dma_wait3A_392, %dma_wait3A_398] : memref<4x2x128xi32, #tpu.memory_space<vmem>> -> memref<1x1x128xi32, #tpu.memory_space<vmem>>
        %dma_wait3A_400 = tpu.memref_squeeze %dma_wait3A_399 : memref<1x1x128xi32, #tpu.memory_space<vmem>> -> memref<128xi32, #tpu.memory_space<vmem>>
        %dma_wait3A_401 = arith.constant 0 : i32
        %dma_wait3A_402 = arith.constant 0 : i32
        %dma_wait3A_403 = tpu.memref_slice %arg2[%dma_wait3A_401, %dma_wait3A_402] : memref<10000x128xf32, #tpu.memory_space<hbm>> -> memref<10000x128xf32, #tpu.memory_space<hbm>>
        tpu.wait_indirect_dma semaphore(%arg13 : memref<!tpu.dma_semaphore, #tpu.memory_space<semaphore_mem>>) src(%dma_wait3A_403 : memref<10000x128xf32, #tpu.memory_space<hbm>>) dst(%dma_wait3A_397 : memref<128x128xf32, #tpu.memory_space<vmem>>)
        %dma_start3A_404 = arith.constant 0 : i32
        %dma_start3A_405 = arith.constant 3 : i32
        %dma_start3A_406 = arith.constant 1 : i32
        %dma_start3A_407 = arith.constant 0 : i32
        %dma_start3A_408 = arith.constant 0 : i32
        %dma_start3A_409 = tpu.memref_slice %arg7[%dma_start3A_404, %dma_start3A_407, %dma_start3A_408] : memref<3x128x128xf32, #tpu.memory_space<vmem>> -> memref<1x128x128xf32, #tpu.memory_space<vmem>>
        %dma_start3A_410 = tpu.memref_squeeze %dma_start3A_409 : memref<1x128x128xf32, #tpu.memory_space<vmem>> -> memref<128x128xf32, #tpu.memory_space<vmem>>
        %dma_start3A_411 = arith.constant 0 : i32
        %dma_start3A_412 = tpu.memref_slice %arg6[%dma_start3A_405, %dma_start3A_406, %dma_start3A_411] : memref<4x2x128xi32, #tpu.memory_space<vmem>> -> memref<1x1x128xi32, #tpu.memory_space<vmem>>
        %dma_start3A_413 = tpu.memref_squeeze %dma_start3A_412 : memref<1x1x128xi32, #tpu.memory_space<vmem>> -> memref<128xi32, #tpu.memory_space<vmem>>
        %dma_start3A_414 = arith.constant 0 : i32
        %dma_start3A_415 = arith.constant 0 : i32
        %dma_start3A_416 = tpu.memref_slice %arg8[%dma_start3A_414, %dma_start3A_415] : memref<10000x128xf32, #tpu.memory_space<vmem_shared>> -> memref<10000x128xf32, #tpu.memory_space<vmem_shared>>
        tpu.enqueue_indirect_dma source(%dma_start3A_410 : memref<128x128xf32, #tpu.memory_space<vmem>>) target(%dma_start3A_416 : memref<10000x128xf32, #tpu.memory_space<vmem_shared>>) offsets(%dma_start3A_413 : memref<128xi32, #tpu.memory_space<vmem>>) semaphore(%arg16 : memref<!tpu.dma_semaphore, #tpu.memory_space<semaphore_mem>>) {add = true}
        %dma_wait3A_417 = arith.constant 2 : i32
        %dma_wait3A_418 = arith.constant 2 : i32
        %dma_wait3A_419 = arith.constant 1 : i32
        %dma_wait3A_420 = arith.constant 0 : i32
        %dma_wait3A_421 = arith.constant 0 : i32
        %dma_wait3A_422 = tpu.memref_slice %arg7[%dma_wait3A_417, %dma_wait3A_420, %dma_wait3A_421] : memref<3x128x128xf32, #tpu.memory_space<vmem>> -> memref<1x128x128xf32, #tpu.memory_space<vmem>>
        %dma_wait3A_423 = tpu.memref_squeeze %dma_wait3A_422 : memref<1x128x128xf32, #tpu.memory_space<vmem>> -> memref<128x128xf32, #tpu.memory_space<vmem>>
        %dma_wait3A_424 = arith.constant 0 : i32
        %dma_wait3A_425 = tpu.memref_slice %arg6[%dma_wait3A_418, %dma_wait3A_419, %dma_wait3A_424] : memref<4x2x128xi32, #tpu.memory_space<vmem>> -> memref<1x1x128xi32, #tpu.memory_space<vmem>>
        %dma_wait3A_426 = tpu.memref_squeeze %dma_wait3A_425 : memref<1x1x128xi32, #tpu.memory_space<vmem>> -> memref<128xi32, #tpu.memory_space<vmem>>
        %dma_wait3A_427 = arith.constant 0 : i32
        %dma_wait3A_428 = arith.constant 0 : i32
        %dma_wait3A_429 = tpu.memref_slice %arg8[%dma_wait3A_427, %dma_wait3A_428] : memref<10000x128xf32, #tpu.memory_space<vmem_shared>> -> memref<10000x128xf32, #tpu.memory_space<vmem_shared>>
        tpu.wait_indirect_dma semaphore(%arg18 : memref<!tpu.dma_semaphore, #tpu.memory_space<semaphore_mem>>) src(%dma_wait3A_423 : memref<128x128xf32, #tpu.memory_space<vmem>>) dst(%dma_wait3A_429 : memref<10000x128xf32, #tpu.memory_space<vmem_shared>>)
        %add3A_430 = arith.constant 3 : i32
        %add3A_431 = arith.addi %add3A_329, %add3A_430 : i32
        %lt3A_432 = arith.constant 78 : i32
        %lt3A_433 = arith.cmpi slt, %add3A_431, %lt3A_432 : i32
        %convert_element_type3A_434 = arith.extui %lt3A_433 : i1 to i32
        %cond3A_435 = arith.constant 0 : i32
        %cond3A_436 = arith.cmpi ne, %convert_element_type3A_434, %cond3A_435 : i32
        scf.if %cond3A_436 {
          %add3A_444 = arith.constant 3 : i32
          %add3A_445 = arith.addi %add3A_329, %add3A_444 : i32
          %mul3A_446 = arith.constant 128 : i32
          %mul3A_447 = arith.muli %add3A_445, %mul3A_446 : i32
          %add3A_448 = arith.addi %mul3A_2, %mul3A_447 : i32
          %dma_start3A_449 = arith.constant 2 : i32
          %dma_start3A_450 = arith.constant 0 : i32
          %dma_start3A_451 = arith.constant 0 : i32
          %dma_start3A_452 = tpu.memref_slice %arg6[%dma_start3A_449, %dma_start3A_450, %dma_start3A_451] : memref<4x2x128xi32, #tpu.memory_space<vmem>> -> memref<1x1x128xi32, #tpu.memory_space<vmem>>
          %dma_start3A_453 = tpu.memref_squeeze %dma_start3A_452 : memref<1x1x128xi32, #tpu.memory_space<vmem>> -> memref<128xi32, #tpu.memory_space<vmem>>
          %dma_start3A_454 = tpu.memref_slice %arg3[%add3A_448] : memref<320000xi32, #tpu.memory_space<hbm>> -> memref<128xi32, #tpu.memory_space<hbm>>
          %dma_start3A_455 = arith.constant 0 : i32
          %dma_start3A_456 = tpu.memref_slice %arg6[%dma_start3A_449, %dma_start3A_450, %dma_start3A_455] : memref<4x2x128xi32, #tpu.memory_space<vmem>> -> memref<1x1x128xi32, #tpu.memory_space<vmem>>
          %dma_start3A_457 = tpu.memref_squeeze %dma_start3A_456 : memref<1x1x128xi32, #tpu.memory_space<vmem>> -> memref<128xi32, #tpu.memory_space<vmem>>
          %dma_start3A_458 = tpu.memref_slice %arg3[%add3A_448] : memref<320000xi32, #tpu.memory_space<hbm>> -> memref<128xi32, #tpu.memory_space<hbm>>
          tpu.enqueue_dma source(%dma_start3A_458 : memref<128xi32, #tpu.memory_space<hbm>>) target(%dma_start3A_457 : memref<128xi32, #tpu.memory_space<vmem>>) target_semaphore(%arg11 : memref<!tpu.dma_semaphore, #tpu.memory_space<semaphore_mem>>)
          %dma_start3A_459 = arith.constant 2 : i32
          %dma_start3A_460 = arith.constant 1 : i32
          %dma_start3A_461 = arith.constant 0 : i32
          %dma_start3A_462 = tpu.memref_slice %arg6[%dma_start3A_459, %dma_start3A_460, %dma_start3A_461] : memref<4x2x128xi32, #tpu.memory_space<vmem>> -> memref<1x1x128xi32, #tpu.memory_space<vmem>>
          %dma_start3A_463 = tpu.memref_squeeze %dma_start3A_462 : memref<1x1x128xi32, #tpu.memory_space<vmem>> -> memref<128xi32, #tpu.memory_space<vmem>>
          %dma_start3A_464 = tpu.memref_slice %arg4[%add3A_448] : memref<320000xi32, #tpu.memory_space<hbm>> -> memref<128xi32, #tpu.memory_space<hbm>>
          %dma_start3A_465 = arith.constant 0 : i32
          %dma_start3A_466 = tpu.memref_slice %arg6[%dma_start3A_459, %dma_start3A_460, %dma_start3A_465] : memref<4x2x128xi32, #tpu.memory_space<vmem>> -> memref<1x1x128xi32, #tpu.memory_space<vmem>>
          %dma_start3A_467 = tpu.memref_squeeze %dma_start3A_466 : memref<1x1x128xi32, #tpu.memory_space<vmem>> -> memref<128xi32, #tpu.memory_space<vmem>>
          %dma_start3A_468 = tpu.memref_slice %arg4[%add3A_448] : memref<320000xi32, #tpu.memory_space<hbm>> -> memref<128xi32, #tpu.memory_space<hbm>>
          tpu.enqueue_dma source(%dma_start3A_468 : memref<128xi32, #tpu.memory_space<hbm>>) target(%dma_start3A_467 : memref<128xi32, #tpu.memory_space<vmem>>) target_semaphore(%arg11 : memref<!tpu.dma_semaphore, #tpu.memory_space<semaphore_mem>>)
        } else {
        }
        %add3A_437 = arith.constant 2 : i32
        %add3A_438 = arith.addi %add3A_329, %add3A_437 : i32
        %lt3A_439 = arith.constant 78 : i32
        %lt3A_440 = arith.cmpi slt, %add3A_438, %lt3A_439 : i32
        %convert_element_type3A_441 = arith.extui %lt3A_440 : i1 to i32
        %cond3A_442 = arith.constant 0 : i32
        %cond3A_443 = arith.cmpi ne, %convert_element_type3A_441, %cond3A_442 : i32
        scf.if %cond3A_443 {
          %add3A_444 = arith.constant 2 : i32
          %add3A_445 = arith.addi %add3A_329, %add3A_444 : i32
          %mul3A_446 = arith.constant 128 : i32
          %mul3A_447 = arith.muli %add3A_445, %mul3A_446 : i32
          %add3A_448 = arith.addi %mul3A_2, %mul3A_447 : i32
          %dma_wait3A_449 = arith.constant 1 : i32
          %dma_wait3A_450 = arith.constant 0 : i32
          %dma_wait3A_451 = arith.constant 0 : i32
          %dma_wait3A_452 = tpu.memref_slice %arg6[%dma_wait3A_449, %dma_wait3A_450, %dma_wait3A_451] : memref<4x2x128xi32, #tpu.memory_space<vmem>> -> memref<1x1x128xi32, #tpu.memory_space<vmem>>
          %dma_wait3A_453 = tpu.memref_squeeze %dma_wait3A_452 : memref<1x1x128xi32, #tpu.memory_space<vmem>> -> memref<128xi32, #tpu.memory_space<vmem>>
          %dma_wait3A_454 = tpu.memref_slice %arg3[%add3A_448] : memref<320000xi32, #tpu.memory_space<hbm>> -> memref<128xi32, #tpu.memory_space<hbm>>
          %dma_wait3A_455 = arith.constant 0 : i32
          %dma_wait3A_456 = tpu.memref_slice %arg6[%dma_wait3A_449, %dma_wait3A_450, %dma_wait3A_455] : memref<4x2x128xi32, #tpu.memory_space<vmem>> -> memref<1x1x128xi32, #tpu.memory_space<vmem>>
          %dma_wait3A_457 = tpu.memref_squeeze %dma_wait3A_456 : memref<1x1x128xi32, #tpu.memory_space<vmem>> -> memref<128xi32, #tpu.memory_space<vmem>>
          %dma_wait3A_458 = tpu.memref_slice %arg3[%add3A_448] : memref<320000xi32, #tpu.memory_space<hbm>> -> memref<128xi32, #tpu.memory_space<hbm>>
          tpu.wait_dma2 semaphore(%arg10 : memref<!tpu.dma_semaphore, #tpu.memory_space<semaphore_mem>>) src(%dma_wait3A_458 : memref<128xi32, #tpu.memory_space<hbm>>) dst(%dma_wait3A_457 : memref<128xi32, #tpu.memory_space<vmem>>)
          %dma_wait3A_459 = arith.constant 1 : i32
          %dma_wait3A_460 = arith.constant 1 : i32
          %dma_wait3A_461 = arith.constant 0 : i32
          %dma_wait3A_462 = tpu.memref_slice %arg6[%dma_wait3A_459, %dma_wait3A_460, %dma_wait3A_461] : memref<4x2x128xi32, #tpu.memory_space<vmem>> -> memref<1x1x128xi32, #tpu.memory_space<vmem>>
          %dma_wait3A_463 = tpu.memref_squeeze %dma_wait3A_462 : memref<1x1x128xi32, #tpu.memory_space<vmem>> -> memref<128xi32, #tpu.memory_space<vmem>>
          %dma_wait3A_464 = tpu.memref_slice %arg4[%add3A_448] : memref<320000xi32, #tpu.memory_space<hbm>> -> memref<128xi32, #tpu.memory_space<hbm>>
          %dma_wait3A_465 = arith.constant 0 : i32
          %dma_wait3A_466 = tpu.memref_slice %arg6[%dma_wait3A_459, %dma_wait3A_460, %dma_wait3A_465] : memref<4x2x128xi32, #tpu.memory_space<vmem>> -> memref<1x1x128xi32, #tpu.memory_space<vmem>>
          %dma_wait3A_467 = tpu.memref_squeeze %dma_wait3A_466 : memref<1x1x128xi32, #tpu.memory_space<vmem>> -> memref<128xi32, #tpu.memory_space<vmem>>
          %dma_wait3A_468 = tpu.memref_slice %arg4[%add3A_448] : memref<320000xi32, #tpu.memory_space<hbm>> -> memref<128xi32, #tpu.memory_space<hbm>>
          tpu.wait_dma2 semaphore(%arg10 : memref<!tpu.dma_semaphore, #tpu.memory_space<semaphore_mem>>) src(%dma_wait3A_468 : memref<128xi32, #tpu.memory_space<hbm>>) dst(%dma_wait3A_467 : memref<128xi32, #tpu.memory_space<vmem>>)
          %dma_start3A_469 = arith.constant 1 : i32
          %dma_start3A_470 = arith.constant 0 : i32
          %dma_start3A_471 = arith.constant 2 : i32
          %dma_start3A_472 = arith.constant 0 : i32
          %dma_start3A_473 = arith.constant 0 : i32
          %dma_start3A_474 = tpu.memref_slice %arg7[%dma_start3A_471, %dma_start3A_472, %dma_start3A_473] : memref<3x128x128xf32, #tpu.memory_space<vmem>> -> memref<1x128x128xf32, #tpu.memory_space<vmem>>
          %dma_start3A_475 = tpu.memref_squeeze %dma_start3A_474 : memref<1x128x128xf32, #tpu.memory_space<vmem>> -> memref<128x128xf32, #tpu.memory_space<vmem>>
          %dma_start3A_476 = arith.constant 0 : i32
          %dma_start3A_477 = tpu.memref_slice %arg6[%dma_start3A_469, %dma_start3A_470, %dma_start3A_476] : memref<4x2x128xi32, #tpu.memory_space<vmem>> -> memref<1x1x128xi32, #tpu.memory_space<vmem>>
          %dma_start3A_478 = tpu.memref_squeeze %dma_start3A_477 : memref<1x1x128xi32, #tpu.memory_space<vmem>> -> memref<128xi32, #tpu.memory_space<vmem>>
          %dma_start3A_479 = arith.constant 0 : i32
          %dma_start3A_480 = arith.constant 0 : i32
          %dma_start3A_481 = tpu.memref_slice %arg2[%dma_start3A_479, %dma_start3A_480] : memref<10000x128xf32, #tpu.memory_space<hbm>> -> memref<10000x128xf32, #tpu.memory_space<hbm>>
          tpu.enqueue_indirect_dma source(%dma_start3A_481 : memref<10000x128xf32, #tpu.memory_space<hbm>>) target(%dma_start3A_475 : memref<128x128xf32, #tpu.memory_space<vmem>>) offsets(%dma_start3A_478 : memref<128xi32, #tpu.memory_space<vmem>>) semaphore(%arg15 : memref<!tpu.dma_semaphore, #tpu.memory_space<semaphore_mem>>)
        } else {
        }
      } else {
      }
      %add3A_335 = arith.constant 4 : i32
      %add3A_336 = arith.addi %add3A_267, %add3A_335 : i32
      %lt3A_337 = arith.constant 78 : i32
      %lt3A_338 = arith.cmpi slt, %add3A_336, %lt3A_337 : i32
      %convert_element_type3A_339 = arith.extui %lt3A_338 : i1 to i32
      %cond3A_340 = arith.constant 0 : i32
      %cond3A_341 = arith.cmpi ne, %convert_element_type3A_339, %cond3A_340 : i32
      scf.if %cond3A_341 {
        %dma_wait3A_391 = arith.constant 0 : i32
        %dma_wait3A_392 = arith.constant 0 : i32
        %dma_wait3A_393 = arith.constant 1 : i32
        %dma_wait3A_394 = arith.constant 0 : i32
        %dma_wait3A_395 = arith.constant 0 : i32
        %dma_wait3A_396 = tpu.memref_slice %arg7[%dma_wait3A_393, %dma_wait3A_394, %dma_wait3A_395] : memref<3x128x128xf32, #tpu.memory_space<vmem>> -> memref<1x128x128xf32, #tpu.memory_space<vmem>>
        %dma_wait3A_397 = tpu.memref_squeeze %dma_wait3A_396 : memref<1x128x128xf32, #tpu.memory_space<vmem>> -> memref<128x128xf32, #tpu.memory_space<vmem>>
        %dma_wait3A_398 = arith.constant 0 : i32
        %dma_wait3A_399 = tpu.memref_slice %arg6[%dma_wait3A_391, %dma_wait3A_392, %dma_wait3A_398] : memref<4x2x128xi32, #tpu.memory_space<vmem>> -> memref<1x1x128xi32, #tpu.memory_space<vmem>>
        %dma_wait3A_400 = tpu.memref_squeeze %dma_wait3A_399 : memref<1x1x128xi32, #tpu.memory_space<vmem>> -> memref<128xi32, #tpu.memory_space<vmem>>
        %dma_wait3A_401 = arith.constant 0 : i32
        %dma_wait3A_402 = arith.constant 0 : i32
        %dma_wait3A_403 = tpu.memref_slice %arg2[%dma_wait3A_401, %dma_wait3A_402] : memref<10000x128xf32, #tpu.memory_space<hbm>> -> memref<10000x128xf32, #tpu.memory_space<hbm>>
        tpu.wait_indirect_dma semaphore(%arg14 : memref<!tpu.dma_semaphore, #tpu.memory_space<semaphore_mem>>) src(%dma_wait3A_403 : memref<10000x128xf32, #tpu.memory_space<hbm>>) dst(%dma_wait3A_397 : memref<128x128xf32, #tpu.memory_space<vmem>>)
        %dma_start3A_404 = arith.constant 1 : i32
        %dma_start3A_405 = arith.constant 0 : i32
        %dma_start3A_406 = arith.constant 1 : i32
        %dma_start3A_407 = arith.constant 0 : i32
        %dma_start3A_408 = arith.constant 0 : i32
        %dma_start3A_409 = tpu.memref_slice %arg7[%dma_start3A_404, %dma_start3A_407, %dma_start3A_408] : memref<3x128x128xf32, #tpu.memory_space<vmem>> -> memref<1x128x128xf32, #tpu.memory_space<vmem>>
        %dma_start3A_410 = tpu.memref_squeeze %dma_start3A_409 : memref<1x128x128xf32, #tpu.memory_space<vmem>> -> memref<128x128xf32, #tpu.memory_space<vmem>>
        %dma_start3A_411 = arith.constant 0 : i32
        %dma_start3A_412 = tpu.memref_slice %arg6[%dma_start3A_405, %dma_start3A_406, %dma_start3A_411] : memref<4x2x128xi32, #tpu.memory_space<vmem>> -> memref<1x1x128xi32, #tpu.memory_space<vmem>>
        %dma_start3A_413 = tpu.memref_squeeze %dma_start3A_412 : memref<1x1x128xi32, #tpu.memory_space<vmem>> -> memref<128xi32, #tpu.memory_space<vmem>>
        %dma_start3A_414 = arith.constant 0 : i32
        %dma_start3A_415 = arith.constant 0 : i32
        %dma_start3A_416 = tpu.memref_slice %arg8[%dma_start3A_414, %dma_start3A_415] : memref<10000x128xf32, #tpu.memory_space<vmem_shared>> -> memref<10000x128xf32, #tpu.memory_space<vmem_shared>>
        tpu.enqueue_indirect_dma source(%dma_start3A_410 : memref<128x128xf32, #tpu.memory_space<vmem>>) target(%dma_start3A_416 : memref<10000x128xf32, #tpu.memory_space<vmem_shared>>) offsets(%dma_start3A_413 : memref<128xi32, #tpu.memory_space<vmem>>) semaphore(%arg17 : memref<!tpu.dma_semaphore, #tpu.memory_space<semaphore_mem>>) {add = true}
        %dma_wait3A_417 = arith.constant 0 : i32
        %dma_wait3A_418 = arith.constant 3 : i32
        %dma_wait3A_419 = arith.constant 1 : i32
        %dma_wait3A_420 = arith.constant 0 : i32
        %dma_wait3A_421 = arith.constant 0 : i32
        %dma_wait3A_422 = tpu.memref_slice %arg7[%dma_wait3A_417, %dma_wait3A_420, %dma_wait3A_421] : memref<3x128x128xf32, #tpu.memory_space<vmem>> -> memref<1x128x128xf32, #tpu.memory_space<vmem>>
        %dma_wait3A_423 = tpu.memref_squeeze %dma_wait3A_422 : memref<1x128x128xf32, #tpu.memory_space<vmem>> -> memref<128x128xf32, #tpu.memory_space<vmem>>
        %dma_wait3A_424 = arith.constant 0 : i32
        %dma_wait3A_425 = tpu.memref_slice %arg6[%dma_wait3A_418, %dma_wait3A_419, %dma_wait3A_424] : memref<4x2x128xi32, #tpu.memory_space<vmem>> -> memref<1x1x128xi32, #tpu.memory_space<vmem>>
        %dma_wait3A_426 = tpu.memref_squeeze %dma_wait3A_425 : memref<1x1x128xi32, #tpu.memory_space<vmem>> -> memref<128xi32, #tpu.memory_space<vmem>>
        %dma_wait3A_427 = arith.constant 0 : i32
        %dma_wait3A_428 = arith.constant 0 : i32
        %dma_wait3A_429 = tpu.memref_slice %arg8[%dma_wait3A_427, %dma_wait3A_428] : memref<10000x128xf32, #tpu.memory_space<vmem_shared>> -> memref<10000x128xf32, #tpu.memory_space<vmem_shared>>
        tpu.wait_indirect_dma semaphore(%arg16 : memref<!tpu.dma_semaphore, #tpu.memory_space<semaphore_mem>>) src(%dma_wait3A_423 : memref<128x128xf32, #tpu.memory_space<vmem>>) dst(%dma_wait3A_429 : memref<10000x128xf32, #tpu.memory_space<vmem_shared>>)
        %add3A_430 = arith.constant 3 : i32
        %add3A_431 = arith.addi %add3A_336, %add3A_430 : i32
        %lt3A_432 = arith.constant 78 : i32
        %lt3A_433 = arith.cmpi slt, %add3A_431, %lt3A_432 : i32
        %convert_element_type3A_434 = arith.extui %lt3A_433 : i1 to i32
        %cond3A_435 = arith.constant 0 : i32
        %cond3A_436 = arith.cmpi ne, %convert_element_type3A_434, %cond3A_435 : i32
        scf.if %cond3A_436 {
          %add3A_444 = arith.constant 3 : i32
          %add3A_445 = arith.addi %add3A_336, %add3A_444 : i32
          %mul3A_446 = arith.constant 128 : i32
          %mul3A_447 = arith.muli %add3A_445, %mul3A_446 : i32
          %add3A_448 = arith.addi %mul3A_2, %mul3A_447 : i32
          %dma_start3A_449 = arith.constant 3 : i32
          %dma_start3A_450 = arith.constant 0 : i32
          %dma_start3A_451 = arith.constant 0 : i32
          %dma_start3A_452 = tpu.memref_slice %arg6[%dma_start3A_449, %dma_start3A_450, %dma_start3A_451] : memref<4x2x128xi32, #tpu.memory_space<vmem>> -> memref<1x1x128xi32, #tpu.memory_space<vmem>>
          %dma_start3A_453 = tpu.memref_squeeze %dma_start3A_452 : memref<1x1x128xi32, #tpu.memory_space<vmem>> -> memref<128xi32, #tpu.memory_space<vmem>>
          %dma_start3A_454 = tpu.memref_slice %arg3[%add3A_448] : memref<320000xi32, #tpu.memory_space<hbm>> -> memref<128xi32, #tpu.memory_space<hbm>>
          %dma_start3A_455 = arith.constant 0 : i32
          %dma_start3A_456 = tpu.memref_slice %arg6[%dma_start3A_449, %dma_start3A_450, %dma_start3A_455] : memref<4x2x128xi32, #tpu.memory_space<vmem>> -> memref<1x1x128xi32, #tpu.memory_space<vmem>>
          %dma_start3A_457 = tpu.memref_squeeze %dma_start3A_456 : memref<1x1x128xi32, #tpu.memory_space<vmem>> -> memref<128xi32, #tpu.memory_space<vmem>>
          %dma_start3A_458 = tpu.memref_slice %arg3[%add3A_448] : memref<320000xi32, #tpu.memory_space<hbm>> -> memref<128xi32, #tpu.memory_space<hbm>>
          tpu.enqueue_dma source(%dma_start3A_458 : memref<128xi32, #tpu.memory_space<hbm>>) target(%dma_start3A_457 : memref<128xi32, #tpu.memory_space<vmem>>) target_semaphore(%arg12 : memref<!tpu.dma_semaphore, #tpu.memory_space<semaphore_mem>>)
          %dma_start3A_459 = arith.constant 3 : i32
          %dma_start3A_460 = arith.constant 1 : i32
          %dma_start3A_461 = arith.constant 0 : i32
          %dma_start3A_462 = tpu.memref_slice %arg6[%dma_start3A_459, %dma_start3A_460, %dma_start3A_461] : memref<4x2x128xi32, #tpu.memory_space<vmem>> -> memref<1x1x128xi32, #tpu.memory_space<vmem>>
          %dma_start3A_463 = tpu.memref_squeeze %dma_start3A_462 : memref<1x1x128xi32, #tpu.memory_space<vmem>> -> memref<128xi32, #tpu.memory_space<vmem>>
          %dma_start3A_464 = tpu.memref_slice %arg4[%add3A_448] : memref<320000xi32, #tpu.memory_space<hbm>> -> memref<128xi32, #tpu.memory_space<hbm>>
          %dma_start3A_465 = arith.constant 0 : i32
          %dma_start3A_466 = tpu.memref_slice %arg6[%dma_start3A_459, %dma_start3A_460, %dma_start3A_465] : memref<4x2x128xi32, #tpu.memory_space<vmem>> -> memref<1x1x128xi32, #tpu.memory_space<vmem>>
          %dma_start3A_467 = tpu.memref_squeeze %dma_start3A_466 : memref<1x1x128xi32, #tpu.memory_space<vmem>> -> memref<128xi32, #tpu.memory_space<vmem>>
          %dma_start3A_468 = tpu.memref_slice %arg4[%add3A_448] : memref<320000xi32, #tpu.memory_space<hbm>> -> memref<128xi32, #tpu.memory_space<hbm>>
          tpu.enqueue_dma source(%dma_start3A_468 : memref<128xi32, #tpu.memory_space<hbm>>) target(%dma_start3A_467 : memref<128xi32, #tpu.memory_space<vmem>>) target_semaphore(%arg12 : memref<!tpu.dma_semaphore, #tpu.memory_space<semaphore_mem>>)
        } else {
        }
        %add3A_437 = arith.constant 2 : i32
        %add3A_438 = arith.addi %add3A_336, %add3A_437 : i32
        %lt3A_439 = arith.constant 78 : i32
        %lt3A_440 = arith.cmpi slt, %add3A_438, %lt3A_439 : i32
        %convert_element_type3A_441 = arith.extui %lt3A_440 : i1 to i32
        %cond3A_442 = arith.constant 0 : i32
        %cond3A_443 = arith.cmpi ne, %convert_element_type3A_441, %cond3A_442 : i32
        scf.if %cond3A_443 {
          %add3A_444 = arith.constant 2 : i32
          %add3A_445 = arith.addi %add3A_336, %add3A_444 : i32
          %mul3A_446 = arith.constant 128 : i32
          %mul3A_447 = arith.muli %add3A_445, %mul3A_446 : i32
          %add3A_448 = arith.addi %mul3A_2, %mul3A_447 : i32
          %dma_wait3A_449 = arith.constant 2 : i32
          %dma_wait3A_450 = arith.constant 0 : i32
          %dma_wait3A_451 = arith.constant 0 : i32
          %dma_wait3A_452 = tpu.memref_slice %arg6[%dma_wait3A_449, %dma_wait3A_450, %dma_wait3A_451] : memref<4x2x128xi32, #tpu.memory_space<vmem>> -> memref<1x1x128xi32, #tpu.memory_space<vmem>>
          %dma_wait3A_453 = tpu.memref_squeeze %dma_wait3A_452 : memref<1x1x128xi32, #tpu.memory_space<vmem>> -> memref<128xi32, #tpu.memory_space<vmem>>
          %dma_wait3A_454 = tpu.memref_slice %arg3[%add3A_448] : memref<320000xi32, #tpu.memory_space<hbm>> -> memref<128xi32, #tpu.memory_space<hbm>>
          %dma_wait3A_455 = arith.constant 0 : i32
          %dma_wait3A_456 = tpu.memref_slice %arg6[%dma_wait3A_449, %dma_wait3A_450, %dma_wait3A_455] : memref<4x2x128xi32, #tpu.memory_space<vmem>> -> memref<1x1x128xi32, #tpu.memory_space<vmem>>
          %dma_wait3A_457 = tpu.memref_squeeze %dma_wait3A_456 : memref<1x1x128xi32, #tpu.memory_space<vmem>> -> memref<128xi32, #tpu.memory_space<vmem>>
          %dma_wait3A_458 = tpu.memref_slice %arg3[%add3A_448] : memref<320000xi32, #tpu.memory_space<hbm>> -> memref<128xi32, #tpu.memory_space<hbm>>
          tpu.wait_dma2 semaphore(%arg11 : memref<!tpu.dma_semaphore, #tpu.memory_space<semaphore_mem>>) src(%dma_wait3A_458 : memref<128xi32, #tpu.memory_space<hbm>>) dst(%dma_wait3A_457 : memref<128xi32, #tpu.memory_space<vmem>>)
          %dma_wait3A_459 = arith.constant 2 : i32
          %dma_wait3A_460 = arith.constant 1 : i32
          %dma_wait3A_461 = arith.constant 0 : i32
          %dma_wait3A_462 = tpu.memref_slice %arg6[%dma_wait3A_459, %dma_wait3A_460, %dma_wait3A_461] : memref<4x2x128xi32, #tpu.memory_space<vmem>> -> memref<1x1x128xi32, #tpu.memory_space<vmem>>
          %dma_wait3A_463 = tpu.memref_squeeze %dma_wait3A_462 : memref<1x1x128xi32, #tpu.memory_space<vmem>> -> memref<128xi32, #tpu.memory_space<vmem>>
          %dma_wait3A_464 = tpu.memref_slice %arg4[%add3A_448] : memref<320000xi32, #tpu.memory_space<hbm>> -> memref<128xi32, #tpu.memory_space<hbm>>
          %dma_wait3A_465 = arith.constant 0 : i32
          %dma_wait3A_466 = tpu.memref_slice %arg6[%dma_wait3A_459, %dma_wait3A_460, %dma_wait3A_465] : memref<4x2x128xi32, #tpu.memory_space<vmem>> -> memref<1x1x128xi32, #tpu.memory_space<vmem>>
          %dma_wait3A_467 = tpu.memref_squeeze %dma_wait3A_466 : memref<1x1x128xi32, #tpu.memory_space<vmem>> -> memref<128xi32, #tpu.memory_space<vmem>>
          %dma_wait3A_468 = tpu.memref_slice %arg4[%add3A_448] : memref<320000xi32, #tpu.memory_space<hbm>> -> memref<128xi32, #tpu.memory_space<hbm>>
          tpu.wait_dma2 semaphore(%arg11 : memref<!tpu.dma_semaphore, #tpu.memory_space<semaphore_mem>>) src(%dma_wait3A_468 : memref<128xi32, #tpu.memory_space<hbm>>) dst(%dma_wait3A_467 : memref<128xi32, #tpu.memory_space<vmem>>)
          %dma_start3A_469 = arith.constant 2 : i32
          %dma_start3A_470 = arith.constant 0 : i32
          %dma_start3A_471 = arith.constant 0 : i32
          %dma_start3A_472 = arith.constant 0 : i32
          %dma_start3A_473 = arith.constant 0 : i32
          %dma_start3A_474 = tpu.memref_slice %arg7[%dma_start3A_471, %dma_start3A_472, %dma_start3A_473] : memref<3x128x128xf32, #tpu.memory_space<vmem>> -> memref<1x128x128xf32, #tpu.memory_space<vmem>>
          %dma_start3A_475 = tpu.memref_squeeze %dma_start3A_474 : memref<1x128x128xf32, #tpu.memory_space<vmem>> -> memref<128x128xf32, #tpu.memory_space<vmem>>
          %dma_start3A_476 = arith.constant 0 : i32
          %dma_start3A_477 = tpu.memref_slice %arg6[%dma_start3A_469, %dma_start3A_470, %dma_start3A_476] : memref<4x2x128xi32, #tpu.memory_space<vmem>> -> memref<1x1x128xi32, #tpu.memory_space<vmem>>
          %dma_start3A_478 = tpu.memref_squeeze %dma_start3A_477 : memref<1x1x128xi32, #tpu.memory_space<vmem>> -> memref<128xi32, #tpu.memory_space<vmem>>
          %dma_start3A_479 = arith.constant 0 : i32
          %dma_start3A_480 = arith.constant 0 : i32
          %dma_start3A_481 = tpu.memref_slice %arg2[%dma_start3A_479, %dma_start3A_480] : memref<10000x128xf32, #tpu.memory_space<hbm>> -> memref<10000x128xf32, #tpu.memory_space<hbm>>
          tpu.enqueue_indirect_dma source(%dma_start3A_481 : memref<10000x128xf32, #tpu.memory_space<hbm>>) target(%dma_start3A_475 : memref<128x128xf32, #tpu.memory_space<vmem>>) offsets(%dma_start3A_478 : memref<128xi32, #tpu.memory_space<vmem>>) semaphore(%arg13 : memref<!tpu.dma_semaphore, #tpu.memory_space<semaphore_mem>>)
        } else {
        }
      } else {
      }
      %add3A_342 = arith.constant 5 : i32
      %add3A_343 = arith.addi %add3A_267, %add3A_342 : i32
      %lt3A_344 = arith.constant 78 : i32
      %lt3A_345 = arith.cmpi slt, %add3A_343, %lt3A_344 : i32
      %convert_element_type3A_346 = arith.extui %lt3A_345 : i1 to i32
      %cond3A_347 = arith.constant 0 : i32
      %cond3A_348 = arith.cmpi ne, %convert_element_type3A_346, %cond3A_347 : i32
      scf.if %cond3A_348 {
        %dma_wait3A_391 = arith.constant 1 : i32
        %dma_wait3A_392 = arith.constant 0 : i32
        %dma_wait3A_393 = arith.constant 2 : i32
        %dma_wait3A_394 = arith.constant 0 : i32
        %dma_wait3A_395 = arith.constant 0 : i32
        %dma_wait3A_396 = tpu.memref_slice %arg7[%dma_wait3A_393, %dma_wait3A_394, %dma_wait3A_395] : memref<3x128x128xf32, #tpu.memory_space<vmem>> -> memref<1x128x128xf32, #tpu.memory_space<vmem>>
        %dma_wait3A_397 = tpu.memref_squeeze %dma_wait3A_396 : memref<1x128x128xf32, #tpu.memory_space<vmem>> -> memref<128x128xf32, #tpu.memory_space<vmem>>
        %dma_wait3A_398 = arith.constant 0 : i32
        %dma_wait3A_399 = tpu.memref_slice %arg6[%dma_wait3A_391, %dma_wait3A_392, %dma_wait3A_398] : memref<4x2x128xi32, #tpu.memory_space<vmem>> -> memref<1x1x128xi32, #tpu.memory_space<vmem>>
        %dma_wait3A_400 = tpu.memref_squeeze %dma_wait3A_399 : memref<1x1x128xi32, #tpu.memory_space<vmem>> -> memref<128xi32, #tpu.memory_space<vmem>>
        %dma_wait3A_401 = arith.constant 0 : i32
        %dma_wait3A_402 = arith.constant 0 : i32
        %dma_wait3A_403 = tpu.memref_slice %arg2[%dma_wait3A_401, %dma_wait3A_402] : memref<10000x128xf32, #tpu.memory_space<hbm>> -> memref<10000x128xf32, #tpu.memory_space<hbm>>
        tpu.wait_indirect_dma semaphore(%arg15 : memref<!tpu.dma_semaphore, #tpu.memory_space<semaphore_mem>>) src(%dma_wait3A_403 : memref<10000x128xf32, #tpu.memory_space<hbm>>) dst(%dma_wait3A_397 : memref<128x128xf32, #tpu.memory_space<vmem>>)
        %dma_start3A_404 = arith.constant 2 : i32
        %dma_start3A_405 = arith.constant 1 : i32
        %dma_start3A_406 = arith.constant 1 : i32
        %dma_start3A_407 = arith.constant 0 : i32
        %dma_start3A_408 = arith.constant 0 : i32
        %dma_start3A_409 = tpu.memref_slice %arg7[%dma_start3A_404, %dma_start3A_407, %dma_start3A_408] : memref<3x128x128xf32, #tpu.memory_space<vmem>> -> memref<1x128x128xf32, #tpu.memory_space<vmem>>
        %dma_start3A_410 = tpu.memref_squeeze %dma_start3A_409 : memref<1x128x128xf32, #tpu.memory_space<vmem>> -> memref<128x128xf32, #tpu.memory_space<vmem>>
        %dma_start3A_411 = arith.constant 0 : i32
        %dma_start3A_412 = tpu.memref_slice %arg6[%dma_start3A_405, %dma_start3A_406, %dma_start3A_411] : memref<4x2x128xi32, #tpu.memory_space<vmem>> -> memref<1x1x128xi32, #tpu.memory_space<vmem>>
        %dma_start3A_413 = tpu.memref_squeeze %dma_start3A_412 : memref<1x1x128xi32, #tpu.memory_space<vmem>> -> memref<128xi32, #tpu.memory_space<vmem>>
        %dma_start3A_414 = arith.constant 0 : i32
        %dma_start3A_415 = arith.constant 0 : i32
        %dma_start3A_416 = tpu.memref_slice %arg8[%dma_start3A_414, %dma_start3A_415] : memref<10000x128xf32, #tpu.memory_space<vmem_shared>> -> memref<10000x128xf32, #tpu.memory_space<vmem_shared>>
        tpu.enqueue_indirect_dma source(%dma_start3A_410 : memref<128x128xf32, #tpu.memory_space<vmem>>) target(%dma_start3A_416 : memref<10000x128xf32, #tpu.memory_space<vmem_shared>>) offsets(%dma_start3A_413 : memref<128xi32, #tpu.memory_space<vmem>>) semaphore(%arg18 : memref<!tpu.dma_semaphore, #tpu.memory_space<semaphore_mem>>) {add = true}
        %dma_wait3A_417 = arith.constant 1 : i32
        %dma_wait3A_418 = arith.constant 0 : i32
        %dma_wait3A_419 = arith.constant 1 : i32
        %dma_wait3A_420 = arith.constant 0 : i32
        %dma_wait3A_421 = arith.constant 0 : i32
        %dma_wait3A_422 = tpu.memref_slice %arg7[%dma_wait3A_417, %dma_wait3A_420, %dma_wait3A_421] : memref<3x128x128xf32, #tpu.memory_space<vmem>> -> memref<1x128x128xf32, #tpu.memory_space<vmem>>
        %dma_wait3A_423 = tpu.memref_squeeze %dma_wait3A_422 : memref<1x128x128xf32, #tpu.memory_space<vmem>> -> memref<128x128xf32, #tpu.memory_space<vmem>>
        %dma_wait3A_424 = arith.constant 0 : i32
        %dma_wait3A_425 = tpu.memref_slice %arg6[%dma_wait3A_418, %dma_wait3A_419, %dma_wait3A_424] : memref<4x2x128xi32, #tpu.memory_space<vmem>> -> memref<1x1x128xi32, #tpu.memory_space<vmem>>
        %dma_wait3A_426 = tpu.memref_squeeze %dma_wait3A_425 : memref<1x1x128xi32, #tpu.memory_space<vmem>> -> memref<128xi32, #tpu.memory_space<vmem>>
        %dma_wait3A_427 = arith.constant 0 : i32
        %dma_wait3A_428 = arith.constant 0 : i32
        %dma_wait3A_429 = tpu.memref_slice %arg8[%dma_wait3A_427, %dma_wait3A_428] : memref<10000x128xf32, #tpu.memory_space<vmem_shared>> -> memref<10000x128xf32, #tpu.memory_space<vmem_shared>>
        tpu.wait_indirect_dma semaphore(%arg17 : memref<!tpu.dma_semaphore, #tpu.memory_space<semaphore_mem>>) src(%dma_wait3A_423 : memref<128x128xf32, #tpu.memory_space<vmem>>) dst(%dma_wait3A_429 : memref<10000x128xf32, #tpu.memory_space<vmem_shared>>)
        %add3A_430 = arith.constant 3 : i32
        %add3A_431 = arith.addi %add3A_343, %add3A_430 : i32
        %lt3A_432 = arith.constant 78 : i32
        %lt3A_433 = arith.cmpi slt, %add3A_431, %lt3A_432 : i32
        %convert_element_type3A_434 = arith.extui %lt3A_433 : i1 to i32
        %cond3A_435 = arith.constant 0 : i32
        %cond3A_436 = arith.cmpi ne, %convert_element_type3A_434, %cond3A_435 : i32
        scf.if %cond3A_436 {
          %add3A_444 = arith.constant 3 : i32
          %add3A_445 = arith.addi %add3A_343, %add3A_444 : i32
          %mul3A_446 = arith.constant 128 : i32
          %mul3A_447 = arith.muli %add3A_445, %mul3A_446 : i32
          %add3A_448 = arith.addi %mul3A_2, %mul3A_447 : i32
          %dma_start3A_449 = arith.constant 0 : i32
          %dma_start3A_450 = arith.constant 0 : i32
          %dma_start3A_451 = arith.constant 0 : i32
          %dma_start3A_452 = tpu.memref_slice %arg6[%dma_start3A_449, %dma_start3A_450, %dma_start3A_451] : memref<4x2x128xi32, #tpu.memory_space<vmem>> -> memref<1x1x128xi32, #tpu.memory_space<vmem>>
          %dma_start3A_453 = tpu.memref_squeeze %dma_start3A_452 : memref<1x1x128xi32, #tpu.memory_space<vmem>> -> memref<128xi32, #tpu.memory_space<vmem>>
          %dma_start3A_454 = tpu.memref_slice %arg3[%add3A_448] : memref<320000xi32, #tpu.memory_space<hbm>> -> memref<128xi32, #tpu.memory_space<hbm>>
          %dma_start3A_455 = arith.constant 0 : i32
          %dma_start3A_456 = tpu.memref_slice %arg6[%dma_start3A_449, %dma_start3A_450, %dma_start3A_455] : memref<4x2x128xi32, #tpu.memory_space<vmem>> -> memref<1x1x128xi32, #tpu.memory_space<vmem>>
          %dma_start3A_457 = tpu.memref_squeeze %dma_start3A_456 : memref<1x1x128xi32, #tpu.memory_space<vmem>> -> memref<128xi32, #tpu.memory_space<vmem>>
          %dma_start3A_458 = tpu.memref_slice %arg3[%add3A_448] : memref<320000xi32, #tpu.memory_space<hbm>> -> memref<128xi32, #tpu.memory_space<hbm>>
          tpu.enqueue_dma source(%dma_start3A_458 : memref<128xi32, #tpu.memory_space<hbm>>) target(%dma_start3A_457 : memref<128xi32, #tpu.memory_space<vmem>>) target_semaphore(%arg9 : memref<!tpu.dma_semaphore, #tpu.memory_space<semaphore_mem>>)
          %dma_start3A_459 = arith.constant 0 : i32
          %dma_start3A_460 = arith.constant 1 : i32
          %dma_start3A_461 = arith.constant 0 : i32
          %dma_start3A_462 = tpu.memref_slice %arg6[%dma_start3A_459, %dma_start3A_460, %dma_start3A_461] : memref<4x2x128xi32, #tpu.memory_space<vmem>> -> memref<1x1x128xi32, #tpu.memory_space<vmem>>
          %dma_start3A_463 = tpu.memref_squeeze %dma_start3A_462 : memref<1x1x128xi32, #tpu.memory_space<vmem>> -> memref<128xi32, #tpu.memory_space<vmem>>
          %dma_start3A_464 = tpu.memref_slice %arg4[%add3A_448] : memref<320000xi32, #tpu.memory_space<hbm>> -> memref<128xi32, #tpu.memory_space<hbm>>
          %dma_start3A_465 = arith.constant 0 : i32
          %dma_start3A_466 = tpu.memref_slice %arg6[%dma_start3A_459, %dma_start3A_460, %dma_start3A_465] : memref<4x2x128xi32, #tpu.memory_space<vmem>> -> memref<1x1x128xi32, #tpu.memory_space<vmem>>
          %dma_start3A_467 = tpu.memref_squeeze %dma_start3A_466 : memref<1x1x128xi32, #tpu.memory_space<vmem>> -> memref<128xi32, #tpu.memory_space<vmem>>
          %dma_start3A_468 = tpu.memref_slice %arg4[%add3A_448] : memref<320000xi32, #tpu.memory_space<hbm>> -> memref<128xi32, #tpu.memory_space<hbm>>
          tpu.enqueue_dma source(%dma_start3A_468 : memref<128xi32, #tpu.memory_space<hbm>>) target(%dma_start3A_467 : memref<128xi32, #tpu.memory_space<vmem>>) target_semaphore(%arg9 : memref<!tpu.dma_semaphore, #tpu.memory_space<semaphore_mem>>)
        } else {
        }
        %add3A_437 = arith.constant 2 : i32
        %add3A_438 = arith.addi %add3A_343, %add3A_437 : i32
        %lt3A_439 = arith.constant 78 : i32
        %lt3A_440 = arith.cmpi slt, %add3A_438, %lt3A_439 : i32
        %convert_element_type3A_441 = arith.extui %lt3A_440 : i1 to i32
        %cond3A_442 = arith.constant 0 : i32
        %cond3A_443 = arith.cmpi ne, %convert_element_type3A_441, %cond3A_442 : i32
        scf.if %cond3A_443 {
          %add3A_444 = arith.constant 2 : i32
          %add3A_445 = arith.addi %add3A_343, %add3A_444 : i32
          %mul3A_446 = arith.constant 128 : i32
          %mul3A_447 = arith.muli %add3A_445, %mul3A_446 : i32
          %add3A_448 = arith.addi %mul3A_2, %mul3A_447 : i32
          %dma_wait3A_449 = arith.constant 3 : i32
          %dma_wait3A_450 = arith.constant 0 : i32
          %dma_wait3A_451 = arith.constant 0 : i32
          %dma_wait3A_452 = tpu.memref_slice %arg6[%dma_wait3A_449, %dma_wait3A_450, %dma_wait3A_451] : memref<4x2x128xi32, #tpu.memory_space<vmem>> -> memref<1x1x128xi32, #tpu.memory_space<vmem>>
          %dma_wait3A_453 = tpu.memref_squeeze %dma_wait3A_452 : memref<1x1x128xi32, #tpu.memory_space<vmem>> -> memref<128xi32, #tpu.memory_space<vmem>>
          %dma_wait3A_454 = tpu.memref_slice %arg3[%add3A_448] : memref<320000xi32, #tpu.memory_space<hbm>> -> memref<128xi32, #tpu.memory_space<hbm>>
          %dma_wait3A_455 = arith.constant 0 : i32
          %dma_wait3A_456 = tpu.memref_slice %arg6[%dma_wait3A_449, %dma_wait3A_450, %dma_wait3A_455] : memref<4x2x128xi32, #tpu.memory_space<vmem>> -> memref<1x1x128xi32, #tpu.memory_space<vmem>>
          %dma_wait3A_457 = tpu.memref_squeeze %dma_wait3A_456 : memref<1x1x128xi32, #tpu.memory_space<vmem>> -> memref<128xi32, #tpu.memory_space<vmem>>
          %dma_wait3A_458 = tpu.memref_slice %arg3[%add3A_448] : memref<320000xi32, #tpu.memory_space<hbm>> -> memref<128xi32, #tpu.memory_space<hbm>>
          tpu.wait_dma2 semaphore(%arg12 : memref<!tpu.dma_semaphore, #tpu.memory_space<semaphore_mem>>) src(%dma_wait3A_458 : memref<128xi32, #tpu.memory_space<hbm>>) dst(%dma_wait3A_457 : memref<128xi32, #tpu.memory_space<vmem>>)
          %dma_wait3A_459 = arith.constant 3 : i32
          %dma_wait3A_460 = arith.constant 1 : i32
          %dma_wait3A_461 = arith.constant 0 : i32
          %dma_wait3A_462 = tpu.memref_slice %arg6[%dma_wait3A_459, %dma_wait3A_460, %dma_wait3A_461] : memref<4x2x128xi32, #tpu.memory_space<vmem>> -> memref<1x1x128xi32, #tpu.memory_space<vmem>>
          %dma_wait3A_463 = tpu.memref_squeeze %dma_wait3A_462 : memref<1x1x128xi32, #tpu.memory_space<vmem>> -> memref<128xi32, #tpu.memory_space<vmem>>
          %dma_wait3A_464 = tpu.memref_slice %arg4[%add3A_448] : memref<320000xi32, #tpu.memory_space<hbm>> -> memref<128xi32, #tpu.memory_space<hbm>>
          %dma_wait3A_465 = arith.constant 0 : i32
          %dma_wait3A_466 = tpu.memref_slice %arg6[%dma_wait3A_459, %dma_wait3A_460, %dma_wait3A_465] : memref<4x2x128xi32, #tpu.memory_space<vmem>> -> memref<1x1x128xi32, #tpu.memory_space<vmem>>
          %dma_wait3A_467 = tpu.memref_squeeze %dma_wait3A_466 : memref<1x1x128xi32, #tpu.memory_space<vmem>> -> memref<128xi32, #tpu.memory_space<vmem>>
          %dma_wait3A_468 = tpu.memref_slice %arg4[%add3A_448] : memref<320000xi32, #tpu.memory_space<hbm>> -> memref<128xi32, #tpu.memory_space<hbm>>
          tpu.wait_dma2 semaphore(%arg12 : memref<!tpu.dma_semaphore, #tpu.memory_space<semaphore_mem>>) src(%dma_wait3A_468 : memref<128xi32, #tpu.memory_space<hbm>>) dst(%dma_wait3A_467 : memref<128xi32, #tpu.memory_space<vmem>>)
          %dma_start3A_469 = arith.constant 3 : i32
          %dma_start3A_470 = arith.constant 0 : i32
          %dma_start3A_471 = arith.constant 1 : i32
          %dma_start3A_472 = arith.constant 0 : i32
          %dma_start3A_473 = arith.constant 0 : i32
          %dma_start3A_474 = tpu.memref_slice %arg7[%dma_start3A_471, %dma_start3A_472, %dma_start3A_473] : memref<3x128x128xf32, #tpu.memory_space<vmem>> -> memref<1x128x128xf32, #tpu.memory_space<vmem>>
          %dma_start3A_475 = tpu.memref_squeeze %dma_start3A_474 : memref<1x128x128xf32, #tpu.memory_space<vmem>> -> memref<128x128xf32, #tpu.memory_space<vmem>>
          %dma_start3A_476 = arith.constant 0 : i32
          %dma_start3A_477 = tpu.memref_slice %arg6[%dma_start3A_469, %dma_start3A_470, %dma_start3A_476] : memref<4x2x128xi32, #tpu.memory_space<vmem>> -> memref<1x1x128xi32, #tpu.memory_space<vmem>>
          %dma_start3A_478 = tpu.memref_squeeze %dma_start3A_477 : memref<1x1x128xi32, #tpu.memory_space<vmem>> -> memref<128xi32, #tpu.memory_space<vmem>>
          %dma_start3A_479 = arith.constant 0 : i32
          %dma_start3A_480 = arith.constant 0 : i32
          %dma_start3A_481 = tpu.memref_slice %arg2[%dma_start3A_479, %dma_start3A_480] : memref<10000x128xf32, #tpu.memory_space<hbm>> -> memref<10000x128xf32, #tpu.memory_space<hbm>>
          tpu.enqueue_indirect_dma source(%dma_start3A_481 : memref<10000x128xf32, #tpu.memory_space<hbm>>) target(%dma_start3A_475 : memref<128x128xf32, #tpu.memory_space<vmem>>) offsets(%dma_start3A_478 : memref<128xi32, #tpu.memory_space<vmem>>) semaphore(%arg14 : memref<!tpu.dma_semaphore, #tpu.memory_space<semaphore_mem>>)
        } else {
        }
      } else {
      }
      %add3A_349 = arith.constant 6 : i32
      %add3A_350 = arith.addi %add3A_267, %add3A_349 : i32
      %lt3A_351 = arith.constant 78 : i32
      %lt3A_352 = arith.cmpi slt, %add3A_350, %lt3A_351 : i32
      %convert_element_type3A_353 = arith.extui %lt3A_352 : i1 to i32
      %cond3A_354 = arith.constant 0 : i32
      %cond3A_355 = arith.cmpi ne, %convert_element_type3A_353, %cond3A_354 : i32
      scf.if %cond3A_355 {
        %dma_wait3A_391 = arith.constant 2 : i32
        %dma_wait3A_392 = arith.constant 0 : i32
        %dma_wait3A_393 = arith.constant 0 : i32
        %dma_wait3A_394 = arith.constant 0 : i32
        %dma_wait3A_395 = arith.constant 0 : i32
        %dma_wait3A_396 = tpu.memref_slice %arg7[%dma_wait3A_393, %dma_wait3A_394, %dma_wait3A_395] : memref<3x128x128xf32, #tpu.memory_space<vmem>> -> memref<1x128x128xf32, #tpu.memory_space<vmem>>
        %dma_wait3A_397 = tpu.memref_squeeze %dma_wait3A_396 : memref<1x128x128xf32, #tpu.memory_space<vmem>> -> memref<128x128xf32, #tpu.memory_space<vmem>>
        %dma_wait3A_398 = arith.constant 0 : i32
        %dma_wait3A_399 = tpu.memref_slice %arg6[%dma_wait3A_391, %dma_wait3A_392, %dma_wait3A_398] : memref<4x2x128xi32, #tpu.memory_space<vmem>> -> memref<1x1x128xi32, #tpu.memory_space<vmem>>
        %dma_wait3A_400 = tpu.memref_squeeze %dma_wait3A_399 : memref<1x1x128xi32, #tpu.memory_space<vmem>> -> memref<128xi32, #tpu.memory_space<vmem>>
        %dma_wait3A_401 = arith.constant 0 : i32
        %dma_wait3A_402 = arith.constant 0 : i32
        %dma_wait3A_403 = tpu.memref_slice %arg2[%dma_wait3A_401, %dma_wait3A_402] : memref<10000x128xf32, #tpu.memory_space<hbm>> -> memref<10000x128xf32, #tpu.memory_space<hbm>>
        tpu.wait_indirect_dma semaphore(%arg13 : memref<!tpu.dma_semaphore, #tpu.memory_space<semaphore_mem>>) src(%dma_wait3A_403 : memref<10000x128xf32, #tpu.memory_space<hbm>>) dst(%dma_wait3A_397 : memref<128x128xf32, #tpu.memory_space<vmem>>)
        %dma_start3A_404 = arith.constant 0 : i32
        %dma_start3A_405 = arith.constant 2 : i32
        %dma_start3A_406 = arith.constant 1 : i32
        %dma_start3A_407 = arith.constant 0 : i32
        %dma_start3A_408 = arith.constant 0 : i32
        %dma_start3A_409 = tpu.memref_slice %arg7[%dma_start3A_404, %dma_start3A_407, %dma_start3A_408] : memref<3x128x128xf32, #tpu.memory_space<vmem>> -> memref<1x128x128xf32, #tpu.memory_space<vmem>>
        %dma_start3A_410 = tpu.memref_squeeze %dma_start3A_409 : memref<1x128x128xf32, #tpu.memory_space<vmem>> -> memref<128x128xf32, #tpu.memory_space<vmem>>
        %dma_start3A_411 = arith.constant 0 : i32
        %dma_start3A_412 = tpu.memref_slice %arg6[%dma_start3A_405, %dma_start3A_406, %dma_start3A_411] : memref<4x2x128xi32, #tpu.memory_space<vmem>> -> memref<1x1x128xi32, #tpu.memory_space<vmem>>
        %dma_start3A_413 = tpu.memref_squeeze %dma_start3A_412 : memref<1x1x128xi32, #tpu.memory_space<vmem>> -> memref<128xi32, #tpu.memory_space<vmem>>
        %dma_start3A_414 = arith.constant 0 : i32
        %dma_start3A_415 = arith.constant 0 : i32
        %dma_start3A_416 = tpu.memref_slice %arg8[%dma_start3A_414, %dma_start3A_415] : memref<10000x128xf32, #tpu.memory_space<vmem_shared>> -> memref<10000x128xf32, #tpu.memory_space<vmem_shared>>
        tpu.enqueue_indirect_dma source(%dma_start3A_410 : memref<128x128xf32, #tpu.memory_space<vmem>>) target(%dma_start3A_416 : memref<10000x128xf32, #tpu.memory_space<vmem_shared>>) offsets(%dma_start3A_413 : memref<128xi32, #tpu.memory_space<vmem>>) semaphore(%arg16 : memref<!tpu.dma_semaphore, #tpu.memory_space<semaphore_mem>>) {add = true}
        %dma_wait3A_417 = arith.constant 2 : i32
        %dma_wait3A_418 = arith.constant 1 : i32
        %dma_wait3A_419 = arith.constant 1 : i32
        %dma_wait3A_420 = arith.constant 0 : i32
        %dma_wait3A_421 = arith.constant 0 : i32
        %dma_wait3A_422 = tpu.memref_slice %arg7[%dma_wait3A_417, %dma_wait3A_420, %dma_wait3A_421] : memref<3x128x128xf32, #tpu.memory_space<vmem>> -> memref<1x128x128xf32, #tpu.memory_space<vmem>>
        %dma_wait3A_423 = tpu.memref_squeeze %dma_wait3A_422 : memref<1x128x128xf32, #tpu.memory_space<vmem>> -> memref<128x128xf32, #tpu.memory_space<vmem>>
        %dma_wait3A_424 = arith.constant 0 : i32
        %dma_wait3A_425 = tpu.memref_slice %arg6[%dma_wait3A_418, %dma_wait3A_419, %dma_wait3A_424] : memref<4x2x128xi32, #tpu.memory_space<vmem>> -> memref<1x1x128xi32, #tpu.memory_space<vmem>>
        %dma_wait3A_426 = tpu.memref_squeeze %dma_wait3A_425 : memref<1x1x128xi32, #tpu.memory_space<vmem>> -> memref<128xi32, #tpu.memory_space<vmem>>
        %dma_wait3A_427 = arith.constant 0 : i32
        %dma_wait3A_428 = arith.constant 0 : i32
        %dma_wait3A_429 = tpu.memref_slice %arg8[%dma_wait3A_427, %dma_wait3A_428] : memref<10000x128xf32, #tpu.memory_space<vmem_shared>> -> memref<10000x128xf32, #tpu.memory_space<vmem_shared>>
        tpu.wait_indirect_dma semaphore(%arg18 : memref<!tpu.dma_semaphore, #tpu.memory_space<semaphore_mem>>) src(%dma_wait3A_423 : memref<128x128xf32, #tpu.memory_space<vmem>>) dst(%dma_wait3A_429 : memref<10000x128xf32, #tpu.memory_space<vmem_shared>>)
        %add3A_430 = arith.constant 3 : i32
        %add3A_431 = arith.addi %add3A_350, %add3A_430 : i32
        %lt3A_432 = arith.constant 78 : i32
        %lt3A_433 = arith.cmpi slt, %add3A_431, %lt3A_432 : i32
        %convert_element_type3A_434 = arith.extui %lt3A_433 : i1 to i32
        %cond3A_435 = arith.constant 0 : i32
        %cond3A_436 = arith.cmpi ne, %convert_element_type3A_434, %cond3A_435 : i32
        scf.if %cond3A_436 {
          %add3A_444 = arith.constant 3 : i32
          %add3A_445 = arith.addi %add3A_350, %add3A_444 : i32
          %mul3A_446 = arith.constant 128 : i32
          %mul3A_447 = arith.muli %add3A_445, %mul3A_446 : i32
          %add3A_448 = arith.addi %mul3A_2, %mul3A_447 : i32
          %dma_start3A_449 = arith.constant 1 : i32
          %dma_start3A_450 = arith.constant 0 : i32
          %dma_start3A_451 = arith.constant 0 : i32
          %dma_start3A_452 = tpu.memref_slice %arg6[%dma_start3A_449, %dma_start3A_450, %dma_start3A_451] : memref<4x2x128xi32, #tpu.memory_space<vmem>> -> memref<1x1x128xi32, #tpu.memory_space<vmem>>
          %dma_start3A_453 = tpu.memref_squeeze %dma_start3A_452 : memref<1x1x128xi32, #tpu.memory_space<vmem>> -> memref<128xi32, #tpu.memory_space<vmem>>
          %dma_start3A_454 = tpu.memref_slice %arg3[%add3A_448] : memref<320000xi32, #tpu.memory_space<hbm>> -> memref<128xi32, #tpu.memory_space<hbm>>
          %dma_start3A_455 = arith.constant 0 : i32
          %dma_start3A_456 = tpu.memref_slice %arg6[%dma_start3A_449, %dma_start3A_450, %dma_start3A_455] : memref<4x2x128xi32, #tpu.memory_space<vmem>> -> memref<1x1x128xi32, #tpu.memory_space<vmem>>
          %dma_start3A_457 = tpu.memref_squeeze %dma_start3A_456 : memref<1x1x128xi32, #tpu.memory_space<vmem>> -> memref<128xi32, #tpu.memory_space<vmem>>
          %dma_start3A_458 = tpu.memref_slice %arg3[%add3A_448] : memref<320000xi32, #tpu.memory_space<hbm>> -> memref<128xi32, #tpu.memory_space<hbm>>
          tpu.enqueue_dma source(%dma_start3A_458 : memref<128xi32, #tpu.memory_space<hbm>>) target(%dma_start3A_457 : memref<128xi32, #tpu.memory_space<vmem>>) target_semaphore(%arg10 : memref<!tpu.dma_semaphore, #tpu.memory_space<semaphore_mem>>)
          %dma_start3A_459 = arith.constant 1 : i32
          %dma_start3A_460 = arith.constant 1 : i32
          %dma_start3A_461 = arith.constant 0 : i32
          %dma_start3A_462 = tpu.memref_slice %arg6[%dma_start3A_459, %dma_start3A_460, %dma_start3A_461] : memref<4x2x128xi32, #tpu.memory_space<vmem>> -> memref<1x1x128xi32, #tpu.memory_space<vmem>>
          %dma_start3A_463 = tpu.memref_squeeze %dma_start3A_462 : memref<1x1x128xi32, #tpu.memory_space<vmem>> -> memref<128xi32, #tpu.memory_space<vmem>>
          %dma_start3A_464 = tpu.memref_slice %arg4[%add3A_448] : memref<320000xi32, #tpu.memory_space<hbm>> -> memref<128xi32, #tpu.memory_space<hbm>>
          %dma_start3A_465 = arith.constant 0 : i32
          %dma_start3A_466 = tpu.memref_slice %arg6[%dma_start3A_459, %dma_start3A_460, %dma_start3A_465] : memref<4x2x128xi32, #tpu.memory_space<vmem>> -> memref<1x1x128xi32, #tpu.memory_space<vmem>>
          %dma_start3A_467 = tpu.memref_squeeze %dma_start3A_466 : memref<1x1x128xi32, #tpu.memory_space<vmem>> -> memref<128xi32, #tpu.memory_space<vmem>>
          %dma_start3A_468 = tpu.memref_slice %arg4[%add3A_448] : memref<320000xi32, #tpu.memory_space<hbm>> -> memref<128xi32, #tpu.memory_space<hbm>>
          tpu.enqueue_dma source(%dma_start3A_468 : memref<128xi32, #tpu.memory_space<hbm>>) target(%dma_start3A_467 : memref<128xi32, #tpu.memory_space<vmem>>) target_semaphore(%arg10 : memref<!tpu.dma_semaphore, #tpu.memory_space<semaphore_mem>>)
        } else {
        }
        %add3A_437 = arith.constant 2 : i32
        %add3A_438 = arith.addi %add3A_350, %add3A_437 : i32
        %lt3A_439 = arith.constant 78 : i32
        %lt3A_440 = arith.cmpi slt, %add3A_438, %lt3A_439 : i32
        %convert_element_type3A_441 = arith.extui %lt3A_440 : i1 to i32
        %cond3A_442 = arith.constant 0 : i32
        %cond3A_443 = arith.cmpi ne, %convert_element_type3A_441, %cond3A_442 : i32
        scf.if %cond3A_443 {
          %add3A_444 = arith.constant 2 : i32
          %add3A_445 = arith.addi %add3A_350, %add3A_444 : i32
          %mul3A_446 = arith.constant 128 : i32
          %mul3A_447 = arith.muli %add3A_445, %mul3A_446 : i32
          %add3A_448 = arith.addi %mul3A_2, %mul3A_447 : i32
          %dma_wait3A_449 = arith.constant 0 : i32
          %dma_wait3A_450 = arith.constant 0 : i32
          %dma_wait3A_451 = arith.constant 0 : i32
          %dma_wait3A_452 = tpu.memref_slice %arg6[%dma_wait3A_449, %dma_wait3A_450, %dma_wait3A_451] : memref<4x2x128xi32, #tpu.memory_space<vmem>> -> memref<1x1x128xi32, #tpu.memory_space<vmem>>
          %dma_wait3A_453 = tpu.memref_squeeze %dma_wait3A_452 : memref<1x1x128xi32, #tpu.memory_space<vmem>> -> memref<128xi32, #tpu.memory_space<vmem>>
          %dma_wait3A_454 = tpu.memref_slice %arg3[%add3A_448] : memref<320000xi32, #tpu.memory_space<hbm>> -> memref<128xi32, #tpu.memory_space<hbm>>
          %dma_wait3A_455 = arith.constant 0 : i32
          %dma_wait3A_456 = tpu.memref_slice %arg6[%dma_wait3A_449, %dma_wait3A_450, %dma_wait3A_455] : memref<4x2x128xi32, #tpu.memory_space<vmem>> -> memref<1x1x128xi32, #tpu.memory_space<vmem>>
          %dma_wait3A_457 = tpu.memref_squeeze %dma_wait3A_456 : memref<1x1x128xi32, #tpu.memory_space<vmem>> -> memref<128xi32, #tpu.memory_space<vmem>>
          %dma_wait3A_458 = tpu.memref_slice %arg3[%add3A_448] : memref<320000xi32, #tpu.memory_space<hbm>> -> memref<128xi32, #tpu.memory_space<hbm>>
          tpu.wait_dma2 semaphore(%arg9 : memref<!tpu.dma_semaphore, #tpu.memory_space<semaphore_mem>>) src(%dma_wait3A_458 : memref<128xi32, #tpu.memory_space<hbm>>) dst(%dma_wait3A_457 : memref<128xi32, #tpu.memory_space<vmem>>)
          %dma_wait3A_459 = arith.constant 0 : i32
          %dma_wait3A_460 = arith.constant 1 : i32
          %dma_wait3A_461 = arith.constant 0 : i32
          %dma_wait3A_462 = tpu.memref_slice %arg6[%dma_wait3A_459, %dma_wait3A_460, %dma_wait3A_461] : memref<4x2x128xi32, #tpu.memory_space<vmem>> -> memref<1x1x128xi32, #tpu.memory_space<vmem>>
          %dma_wait3A_463 = tpu.memref_squeeze %dma_wait3A_462 : memref<1x1x128xi32, #tpu.memory_space<vmem>> -> memref<128xi32, #tpu.memory_space<vmem>>
          %dma_wait3A_464 = tpu.memref_slice %arg4[%add3A_448] : memref<320000xi32, #tpu.memory_space<hbm>> -> memref<128xi32, #tpu.memory_space<hbm>>
          %dma_wait3A_465 = arith.constant 0 : i32
          %dma_wait3A_466 = tpu.memref_slice %arg6[%dma_wait3A_459, %dma_wait3A_460, %dma_wait3A_465] : memref<4x2x128xi32, #tpu.memory_space<vmem>> -> memref<1x1x128xi32, #tpu.memory_space<vmem>>
          %dma_wait3A_467 = tpu.memref_squeeze %dma_wait3A_466 : memref<1x1x128xi32, #tpu.memory_space<vmem>> -> memref<128xi32, #tpu.memory_space<vmem>>
          %dma_wait3A_468 = tpu.memref_slice %arg4[%add3A_448] : memref<320000xi32, #tpu.memory_space<hbm>> -> memref<128xi32, #tpu.memory_space<hbm>>
          tpu.wait_dma2 semaphore(%arg9 : memref<!tpu.dma_semaphore, #tpu.memory_space<semaphore_mem>>) src(%dma_wait3A_468 : memref<128xi32, #tpu.memory_space<hbm>>) dst(%dma_wait3A_467 : memref<128xi32, #tpu.memory_space<vmem>>)
          %dma_start3A_469 = arith.constant 0 : i32
          %dma_start3A_470 = arith.constant 0 : i32
          %dma_start3A_471 = arith.constant 2 : i32
          %dma_start3A_472 = arith.constant 0 : i32
          %dma_start3A_473 = arith.constant 0 : i32
          %dma_start3A_474 = tpu.memref_slice %arg7[%dma_start3A_471, %dma_start3A_472, %dma_start3A_473] : memref<3x128x128xf32, #tpu.memory_space<vmem>> -> memref<1x128x128xf32, #tpu.memory_space<vmem>>
          %dma_start3A_475 = tpu.memref_squeeze %dma_start3A_474 : memref<1x128x128xf32, #tpu.memory_space<vmem>> -> memref<128x128xf32, #tpu.memory_space<vmem>>
          %dma_start3A_476 = arith.constant 0 : i32
          %dma_start3A_477 = tpu.memref_slice %arg6[%dma_start3A_469, %dma_start3A_470, %dma_start3A_476] : memref<4x2x128xi32, #tpu.memory_space<vmem>> -> memref<1x1x128xi32, #tpu.memory_space<vmem>>
          %dma_start3A_478 = tpu.memref_squeeze %dma_start3A_477 : memref<1x1x128xi32, #tpu.memory_space<vmem>> -> memref<128xi32, #tpu.memory_space<vmem>>
          %dma_start3A_479 = arith.constant 0 : i32
          %dma_start3A_480 = arith.constant 0 : i32
          %dma_start3A_481 = tpu.memref_slice %arg2[%dma_start3A_479, %dma_start3A_480] : memref<10000x128xf32, #tpu.memory_space<hbm>> -> memref<10000x128xf32, #tpu.memory_space<hbm>>
          tpu.enqueue_indirect_dma source(%dma_start3A_481 : memref<10000x128xf32, #tpu.memory_space<hbm>>) target(%dma_start3A_475 : memref<128x128xf32, #tpu.memory_space<vmem>>) offsets(%dma_start3A_478 : memref<128xi32, #tpu.memory_space<vmem>>) semaphore(%arg15 : memref<!tpu.dma_semaphore, #tpu.memory_space<semaphore_mem>>)
        } else {
        }
      } else {
      }
      %add3A_356 = arith.constant 7 : i32
      %add3A_357 = arith.addi %add3A_267, %add3A_356 : i32
      %lt3A_358 = arith.constant 78 : i32
      %lt3A_359 = arith.cmpi slt, %add3A_357, %lt3A_358 : i32
      %convert_element_type3A_360 = arith.extui %lt3A_359 : i1 to i32
      %cond3A_361 = arith.constant 0 : i32
      %cond3A_362 = arith.cmpi ne, %convert_element_type3A_360, %cond3A_361 : i32
      scf.if %cond3A_362 {
        %dma_wait3A_391 = arith.constant 3 : i32
        %dma_wait3A_392 = arith.constant 0 : i32
        %dma_wait3A_393 = arith.constant 1 : i32
        %dma_wait3A_394 = arith.constant 0 : i32
        %dma_wait3A_395 = arith.constant 0 : i32
        %dma_wait3A_396 = tpu.memref_slice %arg7[%dma_wait3A_393, %dma_wait3A_394, %dma_wait3A_395] : memref<3x128x128xf32, #tpu.memory_space<vmem>> -> memref<1x128x128xf32, #tpu.memory_space<vmem>>
        %dma_wait3A_397 = tpu.memref_squeeze %dma_wait3A_396 : memref<1x128x128xf32, #tpu.memory_space<vmem>> -> memref<128x128xf32, #tpu.memory_space<vmem>>
        %dma_wait3A_398 = arith.constant 0 : i32
        %dma_wait3A_399 = tpu.memref_slice %arg6[%dma_wait3A_391, %dma_wait3A_392, %dma_wait3A_398] : memref<4x2x128xi32, #tpu.memory_space<vmem>> -> memref<1x1x128xi32, #tpu.memory_space<vmem>>
        %dma_wait3A_400 = tpu.memref_squeeze %dma_wait3A_399 : memref<1x1x128xi32, #tpu.memory_space<vmem>> -> memref<128xi32, #tpu.memory_space<vmem>>
        %dma_wait3A_401 = arith.constant 0 : i32
        %dma_wait3A_402 = arith.constant 0 : i32
        %dma_wait3A_403 = tpu.memref_slice %arg2[%dma_wait3A_401, %dma_wait3A_402] : memref<10000x128xf32, #tpu.memory_space<hbm>> -> memref<10000x128xf32, #tpu.memory_space<hbm>>
        tpu.wait_indirect_dma semaphore(%arg14 : memref<!tpu.dma_semaphore, #tpu.memory_space<semaphore_mem>>) src(%dma_wait3A_403 : memref<10000x128xf32, #tpu.memory_space<hbm>>) dst(%dma_wait3A_397 : memref<128x128xf32, #tpu.memory_space<vmem>>)
        %dma_start3A_404 = arith.constant 1 : i32
        %dma_start3A_405 = arith.constant 3 : i32
        %dma_start3A_406 = arith.constant 1 : i32
        %dma_start3A_407 = arith.constant 0 : i32
        %dma_start3A_408 = arith.constant 0 : i32
        %dma_start3A_409 = tpu.memref_slice %arg7[%dma_start3A_404, %dma_start3A_407, %dma_start3A_408] : memref<3x128x128xf32, #tpu.memory_space<vmem>> -> memref<1x128x128xf32, #tpu.memory_space<vmem>>
        %dma_start3A_410 = tpu.memref_squeeze %dma_start3A_409 : memref<1x128x128xf32, #tpu.memory_space<vmem>> -> memref<128x128xf32, #tpu.memory_space<vmem>>
        %dma_start3A_411 = arith.constant 0 : i32
        %dma_start3A_412 = tpu.memref_slice %arg6[%dma_start3A_405, %dma_start3A_406, %dma_start3A_411] : memref<4x2x128xi32, #tpu.memory_space<vmem>> -> memref<1x1x128xi32, #tpu.memory_space<vmem>>
        %dma_start3A_413 = tpu.memref_squeeze %dma_start3A_412 : memref<1x1x128xi32, #tpu.memory_space<vmem>> -> memref<128xi32, #tpu.memory_space<vmem>>
        %dma_start3A_414 = arith.constant 0 : i32
        %dma_start3A_415 = arith.constant 0 : i32
        %dma_start3A_416 = tpu.memref_slice %arg8[%dma_start3A_414, %dma_start3A_415] : memref<10000x128xf32, #tpu.memory_space<vmem_shared>> -> memref<10000x128xf32, #tpu.memory_space<vmem_shared>>
        tpu.enqueue_indirect_dma source(%dma_start3A_410 : memref<128x128xf32, #tpu.memory_space<vmem>>) target(%dma_start3A_416 : memref<10000x128xf32, #tpu.memory_space<vmem_shared>>) offsets(%dma_start3A_413 : memref<128xi32, #tpu.memory_space<vmem>>) semaphore(%arg17 : memref<!tpu.dma_semaphore, #tpu.memory_space<semaphore_mem>>) {add = true}
        %dma_wait3A_417 = arith.constant 0 : i32
        %dma_wait3A_418 = arith.constant 2 : i32
        %dma_wait3A_419 = arith.constant 1 : i32
        %dma_wait3A_420 = arith.constant 0 : i32
        %dma_wait3A_421 = arith.constant 0 : i32
        %dma_wait3A_422 = tpu.memref_slice %arg7[%dma_wait3A_417, %dma_wait3A_420, %dma_wait3A_421] : memref<3x128x128xf32, #tpu.memory_space<vmem>> -> memref<1x128x128xf32, #tpu.memory_space<vmem>>
        %dma_wait3A_423 = tpu.memref_squeeze %dma_wait3A_422 : memref<1x128x128xf32, #tpu.memory_space<vmem>> -> memref<128x128xf32, #tpu.memory_space<vmem>>
        %dma_wait3A_424 = arith.constant 0 : i32
        %dma_wait3A_425 = tpu.memref_slice %arg6[%dma_wait3A_418, %dma_wait3A_419, %dma_wait3A_424] : memref<4x2x128xi32, #tpu.memory_space<vmem>> -> memref<1x1x128xi32, #tpu.memory_space<vmem>>
        %dma_wait3A_426 = tpu.memref_squeeze %dma_wait3A_425 : memref<1x1x128xi32, #tpu.memory_space<vmem>> -> memref<128xi32, #tpu.memory_space<vmem>>
        %dma_wait3A_427 = arith.constant 0 : i32
        %dma_wait3A_428 = arith.constant 0 : i32
        %dma_wait3A_429 = tpu.memref_slice %arg8[%dma_wait3A_427, %dma_wait3A_428] : memref<10000x128xf32, #tpu.memory_space<vmem_shared>> -> memref<10000x128xf32, #tpu.memory_space<vmem_shared>>
        tpu.wait_indirect_dma semaphore(%arg16 : memref<!tpu.dma_semaphore, #tpu.memory_space<semaphore_mem>>) src(%dma_wait3A_423 : memref<128x128xf32, #tpu.memory_space<vmem>>) dst(%dma_wait3A_429 : memref<10000x128xf32, #tpu.memory_space<vmem_shared>>)
        %add3A_430 = arith.constant 3 : i32
        %add3A_431 = arith.addi %add3A_357, %add3A_430 : i32
        %lt3A_432 = arith.constant 78 : i32
        %lt3A_433 = arith.cmpi slt, %add3A_431, %lt3A_432 : i32
        %convert_element_type3A_434 = arith.extui %lt3A_433 : i1 to i32
        %cond3A_435 = arith.constant 0 : i32
        %cond3A_436 = arith.cmpi ne, %convert_element_type3A_434, %cond3A_435 : i32
        scf.if %cond3A_436 {
          %add3A_444 = arith.constant 3 : i32
          %add3A_445 = arith.addi %add3A_357, %add3A_444 : i32
          %mul3A_446 = arith.constant 128 : i32
          %mul3A_447 = arith.muli %add3A_445, %mul3A_446 : i32
          %add3A_448 = arith.addi %mul3A_2, %mul3A_447 : i32
          %dma_start3A_449 = arith.constant 2 : i32
          %dma_start3A_450 = arith.constant 0 : i32
          %dma_start3A_451 = arith.constant 0 : i32
          %dma_start3A_452 = tpu.memref_slice %arg6[%dma_start3A_449, %dma_start3A_450, %dma_start3A_451] : memref<4x2x128xi32, #tpu.memory_space<vmem>> -> memref<1x1x128xi32, #tpu.memory_space<vmem>>
          %dma_start3A_453 = tpu.memref_squeeze %dma_start3A_452 : memref<1x1x128xi32, #tpu.memory_space<vmem>> -> memref<128xi32, #tpu.memory_space<vmem>>
          %dma_start3A_454 = tpu.memref_slice %arg3[%add3A_448] : memref<320000xi32, #tpu.memory_space<hbm>> -> memref<128xi32, #tpu.memory_space<hbm>>
          %dma_start3A_455 = arith.constant 0 : i32
          %dma_start3A_456 = tpu.memref_slice %arg6[%dma_start3A_449, %dma_start3A_450, %dma_start3A_455] : memref<4x2x128xi32, #tpu.memory_space<vmem>> -> memref<1x1x128xi32, #tpu.memory_space<vmem>>
          %dma_start3A_457 = tpu.memref_squeeze %dma_start3A_456 : memref<1x1x128xi32, #tpu.memory_space<vmem>> -> memref<128xi32, #tpu.memory_space<vmem>>
          %dma_start3A_458 = tpu.memref_slice %arg3[%add3A_448] : memref<320000xi32, #tpu.memory_space<hbm>> -> memref<128xi32, #tpu.memory_space<hbm>>
          tpu.enqueue_dma source(%dma_start3A_458 : memref<128xi32, #tpu.memory_space<hbm>>) target(%dma_start3A_457 : memref<128xi32, #tpu.memory_space<vmem>>) target_semaphore(%arg11 : memref<!tpu.dma_semaphore, #tpu.memory_space<semaphore_mem>>)
          %dma_start3A_459 = arith.constant 2 : i32
          %dma_start3A_460 = arith.constant 1 : i32
          %dma_start3A_461 = arith.constant 0 : i32
          %dma_start3A_462 = tpu.memref_slice %arg6[%dma_start3A_459, %dma_start3A_460, %dma_start3A_461] : memref<4x2x128xi32, #tpu.memory_space<vmem>> -> memref<1x1x128xi32, #tpu.memory_space<vmem>>
          %dma_start3A_463 = tpu.memref_squeeze %dma_start3A_462 : memref<1x1x128xi32, #tpu.memory_space<vmem>> -> memref<128xi32, #tpu.memory_space<vmem>>
          %dma_start3A_464 = tpu.memref_slice %arg4[%add3A_448] : memref<320000xi32, #tpu.memory_space<hbm>> -> memref<128xi32, #tpu.memory_space<hbm>>
          %dma_start3A_465 = arith.constant 0 : i32
          %dma_start3A_466 = tpu.memref_slice %arg6[%dma_start3A_459, %dma_start3A_460, %dma_start3A_465] : memref<4x2x128xi32, #tpu.memory_space<vmem>> -> memref<1x1x128xi32, #tpu.memory_space<vmem>>
          %dma_start3A_467 = tpu.memref_squeeze %dma_start3A_466 : memref<1x1x128xi32, #tpu.memory_space<vmem>> -> memref<128xi32, #tpu.memory_space<vmem>>
          %dma_start3A_468 = tpu.memref_slice %arg4[%add3A_448] : memref<320000xi32, #tpu.memory_space<hbm>> -> memref<128xi32, #tpu.memory_space<hbm>>
          tpu.enqueue_dma source(%dma_start3A_468 : memref<128xi32, #tpu.memory_space<hbm>>) target(%dma_start3A_467 : memref<128xi32, #tpu.memory_space<vmem>>) target_semaphore(%arg11 : memref<!tpu.dma_semaphore, #tpu.memory_space<semaphore_mem>>)
        } else {
        }
        %add3A_437 = arith.constant 2 : i32
        %add3A_438 = arith.addi %add3A_357, %add3A_437 : i32
        %lt3A_439 = arith.constant 78 : i32
        %lt3A_440 = arith.cmpi slt, %add3A_438, %lt3A_439 : i32
        %convert_element_type3A_441 = arith.extui %lt3A_440 : i1 to i32
        %cond3A_442 = arith.constant 0 : i32
        %cond3A_443 = arith.cmpi ne, %convert_element_type3A_441, %cond3A_442 : i32
        scf.if %cond3A_443 {
          %add3A_444 = arith.constant 2 : i32
          %add3A_445 = arith.addi %add3A_357, %add3A_444 : i32
          %mul3A_446 = arith.constant 128 : i32
          %mul3A_447 = arith.muli %add3A_445, %mul3A_446 : i32
          %add3A_448 = arith.addi %mul3A_2, %mul3A_447 : i32
          %dma_wait3A_449 = arith.constant 1 : i32
          %dma_wait3A_450 = arith.constant 0 : i32
          %dma_wait3A_451 = arith.constant 0 : i32
          %dma_wait3A_452 = tpu.memref_slice %arg6[%dma_wait3A_449, %dma_wait3A_450, %dma_wait3A_451] : memref<4x2x128xi32, #tpu.memory_space<vmem>> -> memref<1x1x128xi32, #tpu.memory_space<vmem>>
          %dma_wait3A_453 = tpu.memref_squeeze %dma_wait3A_452 : memref<1x1x128xi32, #tpu.memory_space<vmem>> -> memref<128xi32, #tpu.memory_space<vmem>>
          %dma_wait3A_454 = tpu.memref_slice %arg3[%add3A_448] : memref<320000xi32, #tpu.memory_space<hbm>> -> memref<128xi32, #tpu.memory_space<hbm>>
          %dma_wait3A_455 = arith.constant 0 : i32
          %dma_wait3A_456 = tpu.memref_slice %arg6[%dma_wait3A_449, %dma_wait3A_450, %dma_wait3A_455] : memref<4x2x128xi32, #tpu.memory_space<vmem>> -> memref<1x1x128xi32, #tpu.memory_space<vmem>>
          %dma_wait3A_457 = tpu.memref_squeeze %dma_wait3A_456 : memref<1x1x128xi32, #tpu.memory_space<vmem>> -> memref<128xi32, #tpu.memory_space<vmem>>
          %dma_wait3A_458 = tpu.memref_slice %arg3[%add3A_448] : memref<320000xi32, #tpu.memory_space<hbm>> -> memref<128xi32, #tpu.memory_space<hbm>>
          tpu.wait_dma2 semaphore(%arg10 : memref<!tpu.dma_semaphore, #tpu.memory_space<semaphore_mem>>) src(%dma_wait3A_458 : memref<128xi32, #tpu.memory_space<hbm>>) dst(%dma_wait3A_457 : memref<128xi32, #tpu.memory_space<vmem>>)
          %dma_wait3A_459 = arith.constant 1 : i32
          %dma_wait3A_460 = arith.constant 1 : i32
          %dma_wait3A_461 = arith.constant 0 : i32
          %dma_wait3A_462 = tpu.memref_slice %arg6[%dma_wait3A_459, %dma_wait3A_460, %dma_wait3A_461] : memref<4x2x128xi32, #tpu.memory_space<vmem>> -> memref<1x1x128xi32, #tpu.memory_space<vmem>>
          %dma_wait3A_463 = tpu.memref_squeeze %dma_wait3A_462 : memref<1x1x128xi32, #tpu.memory_space<vmem>> -> memref<128xi32, #tpu.memory_space<vmem>>
          %dma_wait3A_464 = tpu.memref_slice %arg4[%add3A_448] : memref<320000xi32, #tpu.memory_space<hbm>> -> memref<128xi32, #tpu.memory_space<hbm>>
          %dma_wait3A_465 = arith.constant 0 : i32
          %dma_wait3A_466 = tpu.memref_slice %arg6[%dma_wait3A_459, %dma_wait3A_460, %dma_wait3A_465] : memref<4x2x128xi32, #tpu.memory_space<vmem>> -> memref<1x1x128xi32, #tpu.memory_space<vmem>>
          %dma_wait3A_467 = tpu.memref_squeeze %dma_wait3A_466 : memref<1x1x128xi32, #tpu.memory_space<vmem>> -> memref<128xi32, #tpu.memory_space<vmem>>
          %dma_wait3A_468 = tpu.memref_slice %arg4[%add3A_448] : memref<320000xi32, #tpu.memory_space<hbm>> -> memref<128xi32, #tpu.memory_space<hbm>>
          tpu.wait_dma2 semaphore(%arg10 : memref<!tpu.dma_semaphore, #tpu.memory_space<semaphore_mem>>) src(%dma_wait3A_468 : memref<128xi32, #tpu.memory_space<hbm>>) dst(%dma_wait3A_467 : memref<128xi32, #tpu.memory_space<vmem>>)
          %dma_start3A_469 = arith.constant 1 : i32
          %dma_start3A_470 = arith.constant 0 : i32
          %dma_start3A_471 = arith.constant 0 : i32
          %dma_start3A_472 = arith.constant 0 : i32
          %dma_start3A_473 = arith.constant 0 : i32
          %dma_start3A_474 = tpu.memref_slice %arg7[%dma_start3A_471, %dma_start3A_472, %dma_start3A_473] : memref<3x128x128xf32, #tpu.memory_space<vmem>> -> memref<1x128x128xf32, #tpu.memory_space<vmem>>
          %dma_start3A_475 = tpu.memref_squeeze %dma_start3A_474 : memref<1x128x128xf32, #tpu.memory_space<vmem>> -> memref<128x128xf32, #tpu.memory_space<vmem>>
          %dma_start3A_476 = arith.constant 0 : i32
          %dma_start3A_477 = tpu.memref_slice %arg6[%dma_start3A_469, %dma_start3A_470, %dma_start3A_476] : memref<4x2x128xi32, #tpu.memory_space<vmem>> -> memref<1x1x128xi32, #tpu.memory_space<vmem>>
          %dma_start3A_478 = tpu.memref_squeeze %dma_start3A_477 : memref<1x1x128xi32, #tpu.memory_space<vmem>> -> memref<128xi32, #tpu.memory_space<vmem>>
          %dma_start3A_479 = arith.constant 0 : i32
          %dma_start3A_480 = arith.constant 0 : i32
          %dma_start3A_481 = tpu.memref_slice %arg2[%dma_start3A_479, %dma_start3A_480] : memref<10000x128xf32, #tpu.memory_space<hbm>> -> memref<10000x128xf32, #tpu.memory_space<hbm>>
          tpu.enqueue_indirect_dma source(%dma_start3A_481 : memref<10000x128xf32, #tpu.memory_space<hbm>>) target(%dma_start3A_475 : memref<128x128xf32, #tpu.memory_space<vmem>>) offsets(%dma_start3A_478 : memref<128xi32, #tpu.memory_space<vmem>>) semaphore(%arg13 : memref<!tpu.dma_semaphore, #tpu.memory_space<semaphore_mem>>)
        } else {
        }
      } else {
      }
      %add3A_363 = arith.constant 8 : i32
      %add3A_364 = arith.addi %add3A_267, %add3A_363 : i32
      %lt3A_365 = arith.constant 78 : i32
      %lt3A_366 = arith.cmpi slt, %add3A_364, %lt3A_365 : i32
      %convert_element_type3A_367 = arith.extui %lt3A_366 : i1 to i32
      %cond3A_368 = arith.constant 0 : i32
      %cond3A_369 = arith.cmpi ne, %convert_element_type3A_367, %cond3A_368 : i32
      scf.if %cond3A_369 {
        %dma_wait3A_391 = arith.constant 0 : i32
        %dma_wait3A_392 = arith.constant 0 : i32
        %dma_wait3A_393 = arith.constant 2 : i32
        %dma_wait3A_394 = arith.constant 0 : i32
        %dma_wait3A_395 = arith.constant 0 : i32
        %dma_wait3A_396 = tpu.memref_slice %arg7[%dma_wait3A_393, %dma_wait3A_394, %dma_wait3A_395] : memref<3x128x128xf32, #tpu.memory_space<vmem>> -> memref<1x128x128xf32, #tpu.memory_space<vmem>>
        %dma_wait3A_397 = tpu.memref_squeeze %dma_wait3A_396 : memref<1x128x128xf32, #tpu.memory_space<vmem>> -> memref<128x128xf32, #tpu.memory_space<vmem>>
        %dma_wait3A_398 = arith.constant 0 : i32
        %dma_wait3A_399 = tpu.memref_slice %arg6[%dma_wait3A_391, %dma_wait3A_392, %dma_wait3A_398] : memref<4x2x128xi32, #tpu.memory_space<vmem>> -> memref<1x1x128xi32, #tpu.memory_space<vmem>>
        %dma_wait3A_400 = tpu.memref_squeeze %dma_wait3A_399 : memref<1x1x128xi32, #tpu.memory_space<vmem>> -> memref<128xi32, #tpu.memory_space<vmem>>
        %dma_wait3A_401 = arith.constant 0 : i32
        %dma_wait3A_402 = arith.constant 0 : i32
        %dma_wait3A_403 = tpu.memref_slice %arg2[%dma_wait3A_401, %dma_wait3A_402] : memref<10000x128xf32, #tpu.memory_space<hbm>> -> memref<10000x128xf32, #tpu.memory_space<hbm>>
        tpu.wait_indirect_dma semaphore(%arg15 : memref<!tpu.dma_semaphore, #tpu.memory_space<semaphore_mem>>) src(%dma_wait3A_403 : memref<10000x128xf32, #tpu.memory_space<hbm>>) dst(%dma_wait3A_397 : memref<128x128xf32, #tpu.memory_space<vmem>>)
        %dma_start3A_404 = arith.constant 2 : i32
        %dma_start3A_405 = arith.constant 0 : i32
        %dma_start3A_406 = arith.constant 1 : i32
        %dma_start3A_407 = arith.constant 0 : i32
        %dma_start3A_408 = arith.constant 0 : i32
        %dma_start3A_409 = tpu.memref_slice %arg7[%dma_start3A_404, %dma_start3A_407, %dma_start3A_408] : memref<3x128x128xf32, #tpu.memory_space<vmem>> -> memref<1x128x128xf32, #tpu.memory_space<vmem>>
        %dma_start3A_410 = tpu.memref_squeeze %dma_start3A_409 : memref<1x128x128xf32, #tpu.memory_space<vmem>> -> memref<128x128xf32, #tpu.memory_space<vmem>>
        %dma_start3A_411 = arith.constant 0 : i32
        %dma_start3A_412 = tpu.memref_slice %arg6[%dma_start3A_405, %dma_start3A_406, %dma_start3A_411] : memref<4x2x128xi32, #tpu.memory_space<vmem>> -> memref<1x1x128xi32, #tpu.memory_space<vmem>>
        %dma_start3A_413 = tpu.memref_squeeze %dma_start3A_412 : memref<1x1x128xi32, #tpu.memory_space<vmem>> -> memref<128xi32, #tpu.memory_space<vmem>>
        %dma_start3A_414 = arith.constant 0 : i32
        %dma_start3A_415 = arith.constant 0 : i32
        %dma_start3A_416 = tpu.memref_slice %arg8[%dma_start3A_414, %dma_start3A_415] : memref<10000x128xf32, #tpu.memory_space<vmem_shared>> -> memref<10000x128xf32, #tpu.memory_space<vmem_shared>>
        tpu.enqueue_indirect_dma source(%dma_start3A_410 : memref<128x128xf32, #tpu.memory_space<vmem>>) target(%dma_start3A_416 : memref<10000x128xf32, #tpu.memory_space<vmem_shared>>) offsets(%dma_start3A_413 : memref<128xi32, #tpu.memory_space<vmem>>) semaphore(%arg18 : memref<!tpu.dma_semaphore, #tpu.memory_space<semaphore_mem>>) {add = true}
        %dma_wait3A_417 = arith.constant 1 : i32
        %dma_wait3A_418 = arith.constant 3 : i32
        %dma_wait3A_419 = arith.constant 1 : i32
        %dma_wait3A_420 = arith.constant 0 : i32
        %dma_wait3A_421 = arith.constant 0 : i32
        %dma_wait3A_422 = tpu.memref_slice %arg7[%dma_wait3A_417, %dma_wait3A_420, %dma_wait3A_421] : memref<3x128x128xf32, #tpu.memory_space<vmem>> -> memref<1x128x128xf32, #tpu.memory_space<vmem>>
        %dma_wait3A_423 = tpu.memref_squeeze %dma_wait3A_422 : memref<1x128x128xf32, #tpu.memory_space<vmem>> -> memref<128x128xf32, #tpu.memory_space<vmem>>
        %dma_wait3A_424 = arith.constant 0 : i32
        %dma_wait3A_425 = tpu.memref_slice %arg6[%dma_wait3A_418, %dma_wait3A_419, %dma_wait3A_424] : memref<4x2x128xi32, #tpu.memory_space<vmem>> -> memref<1x1x128xi32, #tpu.memory_space<vmem>>
        %dma_wait3A_426 = tpu.memref_squeeze %dma_wait3A_425 : memref<1x1x128xi32, #tpu.memory_space<vmem>> -> memref<128xi32, #tpu.memory_space<vmem>>
        %dma_wait3A_427 = arith.constant 0 : i32
        %dma_wait3A_428 = arith.constant 0 : i32
        %dma_wait3A_429 = tpu.memref_slice %arg8[%dma_wait3A_427, %dma_wait3A_428] : memref<10000x128xf32, #tpu.memory_space<vmem_shared>> -> memref<10000x128xf32, #tpu.memory_space<vmem_shared>>
        tpu.wait_indirect_dma semaphore(%arg17 : memref<!tpu.dma_semaphore, #tpu.memory_space<semaphore_mem>>) src(%dma_wait3A_423 : memref<128x128xf32, #tpu.memory_space<vmem>>) dst(%dma_wait3A_429 : memref<10000x128xf32, #tpu.memory_space<vmem_shared>>)
        %add3A_430 = arith.constant 3 : i32
        %add3A_431 = arith.addi %add3A_364, %add3A_430 : i32
        %lt3A_432 = arith.constant 78 : i32
        %lt3A_433 = arith.cmpi slt, %add3A_431, %lt3A_432 : i32
        %convert_element_type3A_434 = arith.extui %lt3A_433 : i1 to i32
        %cond3A_435 = arith.constant 0 : i32
        %cond3A_436 = arith.cmpi ne, %convert_element_type3A_434, %cond3A_435 : i32
        scf.if %cond3A_436 {
          %add3A_444 = arith.constant 3 : i32
          %add3A_445 = arith.addi %add3A_364, %add3A_444 : i32
          %mul3A_446 = arith.constant 128 : i32
          %mul3A_447 = arith.muli %add3A_445, %mul3A_446 : i32
          %add3A_448 = arith.addi %mul3A_2, %mul3A_447 : i32
          %dma_start3A_449 = arith.constant 3 : i32
          %dma_start3A_450 = arith.constant 0 : i32
          %dma_start3A_451 = arith.constant 0 : i32
          %dma_start3A_452 = tpu.memref_slice %arg6[%dma_start3A_449, %dma_start3A_450, %dma_start3A_451] : memref<4x2x128xi32, #tpu.memory_space<vmem>> -> memref<1x1x128xi32, #tpu.memory_space<vmem>>
          %dma_start3A_453 = tpu.memref_squeeze %dma_start3A_452 : memref<1x1x128xi32, #tpu.memory_space<vmem>> -> memref<128xi32, #tpu.memory_space<vmem>>
          %dma_start3A_454 = tpu.memref_slice %arg3[%add3A_448] : memref<320000xi32, #tpu.memory_space<hbm>> -> memref<128xi32, #tpu.memory_space<hbm>>
          %dma_start3A_455 = arith.constant 0 : i32
          %dma_start3A_456 = tpu.memref_slice %arg6[%dma_start3A_449, %dma_start3A_450, %dma_start3A_455] : memref<4x2x128xi32, #tpu.memory_space<vmem>> -> memref<1x1x128xi32, #tpu.memory_space<vmem>>
          %dma_start3A_457 = tpu.memref_squeeze %dma_start3A_456 : memref<1x1x128xi32, #tpu.memory_space<vmem>> -> memref<128xi32, #tpu.memory_space<vmem>>
          %dma_start3A_458 = tpu.memref_slice %arg3[%add3A_448] : memref<320000xi32, #tpu.memory_space<hbm>> -> memref<128xi32, #tpu.memory_space<hbm>>
          tpu.enqueue_dma source(%dma_start3A_458 : memref<128xi32, #tpu.memory_space<hbm>>) target(%dma_start3A_457 : memref<128xi32, #tpu.memory_space<vmem>>) target_semaphore(%arg12 : memref<!tpu.dma_semaphore, #tpu.memory_space<semaphore_mem>>)
          %dma_start3A_459 = arith.constant 3 : i32
          %dma_start3A_460 = arith.constant 1 : i32
          %dma_start3A_461 = arith.constant 0 : i32
          %dma_start3A_462 = tpu.memref_slice %arg6[%dma_start3A_459, %dma_start3A_460, %dma_start3A_461] : memref<4x2x128xi32, #tpu.memory_space<vmem>> -> memref<1x1x128xi32, #tpu.memory_space<vmem>>
          %dma_start3A_463 = tpu.memref_squeeze %dma_start3A_462 : memref<1x1x128xi32, #tpu.memory_space<vmem>> -> memref<128xi32, #tpu.memory_space<vmem>>
          %dma_start3A_464 = tpu.memref_slice %arg4[%add3A_448] : memref<320000xi32, #tpu.memory_space<hbm>> -> memref<128xi32, #tpu.memory_space<hbm>>
          %dma_start3A_465 = arith.constant 0 : i32
          %dma_start3A_466 = tpu.memref_slice %arg6[%dma_start3A_459, %dma_start3A_460, %dma_start3A_465] : memref<4x2x128xi32, #tpu.memory_space<vmem>> -> memref<1x1x128xi32, #tpu.memory_space<vmem>>
          %dma_start3A_467 = tpu.memref_squeeze %dma_start3A_466 : memref<1x1x128xi32, #tpu.memory_space<vmem>> -> memref<128xi32, #tpu.memory_space<vmem>>
          %dma_start3A_468 = tpu.memref_slice %arg4[%add3A_448] : memref<320000xi32, #tpu.memory_space<hbm>> -> memref<128xi32, #tpu.memory_space<hbm>>
          tpu.enqueue_dma source(%dma_start3A_468 : memref<128xi32, #tpu.memory_space<hbm>>) target(%dma_start3A_467 : memref<128xi32, #tpu.memory_space<vmem>>) target_semaphore(%arg12 : memref<!tpu.dma_semaphore, #tpu.memory_space<semaphore_mem>>)
        } else {
        }
        %add3A_437 = arith.constant 2 : i32
        %add3A_438 = arith.addi %add3A_364, %add3A_437 : i32
        %lt3A_439 = arith.constant 78 : i32
        %lt3A_440 = arith.cmpi slt, %add3A_438, %lt3A_439 : i32
        %convert_element_type3A_441 = arith.extui %lt3A_440 : i1 to i32
        %cond3A_442 = arith.constant 0 : i32
        %cond3A_443 = arith.cmpi ne, %convert_element_type3A_441, %cond3A_442 : i32
        scf.if %cond3A_443 {
          %add3A_444 = arith.constant 2 : i32
          %add3A_445 = arith.addi %add3A_364, %add3A_444 : i32
          %mul3A_446 = arith.constant 128 : i32
          %mul3A_447 = arith.muli %add3A_445, %mul3A_446 : i32
          %add3A_448 = arith.addi %mul3A_2, %mul3A_447 : i32
          %dma_wait3A_449 = arith.constant 2 : i32
          %dma_wait3A_450 = arith.constant 0 : i32
          %dma_wait3A_451 = arith.constant 0 : i32
          %dma_wait3A_452 = tpu.memref_slice %arg6[%dma_wait3A_449, %dma_wait3A_450, %dma_wait3A_451] : memref<4x2x128xi32, #tpu.memory_space<vmem>> -> memref<1x1x128xi32, #tpu.memory_space<vmem>>
          %dma_wait3A_453 = tpu.memref_squeeze %dma_wait3A_452 : memref<1x1x128xi32, #tpu.memory_space<vmem>> -> memref<128xi32, #tpu.memory_space<vmem>>
          %dma_wait3A_454 = tpu.memref_slice %arg3[%add3A_448] : memref<320000xi32, #tpu.memory_space<hbm>> -> memref<128xi32, #tpu.memory_space<hbm>>
          %dma_wait3A_455 = arith.constant 0 : i32
          %dma_wait3A_456 = tpu.memref_slice %arg6[%dma_wait3A_449, %dma_wait3A_450, %dma_wait3A_455] : memref<4x2x128xi32, #tpu.memory_space<vmem>> -> memref<1x1x128xi32, #tpu.memory_space<vmem>>
          %dma_wait3A_457 = tpu.memref_squeeze %dma_wait3A_456 : memref<1x1x128xi32, #tpu.memory_space<vmem>> -> memref<128xi32, #tpu.memory_space<vmem>>
          %dma_wait3A_458 = tpu.memref_slice %arg3[%add3A_448] : memref<320000xi32, #tpu.memory_space<hbm>> -> memref<128xi32, #tpu.memory_space<hbm>>
          tpu.wait_dma2 semaphore(%arg11 : memref<!tpu.dma_semaphore, #tpu.memory_space<semaphore_mem>>) src(%dma_wait3A_458 : memref<128xi32, #tpu.memory_space<hbm>>) dst(%dma_wait3A_457 : memref<128xi32, #tpu.memory_space<vmem>>)
          %dma_wait3A_459 = arith.constant 2 : i32
          %dma_wait3A_460 = arith.constant 1 : i32
          %dma_wait3A_461 = arith.constant 0 : i32
          %dma_wait3A_462 = tpu.memref_slice %arg6[%dma_wait3A_459, %dma_wait3A_460, %dma_wait3A_461] : memref<4x2x128xi32, #tpu.memory_space<vmem>> -> memref<1x1x128xi32, #tpu.memory_space<vmem>>
          %dma_wait3A_463 = tpu.memref_squeeze %dma_wait3A_462 : memref<1x1x128xi32, #tpu.memory_space<vmem>> -> memref<128xi32, #tpu.memory_space<vmem>>
          %dma_wait3A_464 = tpu.memref_slice %arg4[%add3A_448] : memref<320000xi32, #tpu.memory_space<hbm>> -> memref<128xi32, #tpu.memory_space<hbm>>
          %dma_wait3A_465 = arith.constant 0 : i32
          %dma_wait3A_466 = tpu.memref_slice %arg6[%dma_wait3A_459, %dma_wait3A_460, %dma_wait3A_465] : memref<4x2x128xi32, #tpu.memory_space<vmem>> -> memref<1x1x128xi32, #tpu.memory_space<vmem>>
          %dma_wait3A_467 = tpu.memref_squeeze %dma_wait3A_466 : memref<1x1x128xi32, #tpu.memory_space<vmem>> -> memref<128xi32, #tpu.memory_space<vmem>>
          %dma_wait3A_468 = tpu.memref_slice %arg4[%add3A_448] : memref<320000xi32, #tpu.memory_space<hbm>> -> memref<128xi32, #tpu.memory_space<hbm>>
          tpu.wait_dma2 semaphore(%arg11 : memref<!tpu.dma_semaphore, #tpu.memory_space<semaphore_mem>>) src(%dma_wait3A_468 : memref<128xi32, #tpu.memory_space<hbm>>) dst(%dma_wait3A_467 : memref<128xi32, #tpu.memory_space<vmem>>)
          %dma_start3A_469 = arith.constant 2 : i32
          %dma_start3A_470 = arith.constant 0 : i32
          %dma_start3A_471 = arith.constant 1 : i32
          %dma_start3A_472 = arith.constant 0 : i32
          %dma_start3A_473 = arith.constant 0 : i32
          %dma_start3A_474 = tpu.memref_slice %arg7[%dma_start3A_471, %dma_start3A_472, %dma_start3A_473] : memref<3x128x128xf32, #tpu.memory_space<vmem>> -> memref<1x128x128xf32, #tpu.memory_space<vmem>>
          %dma_start3A_475 = tpu.memref_squeeze %dma_start3A_474 : memref<1x128x128xf32, #tpu.memory_space<vmem>> -> memref<128x128xf32, #tpu.memory_space<vmem>>
          %dma_start3A_476 = arith.constant 0 : i32
          %dma_start3A_477 = tpu.memref_slice %arg6[%dma_start3A_469, %dma_start3A_470, %dma_start3A_476] : memref<4x2x128xi32, #tpu.memory_space<vmem>> -> memref<1x1x128xi32, #tpu.memory_space<vmem>>
          %dma_start3A_478 = tpu.memref_squeeze %dma_start3A_477 : memref<1x1x128xi32, #tpu.memory_space<vmem>> -> memref<128xi32, #tpu.memory_space<vmem>>
          %dma_start3A_479 = arith.constant 0 : i32
          %dma_start3A_480 = arith.constant 0 : i32
          %dma_start3A_481 = tpu.memref_slice %arg2[%dma_start3A_479, %dma_start3A_480] : memref<10000x128xf32, #tpu.memory_space<hbm>> -> memref<10000x128xf32, #tpu.memory_space<hbm>>
          tpu.enqueue_indirect_dma source(%dma_start3A_481 : memref<10000x128xf32, #tpu.memory_space<hbm>>) target(%dma_start3A_475 : memref<128x128xf32, #tpu.memory_space<vmem>>) offsets(%dma_start3A_478 : memref<128xi32, #tpu.memory_space<vmem>>) semaphore(%arg14 : memref<!tpu.dma_semaphore, #tpu.memory_space<semaphore_mem>>)
        } else {
        }
      } else {
      }
      %add3A_370 = arith.constant 9 : i32
      %add3A_371 = arith.addi %add3A_267, %add3A_370 : i32
      %lt3A_372 = arith.constant 78 : i32
      %lt3A_373 = arith.cmpi slt, %add3A_371, %lt3A_372 : i32
      %convert_element_type3A_374 = arith.extui %lt3A_373 : i1 to i32
      %cond3A_375 = arith.constant 0 : i32
      %cond3A_376 = arith.cmpi ne, %convert_element_type3A_374, %cond3A_375 : i32
      scf.if %cond3A_376 {
        %dma_wait3A_391 = arith.constant 1 : i32
        %dma_wait3A_392 = arith.constant 0 : i32
        %dma_wait3A_393 = arith.constant 0 : i32
        %dma_wait3A_394 = arith.constant 0 : i32
        %dma_wait3A_395 = arith.constant 0 : i32
        %dma_wait3A_396 = tpu.memref_slice %arg7[%dma_wait3A_393, %dma_wait3A_394, %dma_wait3A_395] : memref<3x128x128xf32, #tpu.memory_space<vmem>> -> memref<1x128x128xf32, #tpu.memory_space<vmem>>
        %dma_wait3A_397 = tpu.memref_squeeze %dma_wait3A_396 : memref<1x128x128xf32, #tpu.memory_space<vmem>> -> memref<128x128xf32, #tpu.memory_space<vmem>>
        %dma_wait3A_398 = arith.constant 0 : i32
        %dma_wait3A_399 = tpu.memref_slice %arg6[%dma_wait3A_391, %dma_wait3A_392, %dma_wait3A_398] : memref<4x2x128xi32, #tpu.memory_space<vmem>> -> memref<1x1x128xi32, #tpu.memory_space<vmem>>
        %dma_wait3A_400 = tpu.memref_squeeze %dma_wait3A_399 : memref<1x1x128xi32, #tpu.memory_space<vmem>> -> memref<128xi32, #tpu.memory_space<vmem>>
        %dma_wait3A_401 = arith.constant 0 : i32
        %dma_wait3A_402 = arith.constant 0 : i32
        %dma_wait3A_403 = tpu.memref_slice %arg2[%dma_wait3A_401, %dma_wait3A_402] : memref<10000x128xf32, #tpu.memory_space<hbm>> -> memref<10000x128xf32, #tpu.memory_space<hbm>>
        tpu.wait_indirect_dma semaphore(%arg13 : memref<!tpu.dma_semaphore, #tpu.memory_space<semaphore_mem>>) src(%dma_wait3A_403 : memref<10000x128xf32, #tpu.memory_space<hbm>>) dst(%dma_wait3A_397 : memref<128x128xf32, #tpu.memory_space<vmem>>)
        %dma_start3A_404 = arith.constant 0 : i32
        %dma_start3A_405 = arith.constant 1 : i32
        %dma_start3A_406 = arith.constant 1 : i32
        %dma_start3A_407 = arith.constant 0 : i32
        %dma_start3A_408 = arith.constant 0 : i32
        %dma_start3A_409 = tpu.memref_slice %arg7[%dma_start3A_404, %dma_start3A_407, %dma_start3A_408] : memref<3x128x128xf32, #tpu.memory_space<vmem>> -> memref<1x128x128xf32, #tpu.memory_space<vmem>>
        %dma_start3A_410 = tpu.memref_squeeze %dma_start3A_409 : memref<1x128x128xf32, #tpu.memory_space<vmem>> -> memref<128x128xf32, #tpu.memory_space<vmem>>
        %dma_start3A_411 = arith.constant 0 : i32
        %dma_start3A_412 = tpu.memref_slice %arg6[%dma_start3A_405, %dma_start3A_406, %dma_start3A_411] : memref<4x2x128xi32, #tpu.memory_space<vmem>> -> memref<1x1x128xi32, #tpu.memory_space<vmem>>
        %dma_start3A_413 = tpu.memref_squeeze %dma_start3A_412 : memref<1x1x128xi32, #tpu.memory_space<vmem>> -> memref<128xi32, #tpu.memory_space<vmem>>
        %dma_start3A_414 = arith.constant 0 : i32
        %dma_start3A_415 = arith.constant 0 : i32
        %dma_start3A_416 = tpu.memref_slice %arg8[%dma_start3A_414, %dma_start3A_415] : memref<10000x128xf32, #tpu.memory_space<vmem_shared>> -> memref<10000x128xf32, #tpu.memory_space<vmem_shared>>
        tpu.enqueue_indirect_dma source(%dma_start3A_410 : memref<128x128xf32, #tpu.memory_space<vmem>>) target(%dma_start3A_416 : memref<10000x128xf32, #tpu.memory_space<vmem_shared>>) offsets(%dma_start3A_413 : memref<128xi32, #tpu.memory_space<vmem>>) semaphore(%arg16 : memref<!tpu.dma_semaphore, #tpu.memory_space<semaphore_mem>>) {add = true}
        %dma_wait3A_417 = arith.constant 2 : i32
        %dma_wait3A_418 = arith.constant 0 : i32
        %dma_wait3A_419 = arith.constant 1 : i32
        %dma_wait3A_420 = arith.constant 0 : i32
        %dma_wait3A_421 = arith.constant 0 : i32
        %dma_wait3A_422 = tpu.memref_slice %arg7[%dma_wait3A_417, %dma_wait3A_420, %dma_wait3A_421] : memref<3x128x128xf32, #tpu.memory_space<vmem>> -> memref<1x128x128xf32, #tpu.memory_space<vmem>>
        %dma_wait3A_423 = tpu.memref_squeeze %dma_wait3A_422 : memref<1x128x128xf32, #tpu.memory_space<vmem>> -> memref<128x128xf32, #tpu.memory_space<vmem>>
        %dma_wait3A_424 = arith.constant 0 : i32
        %dma_wait3A_425 = tpu.memref_slice %arg6[%dma_wait3A_418, %dma_wait3A_419, %dma_wait3A_424] : memref<4x2x128xi32, #tpu.memory_space<vmem>> -> memref<1x1x128xi32, #tpu.memory_space<vmem>>
        %dma_wait3A_426 = tpu.memref_squeeze %dma_wait3A_425 : memref<1x1x128xi32, #tpu.memory_space<vmem>> -> memref<128xi32, #tpu.memory_space<vmem>>
        %dma_wait3A_427 = arith.constant 0 : i32
        %dma_wait3A_428 = arith.constant 0 : i32
        %dma_wait3A_429 = tpu.memref_slice %arg8[%dma_wait3A_427, %dma_wait3A_428] : memref<10000x128xf32, #tpu.memory_space<vmem_shared>> -> memref<10000x128xf32, #tpu.memory_space<vmem_shared>>
        tpu.wait_indirect_dma semaphore(%arg18 : memref<!tpu.dma_semaphore, #tpu.memory_space<semaphore_mem>>) src(%dma_wait3A_423 : memref<128x128xf32, #tpu.memory_space<vmem>>) dst(%dma_wait3A_429 : memref<10000x128xf32, #tpu.memory_space<vmem_shared>>)
        %add3A_430 = arith.constant 3 : i32
        %add3A_431 = arith.addi %add3A_371, %add3A_430 : i32
        %lt3A_432 = arith.constant 78 : i32
        %lt3A_433 = arith.cmpi slt, %add3A_431, %lt3A_432 : i32
        %convert_element_type3A_434 = arith.extui %lt3A_433 : i1 to i32
        %cond3A_435 = arith.constant 0 : i32
        %cond3A_436 = arith.cmpi ne, %convert_element_type3A_434, %cond3A_435 : i32
        scf.if %cond3A_436 {
          %add3A_444 = arith.constant 3 : i32
          %add3A_445 = arith.addi %add3A_371, %add3A_444 : i32
          %mul3A_446 = arith.constant 128 : i32
          %mul3A_447 = arith.muli %add3A_445, %mul3A_446 : i32
          %add3A_448 = arith.addi %mul3A_2, %mul3A_447 : i32
          %dma_start3A_449 = arith.constant 0 : i32
          %dma_start3A_450 = arith.constant 0 : i32
          %dma_start3A_451 = arith.constant 0 : i32
          %dma_start3A_452 = tpu.memref_slice %arg6[%dma_start3A_449, %dma_start3A_450, %dma_start3A_451] : memref<4x2x128xi32, #tpu.memory_space<vmem>> -> memref<1x1x128xi32, #tpu.memory_space<vmem>>
          %dma_start3A_453 = tpu.memref_squeeze %dma_start3A_452 : memref<1x1x128xi32, #tpu.memory_space<vmem>> -> memref<128xi32, #tpu.memory_space<vmem>>
          %dma_start3A_454 = tpu.memref_slice %arg3[%add3A_448] : memref<320000xi32, #tpu.memory_space<hbm>> -> memref<128xi32, #tpu.memory_space<hbm>>
          %dma_start3A_455 = arith.constant 0 : i32
          %dma_start3A_456 = tpu.memref_slice %arg6[%dma_start3A_449, %dma_start3A_450, %dma_start3A_455] : memref<4x2x128xi32, #tpu.memory_space<vmem>> -> memref<1x1x128xi32, #tpu.memory_space<vmem>>
          %dma_start3A_457 = tpu.memref_squeeze %dma_start3A_456 : memref<1x1x128xi32, #tpu.memory_space<vmem>> -> memref<128xi32, #tpu.memory_space<vmem>>
          %dma_start3A_458 = tpu.memref_slice %arg3[%add3A_448] : memref<320000xi32, #tpu.memory_space<hbm>> -> memref<128xi32, #tpu.memory_space<hbm>>
          tpu.enqueue_dma source(%dma_start3A_458 : memref<128xi32, #tpu.memory_space<hbm>>) target(%dma_start3A_457 : memref<128xi32, #tpu.memory_space<vmem>>) target_semaphore(%arg9 : memref<!tpu.dma_semaphore, #tpu.memory_space<semaphore_mem>>)
          %dma_start3A_459 = arith.constant 0 : i32
          %dma_start3A_460 = arith.constant 1 : i32
          %dma_start3A_461 = arith.constant 0 : i32
          %dma_start3A_462 = tpu.memref_slice %arg6[%dma_start3A_459, %dma_start3A_460, %dma_start3A_461] : memref<4x2x128xi32, #tpu.memory_space<vmem>> -> memref<1x1x128xi32, #tpu.memory_space<vmem>>
          %dma_start3A_463 = tpu.memref_squeeze %dma_start3A_462 : memref<1x1x128xi32, #tpu.memory_space<vmem>> -> memref<128xi32, #tpu.memory_space<vmem>>
          %dma_start3A_464 = tpu.memref_slice %arg4[%add3A_448] : memref<320000xi32, #tpu.memory_space<hbm>> -> memref<128xi32, #tpu.memory_space<hbm>>
          %dma_start3A_465 = arith.constant 0 : i32
          %dma_start3A_466 = tpu.memref_slice %arg6[%dma_start3A_459, %dma_start3A_460, %dma_start3A_465] : memref<4x2x128xi32, #tpu.memory_space<vmem>> -> memref<1x1x128xi32, #tpu.memory_space<vmem>>
          %dma_start3A_467 = tpu.memref_squeeze %dma_start3A_466 : memref<1x1x128xi32, #tpu.memory_space<vmem>> -> memref<128xi32, #tpu.memory_space<vmem>>
          %dma_start3A_468 = tpu.memref_slice %arg4[%add3A_448] : memref<320000xi32, #tpu.memory_space<hbm>> -> memref<128xi32, #tpu.memory_space<hbm>>
          tpu.enqueue_dma source(%dma_start3A_468 : memref<128xi32, #tpu.memory_space<hbm>>) target(%dma_start3A_467 : memref<128xi32, #tpu.memory_space<vmem>>) target_semaphore(%arg9 : memref<!tpu.dma_semaphore, #tpu.memory_space<semaphore_mem>>)
        } else {
        }
        %add3A_437 = arith.constant 2 : i32
        %add3A_438 = arith.addi %add3A_371, %add3A_437 : i32
        %lt3A_439 = arith.constant 78 : i32
        %lt3A_440 = arith.cmpi slt, %add3A_438, %lt3A_439 : i32
        %convert_element_type3A_441 = arith.extui %lt3A_440 : i1 to i32
        %cond3A_442 = arith.constant 0 : i32
        %cond3A_443 = arith.cmpi ne, %convert_element_type3A_441, %cond3A_442 : i32
        scf.if %cond3A_443 {
          %add3A_444 = arith.constant 2 : i32
          %add3A_445 = arith.addi %add3A_371, %add3A_444 : i32
          %mul3A_446 = arith.constant 128 : i32
          %mul3A_447 = arith.muli %add3A_445, %mul3A_446 : i32
          %add3A_448 = arith.addi %mul3A_2, %mul3A_447 : i32
          %dma_wait3A_449 = arith.constant 3 : i32
          %dma_wait3A_450 = arith.constant 0 : i32
          %dma_wait3A_451 = arith.constant 0 : i32
          %dma_wait3A_452 = tpu.memref_slice %arg6[%dma_wait3A_449, %dma_wait3A_450, %dma_wait3A_451] : memref<4x2x128xi32, #tpu.memory_space<vmem>> -> memref<1x1x128xi32, #tpu.memory_space<vmem>>
          %dma_wait3A_453 = tpu.memref_squeeze %dma_wait3A_452 : memref<1x1x128xi32, #tpu.memory_space<vmem>> -> memref<128xi32, #tpu.memory_space<vmem>>
          %dma_wait3A_454 = tpu.memref_slice %arg3[%add3A_448] : memref<320000xi32, #tpu.memory_space<hbm>> -> memref<128xi32, #tpu.memory_space<hbm>>
          %dma_wait3A_455 = arith.constant 0 : i32
          %dma_wait3A_456 = tpu.memref_slice %arg6[%dma_wait3A_449, %dma_wait3A_450, %dma_wait3A_455] : memref<4x2x128xi32, #tpu.memory_space<vmem>> -> memref<1x1x128xi32, #tpu.memory_space<vmem>>
          %dma_wait3A_457 = tpu.memref_squeeze %dma_wait3A_456 : memref<1x1x128xi32, #tpu.memory_space<vmem>> -> memref<128xi32, #tpu.memory_space<vmem>>
          %dma_wait3A_458 = tpu.memref_slice %arg3[%add3A_448] : memref<320000xi32, #tpu.memory_space<hbm>> -> memref<128xi32, #tpu.memory_space<hbm>>
          tpu.wait_dma2 semaphore(%arg12 : memref<!tpu.dma_semaphore, #tpu.memory_space<semaphore_mem>>) src(%dma_wait3A_458 : memref<128xi32, #tpu.memory_space<hbm>>) dst(%dma_wait3A_457 : memref<128xi32, #tpu.memory_space<vmem>>)
          %dma_wait3A_459 = arith.constant 3 : i32
          %dma_wait3A_460 = arith.constant 1 : i32
          %dma_wait3A_461 = arith.constant 0 : i32
          %dma_wait3A_462 = tpu.memref_slice %arg6[%dma_wait3A_459, %dma_wait3A_460, %dma_wait3A_461] : memref<4x2x128xi32, #tpu.memory_space<vmem>> -> memref<1x1x128xi32, #tpu.memory_space<vmem>>
          %dma_wait3A_463 = tpu.memref_squeeze %dma_wait3A_462 : memref<1x1x128xi32, #tpu.memory_space<vmem>> -> memref<128xi32, #tpu.memory_space<vmem>>
          %dma_wait3A_464 = tpu.memref_slice %arg4[%add3A_448] : memref<320000xi32, #tpu.memory_space<hbm>> -> memref<128xi32, #tpu.memory_space<hbm>>
          %dma_wait3A_465 = arith.constant 0 : i32
          %dma_wait3A_466 = tpu.memref_slice %arg6[%dma_wait3A_459, %dma_wait3A_460, %dma_wait3A_465] : memref<4x2x128xi32, #tpu.memory_space<vmem>> -> memref<1x1x128xi32, #tpu.memory_space<vmem>>
          %dma_wait3A_467 = tpu.memref_squeeze %dma_wait3A_466 : memref<1x1x128xi32, #tpu.memory_space<vmem>> -> memref<128xi32, #tpu.memory_space<vmem>>
          %dma_wait3A_468 = tpu.memref_slice %arg4[%add3A_448] : memref<320000xi32, #tpu.memory_space<hbm>> -> memref<128xi32, #tpu.memory_space<hbm>>
          tpu.wait_dma2 semaphore(%arg12 : memref<!tpu.dma_semaphore, #tpu.memory_space<semaphore_mem>>) src(%dma_wait3A_468 : memref<128xi32, #tpu.memory_space<hbm>>) dst(%dma_wait3A_467 : memref<128xi32, #tpu.memory_space<vmem>>)
          %dma_start3A_469 = arith.constant 3 : i32
          %dma_start3A_470 = arith.constant 0 : i32
          %dma_start3A_471 = arith.constant 2 : i32
          %dma_start3A_472 = arith.constant 0 : i32
          %dma_start3A_473 = arith.constant 0 : i32
          %dma_start3A_474 = tpu.memref_slice %arg7[%dma_start3A_471, %dma_start3A_472, %dma_start3A_473] : memref<3x128x128xf32, #tpu.memory_space<vmem>> -> memref<1x128x128xf32, #tpu.memory_space<vmem>>
          %dma_start3A_475 = tpu.memref_squeeze %dma_start3A_474 : memref<1x128x128xf32, #tpu.memory_space<vmem>> -> memref<128x128xf32, #tpu.memory_space<vmem>>
          %dma_start3A_476 = arith.constant 0 : i32
          %dma_start3A_477 = tpu.memref_slice %arg6[%dma_start3A_469, %dma_start3A_470, %dma_start3A_476] : memref<4x2x128xi32, #tpu.memory_space<vmem>> -> memref<1x1x128xi32, #tpu.memory_space<vmem>>
          %dma_start3A_478 = tpu.memref_squeeze %dma_start3A_477 : memref<1x1x128xi32, #tpu.memory_space<vmem>> -> memref<128xi32, #tpu.memory_space<vmem>>
          %dma_start3A_479 = arith.constant 0 : i32
          %dma_start3A_480 = arith.constant 0 : i32
          %dma_start3A_481 = tpu.memref_slice %arg2[%dma_start3A_479, %dma_start3A_480] : memref<10000x128xf32, #tpu.memory_space<hbm>> -> memref<10000x128xf32, #tpu.memory_space<hbm>>
          tpu.enqueue_indirect_dma source(%dma_start3A_481 : memref<10000x128xf32, #tpu.memory_space<hbm>>) target(%dma_start3A_475 : memref<128x128xf32, #tpu.memory_space<vmem>>) offsets(%dma_start3A_478 : memref<128xi32, #tpu.memory_space<vmem>>) semaphore(%arg15 : memref<!tpu.dma_semaphore, #tpu.memory_space<semaphore_mem>>)
        } else {
        }
      } else {
      }
      %add3A_377 = arith.constant 10 : i32
      %add3A_378 = arith.addi %add3A_267, %add3A_377 : i32
      %lt3A_379 = arith.constant 78 : i32
      %lt3A_380 = arith.cmpi slt, %add3A_378, %lt3A_379 : i32
      %convert_element_type3A_381 = arith.extui %lt3A_380 : i1 to i32
      %cond3A_382 = arith.constant 0 : i32
      %cond3A_383 = arith.cmpi ne, %convert_element_type3A_381, %cond3A_382 : i32
      scf.if %cond3A_383 {
        %dma_wait3A_391 = arith.constant 2 : i32
        %dma_wait3A_392 = arith.constant 0 : i32
        %dma_wait3A_393 = arith.constant 1 : i32
        %dma_wait3A_394 = arith.constant 0 : i32
        %dma_wait3A_395 = arith.constant 0 : i32
        %dma_wait3A_396 = tpu.memref_slice %arg7[%dma_wait3A_393, %dma_wait3A_394, %dma_wait3A_395] : memref<3x128x128xf32, #tpu.memory_space<vmem>> -> memref<1x128x128xf32, #tpu.memory_space<vmem>>
        %dma_wait3A_397 = tpu.memref_squeeze %dma_wait3A_396 : memref<1x128x128xf32, #tpu.memory_space<vmem>> -> memref<128x128xf32, #tpu.memory_space<vmem>>
        %dma_wait3A_398 = arith.constant 0 : i32
        %dma_wait3A_399 = tpu.memref_slice %arg6[%dma_wait3A_391, %dma_wait3A_392, %dma_wait3A_398] : memref<4x2x128xi32, #tpu.memory_space<vmem>> -> memref<1x1x128xi32, #tpu.memory_space<vmem>>
        %dma_wait3A_400 = tpu.memref_squeeze %dma_wait3A_399 : memref<1x1x128xi32, #tpu.memory_space<vmem>> -> memref<128xi32, #tpu.memory_space<vmem>>
        %dma_wait3A_401 = arith.constant 0 : i32
        %dma_wait3A_402 = arith.constant 0 : i32
        %dma_wait3A_403 = tpu.memref_slice %arg2[%dma_wait3A_401, %dma_wait3A_402] : memref<10000x128xf32, #tpu.memory_space<hbm>> -> memref<10000x128xf32, #tpu.memory_space<hbm>>
        tpu.wait_indirect_dma semaphore(%arg14 : memref<!tpu.dma_semaphore, #tpu.memory_space<semaphore_mem>>) src(%dma_wait3A_403 : memref<10000x128xf32, #tpu.memory_space<hbm>>) dst(%dma_wait3A_397 : memref<128x128xf32, #tpu.memory_space<vmem>>)
        %dma_start3A_404 = arith.constant 1 : i32
        %dma_start3A_405 = arith.constant 2 : i32
        %dma_start3A_406 = arith.constant 1 : i32
        %dma_start3A_407 = arith.constant 0 : i32
        %dma_start3A_408 = arith.constant 0 : i32
        %dma_start3A_409 = tpu.memref_slice %arg7[%dma_start3A_404, %dma_start3A_407, %dma_start3A_408] : memref<3x128x128xf32, #tpu.memory_space<vmem>> -> memref<1x128x128xf32, #tpu.memory_space<vmem>>
        %dma_start3A_410 = tpu.memref_squeeze %dma_start3A_409 : memref<1x128x128xf32, #tpu.memory_space<vmem>> -> memref<128x128xf32, #tpu.memory_space<vmem>>
        %dma_start3A_411 = arith.constant 0 : i32
        %dma_start3A_412 = tpu.memref_slice %arg6[%dma_start3A_405, %dma_start3A_406, %dma_start3A_411] : memref<4x2x128xi32, #tpu.memory_space<vmem>> -> memref<1x1x128xi32, #tpu.memory_space<vmem>>
        %dma_start3A_413 = tpu.memref_squeeze %dma_start3A_412 : memref<1x1x128xi32, #tpu.memory_space<vmem>> -> memref<128xi32, #tpu.memory_space<vmem>>
        %dma_start3A_414 = arith.constant 0 : i32
        %dma_start3A_415 = arith.constant 0 : i32
        %dma_start3A_416 = tpu.memref_slice %arg8[%dma_start3A_414, %dma_start3A_415] : memref<10000x128xf32, #tpu.memory_space<vmem_shared>> -> memref<10000x128xf32, #tpu.memory_space<vmem_shared>>
        tpu.enqueue_indirect_dma source(%dma_start3A_410 : memref<128x128xf32, #tpu.memory_space<vmem>>) target(%dma_start3A_416 : memref<10000x128xf32, #tpu.memory_space<vmem_shared>>) offsets(%dma_start3A_413 : memref<128xi32, #tpu.memory_space<vmem>>) semaphore(%arg17 : memref<!tpu.dma_semaphore, #tpu.memory_space<semaphore_mem>>) {add = true}
        %dma_wait3A_417 = arith.constant 0 : i32
        %dma_wait3A_418 = arith.constant 1 : i32
        %dma_wait3A_419 = arith.constant 1 : i32
        %dma_wait3A_420 = arith.constant 0 : i32
        %dma_wait3A_421 = arith.constant 0 : i32
        %dma_wait3A_422 = tpu.memref_slice %arg7[%dma_wait3A_417, %dma_wait3A_420, %dma_wait3A_421] : memref<3x128x128xf32, #tpu.memory_space<vmem>> -> memref<1x128x128xf32, #tpu.memory_space<vmem>>
        %dma_wait3A_423 = tpu.memref_squeeze %dma_wait3A_422 : memref<1x128x128xf32, #tpu.memory_space<vmem>> -> memref<128x128xf32, #tpu.memory_space<vmem>>
        %dma_wait3A_424 = arith.constant 0 : i32
        %dma_wait3A_425 = tpu.memref_slice %arg6[%dma_wait3A_418, %dma_wait3A_419, %dma_wait3A_424] : memref<4x2x128xi32, #tpu.memory_space<vmem>> -> memref<1x1x128xi32, #tpu.memory_space<vmem>>
        %dma_wait3A_426 = tpu.memref_squeeze %dma_wait3A_425 : memref<1x1x128xi32, #tpu.memory_space<vmem>> -> memref<128xi32, #tpu.memory_space<vmem>>
        %dma_wait3A_427 = arith.constant 0 : i32
        %dma_wait3A_428 = arith.constant 0 : i32
        %dma_wait3A_429 = tpu.memref_slice %arg8[%dma_wait3A_427, %dma_wait3A_428] : memref<10000x128xf32, #tpu.memory_space<vmem_shared>> -> memref<10000x128xf32, #tpu.memory_space<vmem_shared>>
        tpu.wait_indirect_dma semaphore(%arg16 : memref<!tpu.dma_semaphore, #tpu.memory_space<semaphore_mem>>) src(%dma_wait3A_423 : memref<128x128xf32, #tpu.memory_space<vmem>>) dst(%dma_wait3A_429 : memref<10000x128xf32, #tpu.memory_space<vmem_shared>>)
        %add3A_430 = arith.constant 3 : i32
        %add3A_431 = arith.addi %add3A_378, %add3A_430 : i32
        %lt3A_432 = arith.constant 78 : i32
        %lt3A_433 = arith.cmpi slt, %add3A_431, %lt3A_432 : i32
        %convert_element_type3A_434 = arith.extui %lt3A_433 : i1 to i32
        %cond3A_435 = arith.constant 0 : i32
        %cond3A_436 = arith.cmpi ne, %convert_element_type3A_434, %cond3A_435 : i32
        scf.if %cond3A_436 {
          %add3A_444 = arith.constant 3 : i32
          %add3A_445 = arith.addi %add3A_378, %add3A_444 : i32
          %mul3A_446 = arith.constant 128 : i32
          %mul3A_447 = arith.muli %add3A_445, %mul3A_446 : i32
          %add3A_448 = arith.addi %mul3A_2, %mul3A_447 : i32
          %dma_start3A_449 = arith.constant 1 : i32
          %dma_start3A_450 = arith.constant 0 : i32
          %dma_start3A_451 = arith.constant 0 : i32
          %dma_start3A_452 = tpu.memref_slice %arg6[%dma_start3A_449, %dma_start3A_450, %dma_start3A_451] : memref<4x2x128xi32, #tpu.memory_space<vmem>> -> memref<1x1x128xi32, #tpu.memory_space<vmem>>
          %dma_start3A_453 = tpu.memref_squeeze %dma_start3A_452 : memref<1x1x128xi32, #tpu.memory_space<vmem>> -> memref<128xi32, #tpu.memory_space<vmem>>
          %dma_start3A_454 = tpu.memref_slice %arg3[%add3A_448] : memref<320000xi32, #tpu.memory_space<hbm>> -> memref<128xi32, #tpu.memory_space<hbm>>
          %dma_start3A_455 = arith.constant 0 : i32
          %dma_start3A_456 = tpu.memref_slice %arg6[%dma_start3A_449, %dma_start3A_450, %dma_start3A_455] : memref<4x2x128xi32, #tpu.memory_space<vmem>> -> memref<1x1x128xi32, #tpu.memory_space<vmem>>
          %dma_start3A_457 = tpu.memref_squeeze %dma_start3A_456 : memref<1x1x128xi32, #tpu.memory_space<vmem>> -> memref<128xi32, #tpu.memory_space<vmem>>
          %dma_start3A_458 = tpu.memref_slice %arg3[%add3A_448] : memref<320000xi32, #tpu.memory_space<hbm>> -> memref<128xi32, #tpu.memory_space<hbm>>
          tpu.enqueue_dma source(%dma_start3A_458 : memref<128xi32, #tpu.memory_space<hbm>>) target(%dma_start3A_457 : memref<128xi32, #tpu.memory_space<vmem>>) target_semaphore(%arg10 : memref<!tpu.dma_semaphore, #tpu.memory_space<semaphore_mem>>)
          %dma_start3A_459 = arith.constant 1 : i32
          %dma_start3A_460 = arith.constant 1 : i32
          %dma_start3A_461 = arith.constant 0 : i32
          %dma_start3A_462 = tpu.memref_slice %arg6[%dma_start3A_459, %dma_start3A_460, %dma_start3A_461] : memref<4x2x128xi32, #tpu.memory_space<vmem>> -> memref<1x1x128xi32, #tpu.memory_space<vmem>>
          %dma_start3A_463 = tpu.memref_squeeze %dma_start3A_462 : memref<1x1x128xi32, #tpu.memory_space<vmem>> -> memref<128xi32, #tpu.memory_space<vmem>>
          %dma_start3A_464 = tpu.memref_slice %arg4[%add3A_448] : memref<320000xi32, #tpu.memory_space<hbm>> -> memref<128xi32, #tpu.memory_space<hbm>>
          %dma_start3A_465 = arith.constant 0 : i32
          %dma_start3A_466 = tpu.memref_slice %arg6[%dma_start3A_459, %dma_start3A_460, %dma_start3A_465] : memref<4x2x128xi32, #tpu.memory_space<vmem>> -> memref<1x1x128xi32, #tpu.memory_space<vmem>>
          %dma_start3A_467 = tpu.memref_squeeze %dma_start3A_466 : memref<1x1x128xi32, #tpu.memory_space<vmem>> -> memref<128xi32, #tpu.memory_space<vmem>>
          %dma_start3A_468 = tpu.memref_slice %arg4[%add3A_448] : memref<320000xi32, #tpu.memory_space<hbm>> -> memref<128xi32, #tpu.memory_space<hbm>>
          tpu.enqueue_dma source(%dma_start3A_468 : memref<128xi32, #tpu.memory_space<hbm>>) target(%dma_start3A_467 : memref<128xi32, #tpu.memory_space<vmem>>) target_semaphore(%arg10 : memref<!tpu.dma_semaphore, #tpu.memory_space<semaphore_mem>>)
        } else {
        }
        %add3A_437 = arith.constant 2 : i32
        %add3A_438 = arith.addi %add3A_378, %add3A_437 : i32
        %lt3A_439 = arith.constant 78 : i32
        %lt3A_440 = arith.cmpi slt, %add3A_438, %lt3A_439 : i32
        %convert_element_type3A_441 = arith.extui %lt3A_440 : i1 to i32
        %cond3A_442 = arith.constant 0 : i32
        %cond3A_443 = arith.cmpi ne, %convert_element_type3A_441, %cond3A_442 : i32
        scf.if %cond3A_443 {
          %add3A_444 = arith.constant 2 : i32
          %add3A_445 = arith.addi %add3A_378, %add3A_444 : i32
          %mul3A_446 = arith.constant 128 : i32
          %mul3A_447 = arith.muli %add3A_445, %mul3A_446 : i32
          %add3A_448 = arith.addi %mul3A_2, %mul3A_447 : i32
          %dma_wait3A_449 = arith.constant 0 : i32
          %dma_wait3A_450 = arith.constant 0 : i32
          %dma_wait3A_451 = arith.constant 0 : i32
          %dma_wait3A_452 = tpu.memref_slice %arg6[%dma_wait3A_449, %dma_wait3A_450, %dma_wait3A_451] : memref<4x2x128xi32, #tpu.memory_space<vmem>> -> memref<1x1x128xi32, #tpu.memory_space<vmem>>
          %dma_wait3A_453 = tpu.memref_squeeze %dma_wait3A_452 : memref<1x1x128xi32, #tpu.memory_space<vmem>> -> memref<128xi32, #tpu.memory_space<vmem>>
          %dma_wait3A_454 = tpu.memref_slice %arg3[%add3A_448] : memref<320000xi32, #tpu.memory_space<hbm>> -> memref<128xi32, #tpu.memory_space<hbm>>
          %dma_wait3A_455 = arith.constant 0 : i32
          %dma_wait3A_456 = tpu.memref_slice %arg6[%dma_wait3A_449, %dma_wait3A_450, %dma_wait3A_455] : memref<4x2x128xi32, #tpu.memory_space<vmem>> -> memref<1x1x128xi32, #tpu.memory_space<vmem>>
          %dma_wait3A_457 = tpu.memref_squeeze %dma_wait3A_456 : memref<1x1x128xi32, #tpu.memory_space<vmem>> -> memref<128xi32, #tpu.memory_space<vmem>>
          %dma_wait3A_458 = tpu.memref_slice %arg3[%add3A_448] : memref<320000xi32, #tpu.memory_space<hbm>> -> memref<128xi32, #tpu.memory_space<hbm>>
          tpu.wait_dma2 semaphore(%arg9 : memref<!tpu.dma_semaphore, #tpu.memory_space<semaphore_mem>>) src(%dma_wait3A_458 : memref<128xi32, #tpu.memory_space<hbm>>) dst(%dma_wait3A_457 : memref<128xi32, #tpu.memory_space<vmem>>)
          %dma_wait3A_459 = arith.constant 0 : i32
          %dma_wait3A_460 = arith.constant 1 : i32
          %dma_wait3A_461 = arith.constant 0 : i32
          %dma_wait3A_462 = tpu.memref_slice %arg6[%dma_wait3A_459, %dma_wait3A_460, %dma_wait3A_461] : memref<4x2x128xi32, #tpu.memory_space<vmem>> -> memref<1x1x128xi32, #tpu.memory_space<vmem>>
          %dma_wait3A_463 = tpu.memref_squeeze %dma_wait3A_462 : memref<1x1x128xi32, #tpu.memory_space<vmem>> -> memref<128xi32, #tpu.memory_space<vmem>>
          %dma_wait3A_464 = tpu.memref_slice %arg4[%add3A_448] : memref<320000xi32, #tpu.memory_space<hbm>> -> memref<128xi32, #tpu.memory_space<hbm>>
          %dma_wait3A_465 = arith.constant 0 : i32
          %dma_wait3A_466 = tpu.memref_slice %arg6[%dma_wait3A_459, %dma_wait3A_460, %dma_wait3A_465] : memref<4x2x128xi32, #tpu.memory_space<vmem>> -> memref<1x1x128xi32, #tpu.memory_space<vmem>>
          %dma_wait3A_467 = tpu.memref_squeeze %dma_wait3A_466 : memref<1x1x128xi32, #tpu.memory_space<vmem>> -> memref<128xi32, #tpu.memory_space<vmem>>
          %dma_wait3A_468 = tpu.memref_slice %arg4[%add3A_448] : memref<320000xi32, #tpu.memory_space<hbm>> -> memref<128xi32, #tpu.memory_space<hbm>>
          tpu.wait_dma2 semaphore(%arg9 : memref<!tpu.dma_semaphore, #tpu.memory_space<semaphore_mem>>) src(%dma_wait3A_468 : memref<128xi32, #tpu.memory_space<hbm>>) dst(%dma_wait3A_467 : memref<128xi32, #tpu.memory_space<vmem>>)
          %dma_start3A_469 = arith.constant 0 : i32
          %dma_start3A_470 = arith.constant 0 : i32
          %dma_start3A_471 = arith.constant 0 : i32
          %dma_start3A_472 = arith.constant 0 : i32
          %dma_start3A_473 = arith.constant 0 : i32
          %dma_start3A_474 = tpu.memref_slice %arg7[%dma_start3A_471, %dma_start3A_472, %dma_start3A_473] : memref<3x128x128xf32, #tpu.memory_space<vmem>> -> memref<1x128x128xf32, #tpu.memory_space<vmem>>
          %dma_start3A_475 = tpu.memref_squeeze %dma_start3A_474 : memref<1x128x128xf32, #tpu.memory_space<vmem>> -> memref<128x128xf32, #tpu.memory_space<vmem>>
          %dma_start3A_476 = arith.constant 0 : i32
          %dma_start3A_477 = tpu.memref_slice %arg6[%dma_start3A_469, %dma_start3A_470, %dma_start3A_476] : memref<4x2x128xi32, #tpu.memory_space<vmem>> -> memref<1x1x128xi32, #tpu.memory_space<vmem>>
          %dma_start3A_478 = tpu.memref_squeeze %dma_start3A_477 : memref<1x1x128xi32, #tpu.memory_space<vmem>> -> memref<128xi32, #tpu.memory_space<vmem>>
          %dma_start3A_479 = arith.constant 0 : i32
          %dma_start3A_480 = arith.constant 0 : i32
          %dma_start3A_481 = tpu.memref_slice %arg2[%dma_start3A_479, %dma_start3A_480] : memref<10000x128xf32, #tpu.memory_space<hbm>> -> memref<10000x128xf32, #tpu.memory_space<hbm>>
          tpu.enqueue_indirect_dma source(%dma_start3A_481 : memref<10000x128xf32, #tpu.memory_space<hbm>>) target(%dma_start3A_475 : memref<128x128xf32, #tpu.memory_space<vmem>>) offsets(%dma_start3A_478 : memref<128xi32, #tpu.memory_space<vmem>>) semaphore(%arg13 : memref<!tpu.dma_semaphore, #tpu.memory_space<semaphore_mem>>)
        } else {
        }
      } else {
      }
      %add3A_384 = arith.constant 11 : i32
      %add3A_385 = arith.addi %add3A_267, %add3A_384 : i32
      %lt3A_386 = arith.constant 78 : i32
      %lt3A_387 = arith.cmpi slt, %add3A_385, %lt3A_386 : i32
      %convert_element_type3A_388 = arith.extui %lt3A_387 : i1 to i32
      %cond3A_389 = arith.constant 0 : i32
      %cond3A_390 = arith.cmpi ne, %convert_element_type3A_388, %cond3A_389 : i32
      scf.if %cond3A_390 {
        %dma_wait3A_391 = arith.constant 3 : i32
        %dma_wait3A_392 = arith.constant 0 : i32
        %dma_wait3A_393 = arith.constant 2 : i32
        %dma_wait3A_394 = arith.constant 0 : i32
        %dma_wait3A_395 = arith.constant 0 : i32
        %dma_wait3A_396 = tpu.memref_slice %arg7[%dma_wait3A_393, %dma_wait3A_394, %dma_wait3A_395] : memref<3x128x128xf32, #tpu.memory_space<vmem>> -> memref<1x128x128xf32, #tpu.memory_space<vmem>>
        %dma_wait3A_397 = tpu.memref_squeeze %dma_wait3A_396 : memref<1x128x128xf32, #tpu.memory_space<vmem>> -> memref<128x128xf32, #tpu.memory_space<vmem>>
        %dma_wait3A_398 = arith.constant 0 : i32
        %dma_wait3A_399 = tpu.memref_slice %arg6[%dma_wait3A_391, %dma_wait3A_392, %dma_wait3A_398] : memref<4x2x128xi32, #tpu.memory_space<vmem>> -> memref<1x1x128xi32, #tpu.memory_space<vmem>>
        %dma_wait3A_400 = tpu.memref_squeeze %dma_wait3A_399 : memref<1x1x128xi32, #tpu.memory_space<vmem>> -> memref<128xi32, #tpu.memory_space<vmem>>
        %dma_wait3A_401 = arith.constant 0 : i32
        %dma_wait3A_402 = arith.constant 0 : i32
        %dma_wait3A_403 = tpu.memref_slice %arg2[%dma_wait3A_401, %dma_wait3A_402] : memref<10000x128xf32, #tpu.memory_space<hbm>> -> memref<10000x128xf32, #tpu.memory_space<hbm>>
        tpu.wait_indirect_dma semaphore(%arg15 : memref<!tpu.dma_semaphore, #tpu.memory_space<semaphore_mem>>) src(%dma_wait3A_403 : memref<10000x128xf32, #tpu.memory_space<hbm>>) dst(%dma_wait3A_397 : memref<128x128xf32, #tpu.memory_space<vmem>>)
        %dma_start3A_404 = arith.constant 2 : i32
        %dma_start3A_405 = arith.constant 3 : i32
        %dma_start3A_406 = arith.constant 1 : i32
        %dma_start3A_407 = arith.constant 0 : i32
        %dma_start3A_408 = arith.constant 0 : i32
        %dma_start3A_409 = tpu.memref_slice %arg7[%dma_start3A_404, %dma_start3A_407, %dma_start3A_408] : memref<3x128x128xf32, #tpu.memory_space<vmem>> -> memref<1x128x128xf32, #tpu.memory_space<vmem>>
        %dma_start3A_410 = tpu.memref_squeeze %dma_start3A_409 : memref<1x128x128xf32, #tpu.memory_space<vmem>> -> memref<128x128xf32, #tpu.memory_space<vmem>>
        %dma_start3A_411 = arith.constant 0 : i32
        %dma_start3A_412 = tpu.memref_slice %arg6[%dma_start3A_405, %dma_start3A_406, %dma_start3A_411] : memref<4x2x128xi32, #tpu.memory_space<vmem>> -> memref<1x1x128xi32, #tpu.memory_space<vmem>>
        %dma_start3A_413 = tpu.memref_squeeze %dma_start3A_412 : memref<1x1x128xi32, #tpu.memory_space<vmem>> -> memref<128xi32, #tpu.memory_space<vmem>>
        %dma_start3A_414 = arith.constant 0 : i32
        %dma_start3A_415 = arith.constant 0 : i32
        %dma_start3A_416 = tpu.memref_slice %arg8[%dma_start3A_414, %dma_start3A_415] : memref<10000x128xf32, #tpu.memory_space<vmem_shared>> -> memref<10000x128xf32, #tpu.memory_space<vmem_shared>>
        tpu.enqueue_indirect_dma source(%dma_start3A_410 : memref<128x128xf32, #tpu.memory_space<vmem>>) target(%dma_start3A_416 : memref<10000x128xf32, #tpu.memory_space<vmem_shared>>) offsets(%dma_start3A_413 : memref<128xi32, #tpu.memory_space<vmem>>) semaphore(%arg18 : memref<!tpu.dma_semaphore, #tpu.memory_space<semaphore_mem>>) {add = true}
        %dma_wait3A_417 = arith.constant 1 : i32
        %dma_wait3A_418 = arith.constant 2 : i32
        %dma_wait3A_419 = arith.constant 1 : i32
        %dma_wait3A_420 = arith.constant 0 : i32
        %dma_wait3A_421 = arith.constant 0 : i32
        %dma_wait3A_422 = tpu.memref_slice %arg7[%dma_wait3A_417, %dma_wait3A_420, %dma_wait3A_421] : memref<3x128x128xf32, #tpu.memory_space<vmem>> -> memref<1x128x128xf32, #tpu.memory_space<vmem>>
        %dma_wait3A_423 = tpu.memref_squeeze %dma_wait3A_422 : memref<1x128x128xf32, #tpu.memory_space<vmem>> -> memref<128x128xf32, #tpu.memory_space<vmem>>
        %dma_wait3A_424 = arith.constant 0 : i32
        %dma_wait3A_425 = tpu.memref_slice %arg6[%dma_wait3A_418, %dma_wait3A_419, %dma_wait3A_424] : memref<4x2x128xi32, #tpu.memory_space<vmem>> -> memref<1x1x128xi32, #tpu.memory_space<vmem>>
        %dma_wait3A_426 = tpu.memref_squeeze %dma_wait3A_425 : memref<1x1x128xi32, #tpu.memory_space<vmem>> -> memref<128xi32, #tpu.memory_space<vmem>>
        %dma_wait3A_427 = arith.constant 0 : i32
        %dma_wait3A_428 = arith.constant 0 : i32
        %dma_wait3A_429 = tpu.memref_slice %arg8[%dma_wait3A_427, %dma_wait3A_428] : memref<10000x128xf32, #tpu.memory_space<vmem_shared>> -> memref<10000x128xf32, #tpu.memory_space<vmem_shared>>
        tpu.wait_indirect_dma semaphore(%arg17 : memref<!tpu.dma_semaphore, #tpu.memory_space<semaphore_mem>>) src(%dma_wait3A_423 : memref<128x128xf32, #tpu.memory_space<vmem>>) dst(%dma_wait3A_429 : memref<10000x128xf32, #tpu.memory_space<vmem_shared>>)
        %add3A_430 = arith.constant 3 : i32
        %add3A_431 = arith.addi %add3A_385, %add3A_430 : i32
        %lt3A_432 = arith.constant 78 : i32
        %lt3A_433 = arith.cmpi slt, %add3A_431, %lt3A_432 : i32
        %convert_element_type3A_434 = arith.extui %lt3A_433 : i1 to i32
        %cond3A_435 = arith.constant 0 : i32
        %cond3A_436 = arith.cmpi ne, %convert_element_type3A_434, %cond3A_435 : i32
        scf.if %cond3A_436 {
          %add3A_444 = arith.constant 3 : i32
          %add3A_445 = arith.addi %add3A_385, %add3A_444 : i32
          %mul3A_446 = arith.constant 128 : i32
          %mul3A_447 = arith.muli %add3A_445, %mul3A_446 : i32
          %add3A_448 = arith.addi %mul3A_2, %mul3A_447 : i32
          %dma_start3A_449 = arith.constant 2 : i32
          %dma_start3A_450 = arith.constant 0 : i32
          %dma_start3A_451 = arith.constant 0 : i32
          %dma_start3A_452 = tpu.memref_slice %arg6[%dma_start3A_449, %dma_start3A_450, %dma_start3A_451] : memref<4x2x128xi32, #tpu.memory_space<vmem>> -> memref<1x1x128xi32, #tpu.memory_space<vmem>>
          %dma_start3A_453 = tpu.memref_squeeze %dma_start3A_452 : memref<1x1x128xi32, #tpu.memory_space<vmem>> -> memref<128xi32, #tpu.memory_space<vmem>>
          %dma_start3A_454 = tpu.memref_slice %arg3[%add3A_448] : memref<320000xi32, #tpu.memory_space<hbm>> -> memref<128xi32, #tpu.memory_space<hbm>>
          %dma_start3A_455 = arith.constant 0 : i32
          %dma_start3A_456 = tpu.memref_slice %arg6[%dma_start3A_449, %dma_start3A_450, %dma_start3A_455] : memref<4x2x128xi32, #tpu.memory_space<vmem>> -> memref<1x1x128xi32, #tpu.memory_space<vmem>>
          %dma_start3A_457 = tpu.memref_squeeze %dma_start3A_456 : memref<1x1x128xi32, #tpu.memory_space<vmem>> -> memref<128xi32, #tpu.memory_space<vmem>>
          %dma_start3A_458 = tpu.memref_slice %arg3[%add3A_448] : memref<320000xi32, #tpu.memory_space<hbm>> -> memref<128xi32, #tpu.memory_space<hbm>>
          tpu.enqueue_dma source(%dma_start3A_458 : memref<128xi32, #tpu.memory_space<hbm>>) target(%dma_start3A_457 : memref<128xi32, #tpu.memory_space<vmem>>) target_semaphore(%arg11 : memref<!tpu.dma_semaphore, #tpu.memory_space<semaphore_mem>>)
          %dma_start3A_459 = arith.constant 2 : i32
          %dma_start3A_460 = arith.constant 1 : i32
          %dma_start3A_461 = arith.constant 0 : i32
          %dma_start3A_462 = tpu.memref_slice %arg6[%dma_start3A_459, %dma_start3A_460, %dma_start3A_461] : memref<4x2x128xi32, #tpu.memory_space<vmem>> -> memref<1x1x128xi32, #tpu.memory_space<vmem>>
          %dma_start3A_463 = tpu.memref_squeeze %dma_start3A_462 : memref<1x1x128xi32, #tpu.memory_space<vmem>> -> memref<128xi32, #tpu.memory_space<vmem>>
          %dma_start3A_464 = tpu.memref_slice %arg4[%add3A_448] : memref<320000xi32, #tpu.memory_space<hbm>> -> memref<128xi32, #tpu.memory_space<hbm>>
          %dma_start3A_465 = arith.constant 0 : i32
          %dma_start3A_466 = tpu.memref_slice %arg6[%dma_start3A_459, %dma_start3A_460, %dma_start3A_465] : memref<4x2x128xi32, #tpu.memory_space<vmem>> -> memref<1x1x128xi32, #tpu.memory_space<vmem>>
          %dma_start3A_467 = tpu.memref_squeeze %dma_start3A_466 : memref<1x1x128xi32, #tpu.memory_space<vmem>> -> memref<128xi32, #tpu.memory_space<vmem>>
          %dma_start3A_468 = tpu.memref_slice %arg4[%add3A_448] : memref<320000xi32, #tpu.memory_space<hbm>> -> memref<128xi32, #tpu.memory_space<hbm>>
          tpu.enqueue_dma source(%dma_start3A_468 : memref<128xi32, #tpu.memory_space<hbm>>) target(%dma_start3A_467 : memref<128xi32, #tpu.memory_space<vmem>>) target_semaphore(%arg11 : memref<!tpu.dma_semaphore, #tpu.memory_space<semaphore_mem>>)
        } else {
        }
        %add3A_437 = arith.constant 2 : i32
        %add3A_438 = arith.addi %add3A_385, %add3A_437 : i32
        %lt3A_439 = arith.constant 78 : i32
        %lt3A_440 = arith.cmpi slt, %add3A_438, %lt3A_439 : i32
        %convert_element_type3A_441 = arith.extui %lt3A_440 : i1 to i32
        %cond3A_442 = arith.constant 0 : i32
        %cond3A_443 = arith.cmpi ne, %convert_element_type3A_441, %cond3A_442 : i32
        scf.if %cond3A_443 {
          %add3A_444 = arith.constant 2 : i32
          %add3A_445 = arith.addi %add3A_385, %add3A_444 : i32
          %mul3A_446 = arith.constant 128 : i32
          %mul3A_447 = arith.muli %add3A_445, %mul3A_446 : i32
          %add3A_448 = arith.addi %mul3A_2, %mul3A_447 : i32
          %dma_wait3A_449 = arith.constant 1 : i32
          %dma_wait3A_450 = arith.constant 0 : i32
          %dma_wait3A_451 = arith.constant 0 : i32
          %dma_wait3A_452 = tpu.memref_slice %arg6[%dma_wait3A_449, %dma_wait3A_450, %dma_wait3A_451] : memref<4x2x128xi32, #tpu.memory_space<vmem>> -> memref<1x1x128xi32, #tpu.memory_space<vmem>>
          %dma_wait3A_453 = tpu.memref_squeeze %dma_wait3A_452 : memref<1x1x128xi32, #tpu.memory_space<vmem>> -> memref<128xi32, #tpu.memory_space<vmem>>
          %dma_wait3A_454 = tpu.memref_slice %arg3[%add3A_448] : memref<320000xi32, #tpu.memory_space<hbm>> -> memref<128xi32, #tpu.memory_space<hbm>>
          %dma_wait3A_455 = arith.constant 0 : i32
          %dma_wait3A_456 = tpu.memref_slice %arg6[%dma_wait3A_449, %dma_wait3A_450, %dma_wait3A_455] : memref<4x2x128xi32, #tpu.memory_space<vmem>> -> memref<1x1x128xi32, #tpu.memory_space<vmem>>
          %dma_wait3A_457 = tpu.memref_squeeze %dma_wait3A_456 : memref<1x1x128xi32, #tpu.memory_space<vmem>> -> memref<128xi32, #tpu.memory_space<vmem>>
          %dma_wait3A_458 = tpu.memref_slice %arg3[%add3A_448] : memref<320000xi32, #tpu.memory_space<hbm>> -> memref<128xi32, #tpu.memory_space<hbm>>
          tpu.wait_dma2 semaphore(%arg10 : memref<!tpu.dma_semaphore, #tpu.memory_space<semaphore_mem>>) src(%dma_wait3A_458 : memref<128xi32, #tpu.memory_space<hbm>>) dst(%dma_wait3A_457 : memref<128xi32, #tpu.memory_space<vmem>>)
          %dma_wait3A_459 = arith.constant 1 : i32
          %dma_wait3A_460 = arith.constant 1 : i32
          %dma_wait3A_461 = arith.constant 0 : i32
          %dma_wait3A_462 = tpu.memref_slice %arg6[%dma_wait3A_459, %dma_wait3A_460, %dma_wait3A_461] : memref<4x2x128xi32, #tpu.memory_space<vmem>> -> memref<1x1x128xi32, #tpu.memory_space<vmem>>
          %dma_wait3A_463 = tpu.memref_squeeze %dma_wait3A_462 : memref<1x1x128xi32, #tpu.memory_space<vmem>> -> memref<128xi32, #tpu.memory_space<vmem>>
          %dma_wait3A_464 = tpu.memref_slice %arg4[%add3A_448] : memref<320000xi32, #tpu.memory_space<hbm>> -> memref<128xi32, #tpu.memory_space<hbm>>
          %dma_wait3A_465 = arith.constant 0 : i32
          %dma_wait3A_466 = tpu.memref_slice %arg6[%dma_wait3A_459, %dma_wait3A_460, %dma_wait3A_465] : memref<4x2x128xi32, #tpu.memory_space<vmem>> -> memref<1x1x128xi32, #tpu.memory_space<vmem>>
          %dma_wait3A_467 = tpu.memref_squeeze %dma_wait3A_466 : memref<1x1x128xi32, #tpu.memory_space<vmem>> -> memref<128xi32, #tpu.memory_space<vmem>>
          %dma_wait3A_468 = tpu.memref_slice %arg4[%add3A_448] : memref<320000xi32, #tpu.memory_space<hbm>> -> memref<128xi32, #tpu.memory_space<hbm>>
          tpu.wait_dma2 semaphore(%arg10 : memref<!tpu.dma_semaphore, #tpu.memory_space<semaphore_mem>>) src(%dma_wait3A_468 : memref<128xi32, #tpu.memory_space<hbm>>) dst(%dma_wait3A_467 : memref<128xi32, #tpu.memory_space<vmem>>)
          %dma_start3A_469 = arith.constant 1 : i32
          %dma_start3A_470 = arith.constant 0 : i32
          %dma_start3A_471 = arith.constant 1 : i32
          %dma_start3A_472 = arith.constant 0 : i32
          %dma_start3A_473 = arith.constant 0 : i32
          %dma_start3A_474 = tpu.memref_slice %arg7[%dma_start3A_471, %dma_start3A_472, %dma_start3A_473] : memref<3x128x128xf32, #tpu.memory_space<vmem>> -> memref<1x128x128xf32, #tpu.memory_space<vmem>>
          %dma_start3A_475 = tpu.memref_squeeze %dma_start3A_474 : memref<1x128x128xf32, #tpu.memory_space<vmem>> -> memref<128x128xf32, #tpu.memory_space<vmem>>
          %dma_start3A_476 = arith.constant 0 : i32
          %dma_start3A_477 = tpu.memref_slice %arg6[%dma_start3A_469, %dma_start3A_470, %dma_start3A_476] : memref<4x2x128xi32, #tpu.memory_space<vmem>> -> memref<1x1x128xi32, #tpu.memory_space<vmem>>
          %dma_start3A_478 = tpu.memref_squeeze %dma_start3A_477 : memref<1x1x128xi32, #tpu.memory_space<vmem>> -> memref<128xi32, #tpu.memory_space<vmem>>
          %dma_start3A_479 = arith.constant 0 : i32
          %dma_start3A_480 = arith.constant 0 : i32
          %dma_start3A_481 = tpu.memref_slice %arg2[%dma_start3A_479, %dma_start3A_480] : memref<10000x128xf32, #tpu.memory_space<hbm>> -> memref<10000x128xf32, #tpu.memory_space<hbm>>
          tpu.enqueue_indirect_dma source(%dma_start3A_481 : memref<10000x128xf32, #tpu.memory_space<hbm>>) target(%dma_start3A_475 : memref<128x128xf32, #tpu.memory_space<vmem>>) offsets(%dma_start3A_478 : memref<128xi32, #tpu.memory_space<vmem>>) semaphore(%arg14 : memref<!tpu.dma_semaphore, #tpu.memory_space<semaphore_mem>>)
        } else {
        }
      } else {
      }
    }
    %while3A_199 = arith.constant 1 : i32
    scf.for %while3A_265 = %while3A_197 to %while3A_193 step %while3A_199  : i32 {
      %mul3A_266 = arith.muli %while3A_265, %while3A_189 : i32
      %add3A_267 = arith.addi %while3A_190, %mul3A_266 : i32
      %add3A_268 = arith.constant 0 : i32
      %add3A_269 = arith.addi %add3A_267, %add3A_268 : i32
      %dma_wait3A_270 = arith.constant 0 : i32
      %dma_wait3A_271 = arith.constant 0 : i32
      %dma_wait3A_272 = arith.constant 0 : i32
      %dma_wait3A_273 = arith.constant 0 : i32
      %dma_wait3A_274 = arith.constant 0 : i32
      %dma_wait3A_275 = tpu.memref_slice %arg7[%dma_wait3A_272, %dma_wait3A_273, %dma_wait3A_274] : memref<3x128x128xf32, #tpu.memory_space<vmem>> -> memref<1x128x128xf32, #tpu.memory_space<vmem>>
      %dma_wait3A_276 = tpu.memref_squeeze %dma_wait3A_275 : memref<1x128x128xf32, #tpu.memory_space<vmem>> -> memref<128x128xf32, #tpu.memory_space<vmem>>
      %dma_wait3A_277 = arith.constant 0 : i32
      %dma_wait3A_278 = tpu.memref_slice %arg6[%dma_wait3A_270, %dma_wait3A_271, %dma_wait3A_277] : memref<4x2x128xi32, #tpu.memory_space<vmem>> -> memref<1x1x128xi32, #tpu.memory_space<vmem>>
      %dma_wait3A_279 = tpu.memref_squeeze %dma_wait3A_278 : memref<1x1x128xi32, #tpu.memory_space<vmem>> -> memref<128xi32, #tpu.memory_space<vmem>>
      %dma_wait3A_280 = arith.constant 0 : i32
      %dma_wait3A_281 = arith.constant 0 : i32
      %dma_wait3A_282 = tpu.memref_slice %arg2[%dma_wait3A_280, %dma_wait3A_281] : memref<10000x128xf32, #tpu.memory_space<hbm>> -> memref<10000x128xf32, #tpu.memory_space<hbm>>
      tpu.wait_indirect_dma semaphore(%arg13 : memref<!tpu.dma_semaphore, #tpu.memory_space<semaphore_mem>>) src(%dma_wait3A_282 : memref<10000x128xf32, #tpu.memory_space<hbm>>) dst(%dma_wait3A_276 : memref<128x128xf32, #tpu.memory_space<vmem>>)
      %dma_start3A_283 = arith.constant 0 : i32
      %dma_start3A_284 = arith.constant 0 : i32
      %dma_start3A_285 = arith.constant 1 : i32
      %dma_start3A_286 = arith.constant 0 : i32
      %dma_start3A_287 = arith.constant 0 : i32
      %dma_start3A_288 = tpu.memref_slice %arg7[%dma_start3A_283, %dma_start3A_286, %dma_start3A_287] : memref<3x128x128xf32, #tpu.memory_space<vmem>> -> memref<1x128x128xf32, #tpu.memory_space<vmem>>
      %dma_start3A_289 = tpu.memref_squeeze %dma_start3A_288 : memref<1x128x128xf32, #tpu.memory_space<vmem>> -> memref<128x128xf32, #tpu.memory_space<vmem>>
      %dma_start3A_290 = arith.constant 0 : i32
      %dma_start3A_291 = tpu.memref_slice %arg6[%dma_start3A_284, %dma_start3A_285, %dma_start3A_290] : memref<4x2x128xi32, #tpu.memory_space<vmem>> -> memref<1x1x128xi32, #tpu.memory_space<vmem>>
      %dma_start3A_292 = tpu.memref_squeeze %dma_start3A_291 : memref<1x1x128xi32, #tpu.memory_space<vmem>> -> memref<128xi32, #tpu.memory_space<vmem>>
      %dma_start3A_293 = arith.constant 0 : i32
      %dma_start3A_294 = arith.constant 0 : i32
      %dma_start3A_295 = tpu.memref_slice %arg8[%dma_start3A_293, %dma_start3A_294] : memref<10000x128xf32, #tpu.memory_space<vmem_shared>> -> memref<10000x128xf32, #tpu.memory_space<vmem_shared>>
      tpu.enqueue_indirect_dma source(%dma_start3A_289 : memref<128x128xf32, #tpu.memory_space<vmem>>) target(%dma_start3A_295 : memref<10000x128xf32, #tpu.memory_space<vmem_shared>>) offsets(%dma_start3A_292 : memref<128xi32, #tpu.memory_space<vmem>>) semaphore(%arg16 : memref<!tpu.dma_semaphore, #tpu.memory_space<semaphore_mem>>) {add = true}
      %gt3A_296 = arith.constant 0 : i32
      %gt3A_297 = arith.cmpi sgt, %add3A_269, %gt3A_296 : i32
      %convert_element_type3A_298 = arith.extui %gt3A_297 : i1 to i32
      %cond3A_299 = arith.constant 0 : i32
      %cond3A_300 = arith.cmpi ne, %convert_element_type3A_298, %cond3A_299 : i32
      scf.if %cond3A_300 {
        %dma_wait3A_391 = arith.constant 2 : i32
        %dma_wait3A_392 = arith.constant 3 : i32
        %dma_wait3A_393 = arith.constant 1 : i32
        %dma_wait3A_394 = arith.constant 0 : i32
        %dma_wait3A_395 = arith.constant 0 : i32
        %dma_wait3A_396 = tpu.memref_slice %arg7[%dma_wait3A_391, %dma_wait3A_394, %dma_wait3A_395] : memref<3x128x128xf32, #tpu.memory_space<vmem>> -> memref<1x128x128xf32, #tpu.memory_space<vmem>>
        %dma_wait3A_397 = tpu.memref_squeeze %dma_wait3A_396 : memref<1x128x128xf32, #tpu.memory_space<vmem>> -> memref<128x128xf32, #tpu.memory_space<vmem>>
        %dma_wait3A_398 = arith.constant 0 : i32
        %dma_wait3A_399 = tpu.memref_slice %arg6[%dma_wait3A_392, %dma_wait3A_393, %dma_wait3A_398] : memref<4x2x128xi32, #tpu.memory_space<vmem>> -> memref<1x1x128xi32, #tpu.memory_space<vmem>>
        %dma_wait3A_400 = tpu.memref_squeeze %dma_wait3A_399 : memref<1x1x128xi32, #tpu.memory_space<vmem>> -> memref<128xi32, #tpu.memory_space<vmem>>
        %dma_wait3A_401 = arith.constant 0 : i32
        %dma_wait3A_402 = arith.constant 0 : i32
        %dma_wait3A_403 = tpu.memref_slice %arg8[%dma_wait3A_401, %dma_wait3A_402] : memref<10000x128xf32, #tpu.memory_space<vmem_shared>> -> memref<10000x128xf32, #tpu.memory_space<vmem_shared>>
        tpu.wait_indirect_dma semaphore(%arg18 : memref<!tpu.dma_semaphore, #tpu.memory_space<semaphore_mem>>) src(%dma_wait3A_397 : memref<128x128xf32, #tpu.memory_space<vmem>>) dst(%dma_wait3A_403 : memref<10000x128xf32, #tpu.memory_space<vmem_shared>>)
      } else {
      }
      %add3A_301 = arith.constant 3 : i32
      %add3A_302 = arith.addi %add3A_269, %add3A_301 : i32
      %lt3A = arith.constant 78 : i32
      %lt3A_303 = arith.cmpi slt, %add3A_302, %lt3A : i32
      %convert_element_type3A_304 = arith.extui %lt3A_303 : i1 to i32
      %cond3A_305 = arith.constant 0 : i32
      %cond3A_306 = arith.cmpi ne, %convert_element_type3A_304, %cond3A_305 : i32
      scf.if %cond3A_306 {
        %add3A_391 = arith.constant 3 : i32
        %add3A_392 = arith.addi %add3A_269, %add3A_391 : i32
        %mul3A_393 = arith.constant 128 : i32
        %mul3A_394 = arith.muli %add3A_392, %mul3A_393 : i32
        %add3A_395 = arith.addi %mul3A_2, %mul3A_394 : i32
        %dma_start3A_396 = arith.constant 3 : i32
        %dma_start3A_397 = arith.constant 0 : i32
        %dma_start3A_398 = arith.constant 0 : i32
        %dma_start3A_399 = tpu.memref_slice %arg6[%dma_start3A_396, %dma_start3A_397, %dma_start3A_398] : memref<4x2x128xi32, #tpu.memory_space<vmem>> -> memref<1x1x128xi32, #tpu.memory_space<vmem>>
        %dma_start3A_400 = tpu.memref_squeeze %dma_start3A_399 : memref<1x1x128xi32, #tpu.memory_space<vmem>> -> memref<128xi32, #tpu.memory_space<vmem>>
        %dma_start3A_401 = tpu.memref_slice %arg3[%add3A_395] : memref<320000xi32, #tpu.memory_space<hbm>> -> memref<128xi32, #tpu.memory_space<hbm>>
        %dma_start3A_402 = arith.constant 0 : i32
        %dma_start3A_403 = tpu.memref_slice %arg6[%dma_start3A_396, %dma_start3A_397, %dma_start3A_402] : memref<4x2x128xi32, #tpu.memory_space<vmem>> -> memref<1x1x128xi32, #tpu.memory_space<vmem>>
        %dma_start3A_404 = tpu.memref_squeeze %dma_start3A_403 : memref<1x1x128xi32, #tpu.memory_space<vmem>> -> memref<128xi32, #tpu.memory_space<vmem>>
        %dma_start3A_405 = tpu.memref_slice %arg3[%add3A_395] : memref<320000xi32, #tpu.memory_space<hbm>> -> memref<128xi32, #tpu.memory_space<hbm>>
        tpu.enqueue_dma source(%dma_start3A_405 : memref<128xi32, #tpu.memory_space<hbm>>) target(%dma_start3A_404 : memref<128xi32, #tpu.memory_space<vmem>>) target_semaphore(%arg12 : memref<!tpu.dma_semaphore, #tpu.memory_space<semaphore_mem>>)
        %dma_start3A_406 = arith.constant 3 : i32
        %dma_start3A_407 = arith.constant 1 : i32
        %dma_start3A_408 = arith.constant 0 : i32
        %dma_start3A_409 = tpu.memref_slice %arg6[%dma_start3A_406, %dma_start3A_407, %dma_start3A_408] : memref<4x2x128xi32, #tpu.memory_space<vmem>> -> memref<1x1x128xi32, #tpu.memory_space<vmem>>
        %dma_start3A_410 = tpu.memref_squeeze %dma_start3A_409 : memref<1x1x128xi32, #tpu.memory_space<vmem>> -> memref<128xi32, #tpu.memory_space<vmem>>
        %dma_start3A_411 = tpu.memref_slice %arg4[%add3A_395] : memref<320000xi32, #tpu.memory_space<hbm>> -> memref<128xi32, #tpu.memory_space<hbm>>
        %dma_start3A_412 = arith.constant 0 : i32
        %dma_start3A_413 = tpu.memref_slice %arg6[%dma_start3A_406, %dma_start3A_407, %dma_start3A_412] : memref<4x2x128xi32, #tpu.memory_space<vmem>> -> memref<1x1x128xi32, #tpu.memory_space<vmem>>
        %dma_start3A_414 = tpu.memref_squeeze %dma_start3A_413 : memref<1x1x128xi32, #tpu.memory_space<vmem>> -> memref<128xi32, #tpu.memory_space<vmem>>
        %dma_start3A_415 = tpu.memref_slice %arg4[%add3A_395] : memref<320000xi32, #tpu.memory_space<hbm>> -> memref<128xi32, #tpu.memory_space<hbm>>
        tpu.enqueue_dma source(%dma_start3A_415 : memref<128xi32, #tpu.memory_space<hbm>>) target(%dma_start3A_414 : memref<128xi32, #tpu.memory_space<vmem>>) target_semaphore(%arg12 : memref<!tpu.dma_semaphore, #tpu.memory_space<semaphore_mem>>)
      } else {
      }
      %add3A_307 = arith.constant 2 : i32
      %add3A_308 = arith.addi %add3A_269, %add3A_307 : i32
      %lt3A_309 = arith.constant 78 : i32
      %lt3A_310 = arith.cmpi slt, %add3A_308, %lt3A_309 : i32
      %convert_element_type3A_311 = arith.extui %lt3A_310 : i1 to i32
      %cond3A_312 = arith.constant 0 : i32
      %cond3A_313 = arith.cmpi ne, %convert_element_type3A_311, %cond3A_312 : i32
      scf.if %cond3A_313 {
        %add3A_391 = arith.constant 2 : i32
        %add3A_392 = arith.addi %add3A_269, %add3A_391 : i32
        %mul3A_393 = arith.constant 128 : i32
        %mul3A_394 = arith.muli %add3A_392, %mul3A_393 : i32
        %add3A_395 = arith.addi %mul3A_2, %mul3A_394 : i32
        %dma_wait3A_396 = arith.constant 2 : i32
        %dma_wait3A_397 = arith.constant 0 : i32
        %dma_wait3A_398 = arith.constant 0 : i32
        %dma_wait3A_399 = tpu.memref_slice %arg6[%dma_wait3A_396, %dma_wait3A_397, %dma_wait3A_398] : memref<4x2x128xi32, #tpu.memory_space<vmem>> -> memref<1x1x128xi32, #tpu.memory_space<vmem>>
        %dma_wait3A_400 = tpu.memref_squeeze %dma_wait3A_399 : memref<1x1x128xi32, #tpu.memory_space<vmem>> -> memref<128xi32, #tpu.memory_space<vmem>>
        %dma_wait3A_401 = tpu.memref_slice %arg3[%add3A_395] : memref<320000xi32, #tpu.memory_space<hbm>> -> memref<128xi32, #tpu.memory_space<hbm>>
        %dma_wait3A_402 = arith.constant 0 : i32
        %dma_wait3A_403 = tpu.memref_slice %arg6[%dma_wait3A_396, %dma_wait3A_397, %dma_wait3A_402] : memref<4x2x128xi32, #tpu.memory_space<vmem>> -> memref<1x1x128xi32, #tpu.memory_space<vmem>>
        %dma_wait3A_404 = tpu.memref_squeeze %dma_wait3A_403 : memref<1x1x128xi32, #tpu.memory_space<vmem>> -> memref<128xi32, #tpu.memory_space<vmem>>
        %dma_wait3A_405 = tpu.memref_slice %arg3[%add3A_395] : memref<320000xi32, #tpu.memory_space<hbm>> -> memref<128xi32, #tpu.memory_space<hbm>>
        tpu.wait_dma2 semaphore(%arg11 : memref<!tpu.dma_semaphore, #tpu.memory_space<semaphore_mem>>) src(%dma_wait3A_405 : memref<128xi32, #tpu.memory_space<hbm>>) dst(%dma_wait3A_404 : memref<128xi32, #tpu.memory_space<vmem>>)
        %dma_wait3A_406 = arith.constant 2 : i32
        %dma_wait3A_407 = arith.constant 1 : i32
        %dma_wait3A_408 = arith.constant 0 : i32
        %dma_wait3A_409 = tpu.memref_slice %arg6[%dma_wait3A_406, %dma_wait3A_407, %dma_wait3A_408] : memref<4x2x128xi32, #tpu.memory_space<vmem>> -> memref<1x1x128xi32, #tpu.memory_space<vmem>>
        %dma_wait3A_410 = tpu.memref_squeeze %dma_wait3A_409 : memref<1x1x128xi32, #tpu.memory_space<vmem>> -> memref<128xi32, #tpu.memory_space<vmem>>
        %dma_wait3A_411 = tpu.memref_slice %arg4[%add3A_395] : memref<320000xi32, #tpu.memory_space<hbm>> -> memref<128xi32, #tpu.memory_space<hbm>>
        %dma_wait3A_412 = arith.constant 0 : i32
        %dma_wait3A_413 = tpu.memref_slice %arg6[%dma_wait3A_406, %dma_wait3A_407, %dma_wait3A_412] : memref<4x2x128xi32, #tpu.memory_space<vmem>> -> memref<1x1x128xi32, #tpu.memory_space<vmem>>
        %dma_wait3A_414 = tpu.memref_squeeze %dma_wait3A_413 : memref<1x1x128xi32, #tpu.memory_space<vmem>> -> memref<128xi32, #tpu.memory_space<vmem>>
        %dma_wait3A_415 = tpu.memref_slice %arg4[%add3A_395] : memref<320000xi32, #tpu.memory_space<hbm>> -> memref<128xi32, #tpu.memory_space<hbm>>
        tpu.wait_dma2 semaphore(%arg11 : memref<!tpu.dma_semaphore, #tpu.memory_space<semaphore_mem>>) src(%dma_wait3A_415 : memref<128xi32, #tpu.memory_space<hbm>>) dst(%dma_wait3A_414 : memref<128xi32, #tpu.memory_space<vmem>>)
        %dma_start3A_416 = arith.constant 2 : i32
        %dma_start3A_417 = arith.constant 0 : i32
        %dma_start3A_418 = arith.constant 2 : i32
        %dma_start3A_419 = arith.constant 0 : i32
        %dma_start3A_420 = arith.constant 0 : i32
        %dma_start3A_421 = tpu.memref_slice %arg7[%dma_start3A_418, %dma_start3A_419, %dma_start3A_420] : memref<3x128x128xf32, #tpu.memory_space<vmem>> -> memref<1x128x128xf32, #tpu.memory_space<vmem>>
        %dma_start3A_422 = tpu.memref_squeeze %dma_start3A_421 : memref<1x128x128xf32, #tpu.memory_space<vmem>> -> memref<128x128xf32, #tpu.memory_space<vmem>>
        %dma_start3A_423 = arith.constant 0 : i32
        %dma_start3A_424 = tpu.memref_slice %arg6[%dma_start3A_416, %dma_start3A_417, %dma_start3A_423] : memref<4x2x128xi32, #tpu.memory_space<vmem>> -> memref<1x1x128xi32, #tpu.memory_space<vmem>>
        %dma_start3A_425 = tpu.memref_squeeze %dma_start3A_424 : memref<1x1x128xi32, #tpu.memory_space<vmem>> -> memref<128xi32, #tpu.memory_space<vmem>>
        %dma_start3A_426 = arith.constant 0 : i32
        %dma_start3A_427 = arith.constant 0 : i32
        %dma_start3A_428 = tpu.memref_slice %arg2[%dma_start3A_426, %dma_start3A_427] : memref<10000x128xf32, #tpu.memory_space<hbm>> -> memref<10000x128xf32, #tpu.memory_space<hbm>>
        tpu.enqueue_indirect_dma source(%dma_start3A_428 : memref<10000x128xf32, #tpu.memory_space<hbm>>) target(%dma_start3A_422 : memref<128x128xf32, #tpu.memory_space<vmem>>) offsets(%dma_start3A_425 : memref<128xi32, #tpu.memory_space<vmem>>) semaphore(%arg15 : memref<!tpu.dma_semaphore, #tpu.memory_space<semaphore_mem>>)
      } else {
      }
      %add3A_314 = arith.constant 1 : i32
      %add3A_315 = arith.addi %add3A_267, %add3A_314 : i32
      %lt3A_316 = arith.constant 78 : i32
      %lt3A_317 = arith.cmpi slt, %add3A_315, %lt3A_316 : i32
      %convert_element_type3A_318 = arith.extui %lt3A_317 : i1 to i32
      %cond3A_319 = arith.constant 0 : i32
      %cond3A_320 = arith.cmpi ne, %convert_element_type3A_318, %cond3A_319 : i32
      scf.if %cond3A_320 {
        %dma_wait3A_391 = arith.constant 1 : i32
        %dma_wait3A_392 = arith.constant 0 : i32
        %dma_wait3A_393 = arith.constant 1 : i32
        %dma_wait3A_394 = arith.constant 0 : i32
        %dma_wait3A_395 = arith.constant 0 : i32
        %dma_wait3A_396 = tpu.memref_slice %arg7[%dma_wait3A_393, %dma_wait3A_394, %dma_wait3A_395] : memref<3x128x128xf32, #tpu.memory_space<vmem>> -> memref<1x128x128xf32, #tpu.memory_space<vmem>>
        %dma_wait3A_397 = tpu.memref_squeeze %dma_wait3A_396 : memref<1x128x128xf32, #tpu.memory_space<vmem>> -> memref<128x128xf32, #tpu.memory_space<vmem>>
        %dma_wait3A_398 = arith.constant 0 : i32
        %dma_wait3A_399 = tpu.memref_slice %arg6[%dma_wait3A_391, %dma_wait3A_392, %dma_wait3A_398] : memref<4x2x128xi32, #tpu.memory_space<vmem>> -> memref<1x1x128xi32, #tpu.memory_space<vmem>>
        %dma_wait3A_400 = tpu.memref_squeeze %dma_wait3A_399 : memref<1x1x128xi32, #tpu.memory_space<vmem>> -> memref<128xi32, #tpu.memory_space<vmem>>
        %dma_wait3A_401 = arith.constant 0 : i32
        %dma_wait3A_402 = arith.constant 0 : i32
        %dma_wait3A_403 = tpu.memref_slice %arg2[%dma_wait3A_401, %dma_wait3A_402] : memref<10000x128xf32, #tpu.memory_space<hbm>> -> memref<10000x128xf32, #tpu.memory_space<hbm>>
        tpu.wait_indirect_dma semaphore(%arg14 : memref<!tpu.dma_semaphore, #tpu.memory_space<semaphore_mem>>) src(%dma_wait3A_403 : memref<10000x128xf32, #tpu.memory_space<hbm>>) dst(%dma_wait3A_397 : memref<128x128xf32, #tpu.memory_space<vmem>>)
        %dma_start3A_404 = arith.constant 1 : i32
        %dma_start3A_405 = arith.constant 1 : i32
        %dma_start3A_406 = arith.constant 1 : i32
        %dma_start3A_407 = arith.constant 0 : i32
        %dma_start3A_408 = arith.constant 0 : i32
        %dma_start3A_409 = tpu.memref_slice %arg7[%dma_start3A_404, %dma_start3A_407, %dma_start3A_408] : memref<3x128x128xf32, #tpu.memory_space<vmem>> -> memref<1x128x128xf32, #tpu.memory_space<vmem>>
        %dma_start3A_410 = tpu.memref_squeeze %dma_start3A_409 : memref<1x128x128xf32, #tpu.memory_space<vmem>> -> memref<128x128xf32, #tpu.memory_space<vmem>>
        %dma_start3A_411 = arith.constant 0 : i32
        %dma_start3A_412 = tpu.memref_slice %arg6[%dma_start3A_405, %dma_start3A_406, %dma_start3A_411] : memref<4x2x128xi32, #tpu.memory_space<vmem>> -> memref<1x1x128xi32, #tpu.memory_space<vmem>>
        %dma_start3A_413 = tpu.memref_squeeze %dma_start3A_412 : memref<1x1x128xi32, #tpu.memory_space<vmem>> -> memref<128xi32, #tpu.memory_space<vmem>>
        %dma_start3A_414 = arith.constant 0 : i32
        %dma_start3A_415 = arith.constant 0 : i32
        %dma_start3A_416 = tpu.memref_slice %arg8[%dma_start3A_414, %dma_start3A_415] : memref<10000x128xf32, #tpu.memory_space<vmem_shared>> -> memref<10000x128xf32, #tpu.memory_space<vmem_shared>>
        tpu.enqueue_indirect_dma source(%dma_start3A_410 : memref<128x128xf32, #tpu.memory_space<vmem>>) target(%dma_start3A_416 : memref<10000x128xf32, #tpu.memory_space<vmem_shared>>) offsets(%dma_start3A_413 : memref<128xi32, #tpu.memory_space<vmem>>) semaphore(%arg17 : memref<!tpu.dma_semaphore, #tpu.memory_space<semaphore_mem>>) {add = true}
        %dma_wait3A_417 = arith.constant 0 : i32
        %dma_wait3A_418 = arith.constant 0 : i32
        %dma_wait3A_419 = arith.constant 1 : i32
        %dma_wait3A_420 = arith.constant 0 : i32
        %dma_wait3A_421 = arith.constant 0 : i32
        %dma_wait3A_422 = tpu.memref_slice %arg7[%dma_wait3A_417, %dma_wait3A_420, %dma_wait3A_421] : memref<3x128x128xf32, #tpu.memory_space<vmem>> -> memref<1x128x128xf32, #tpu.memory_space<vmem>>
        %dma_wait3A_423 = tpu.memref_squeeze %dma_wait3A_422 : memref<1x128x128xf32, #tpu.memory_space<vmem>> -> memref<128x128xf32, #tpu.memory_space<vmem>>
        %dma_wait3A_424 = arith.constant 0 : i32
        %dma_wait3A_425 = tpu.memref_slice %arg6[%dma_wait3A_418, %dma_wait3A_419, %dma_wait3A_424] : memref<4x2x128xi32, #tpu.memory_space<vmem>> -> memref<1x1x128xi32, #tpu.memory_space<vmem>>
        %dma_wait3A_426 = tpu.memref_squeeze %dma_wait3A_425 : memref<1x1x128xi32, #tpu.memory_space<vmem>> -> memref<128xi32, #tpu.memory_space<vmem>>
        %dma_wait3A_427 = arith.constant 0 : i32
        %dma_wait3A_428 = arith.constant 0 : i32
        %dma_wait3A_429 = tpu.memref_slice %arg8[%dma_wait3A_427, %dma_wait3A_428] : memref<10000x128xf32, #tpu.memory_space<vmem_shared>> -> memref<10000x128xf32, #tpu.memory_space<vmem_shared>>
        tpu.wait_indirect_dma semaphore(%arg16 : memref<!tpu.dma_semaphore, #tpu.memory_space<semaphore_mem>>) src(%dma_wait3A_423 : memref<128x128xf32, #tpu.memory_space<vmem>>) dst(%dma_wait3A_429 : memref<10000x128xf32, #tpu.memory_space<vmem_shared>>)
        %add3A_430 = arith.constant 3 : i32
        %add3A_431 = arith.addi %add3A_315, %add3A_430 : i32
        %lt3A_432 = arith.constant 78 : i32
        %lt3A_433 = arith.cmpi slt, %add3A_431, %lt3A_432 : i32
        %convert_element_type3A_434 = arith.extui %lt3A_433 : i1 to i32
        %cond3A_435 = arith.constant 0 : i32
        %cond3A_436 = arith.cmpi ne, %convert_element_type3A_434, %cond3A_435 : i32
        scf.if %cond3A_436 {
          %add3A_444 = arith.constant 3 : i32
          %add3A_445 = arith.addi %add3A_315, %add3A_444 : i32
          %mul3A_446 = arith.constant 128 : i32
          %mul3A_447 = arith.muli %add3A_445, %mul3A_446 : i32
          %add3A_448 = arith.addi %mul3A_2, %mul3A_447 : i32
          %dma_start3A_449 = arith.constant 0 : i32
          %dma_start3A_450 = arith.constant 0 : i32
          %dma_start3A_451 = arith.constant 0 : i32
          %dma_start3A_452 = tpu.memref_slice %arg6[%dma_start3A_449, %dma_start3A_450, %dma_start3A_451] : memref<4x2x128xi32, #tpu.memory_space<vmem>> -> memref<1x1x128xi32, #tpu.memory_space<vmem>>
          %dma_start3A_453 = tpu.memref_squeeze %dma_start3A_452 : memref<1x1x128xi32, #tpu.memory_space<vmem>> -> memref<128xi32, #tpu.memory_space<vmem>>
          %dma_start3A_454 = tpu.memref_slice %arg3[%add3A_448] : memref<320000xi32, #tpu.memory_space<hbm>> -> memref<128xi32, #tpu.memory_space<hbm>>
          %dma_start3A_455 = arith.constant 0 : i32
          %dma_start3A_456 = tpu.memref_slice %arg6[%dma_start3A_449, %dma_start3A_450, %dma_start3A_455] : memref<4x2x128xi32, #tpu.memory_space<vmem>> -> memref<1x1x128xi32, #tpu.memory_space<vmem>>
          %dma_start3A_457 = tpu.memref_squeeze %dma_start3A_456 : memref<1x1x128xi32, #tpu.memory_space<vmem>> -> memref<128xi32, #tpu.memory_space<vmem>>
          %dma_start3A_458 = tpu.memref_slice %arg3[%add3A_448] : memref<320000xi32, #tpu.memory_space<hbm>> -> memref<128xi32, #tpu.memory_space<hbm>>
          tpu.enqueue_dma source(%dma_start3A_458 : memref<128xi32, #tpu.memory_space<hbm>>) target(%dma_start3A_457 : memref<128xi32, #tpu.memory_space<vmem>>) target_semaphore(%arg9 : memref<!tpu.dma_semaphore, #tpu.memory_space<semaphore_mem>>)
          %dma_start3A_459 = arith.constant 0 : i32
          %dma_start3A_460 = arith.constant 1 : i32
          %dma_start3A_461 = arith.constant 0 : i32
          %dma_start3A_462 = tpu.memref_slice %arg6[%dma_start3A_459, %dma_start3A_460, %dma_start3A_461] : memref<4x2x128xi32, #tpu.memory_space<vmem>> -> memref<1x1x128xi32, #tpu.memory_space<vmem>>
          %dma_start3A_463 = tpu.memref_squeeze %dma_start3A_462 : memref<1x1x128xi32, #tpu.memory_space<vmem>> -> memref<128xi32, #tpu.memory_space<vmem>>
          %dma_start3A_464 = tpu.memref_slice %arg4[%add3A_448] : memref<320000xi32, #tpu.memory_space<hbm>> -> memref<128xi32, #tpu.memory_space<hbm>>
          %dma_start3A_465 = arith.constant 0 : i32
          %dma_start3A_466 = tpu.memref_slice %arg6[%dma_start3A_459, %dma_start3A_460, %dma_start3A_465] : memref<4x2x128xi32, #tpu.memory_space<vmem>> -> memref<1x1x128xi32, #tpu.memory_space<vmem>>
          %dma_start3A_467 = tpu.memref_squeeze %dma_start3A_466 : memref<1x1x128xi32, #tpu.memory_space<vmem>> -> memref<128xi32, #tpu.memory_space<vmem>>
          %dma_start3A_468 = tpu.memref_slice %arg4[%add3A_448] : memref<320000xi32, #tpu.memory_space<hbm>> -> memref<128xi32, #tpu.memory_space<hbm>>
          tpu.enqueue_dma source(%dma_start3A_468 : memref<128xi32, #tpu.memory_space<hbm>>) target(%dma_start3A_467 : memref<128xi32, #tpu.memory_space<vmem>>) target_semaphore(%arg9 : memref<!tpu.dma_semaphore, #tpu.memory_space<semaphore_mem>>)
        } else {
        }
        %add3A_437 = arith.constant 2 : i32
        %add3A_438 = arith.addi %add3A_315, %add3A_437 : i32
        %lt3A_439 = arith.constant 78 : i32
        %lt3A_440 = arith.cmpi slt, %add3A_438, %lt3A_439 : i32
        %convert_element_type3A_441 = arith.extui %lt3A_440 : i1 to i32
        %cond3A_442 = arith.constant 0 : i32
        %cond3A_443 = arith.cmpi ne, %convert_element_type3A_441, %cond3A_442 : i32
        scf.if %cond3A_443 {
          %add3A_444 = arith.constant 2 : i32
          %add3A_445 = arith.addi %add3A_315, %add3A_444 : i32
          %mul3A_446 = arith.constant 128 : i32
          %mul3A_447 = arith.muli %add3A_445, %mul3A_446 : i32
          %add3A_448 = arith.addi %mul3A_2, %mul3A_447 : i32
          %dma_wait3A_449 = arith.constant 3 : i32
          %dma_wait3A_450 = arith.constant 0 : i32
          %dma_wait3A_451 = arith.constant 0 : i32
          %dma_wait3A_452 = tpu.memref_slice %arg6[%dma_wait3A_449, %dma_wait3A_450, %dma_wait3A_451] : memref<4x2x128xi32, #tpu.memory_space<vmem>> -> memref<1x1x128xi32, #tpu.memory_space<vmem>>
          %dma_wait3A_453 = tpu.memref_squeeze %dma_wait3A_452 : memref<1x1x128xi32, #tpu.memory_space<vmem>> -> memref<128xi32, #tpu.memory_space<vmem>>
          %dma_wait3A_454 = tpu.memref_slice %arg3[%add3A_448] : memref<320000xi32, #tpu.memory_space<hbm>> -> memref<128xi32, #tpu.memory_space<hbm>>
          %dma_wait3A_455 = arith.constant 0 : i32
          %dma_wait3A_456 = tpu.memref_slice %arg6[%dma_wait3A_449, %dma_wait3A_450, %dma_wait3A_455] : memref<4x2x128xi32, #tpu.memory_space<vmem>> -> memref<1x1x128xi32, #tpu.memory_space<vmem>>
          %dma_wait3A_457 = tpu.memref_squeeze %dma_wait3A_456 : memref<1x1x128xi32, #tpu.memory_space<vmem>> -> memref<128xi32, #tpu.memory_space<vmem>>
          %dma_wait3A_458 = tpu.memref_slice %arg3[%add3A_448] : memref<320000xi32, #tpu.memory_space<hbm>> -> memref<128xi32, #tpu.memory_space<hbm>>
          tpu.wait_dma2 semaphore(%arg12 : memref<!tpu.dma_semaphore, #tpu.memory_space<semaphore_mem>>) src(%dma_wait3A_458 : memref<128xi32, #tpu.memory_space<hbm>>) dst(%dma_wait3A_457 : memref<128xi32, #tpu.memory_space<vmem>>)
          %dma_wait3A_459 = arith.constant 3 : i32
          %dma_wait3A_460 = arith.constant 1 : i32
          %dma_wait3A_461 = arith.constant 0 : i32
          %dma_wait3A_462 = tpu.memref_slice %arg6[%dma_wait3A_459, %dma_wait3A_460, %dma_wait3A_461] : memref<4x2x128xi32, #tpu.memory_space<vmem>> -> memref<1x1x128xi32, #tpu.memory_space<vmem>>
          %dma_wait3A_463 = tpu.memref_squeeze %dma_wait3A_462 : memref<1x1x128xi32, #tpu.memory_space<vmem>> -> memref<128xi32, #tpu.memory_space<vmem>>
          %dma_wait3A_464 = tpu.memref_slice %arg4[%add3A_448] : memref<320000xi32, #tpu.memory_space<hbm>> -> memref<128xi32, #tpu.memory_space<hbm>>
          %dma_wait3A_465 = arith.constant 0 : i32
          %dma_wait3A_466 = tpu.memref_slice %arg6[%dma_wait3A_459, %dma_wait3A_460, %dma_wait3A_465] : memref<4x2x128xi32, #tpu.memory_space<vmem>> -> memref<1x1x128xi32, #tpu.memory_space<vmem>>
          %dma_wait3A_467 = tpu.memref_squeeze %dma_wait3A_466 : memref<1x1x128xi32, #tpu.memory_space<vmem>> -> memref<128xi32, #tpu.memory_space<vmem>>
          %dma_wait3A_468 = tpu.memref_slice %arg4[%add3A_448] : memref<320000xi32, #tpu.memory_space<hbm>> -> memref<128xi32, #tpu.memory_space<hbm>>
          tpu.wait_dma2 semaphore(%arg12 : memref<!tpu.dma_semaphore, #tpu.memory_space<semaphore_mem>>) src(%dma_wait3A_468 : memref<128xi32, #tpu.memory_space<hbm>>) dst(%dma_wait3A_467 : memref<128xi32, #tpu.memory_space<vmem>>)
          %dma_start3A_469 = arith.constant 3 : i32
          %dma_start3A_470 = arith.constant 0 : i32
          %dma_start3A_471 = arith.constant 0 : i32
          %dma_start3A_472 = arith.constant 0 : i32
          %dma_start3A_473 = arith.constant 0 : i32
          %dma_start3A_474 = tpu.memref_slice %arg7[%dma_start3A_471, %dma_start3A_472, %dma_start3A_473] : memref<3x128x128xf32, #tpu.memory_space<vmem>> -> memref<1x128x128xf32, #tpu.memory_space<vmem>>
          %dma_start3A_475 = tpu.memref_squeeze %dma_start3A_474 : memref<1x128x128xf32, #tpu.memory_space<vmem>> -> memref<128x128xf32, #tpu.memory_space<vmem>>
          %dma_start3A_476 = arith.constant 0 : i32
          %dma_start3A_477 = tpu.memref_slice %arg6[%dma_start3A_469, %dma_start3A_470, %dma_start3A_476] : memref<4x2x128xi32, #tpu.memory_space<vmem>> -> memref<1x1x128xi32, #tpu.memory_space<vmem>>
          %dma_start3A_478 = tpu.memref_squeeze %dma_start3A_477 : memref<1x1x128xi32, #tpu.memory_space<vmem>> -> memref<128xi32, #tpu.memory_space<vmem>>
          %dma_start3A_479 = arith.constant 0 : i32
          %dma_start3A_480 = arith.constant 0 : i32
          %dma_start3A_481 = tpu.memref_slice %arg2[%dma_start3A_479, %dma_start3A_480] : memref<10000x128xf32, #tpu.memory_space<hbm>> -> memref<10000x128xf32, #tpu.memory_space<hbm>>
          tpu.enqueue_indirect_dma source(%dma_start3A_481 : memref<10000x128xf32, #tpu.memory_space<hbm>>) target(%dma_start3A_475 : memref<128x128xf32, #tpu.memory_space<vmem>>) offsets(%dma_start3A_478 : memref<128xi32, #tpu.memory_space<vmem>>) semaphore(%arg13 : memref<!tpu.dma_semaphore, #tpu.memory_space<semaphore_mem>>)
        } else {
        }
      } else {
      }
      %add3A_321 = arith.constant 2 : i32
      %add3A_322 = arith.addi %add3A_267, %add3A_321 : i32
      %lt3A_323 = arith.constant 78 : i32
      %lt3A_324 = arith.cmpi slt, %add3A_322, %lt3A_323 : i32
      %convert_element_type3A_325 = arith.extui %lt3A_324 : i1 to i32
      %cond3A_326 = arith.constant 0 : i32
      %cond3A_327 = arith.cmpi ne, %convert_element_type3A_325, %cond3A_326 : i32
      scf.if %cond3A_327 {
        %dma_wait3A_391 = arith.constant 2 : i32
        %dma_wait3A_392 = arith.constant 0 : i32
        %dma_wait3A_393 = arith.constant 2 : i32
        %dma_wait3A_394 = arith.constant 0 : i32
        %dma_wait3A_395 = arith.constant 0 : i32
        %dma_wait3A_396 = tpu.memref_slice %arg7[%dma_wait3A_393, %dma_wait3A_394, %dma_wait3A_395] : memref<3x128x128xf32, #tpu.memory_space<vmem>> -> memref<1x128x128xf32, #tpu.memory_space<vmem>>
        %dma_wait3A_397 = tpu.memref_squeeze %dma_wait3A_396 : memref<1x128x128xf32, #tpu.memory_space<vmem>> -> memref<128x128xf32, #tpu.memory_space<vmem>>
        %dma_wait3A_398 = arith.constant 0 : i32
        %dma_wait3A_399 = tpu.memref_slice %arg6[%dma_wait3A_391, %dma_wait3A_392, %dma_wait3A_398] : memref<4x2x128xi32, #tpu.memory_space<vmem>> -> memref<1x1x128xi32, #tpu.memory_space<vmem>>
        %dma_wait3A_400 = tpu.memref_squeeze %dma_wait3A_399 : memref<1x1x128xi32, #tpu.memory_space<vmem>> -> memref<128xi32, #tpu.memory_space<vmem>>
        %dma_wait3A_401 = arith.constant 0 : i32
        %dma_wait3A_402 = arith.constant 0 : i32
        %dma_wait3A_403 = tpu.memref_slice %arg2[%dma_wait3A_401, %dma_wait3A_402] : memref<10000x128xf32, #tpu.memory_space<hbm>> -> memref<10000x128xf32, #tpu.memory_space<hbm>>
        tpu.wait_indirect_dma semaphore(%arg15 : memref<!tpu.dma_semaphore, #tpu.memory_space<semaphore_mem>>) src(%dma_wait3A_403 : memref<10000x128xf32, #tpu.memory_space<hbm>>) dst(%dma_wait3A_397 : memref<128x128xf32, #tpu.memory_space<vmem>>)
        %dma_start3A_404 = arith.constant 2 : i32
        %dma_start3A_405 = arith.constant 2 : i32
        %dma_start3A_406 = arith.constant 1 : i32
        %dma_start3A_407 = arith.constant 0 : i32
        %dma_start3A_408 = arith.constant 0 : i32
        %dma_start3A_409 = tpu.memref_slice %arg7[%dma_start3A_404, %dma_start3A_407, %dma_start3A_408] : memref<3x128x128xf32, #tpu.memory_space<vmem>> -> memref<1x128x128xf32, #tpu.memory_space<vmem>>
        %dma_start3A_410 = tpu.memref_squeeze %dma_start3A_409 : memref<1x128x128xf32, #tpu.memory_space<vmem>> -> memref<128x128xf32, #tpu.memory_space<vmem>>
        %dma_start3A_411 = arith.constant 0 : i32
        %dma_start3A_412 = tpu.memref_slice %arg6[%dma_start3A_405, %dma_start3A_406, %dma_start3A_411] : memref<4x2x128xi32, #tpu.memory_space<vmem>> -> memref<1x1x128xi32, #tpu.memory_space<vmem>>
        %dma_start3A_413 = tpu.memref_squeeze %dma_start3A_412 : memref<1x1x128xi32, #tpu.memory_space<vmem>> -> memref<128xi32, #tpu.memory_space<vmem>>
        %dma_start3A_414 = arith.constant 0 : i32
        %dma_start3A_415 = arith.constant 0 : i32
        %dma_start3A_416 = tpu.memref_slice %arg8[%dma_start3A_414, %dma_start3A_415] : memref<10000x128xf32, #tpu.memory_space<vmem_shared>> -> memref<10000x128xf32, #tpu.memory_space<vmem_shared>>
        tpu.enqueue_indirect_dma source(%dma_start3A_410 : memref<128x128xf32, #tpu.memory_space<vmem>>) target(%dma_start3A_416 : memref<10000x128xf32, #tpu.memory_space<vmem_shared>>) offsets(%dma_start3A_413 : memref<128xi32, #tpu.memory_space<vmem>>) semaphore(%arg18 : memref<!tpu.dma_semaphore, #tpu.memory_space<semaphore_mem>>) {add = true}
        %dma_wait3A_417 = arith.constant 1 : i32
        %dma_wait3A_418 = arith.constant 1 : i32
        %dma_wait3A_419 = arith.constant 1 : i32
        %dma_wait3A_420 = arith.constant 0 : i32
        %dma_wait3A_421 = arith.constant 0 : i32
        %dma_wait3A_422 = tpu.memref_slice %arg7[%dma_wait3A_417, %dma_wait3A_420, %dma_wait3A_421] : memref<3x128x128xf32, #tpu.memory_space<vmem>> -> memref<1x128x128xf32, #tpu.memory_space<vmem>>
        %dma_wait3A_423 = tpu.memref_squeeze %dma_wait3A_422 : memref<1x128x128xf32, #tpu.memory_space<vmem>> -> memref<128x128xf32, #tpu.memory_space<vmem>>
        %dma_wait3A_424 = arith.constant 0 : i32
        %dma_wait3A_425 = tpu.memref_slice %arg6[%dma_wait3A_418, %dma_wait3A_419, %dma_wait3A_424] : memref<4x2x128xi32, #tpu.memory_space<vmem>> -> memref<1x1x128xi32, #tpu.memory_space<vmem>>
        %dma_wait3A_426 = tpu.memref_squeeze %dma_wait3A_425 : memref<1x1x128xi32, #tpu.memory_space<vmem>> -> memref<128xi32, #tpu.memory_space<vmem>>
        %dma_wait3A_427 = arith.constant 0 : i32
        %dma_wait3A_428 = arith.constant 0 : i32
        %dma_wait3A_429 = tpu.memref_slice %arg8[%dma_wait3A_427, %dma_wait3A_428] : memref<10000x128xf32, #tpu.memory_space<vmem_shared>> -> memref<10000x128xf32, #tpu.memory_space<vmem_shared>>
        tpu.wait_indirect_dma semaphore(%arg17 : memref<!tpu.dma_semaphore, #tpu.memory_space<semaphore_mem>>) src(%dma_wait3A_423 : memref<128x128xf32, #tpu.memory_space<vmem>>) dst(%dma_wait3A_429 : memref<10000x128xf32, #tpu.memory_space<vmem_shared>>)
        %add3A_430 = arith.constant 3 : i32
        %add3A_431 = arith.addi %add3A_322, %add3A_430 : i32
        %lt3A_432 = arith.constant 78 : i32
        %lt3A_433 = arith.cmpi slt, %add3A_431, %lt3A_432 : i32
        %convert_element_type3A_434 = arith.extui %lt3A_433 : i1 to i32
        %cond3A_435 = arith.constant 0 : i32
        %cond3A_436 = arith.cmpi ne, %convert_element_type3A_434, %cond3A_435 : i32
        scf.if %cond3A_436 {
          %add3A_444 = arith.constant 3 : i32
          %add3A_445 = arith.addi %add3A_322, %add3A_444 : i32
          %mul3A_446 = arith.constant 128 : i32
          %mul3A_447 = arith.muli %add3A_445, %mul3A_446 : i32
          %add3A_448 = arith.addi %mul3A_2, %mul3A_447 : i32
          %dma_start3A_449 = arith.constant 1 : i32
          %dma_start3A_450 = arith.constant 0 : i32
          %dma_start3A_451 = arith.constant 0 : i32
          %dma_start3A_452 = tpu.memref_slice %arg6[%dma_start3A_449, %dma_start3A_450, %dma_start3A_451] : memref<4x2x128xi32, #tpu.memory_space<vmem>> -> memref<1x1x128xi32, #tpu.memory_space<vmem>>
          %dma_start3A_453 = tpu.memref_squeeze %dma_start3A_452 : memref<1x1x128xi32, #tpu.memory_space<vmem>> -> memref<128xi32, #tpu.memory_space<vmem>>
          %dma_start3A_454 = tpu.memref_slice %arg3[%add3A_448] : memref<320000xi32, #tpu.memory_space<hbm>> -> memref<128xi32, #tpu.memory_space<hbm>>
          %dma_start3A_455 = arith.constant 0 : i32
          %dma_start3A_456 = tpu.memref_slice %arg6[%dma_start3A_449, %dma_start3A_450, %dma_start3A_455] : memref<4x2x128xi32, #tpu.memory_space<vmem>> -> memref<1x1x128xi32, #tpu.memory_space<vmem>>
          %dma_start3A_457 = tpu.memref_squeeze %dma_start3A_456 : memref<1x1x128xi32, #tpu.memory_space<vmem>> -> memref<128xi32, #tpu.memory_space<vmem>>
          %dma_start3A_458 = tpu.memref_slice %arg3[%add3A_448] : memref<320000xi32, #tpu.memory_space<hbm>> -> memref<128xi32, #tpu.memory_space<hbm>>
          tpu.enqueue_dma source(%dma_start3A_458 : memref<128xi32, #tpu.memory_space<hbm>>) target(%dma_start3A_457 : memref<128xi32, #tpu.memory_space<vmem>>) target_semaphore(%arg10 : memref<!tpu.dma_semaphore, #tpu.memory_space<semaphore_mem>>)
          %dma_start3A_459 = arith.constant 1 : i32
          %dma_start3A_460 = arith.constant 1 : i32
          %dma_start3A_461 = arith.constant 0 : i32
          %dma_start3A_462 = tpu.memref_slice %arg6[%dma_start3A_459, %dma_start3A_460, %dma_start3A_461] : memref<4x2x128xi32, #tpu.memory_space<vmem>> -> memref<1x1x128xi32, #tpu.memory_space<vmem>>
          %dma_start3A_463 = tpu.memref_squeeze %dma_start3A_462 : memref<1x1x128xi32, #tpu.memory_space<vmem>> -> memref<128xi32, #tpu.memory_space<vmem>>
          %dma_start3A_464 = tpu.memref_slice %arg4[%add3A_448] : memref<320000xi32, #tpu.memory_space<hbm>> -> memref<128xi32, #tpu.memory_space<hbm>>
          %dma_start3A_465 = arith.constant 0 : i32
          %dma_start3A_466 = tpu.memref_slice %arg6[%dma_start3A_459, %dma_start3A_460, %dma_start3A_465] : memref<4x2x128xi32, #tpu.memory_space<vmem>> -> memref<1x1x128xi32, #tpu.memory_space<vmem>>
          %dma_start3A_467 = tpu.memref_squeeze %dma_start3A_466 : memref<1x1x128xi32, #tpu.memory_space<vmem>> -> memref<128xi32, #tpu.memory_space<vmem>>
          %dma_start3A_468 = tpu.memref_slice %arg4[%add3A_448] : memref<320000xi32, #tpu.memory_space<hbm>> -> memref<128xi32, #tpu.memory_space<hbm>>
          tpu.enqueue_dma source(%dma_start3A_468 : memref<128xi32, #tpu.memory_space<hbm>>) target(%dma_start3A_467 : memref<128xi32, #tpu.memory_space<vmem>>) target_semaphore(%arg10 : memref<!tpu.dma_semaphore, #tpu.memory_space<semaphore_mem>>)
        } else {
        }
        %add3A_437 = arith.constant 2 : i32
        %add3A_438 = arith.addi %add3A_322, %add3A_437 : i32
        %lt3A_439 = arith.constant 78 : i32
        %lt3A_440 = arith.cmpi slt, %add3A_438, %lt3A_439 : i32
        %convert_element_type3A_441 = arith.extui %lt3A_440 : i1 to i32
        %cond3A_442 = arith.constant 0 : i32
        %cond3A_443 = arith.cmpi ne, %convert_element_type3A_441, %cond3A_442 : i32
        scf.if %cond3A_443 {
          %add3A_444 = arith.constant 2 : i32
          %add3A_445 = arith.addi %add3A_322, %add3A_444 : i32
          %mul3A_446 = arith.constant 128 : i32
          %mul3A_447 = arith.muli %add3A_445, %mul3A_446 : i32
          %add3A_448 = arith.addi %mul3A_2, %mul3A_447 : i32
          %dma_wait3A_449 = arith.constant 0 : i32
          %dma_wait3A_450 = arith.constant 0 : i32
          %dma_wait3A_451 = arith.constant 0 : i32
          %dma_wait3A_452 = tpu.memref_slice %arg6[%dma_wait3A_449, %dma_wait3A_450, %dma_wait3A_451] : memref<4x2x128xi32, #tpu.memory_space<vmem>> -> memref<1x1x128xi32, #tpu.memory_space<vmem>>
          %dma_wait3A_453 = tpu.memref_squeeze %dma_wait3A_452 : memref<1x1x128xi32, #tpu.memory_space<vmem>> -> memref<128xi32, #tpu.memory_space<vmem>>
          %dma_wait3A_454 = tpu.memref_slice %arg3[%add3A_448] : memref<320000xi32, #tpu.memory_space<hbm>> -> memref<128xi32, #tpu.memory_space<hbm>>
          %dma_wait3A_455 = arith.constant 0 : i32
          %dma_wait3A_456 = tpu.memref_slice %arg6[%dma_wait3A_449, %dma_wait3A_450, %dma_wait3A_455] : memref<4x2x128xi32, #tpu.memory_space<vmem>> -> memref<1x1x128xi32, #tpu.memory_space<vmem>>
          %dma_wait3A_457 = tpu.memref_squeeze %dma_wait3A_456 : memref<1x1x128xi32, #tpu.memory_space<vmem>> -> memref<128xi32, #tpu.memory_space<vmem>>
          %dma_wait3A_458 = tpu.memref_slice %arg3[%add3A_448] : memref<320000xi32, #tpu.memory_space<hbm>> -> memref<128xi32, #tpu.memory_space<hbm>>
          tpu.wait_dma2 semaphore(%arg9 : memref<!tpu.dma_semaphore, #tpu.memory_space<semaphore_mem>>) src(%dma_wait3A_458 : memref<128xi32, #tpu.memory_space<hbm>>) dst(%dma_wait3A_457 : memref<128xi32, #tpu.memory_space<vmem>>)
          %dma_wait3A_459 = arith.constant 0 : i32
          %dma_wait3A_460 = arith.constant 1 : i32
          %dma_wait3A_461 = arith.constant 0 : i32
          %dma_wait3A_462 = tpu.memref_slice %arg6[%dma_wait3A_459, %dma_wait3A_460, %dma_wait3A_461] : memref<4x2x128xi32, #tpu.memory_space<vmem>> -> memref<1x1x128xi32, #tpu.memory_space<vmem>>
          %dma_wait3A_463 = tpu.memref_squeeze %dma_wait3A_462 : memref<1x1x128xi32, #tpu.memory_space<vmem>> -> memref<128xi32, #tpu.memory_space<vmem>>
          %dma_wait3A_464 = tpu.memref_slice %arg4[%add3A_448] : memref<320000xi32, #tpu.memory_space<hbm>> -> memref<128xi32, #tpu.memory_space<hbm>>
          %dma_wait3A_465 = arith.constant 0 : i32
          %dma_wait3A_466 = tpu.memref_slice %arg6[%dma_wait3A_459, %dma_wait3A_460, %dma_wait3A_465] : memref<4x2x128xi32, #tpu.memory_space<vmem>> -> memref<1x1x128xi32, #tpu.memory_space<vmem>>
          %dma_wait3A_467 = tpu.memref_squeeze %dma_wait3A_466 : memref<1x1x128xi32, #tpu.memory_space<vmem>> -> memref<128xi32, #tpu.memory_space<vmem>>
          %dma_wait3A_468 = tpu.memref_slice %arg4[%add3A_448] : memref<320000xi32, #tpu.memory_space<hbm>> -> memref<128xi32, #tpu.memory_space<hbm>>
          tpu.wait_dma2 semaphore(%arg9 : memref<!tpu.dma_semaphore, #tpu.memory_space<semaphore_mem>>) src(%dma_wait3A_468 : memref<128xi32, #tpu.memory_space<hbm>>) dst(%dma_wait3A_467 : memref<128xi32, #tpu.memory_space<vmem>>)
          %dma_start3A_469 = arith.constant 0 : i32
          %dma_start3A_470 = arith.constant 0 : i32
          %dma_start3A_471 = arith.constant 1 : i32
          %dma_start3A_472 = arith.constant 0 : i32
          %dma_start3A_473 = arith.constant 0 : i32
          %dma_start3A_474 = tpu.memref_slice %arg7[%dma_start3A_471, %dma_start3A_472, %dma_start3A_473] : memref<3x128x128xf32, #tpu.memory_space<vmem>> -> memref<1x128x128xf32, #tpu.memory_space<vmem>>
          %dma_start3A_475 = tpu.memref_squeeze %dma_start3A_474 : memref<1x128x128xf32, #tpu.memory_space<vmem>> -> memref<128x128xf32, #tpu.memory_space<vmem>>
          %dma_start3A_476 = arith.constant 0 : i32
          %dma_start3A_477 = tpu.memref_slice %arg6[%dma_start3A_469, %dma_start3A_470, %dma_start3A_476] : memref<4x2x128xi32, #tpu.memory_space<vmem>> -> memref<1x1x128xi32, #tpu.memory_space<vmem>>
          %dma_start3A_478 = tpu.memref_squeeze %dma_start3A_477 : memref<1x1x128xi32, #tpu.memory_space<vmem>> -> memref<128xi32, #tpu.memory_space<vmem>>
          %dma_start3A_479 = arith.constant 0 : i32
          %dma_start3A_480 = arith.constant 0 : i32
          %dma_start3A_481 = tpu.memref_slice %arg2[%dma_start3A_479, %dma_start3A_480] : memref<10000x128xf32, #tpu.memory_space<hbm>> -> memref<10000x128xf32, #tpu.memory_space<hbm>>
          tpu.enqueue_indirect_dma source(%dma_start3A_481 : memref<10000x128xf32, #tpu.memory_space<hbm>>) target(%dma_start3A_475 : memref<128x128xf32, #tpu.memory_space<vmem>>) offsets(%dma_start3A_478 : memref<128xi32, #tpu.memory_space<vmem>>) semaphore(%arg14 : memref<!tpu.dma_semaphore, #tpu.memory_space<semaphore_mem>>)
        } else {
        }
      } else {
      }
      %add3A_328 = arith.constant 3 : i32
      %add3A_329 = arith.addi %add3A_267, %add3A_328 : i32
      %lt3A_330 = arith.constant 78 : i32
      %lt3A_331 = arith.cmpi slt, %add3A_329, %lt3A_330 : i32
      %convert_element_type3A_332 = arith.extui %lt3A_331 : i1 to i32
      %cond3A_333 = arith.constant 0 : i32
      %cond3A_334 = arith.cmpi ne, %convert_element_type3A_332, %cond3A_333 : i32
      scf.if %cond3A_334 {
        %dma_wait3A_391 = arith.constant 3 : i32
        %dma_wait3A_392 = arith.constant 0 : i32
        %dma_wait3A_393 = arith.constant 0 : i32
        %dma_wait3A_394 = arith.constant 0 : i32
        %dma_wait3A_395 = arith.constant 0 : i32
        %dma_wait3A_396 = tpu.memref_slice %arg7[%dma_wait3A_393, %dma_wait3A_394, %dma_wait3A_395] : memref<3x128x128xf32, #tpu.memory_space<vmem>> -> memref<1x128x128xf32, #tpu.memory_space<vmem>>
        %dma_wait3A_397 = tpu.memref_squeeze %dma_wait3A_396 : memref<1x128x128xf32, #tpu.memory_space<vmem>> -> memref<128x128xf32, #tpu.memory_space<vmem>>
        %dma_wait3A_398 = arith.constant 0 : i32
        %dma_wait3A_399 = tpu.memref_slice %arg6[%dma_wait3A_391, %dma_wait3A_392, %dma_wait3A_398] : memref<4x2x128xi32, #tpu.memory_space<vmem>> -> memref<1x1x128xi32, #tpu.memory_space<vmem>>
        %dma_wait3A_400 = tpu.memref_squeeze %dma_wait3A_399 : memref<1x1x128xi32, #tpu.memory_space<vmem>> -> memref<128xi32, #tpu.memory_space<vmem>>
        %dma_wait3A_401 = arith.constant 0 : i32
        %dma_wait3A_402 = arith.constant 0 : i32
        %dma_wait3A_403 = tpu.memref_slice %arg2[%dma_wait3A_401, %dma_wait3A_402] : memref<10000x128xf32, #tpu.memory_space<hbm>> -> memref<10000x128xf32, #tpu.memory_space<hbm>>
        tpu.wait_indirect_dma semaphore(%arg13 : memref<!tpu.dma_semaphore, #tpu.memory_space<semaphore_mem>>) src(%dma_wait3A_403 : memref<10000x128xf32, #tpu.memory_space<hbm>>) dst(%dma_wait3A_397 : memref<128x128xf32, #tpu.memory_space<vmem>>)
        %dma_start3A_404 = arith.constant 0 : i32
        %dma_start3A_405 = arith.constant 3 : i32
        %dma_start3A_406 = arith.constant 1 : i32
        %dma_start3A_407 = arith.constant 0 : i32
        %dma_start3A_408 = arith.constant 0 : i32
        %dma_start3A_409 = tpu.memref_slice %arg7[%dma_start3A_404, %dma_start3A_407, %dma_start3A_408] : memref<3x128x128xf32, #tpu.memory_space<vmem>> -> memref<1x128x128xf32, #tpu.memory_space<vmem>>
        %dma_start3A_410 = tpu.memref_squeeze %dma_start3A_409 : memref<1x128x128xf32, #tpu.memory_space<vmem>> -> memref<128x128xf32, #tpu.memory_space<vmem>>
        %dma_start3A_411 = arith.constant 0 : i32
        %dma_start3A_412 = tpu.memref_slice %arg6[%dma_start3A_405, %dma_start3A_406, %dma_start3A_411] : memref<4x2x128xi32, #tpu.memory_space<vmem>> -> memref<1x1x128xi32, #tpu.memory_space<vmem>>
        %dma_start3A_413 = tpu.memref_squeeze %dma_start3A_412 : memref<1x1x128xi32, #tpu.memory_space<vmem>> -> memref<128xi32, #tpu.memory_space<vmem>>
        %dma_start3A_414 = arith.constant 0 : i32
        %dma_start3A_415 = arith.constant 0 : i32
        %dma_start3A_416 = tpu.memref_slice %arg8[%dma_start3A_414, %dma_start3A_415] : memref<10000x128xf32, #tpu.memory_space<vmem_shared>> -> memref<10000x128xf32, #tpu.memory_space<vmem_shared>>
        tpu.enqueue_indirect_dma source(%dma_start3A_410 : memref<128x128xf32, #tpu.memory_space<vmem>>) target(%dma_start3A_416 : memref<10000x128xf32, #tpu.memory_space<vmem_shared>>) offsets(%dma_start3A_413 : memref<128xi32, #tpu.memory_space<vmem>>) semaphore(%arg16 : memref<!tpu.dma_semaphore, #tpu.memory_space<semaphore_mem>>) {add = true}
        %dma_wait3A_417 = arith.constant 2 : i32
        %dma_wait3A_418 = arith.constant 2 : i32
        %dma_wait3A_419 = arith.constant 1 : i32
        %dma_wait3A_420 = arith.constant 0 : i32
        %dma_wait3A_421 = arith.constant 0 : i32
        %dma_wait3A_422 = tpu.memref_slice %arg7[%dma_wait3A_417, %dma_wait3A_420, %dma_wait3A_421] : memref<3x128x128xf32, #tpu.memory_space<vmem>> -> memref<1x128x128xf32, #tpu.memory_space<vmem>>
        %dma_wait3A_423 = tpu.memref_squeeze %dma_wait3A_422 : memref<1x128x128xf32, #tpu.memory_space<vmem>> -> memref<128x128xf32, #tpu.memory_space<vmem>>
        %dma_wait3A_424 = arith.constant 0 : i32
        %dma_wait3A_425 = tpu.memref_slice %arg6[%dma_wait3A_418, %dma_wait3A_419, %dma_wait3A_424] : memref<4x2x128xi32, #tpu.memory_space<vmem>> -> memref<1x1x128xi32, #tpu.memory_space<vmem>>
        %dma_wait3A_426 = tpu.memref_squeeze %dma_wait3A_425 : memref<1x1x128xi32, #tpu.memory_space<vmem>> -> memref<128xi32, #tpu.memory_space<vmem>>
        %dma_wait3A_427 = arith.constant 0 : i32
        %dma_wait3A_428 = arith.constant 0 : i32
        %dma_wait3A_429 = tpu.memref_slice %arg8[%dma_wait3A_427, %dma_wait3A_428] : memref<10000x128xf32, #tpu.memory_space<vmem_shared>> -> memref<10000x128xf32, #tpu.memory_space<vmem_shared>>
        tpu.wait_indirect_dma semaphore(%arg18 : memref<!tpu.dma_semaphore, #tpu.memory_space<semaphore_mem>>) src(%dma_wait3A_423 : memref<128x128xf32, #tpu.memory_space<vmem>>) dst(%dma_wait3A_429 : memref<10000x128xf32, #tpu.memory_space<vmem_shared>>)
        %add3A_430 = arith.constant 3 : i32
        %add3A_431 = arith.addi %add3A_329, %add3A_430 : i32
        %lt3A_432 = arith.constant 78 : i32
        %lt3A_433 = arith.cmpi slt, %add3A_431, %lt3A_432 : i32
        %convert_element_type3A_434 = arith.extui %lt3A_433 : i1 to i32
        %cond3A_435 = arith.constant 0 : i32
        %cond3A_436 = arith.cmpi ne, %convert_element_type3A_434, %cond3A_435 : i32
        scf.if %cond3A_436 {
          %add3A_444 = arith.constant 3 : i32
          %add3A_445 = arith.addi %add3A_329, %add3A_444 : i32
          %mul3A_446 = arith.constant 128 : i32
          %mul3A_447 = arith.muli %add3A_445, %mul3A_446 : i32
          %add3A_448 = arith.addi %mul3A_2, %mul3A_447 : i32
          %dma_start3A_449 = arith.constant 2 : i32
          %dma_start3A_450 = arith.constant 0 : i32
          %dma_start3A_451 = arith.constant 0 : i32
          %dma_start3A_452 = tpu.memref_slice %arg6[%dma_start3A_449, %dma_start3A_450, %dma_start3A_451] : memref<4x2x128xi32, #tpu.memory_space<vmem>> -> memref<1x1x128xi32, #tpu.memory_space<vmem>>
          %dma_start3A_453 = tpu.memref_squeeze %dma_start3A_452 : memref<1x1x128xi32, #tpu.memory_space<vmem>> -> memref<128xi32, #tpu.memory_space<vmem>>
          %dma_start3A_454 = tpu.memref_slice %arg3[%add3A_448] : memref<320000xi32, #tpu.memory_space<hbm>> -> memref<128xi32, #tpu.memory_space<hbm>>
          %dma_start3A_455 = arith.constant 0 : i32
          %dma_start3A_456 = tpu.memref_slice %arg6[%dma_start3A_449, %dma_start3A_450, %dma_start3A_455] : memref<4x2x128xi32, #tpu.memory_space<vmem>> -> memref<1x1x128xi32, #tpu.memory_space<vmem>>
          %dma_start3A_457 = tpu.memref_squeeze %dma_start3A_456 : memref<1x1x128xi32, #tpu.memory_space<vmem>> -> memref<128xi32, #tpu.memory_space<vmem>>
          %dma_start3A_458 = tpu.memref_slice %arg3[%add3A_448] : memref<320000xi32, #tpu.memory_space<hbm>> -> memref<128xi32, #tpu.memory_space<hbm>>
          tpu.enqueue_dma source(%dma_start3A_458 : memref<128xi32, #tpu.memory_space<hbm>>) target(%dma_start3A_457 : memref<128xi32, #tpu.memory_space<vmem>>) target_semaphore(%arg11 : memref<!tpu.dma_semaphore, #tpu.memory_space<semaphore_mem>>)
          %dma_start3A_459 = arith.constant 2 : i32
          %dma_start3A_460 = arith.constant 1 : i32
          %dma_start3A_461 = arith.constant 0 : i32
          %dma_start3A_462 = tpu.memref_slice %arg6[%dma_start3A_459, %dma_start3A_460, %dma_start3A_461] : memref<4x2x128xi32, #tpu.memory_space<vmem>> -> memref<1x1x128xi32, #tpu.memory_space<vmem>>
          %dma_start3A_463 = tpu.memref_squeeze %dma_start3A_462 : memref<1x1x128xi32, #tpu.memory_space<vmem>> -> memref<128xi32, #tpu.memory_space<vmem>>
          %dma_start3A_464 = tpu.memref_slice %arg4[%add3A_448] : memref<320000xi32, #tpu.memory_space<hbm>> -> memref<128xi32, #tpu.memory_space<hbm>>
          %dma_start3A_465 = arith.constant 0 : i32
          %dma_start3A_466 = tpu.memref_slice %arg6[%dma_start3A_459, %dma_start3A_460, %dma_start3A_465] : memref<4x2x128xi32, #tpu.memory_space<vmem>> -> memref<1x1x128xi32, #tpu.memory_space<vmem>>
          %dma_start3A_467 = tpu.memref_squeeze %dma_start3A_466 : memref<1x1x128xi32, #tpu.memory_space<vmem>> -> memref<128xi32, #tpu.memory_space<vmem>>
          %dma_start3A_468 = tpu.memref_slice %arg4[%add3A_448] : memref<320000xi32, #tpu.memory_space<hbm>> -> memref<128xi32, #tpu.memory_space<hbm>>
          tpu.enqueue_dma source(%dma_start3A_468 : memref<128xi32, #tpu.memory_space<hbm>>) target(%dma_start3A_467 : memref<128xi32, #tpu.memory_space<vmem>>) target_semaphore(%arg11 : memref<!tpu.dma_semaphore, #tpu.memory_space<semaphore_mem>>)
        } else {
        }
        %add3A_437 = arith.constant 2 : i32
        %add3A_438 = arith.addi %add3A_329, %add3A_437 : i32
        %lt3A_439 = arith.constant 78 : i32
        %lt3A_440 = arith.cmpi slt, %add3A_438, %lt3A_439 : i32
        %convert_element_type3A_441 = arith.extui %lt3A_440 : i1 to i32
        %cond3A_442 = arith.constant 0 : i32
        %cond3A_443 = arith.cmpi ne, %convert_element_type3A_441, %cond3A_442 : i32
        scf.if %cond3A_443 {
          %add3A_444 = arith.constant 2 : i32
          %add3A_445 = arith.addi %add3A_329, %add3A_444 : i32
          %mul3A_446 = arith.constant 128 : i32
          %mul3A_447 = arith.muli %add3A_445, %mul3A_446 : i32
          %add3A_448 = arith.addi %mul3A_2, %mul3A_447 : i32
          %dma_wait3A_449 = arith.constant 1 : i32
          %dma_wait3A_450 = arith.constant 0 : i32
          %dma_wait3A_451 = arith.constant 0 : i32
          %dma_wait3A_452 = tpu.memref_slice %arg6[%dma_wait3A_449, %dma_wait3A_450, %dma_wait3A_451] : memref<4x2x128xi32, #tpu.memory_space<vmem>> -> memref<1x1x128xi32, #tpu.memory_space<vmem>>
          %dma_wait3A_453 = tpu.memref_squeeze %dma_wait3A_452 : memref<1x1x128xi32, #tpu.memory_space<vmem>> -> memref<128xi32, #tpu.memory_space<vmem>>
          %dma_wait3A_454 = tpu.memref_slice %arg3[%add3A_448] : memref<320000xi32, #tpu.memory_space<hbm>> -> memref<128xi32, #tpu.memory_space<hbm>>
          %dma_wait3A_455 = arith.constant 0 : i32
          %dma_wait3A_456 = tpu.memref_slice %arg6[%dma_wait3A_449, %dma_wait3A_450, %dma_wait3A_455] : memref<4x2x128xi32, #tpu.memory_space<vmem>> -> memref<1x1x128xi32, #tpu.memory_space<vmem>>
          %dma_wait3A_457 = tpu.memref_squeeze %dma_wait3A_456 : memref<1x1x128xi32, #tpu.memory_space<vmem>> -> memref<128xi32, #tpu.memory_space<vmem>>
          %dma_wait3A_458 = tpu.memref_slice %arg3[%add3A_448] : memref<320000xi32, #tpu.memory_space<hbm>> -> memref<128xi32, #tpu.memory_space<hbm>>
          tpu.wait_dma2 semaphore(%arg10 : memref<!tpu.dma_semaphore, #tpu.memory_space<semaphore_mem>>) src(%dma_wait3A_458 : memref<128xi32, #tpu.memory_space<hbm>>) dst(%dma_wait3A_457 : memref<128xi32, #tpu.memory_space<vmem>>)
          %dma_wait3A_459 = arith.constant 1 : i32
          %dma_wait3A_460 = arith.constant 1 : i32
          %dma_wait3A_461 = arith.constant 0 : i32
          %dma_wait3A_462 = tpu.memref_slice %arg6[%dma_wait3A_459, %dma_wait3A_460, %dma_wait3A_461] : memref<4x2x128xi32, #tpu.memory_space<vmem>> -> memref<1x1x128xi32, #tpu.memory_space<vmem>>
          %dma_wait3A_463 = tpu.memref_squeeze %dma_wait3A_462 : memref<1x1x128xi32, #tpu.memory_space<vmem>> -> memref<128xi32, #tpu.memory_space<vmem>>
          %dma_wait3A_464 = tpu.memref_slice %arg4[%add3A_448] : memref<320000xi32, #tpu.memory_space<hbm>> -> memref<128xi32, #tpu.memory_space<hbm>>
          %dma_wait3A_465 = arith.constant 0 : i32
          %dma_wait3A_466 = tpu.memref_slice %arg6[%dma_wait3A_459, %dma_wait3A_460, %dma_wait3A_465] : memref<4x2x128xi32, #tpu.memory_space<vmem>> -> memref<1x1x128xi32, #tpu.memory_space<vmem>>
          %dma_wait3A_467 = tpu.memref_squeeze %dma_wait3A_466 : memref<1x1x128xi32, #tpu.memory_space<vmem>> -> memref<128xi32, #tpu.memory_space<vmem>>
          %dma_wait3A_468 = tpu.memref_slice %arg4[%add3A_448] : memref<320000xi32, #tpu.memory_space<hbm>> -> memref<128xi32, #tpu.memory_space<hbm>>
          tpu.wait_dma2 semaphore(%arg10 : memref<!tpu.dma_semaphore, #tpu.memory_space<semaphore_mem>>) src(%dma_wait3A_468 : memref<128xi32, #tpu.memory_space<hbm>>) dst(%dma_wait3A_467 : memref<128xi32, #tpu.memory_space<vmem>>)
          %dma_start3A_469 = arith.constant 1 : i32
          %dma_start3A_470 = arith.constant 0 : i32
          %dma_start3A_471 = arith.constant 2 : i32
          %dma_start3A_472 = arith.constant 0 : i32
          %dma_start3A_473 = arith.constant 0 : i32
          %dma_start3A_474 = tpu.memref_slice %arg7[%dma_start3A_471, %dma_start3A_472, %dma_start3A_473] : memref<3x128x128xf32, #tpu.memory_space<vmem>> -> memref<1x128x128xf32, #tpu.memory_space<vmem>>
          %dma_start3A_475 = tpu.memref_squeeze %dma_start3A_474 : memref<1x128x128xf32, #tpu.memory_space<vmem>> -> memref<128x128xf32, #tpu.memory_space<vmem>>
          %dma_start3A_476 = arith.constant 0 : i32
          %dma_start3A_477 = tpu.memref_slice %arg6[%dma_start3A_469, %dma_start3A_470, %dma_start3A_476] : memref<4x2x128xi32, #tpu.memory_space<vmem>> -> memref<1x1x128xi32, #tpu.memory_space<vmem>>
          %dma_start3A_478 = tpu.memref_squeeze %dma_start3A_477 : memref<1x1x128xi32, #tpu.memory_space<vmem>> -> memref<128xi32, #tpu.memory_space<vmem>>
          %dma_start3A_479 = arith.constant 0 : i32
          %dma_start3A_480 = arith.constant 0 : i32
          %dma_start3A_481 = tpu.memref_slice %arg2[%dma_start3A_479, %dma_start3A_480] : memref<10000x128xf32, #tpu.memory_space<hbm>> -> memref<10000x128xf32, #tpu.memory_space<hbm>>
          tpu.enqueue_indirect_dma source(%dma_start3A_481 : memref<10000x128xf32, #tpu.memory_space<hbm>>) target(%dma_start3A_475 : memref<128x128xf32, #tpu.memory_space<vmem>>) offsets(%dma_start3A_478 : memref<128xi32, #tpu.memory_space<vmem>>) semaphore(%arg15 : memref<!tpu.dma_semaphore, #tpu.memory_space<semaphore_mem>>)
        } else {
        }
      } else {
      }
      %add3A_335 = arith.constant 4 : i32
      %add3A_336 = arith.addi %add3A_267, %add3A_335 : i32
      %lt3A_337 = arith.constant 78 : i32
      %lt3A_338 = arith.cmpi slt, %add3A_336, %lt3A_337 : i32
      %convert_element_type3A_339 = arith.extui %lt3A_338 : i1 to i32
      %cond3A_340 = arith.constant 0 : i32
      %cond3A_341 = arith.cmpi ne, %convert_element_type3A_339, %cond3A_340 : i32
      scf.if %cond3A_341 {
        %dma_wait3A_391 = arith.constant 0 : i32
        %dma_wait3A_392 = arith.constant 0 : i32
        %dma_wait3A_393 = arith.constant 1 : i32
        %dma_wait3A_394 = arith.constant 0 : i32
        %dma_wait3A_395 = arith.constant 0 : i32
        %dma_wait3A_396 = tpu.memref_slice %arg7[%dma_wait3A_393, %dma_wait3A_394, %dma_wait3A_395] : memref<3x128x128xf32, #tpu.memory_space<vmem>> -> memref<1x128x128xf32, #tpu.memory_space<vmem>>
        %dma_wait3A_397 = tpu.memref_squeeze %dma_wait3A_396 : memref<1x128x128xf32, #tpu.memory_space<vmem>> -> memref<128x128xf32, #tpu.memory_space<vmem>>
        %dma_wait3A_398 = arith.constant 0 : i32
        %dma_wait3A_399 = tpu.memref_slice %arg6[%dma_wait3A_391, %dma_wait3A_392, %dma_wait3A_398] : memref<4x2x128xi32, #tpu.memory_space<vmem>> -> memref<1x1x128xi32, #tpu.memory_space<vmem>>
        %dma_wait3A_400 = tpu.memref_squeeze %dma_wait3A_399 : memref<1x1x128xi32, #tpu.memory_space<vmem>> -> memref<128xi32, #tpu.memory_space<vmem>>
        %dma_wait3A_401 = arith.constant 0 : i32
        %dma_wait3A_402 = arith.constant 0 : i32
        %dma_wait3A_403 = tpu.memref_slice %arg2[%dma_wait3A_401, %dma_wait3A_402] : memref<10000x128xf32, #tpu.memory_space<hbm>> -> memref<10000x128xf32, #tpu.memory_space<hbm>>
        tpu.wait_indirect_dma semaphore(%arg14 : memref<!tpu.dma_semaphore, #tpu.memory_space<semaphore_mem>>) src(%dma_wait3A_403 : memref<10000x128xf32, #tpu.memory_space<hbm>>) dst(%dma_wait3A_397 : memref<128x128xf32, #tpu.memory_space<vmem>>)
        %dma_start3A_404 = arith.constant 1 : i32
        %dma_start3A_405 = arith.constant 0 : i32
        %dma_start3A_406 = arith.constant 1 : i32
        %dma_start3A_407 = arith.constant 0 : i32
        %dma_start3A_408 = arith.constant 0 : i32
        %dma_start3A_409 = tpu.memref_slice %arg7[%dma_start3A_404, %dma_start3A_407, %dma_start3A_408] : memref<3x128x128xf32, #tpu.memory_space<vmem>> -> memref<1x128x128xf32, #tpu.memory_space<vmem>>
        %dma_start3A_410 = tpu.memref_squeeze %dma_start3A_409 : memref<1x128x128xf32, #tpu.memory_space<vmem>> -> memref<128x128xf32, #tpu.memory_space<vmem>>
        %dma_start3A_411 = arith.constant 0 : i32
        %dma_start3A_412 = tpu.memref_slice %arg6[%dma_start3A_405, %dma_start3A_406, %dma_start3A_411] : memref<4x2x128xi32, #tpu.memory_space<vmem>> -> memref<1x1x128xi32, #tpu.memory_space<vmem>>
        %dma_start3A_413 = tpu.memref_squeeze %dma_start3A_412 : memref<1x1x128xi32, #tpu.memory_space<vmem>> -> memref<128xi32, #tpu.memory_space<vmem>>
        %dma_start3A_414 = arith.constant 0 : i32
        %dma_start3A_415 = arith.constant 0 : i32
        %dma_start3A_416 = tpu.memref_slice %arg8[%dma_start3A_414, %dma_start3A_415] : memref<10000x128xf32, #tpu.memory_space<vmem_shared>> -> memref<10000x128xf32, #tpu.memory_space<vmem_shared>>
        tpu.enqueue_indirect_dma source(%dma_start3A_410 : memref<128x128xf32, #tpu.memory_space<vmem>>) target(%dma_start3A_416 : memref<10000x128xf32, #tpu.memory_space<vmem_shared>>) offsets(%dma_start3A_413 : memref<128xi32, #tpu.memory_space<vmem>>) semaphore(%arg17 : memref<!tpu.dma_semaphore, #tpu.memory_space<semaphore_mem>>) {add = true}
        %dma_wait3A_417 = arith.constant 0 : i32
        %dma_wait3A_418 = arith.constant 3 : i32
        %dma_wait3A_419 = arith.constant 1 : i32
        %dma_wait3A_420 = arith.constant 0 : i32
        %dma_wait3A_421 = arith.constant 0 : i32
        %dma_wait3A_422 = tpu.memref_slice %arg7[%dma_wait3A_417, %dma_wait3A_420, %dma_wait3A_421] : memref<3x128x128xf32, #tpu.memory_space<vmem>> -> memref<1x128x128xf32, #tpu.memory_space<vmem>>
        %dma_wait3A_423 = tpu.memref_squeeze %dma_wait3A_422 : memref<1x128x128xf32, #tpu.memory_space<vmem>> -> memref<128x128xf32, #tpu.memory_space<vmem>>
        %dma_wait3A_424 = arith.constant 0 : i32
        %dma_wait3A_425 = tpu.memref_slice %arg6[%dma_wait3A_418, %dma_wait3A_419, %dma_wait3A_424] : memref<4x2x128xi32, #tpu.memory_space<vmem>> -> memref<1x1x128xi32, #tpu.memory_space<vmem>>
        %dma_wait3A_426 = tpu.memref_squeeze %dma_wait3A_425 : memref<1x1x128xi32, #tpu.memory_space<vmem>> -> memref<128xi32, #tpu.memory_space<vmem>>
        %dma_wait3A_427 = arith.constant 0 : i32
        %dma_wait3A_428 = arith.constant 0 : i32
        %dma_wait3A_429 = tpu.memref_slice %arg8[%dma_wait3A_427, %dma_wait3A_428] : memref<10000x128xf32, #tpu.memory_space<vmem_shared>> -> memref<10000x128xf32, #tpu.memory_space<vmem_shared>>
        tpu.wait_indirect_dma semaphore(%arg16 : memref<!tpu.dma_semaphore, #tpu.memory_space<semaphore_mem>>) src(%dma_wait3A_423 : memref<128x128xf32, #tpu.memory_space<vmem>>) dst(%dma_wait3A_429 : memref<10000x128xf32, #tpu.memory_space<vmem_shared>>)
        %add3A_430 = arith.constant 3 : i32
        %add3A_431 = arith.addi %add3A_336, %add3A_430 : i32
        %lt3A_432 = arith.constant 78 : i32
        %lt3A_433 = arith.cmpi slt, %add3A_431, %lt3A_432 : i32
        %convert_element_type3A_434 = arith.extui %lt3A_433 : i1 to i32
        %cond3A_435 = arith.constant 0 : i32
        %cond3A_436 = arith.cmpi ne, %convert_element_type3A_434, %cond3A_435 : i32
        scf.if %cond3A_436 {
          %add3A_444 = arith.constant 3 : i32
          %add3A_445 = arith.addi %add3A_336, %add3A_444 : i32
          %mul3A_446 = arith.constant 128 : i32
          %mul3A_447 = arith.muli %add3A_445, %mul3A_446 : i32
          %add3A_448 = arith.addi %mul3A_2, %mul3A_447 : i32
          %dma_start3A_449 = arith.constant 3 : i32
          %dma_start3A_450 = arith.constant 0 : i32
          %dma_start3A_451 = arith.constant 0 : i32
          %dma_start3A_452 = tpu.memref_slice %arg6[%dma_start3A_449, %dma_start3A_450, %dma_start3A_451] : memref<4x2x128xi32, #tpu.memory_space<vmem>> -> memref<1x1x128xi32, #tpu.memory_space<vmem>>
          %dma_start3A_453 = tpu.memref_squeeze %dma_start3A_452 : memref<1x1x128xi32, #tpu.memory_space<vmem>> -> memref<128xi32, #tpu.memory_space<vmem>>
          %dma_start3A_454 = tpu.memref_slice %arg3[%add3A_448] : memref<320000xi32, #tpu.memory_space<hbm>> -> memref<128xi32, #tpu.memory_space<hbm>>
          %dma_start3A_455 = arith.constant 0 : i32
          %dma_start3A_456 = tpu.memref_slice %arg6[%dma_start3A_449, %dma_start3A_450, %dma_start3A_455] : memref<4x2x128xi32, #tpu.memory_space<vmem>> -> memref<1x1x128xi32, #tpu.memory_space<vmem>>
          %dma_start3A_457 = tpu.memref_squeeze %dma_start3A_456 : memref<1x1x128xi32, #tpu.memory_space<vmem>> -> memref<128xi32, #tpu.memory_space<vmem>>
          %dma_start3A_458 = tpu.memref_slice %arg3[%add3A_448] : memref<320000xi32, #tpu.memory_space<hbm>> -> memref<128xi32, #tpu.memory_space<hbm>>
          tpu.enqueue_dma source(%dma_start3A_458 : memref<128xi32, #tpu.memory_space<hbm>>) target(%dma_start3A_457 : memref<128xi32, #tpu.memory_space<vmem>>) target_semaphore(%arg12 : memref<!tpu.dma_semaphore, #tpu.memory_space<semaphore_mem>>)
          %dma_start3A_459 = arith.constant 3 : i32
          %dma_start3A_460 = arith.constant 1 : i32
          %dma_start3A_461 = arith.constant 0 : i32
          %dma_start3A_462 = tpu.memref_slice %arg6[%dma_start3A_459, %dma_start3A_460, %dma_start3A_461] : memref<4x2x128xi32, #tpu.memory_space<vmem>> -> memref<1x1x128xi32, #tpu.memory_space<vmem>>
          %dma_start3A_463 = tpu.memref_squeeze %dma_start3A_462 : memref<1x1x128xi32, #tpu.memory_space<vmem>> -> memref<128xi32, #tpu.memory_space<vmem>>
          %dma_start3A_464 = tpu.memref_slice %arg4[%add3A_448] : memref<320000xi32, #tpu.memory_space<hbm>> -> memref<128xi32, #tpu.memory_space<hbm>>
          %dma_start3A_465 = arith.constant 0 : i32
          %dma_start3A_466 = tpu.memref_slice %arg6[%dma_start3A_459, %dma_start3A_460, %dma_start3A_465] : memref<4x2x128xi32, #tpu.memory_space<vmem>> -> memref<1x1x128xi32, #tpu.memory_space<vmem>>
          %dma_start3A_467 = tpu.memref_squeeze %dma_start3A_466 : memref<1x1x128xi32, #tpu.memory_space<vmem>> -> memref<128xi32, #tpu.memory_space<vmem>>
          %dma_start3A_468 = tpu.memref_slice %arg4[%add3A_448] : memref<320000xi32, #tpu.memory_space<hbm>> -> memref<128xi32, #tpu.memory_space<hbm>>
          tpu.enqueue_dma source(%dma_start3A_468 : memref<128xi32, #tpu.memory_space<hbm>>) target(%dma_start3A_467 : memref<128xi32, #tpu.memory_space<vmem>>) target_semaphore(%arg12 : memref<!tpu.dma_semaphore, #tpu.memory_space<semaphore_mem>>)
        } else {
        }
        %add3A_437 = arith.constant 2 : i32
        %add3A_438 = arith.addi %add3A_336, %add3A_437 : i32
        %lt3A_439 = arith.constant 78 : i32
        %lt3A_440 = arith.cmpi slt, %add3A_438, %lt3A_439 : i32
        %convert_element_type3A_441 = arith.extui %lt3A_440 : i1 to i32
        %cond3A_442 = arith.constant 0 : i32
        %cond3A_443 = arith.cmpi ne, %convert_element_type3A_441, %cond3A_442 : i32
        scf.if %cond3A_443 {
          %add3A_444 = arith.constant 2 : i32
          %add3A_445 = arith.addi %add3A_336, %add3A_444 : i32
          %mul3A_446 = arith.constant 128 : i32
          %mul3A_447 = arith.muli %add3A_445, %mul3A_446 : i32
          %add3A_448 = arith.addi %mul3A_2, %mul3A_447 : i32
          %dma_wait3A_449 = arith.constant 2 : i32
          %dma_wait3A_450 = arith.constant 0 : i32
          %dma_wait3A_451 = arith.constant 0 : i32
          %dma_wait3A_452 = tpu.memref_slice %arg6[%dma_wait3A_449, %dma_wait3A_450, %dma_wait3A_451] : memref<4x2x128xi32, #tpu.memory_space<vmem>> -> memref<1x1x128xi32, #tpu.memory_space<vmem>>
          %dma_wait3A_453 = tpu.memref_squeeze %dma_wait3A_452 : memref<1x1x128xi32, #tpu.memory_space<vmem>> -> memref<128xi32, #tpu.memory_space<vmem>>
          %dma_wait3A_454 = tpu.memref_slice %arg3[%add3A_448] : memref<320000xi32, #tpu.memory_space<hbm>> -> memref<128xi32, #tpu.memory_space<hbm>>
          %dma_wait3A_455 = arith.constant 0 : i32
          %dma_wait3A_456 = tpu.memref_slice %arg6[%dma_wait3A_449, %dma_wait3A_450, %dma_wait3A_455] : memref<4x2x128xi32, #tpu.memory_space<vmem>> -> memref<1x1x128xi32, #tpu.memory_space<vmem>>
          %dma_wait3A_457 = tpu.memref_squeeze %dma_wait3A_456 : memref<1x1x128xi32, #tpu.memory_space<vmem>> -> memref<128xi32, #tpu.memory_space<vmem>>
          %dma_wait3A_458 = tpu.memref_slice %arg3[%add3A_448] : memref<320000xi32, #tpu.memory_space<hbm>> -> memref<128xi32, #tpu.memory_space<hbm>>
          tpu.wait_dma2 semaphore(%arg11 : memref<!tpu.dma_semaphore, #tpu.memory_space<semaphore_mem>>) src(%dma_wait3A_458 : memref<128xi32, #tpu.memory_space<hbm>>) dst(%dma_wait3A_457 : memref<128xi32, #tpu.memory_space<vmem>>)
          %dma_wait3A_459 = arith.constant 2 : i32
          %dma_wait3A_460 = arith.constant 1 : i32
          %dma_wait3A_461 = arith.constant 0 : i32
          %dma_wait3A_462 = tpu.memref_slice %arg6[%dma_wait3A_459, %dma_wait3A_460, %dma_wait3A_461] : memref<4x2x128xi32, #tpu.memory_space<vmem>> -> memref<1x1x128xi32, #tpu.memory_space<vmem>>
          %dma_wait3A_463 = tpu.memref_squeeze %dma_wait3A_462 : memref<1x1x128xi32, #tpu.memory_space<vmem>> -> memref<128xi32, #tpu.memory_space<vmem>>
          %dma_wait3A_464 = tpu.memref_slice %arg4[%add3A_448] : memref<320000xi32, #tpu.memory_space<hbm>> -> memref<128xi32, #tpu.memory_space<hbm>>
          %dma_wait3A_465 = arith.constant 0 : i32
          %dma_wait3A_466 = tpu.memref_slice %arg6[%dma_wait3A_459, %dma_wait3A_460, %dma_wait3A_465] : memref<4x2x128xi32, #tpu.memory_space<vmem>> -> memref<1x1x128xi32, #tpu.memory_space<vmem>>
          %dma_wait3A_467 = tpu.memref_squeeze %dma_wait3A_466 : memref<1x1x128xi32, #tpu.memory_space<vmem>> -> memref<128xi32, #tpu.memory_space<vmem>>
          %dma_wait3A_468 = tpu.memref_slice %arg4[%add3A_448] : memref<320000xi32, #tpu.memory_space<hbm>> -> memref<128xi32, #tpu.memory_space<hbm>>
          tpu.wait_dma2 semaphore(%arg11 : memref<!tpu.dma_semaphore, #tpu.memory_space<semaphore_mem>>) src(%dma_wait3A_468 : memref<128xi32, #tpu.memory_space<hbm>>) dst(%dma_wait3A_467 : memref<128xi32, #tpu.memory_space<vmem>>)
          %dma_start3A_469 = arith.constant 2 : i32
          %dma_start3A_470 = arith.constant 0 : i32
          %dma_start3A_471 = arith.constant 0 : i32
          %dma_start3A_472 = arith.constant 0 : i32
          %dma_start3A_473 = arith.constant 0 : i32
          %dma_start3A_474 = tpu.memref_slice %arg7[%dma_start3A_471, %dma_start3A_472, %dma_start3A_473] : memref<3x128x128xf32, #tpu.memory_space<vmem>> -> memref<1x128x128xf32, #tpu.memory_space<vmem>>
          %dma_start3A_475 = tpu.memref_squeeze %dma_start3A_474 : memref<1x128x128xf32, #tpu.memory_space<vmem>> -> memref<128x128xf32, #tpu.memory_space<vmem>>
          %dma_start3A_476 = arith.constant 0 : i32
          %dma_start3A_477 = tpu.memref_slice %arg6[%dma_start3A_469, %dma_start3A_470, %dma_start3A_476] : memref<4x2x128xi32, #tpu.memory_space<vmem>> -> memref<1x1x128xi32, #tpu.memory_space<vmem>>
          %dma_start3A_478 = tpu.memref_squeeze %dma_start3A_477 : memref<1x1x128xi32, #tpu.memory_space<vmem>> -> memref<128xi32, #tpu.memory_space<vmem>>
          %dma_start3A_479 = arith.constant 0 : i32
          %dma_start3A_480 = arith.constant 0 : i32
          %dma_start3A_481 = tpu.memref_slice %arg2[%dma_start3A_479, %dma_start3A_480] : memref<10000x128xf32, #tpu.memory_space<hbm>> -> memref<10000x128xf32, #tpu.memory_space<hbm>>
          tpu.enqueue_indirect_dma source(%dma_start3A_481 : memref<10000x128xf32, #tpu.memory_space<hbm>>) target(%dma_start3A_475 : memref<128x128xf32, #tpu.memory_space<vmem>>) offsets(%dma_start3A_478 : memref<128xi32, #tpu.memory_space<vmem>>) semaphore(%arg13 : memref<!tpu.dma_semaphore, #tpu.memory_space<semaphore_mem>>)
        } else {
        }
      } else {
      }
      %add3A_342 = arith.constant 5 : i32
      %add3A_343 = arith.addi %add3A_267, %add3A_342 : i32
      %lt3A_344 = arith.constant 78 : i32
      %lt3A_345 = arith.cmpi slt, %add3A_343, %lt3A_344 : i32
      %convert_element_type3A_346 = arith.extui %lt3A_345 : i1 to i32
      %cond3A_347 = arith.constant 0 : i32
      %cond3A_348 = arith.cmpi ne, %convert_element_type3A_346, %cond3A_347 : i32
      scf.if %cond3A_348 {
        %dma_wait3A_391 = arith.constant 1 : i32
        %dma_wait3A_392 = arith.constant 0 : i32
        %dma_wait3A_393 = arith.constant 2 : i32
        %dma_wait3A_394 = arith.constant 0 : i32
        %dma_wait3A_395 = arith.constant 0 : i32
        %dma_wait3A_396 = tpu.memref_slice %arg7[%dma_wait3A_393, %dma_wait3A_394, %dma_wait3A_395] : memref<3x128x128xf32, #tpu.memory_space<vmem>> -> memref<1x128x128xf32, #tpu.memory_space<vmem>>
        %dma_wait3A_397 = tpu.memref_squeeze %dma_wait3A_396 : memref<1x128x128xf32, #tpu.memory_space<vmem>> -> memref<128x128xf32, #tpu.memory_space<vmem>>
        %dma_wait3A_398 = arith.constant 0 : i32
        %dma_wait3A_399 = tpu.memref_slice %arg6[%dma_wait3A_391, %dma_wait3A_392, %dma_wait3A_398] : memref<4x2x128xi32, #tpu.memory_space<vmem>> -> memref<1x1x128xi32, #tpu.memory_space<vmem>>
        %dma_wait3A_400 = tpu.memref_squeeze %dma_wait3A_399 : memref<1x1x128xi32, #tpu.memory_space<vmem>> -> memref<128xi32, #tpu.memory_space<vmem>>
        %dma_wait3A_401 = arith.constant 0 : i32
        %dma_wait3A_402 = arith.constant 0 : i32
        %dma_wait3A_403 = tpu.memref_slice %arg2[%dma_wait3A_401, %dma_wait3A_402] : memref<10000x128xf32, #tpu.memory_space<hbm>> -> memref<10000x128xf32, #tpu.memory_space<hbm>>
        tpu.wait_indirect_dma semaphore(%arg15 : memref<!tpu.dma_semaphore, #tpu.memory_space<semaphore_mem>>) src(%dma_wait3A_403 : memref<10000x128xf32, #tpu.memory_space<hbm>>) dst(%dma_wait3A_397 : memref<128x128xf32, #tpu.memory_space<vmem>>)
        %dma_start3A_404 = arith.constant 2 : i32
        %dma_start3A_405 = arith.constant 1 : i32
        %dma_start3A_406 = arith.constant 1 : i32
        %dma_start3A_407 = arith.constant 0 : i32
        %dma_start3A_408 = arith.constant 0 : i32
        %dma_start3A_409 = tpu.memref_slice %arg7[%dma_start3A_404, %dma_start3A_407, %dma_start3A_408] : memref<3x128x128xf32, #tpu.memory_space<vmem>> -> memref<1x128x128xf32, #tpu.memory_space<vmem>>
        %dma_start3A_410 = tpu.memref_squeeze %dma_start3A_409 : memref<1x128x128xf32, #tpu.memory_space<vmem>> -> memref<128x128xf32, #tpu.memory_space<vmem>>
        %dma_start3A_411 = arith.constant 0 : i32
        %dma_start3A_412 = tpu.memref_slice %arg6[%dma_start3A_405, %dma_start3A_406, %dma_start3A_411] : memref<4x2x128xi32, #tpu.memory_space<vmem>> -> memref<1x1x128xi32, #tpu.memory_space<vmem>>
        %dma_start3A_413 = tpu.memref_squeeze %dma_start3A_412 : memref<1x1x128xi32, #tpu.memory_space<vmem>> -> memref<128xi32, #tpu.memory_space<vmem>>
        %dma_start3A_414 = arith.constant 0 : i32
        %dma_start3A_415 = arith.constant 0 : i32
        %dma_start3A_416 = tpu.memref_slice %arg8[%dma_start3A_414, %dma_start3A_415] : memref<10000x128xf32, #tpu.memory_space<vmem_shared>> -> memref<10000x128xf32, #tpu.memory_space<vmem_shared>>
        tpu.enqueue_indirect_dma source(%dma_start3A_410 : memref<128x128xf32, #tpu.memory_space<vmem>>) target(%dma_start3A_416 : memref<10000x128xf32, #tpu.memory_space<vmem_shared>>) offsets(%dma_start3A_413 : memref<128xi32, #tpu.memory_space<vmem>>) semaphore(%arg18 : memref<!tpu.dma_semaphore, #tpu.memory_space<semaphore_mem>>) {add = true}
        %dma_wait3A_417 = arith.constant 1 : i32
        %dma_wait3A_418 = arith.constant 0 : i32
        %dma_wait3A_419 = arith.constant 1 : i32
        %dma_wait3A_420 = arith.constant 0 : i32
        %dma_wait3A_421 = arith.constant 0 : i32
        %dma_wait3A_422 = tpu.memref_slice %arg7[%dma_wait3A_417, %dma_wait3A_420, %dma_wait3A_421] : memref<3x128x128xf32, #tpu.memory_space<vmem>> -> memref<1x128x128xf32, #tpu.memory_space<vmem>>
        %dma_wait3A_423 = tpu.memref_squeeze %dma_wait3A_422 : memref<1x128x128xf32, #tpu.memory_space<vmem>> -> memref<128x128xf32, #tpu.memory_space<vmem>>
        %dma_wait3A_424 = arith.constant 0 : i32
        %dma_wait3A_425 = tpu.memref_slice %arg6[%dma_wait3A_418, %dma_wait3A_419, %dma_wait3A_424] : memref<4x2x128xi32, #tpu.memory_space<vmem>> -> memref<1x1x128xi32, #tpu.memory_space<vmem>>
        %dma_wait3A_426 = tpu.memref_squeeze %dma_wait3A_425 : memref<1x1x128xi32, #tpu.memory_space<vmem>> -> memref<128xi32, #tpu.memory_space<vmem>>
        %dma_wait3A_427 = arith.constant 0 : i32
        %dma_wait3A_428 = arith.constant 0 : i32
        %dma_wait3A_429 = tpu.memref_slice %arg8[%dma_wait3A_427, %dma_wait3A_428] : memref<10000x128xf32, #tpu.memory_space<vmem_shared>> -> memref<10000x128xf32, #tpu.memory_space<vmem_shared>>
        tpu.wait_indirect_dma semaphore(%arg17 : memref<!tpu.dma_semaphore, #tpu.memory_space<semaphore_mem>>) src(%dma_wait3A_423 : memref<128x128xf32, #tpu.memory_space<vmem>>) dst(%dma_wait3A_429 : memref<10000x128xf32, #tpu.memory_space<vmem_shared>>)
        %add3A_430 = arith.constant 3 : i32
        %add3A_431 = arith.addi %add3A_343, %add3A_430 : i32
        %lt3A_432 = arith.constant 78 : i32
        %lt3A_433 = arith.cmpi slt, %add3A_431, %lt3A_432 : i32
        %convert_element_type3A_434 = arith.extui %lt3A_433 : i1 to i32
        %cond3A_435 = arith.constant 0 : i32
        %cond3A_436 = arith.cmpi ne, %convert_element_type3A_434, %cond3A_435 : i32
        scf.if %cond3A_436 {
          %add3A_444 = arith.constant 3 : i32
          %add3A_445 = arith.addi %add3A_343, %add3A_444 : i32
          %mul3A_446 = arith.constant 128 : i32
          %mul3A_447 = arith.muli %add3A_445, %mul3A_446 : i32
          %add3A_448 = arith.addi %mul3A_2, %mul3A_447 : i32
          %dma_start3A_449 = arith.constant 0 : i32
          %dma_start3A_450 = arith.constant 0 : i32
          %dma_start3A_451 = arith.constant 0 : i32
          %dma_start3A_452 = tpu.memref_slice %arg6[%dma_start3A_449, %dma_start3A_450, %dma_start3A_451] : memref<4x2x128xi32, #tpu.memory_space<vmem>> -> memref<1x1x128xi32, #tpu.memory_space<vmem>>
          %dma_start3A_453 = tpu.memref_squeeze %dma_start3A_452 : memref<1x1x128xi32, #tpu.memory_space<vmem>> -> memref<128xi32, #tpu.memory_space<vmem>>
          %dma_start3A_454 = tpu.memref_slice %arg3[%add3A_448] : memref<320000xi32, #tpu.memory_space<hbm>> -> memref<128xi32, #tpu.memory_space<hbm>>
          %dma_start3A_455 = arith.constant 0 : i32
          %dma_start3A_456 = tpu.memref_slice %arg6[%dma_start3A_449, %dma_start3A_450, %dma_start3A_455] : memref<4x2x128xi32, #tpu.memory_space<vmem>> -> memref<1x1x128xi32, #tpu.memory_space<vmem>>
          %dma_start3A_457 = tpu.memref_squeeze %dma_start3A_456 : memref<1x1x128xi32, #tpu.memory_space<vmem>> -> memref<128xi32, #tpu.memory_space<vmem>>
          %dma_start3A_458 = tpu.memref_slice %arg3[%add3A_448] : memref<320000xi32, #tpu.memory_space<hbm>> -> memref<128xi32, #tpu.memory_space<hbm>>
          tpu.enqueue_dma source(%dma_start3A_458 : memref<128xi32, #tpu.memory_space<hbm>>) target(%dma_start3A_457 : memref<128xi32, #tpu.memory_space<vmem>>) target_semaphore(%arg9 : memref<!tpu.dma_semaphore, #tpu.memory_space<semaphore_mem>>)
          %dma_start3A_459 = arith.constant 0 : i32
          %dma_start3A_460 = arith.constant 1 : i32
          %dma_start3A_461 = arith.constant 0 : i32
          %dma_start3A_462 = tpu.memref_slice %arg6[%dma_start3A_459, %dma_start3A_460, %dma_start3A_461] : memref<4x2x128xi32, #tpu.memory_space<vmem>> -> memref<1x1x128xi32, #tpu.memory_space<vmem>>
          %dma_start3A_463 = tpu.memref_squeeze %dma_start3A_462 : memref<1x1x128xi32, #tpu.memory_space<vmem>> -> memref<128xi32, #tpu.memory_space<vmem>>
          %dma_start3A_464 = tpu.memref_slice %arg4[%add3A_448] : memref<320000xi32, #tpu.memory_space<hbm>> -> memref<128xi32, #tpu.memory_space<hbm>>
          %dma_start3A_465 = arith.constant 0 : i32
          %dma_start3A_466 = tpu.memref_slice %arg6[%dma_start3A_459, %dma_start3A_460, %dma_start3A_465] : memref<4x2x128xi32, #tpu.memory_space<vmem>> -> memref<1x1x128xi32, #tpu.memory_space<vmem>>
          %dma_start3A_467 = tpu.memref_squeeze %dma_start3A_466 : memref<1x1x128xi32, #tpu.memory_space<vmem>> -> memref<128xi32, #tpu.memory_space<vmem>>
          %dma_start3A_468 = tpu.memref_slice %arg4[%add3A_448] : memref<320000xi32, #tpu.memory_space<hbm>> -> memref<128xi32, #tpu.memory_space<hbm>>
          tpu.enqueue_dma source(%dma_start3A_468 : memref<128xi32, #tpu.memory_space<hbm>>) target(%dma_start3A_467 : memref<128xi32, #tpu.memory_space<vmem>>) target_semaphore(%arg9 : memref<!tpu.dma_semaphore, #tpu.memory_space<semaphore_mem>>)
        } else {
        }
        %add3A_437 = arith.constant 2 : i32
        %add3A_438 = arith.addi %add3A_343, %add3A_437 : i32
        %lt3A_439 = arith.constant 78 : i32
        %lt3A_440 = arith.cmpi slt, %add3A_438, %lt3A_439 : i32
        %convert_element_type3A_441 = arith.extui %lt3A_440 : i1 to i32
        %cond3A_442 = arith.constant 0 : i32
        %cond3A_443 = arith.cmpi ne, %convert_element_type3A_441, %cond3A_442 : i32
        scf.if %cond3A_443 {
          %add3A_444 = arith.constant 2 : i32
          %add3A_445 = arith.addi %add3A_343, %add3A_444 : i32
          %mul3A_446 = arith.constant 128 : i32
          %mul3A_447 = arith.muli %add3A_445, %mul3A_446 : i32
          %add3A_448 = arith.addi %mul3A_2, %mul3A_447 : i32
          %dma_wait3A_449 = arith.constant 3 : i32
          %dma_wait3A_450 = arith.constant 0 : i32
          %dma_wait3A_451 = arith.constant 0 : i32
          %dma_wait3A_452 = tpu.memref_slice %arg6[%dma_wait3A_449, %dma_wait3A_450, %dma_wait3A_451] : memref<4x2x128xi32, #tpu.memory_space<vmem>> -> memref<1x1x128xi32, #tpu.memory_space<vmem>>
          %dma_wait3A_453 = tpu.memref_squeeze %dma_wait3A_452 : memref<1x1x128xi32, #tpu.memory_space<vmem>> -> memref<128xi32, #tpu.memory_space<vmem>>
          %dma_wait3A_454 = tpu.memref_slice %arg3[%add3A_448] : memref<320000xi32, #tpu.memory_space<hbm>> -> memref<128xi32, #tpu.memory_space<hbm>>
          %dma_wait3A_455 = arith.constant 0 : i32
          %dma_wait3A_456 = tpu.memref_slice %arg6[%dma_wait3A_449, %dma_wait3A_450, %dma_wait3A_455] : memref<4x2x128xi32, #tpu.memory_space<vmem>> -> memref<1x1x128xi32, #tpu.memory_space<vmem>>
          %dma_wait3A_457 = tpu.memref_squeeze %dma_wait3A_456 : memref<1x1x128xi32, #tpu.memory_space<vmem>> -> memref<128xi32, #tpu.memory_space<vmem>>
          %dma_wait3A_458 = tpu.memref_slice %arg3[%add3A_448] : memref<320000xi32, #tpu.memory_space<hbm>> -> memref<128xi32, #tpu.memory_space<hbm>>
          tpu.wait_dma2 semaphore(%arg12 : memref<!tpu.dma_semaphore, #tpu.memory_space<semaphore_mem>>) src(%dma_wait3A_458 : memref<128xi32, #tpu.memory_space<hbm>>) dst(%dma_wait3A_457 : memref<128xi32, #tpu.memory_space<vmem>>)
          %dma_wait3A_459 = arith.constant 3 : i32
          %dma_wait3A_460 = arith.constant 1 : i32
          %dma_wait3A_461 = arith.constant 0 : i32
          %dma_wait3A_462 = tpu.memref_slice %arg6[%dma_wait3A_459, %dma_wait3A_460, %dma_wait3A_461] : memref<4x2x128xi32, #tpu.memory_space<vmem>> -> memref<1x1x128xi32, #tpu.memory_space<vmem>>
          %dma_wait3A_463 = tpu.memref_squeeze %dma_wait3A_462 : memref<1x1x128xi32, #tpu.memory_space<vmem>> -> memref<128xi32, #tpu.memory_space<vmem>>
          %dma_wait3A_464 = tpu.memref_slice %arg4[%add3A_448] : memref<320000xi32, #tpu.memory_space<hbm>> -> memref<128xi32, #tpu.memory_space<hbm>>
          %dma_wait3A_465 = arith.constant 0 : i32
          %dma_wait3A_466 = tpu.memref_slice %arg6[%dma_wait3A_459, %dma_wait3A_460, %dma_wait3A_465] : memref<4x2x128xi32, #tpu.memory_space<vmem>> -> memref<1x1x128xi32, #tpu.memory_space<vmem>>
          %dma_wait3A_467 = tpu.memref_squeeze %dma_wait3A_466 : memref<1x1x128xi32, #tpu.memory_space<vmem>> -> memref<128xi32, #tpu.memory_space<vmem>>
          %dma_wait3A_468 = tpu.memref_slice %arg4[%add3A_448] : memref<320000xi32, #tpu.memory_space<hbm>> -> memref<128xi32, #tpu.memory_space<hbm>>
          tpu.wait_dma2 semaphore(%arg12 : memref<!tpu.dma_semaphore, #tpu.memory_space<semaphore_mem>>) src(%dma_wait3A_468 : memref<128xi32, #tpu.memory_space<hbm>>) dst(%dma_wait3A_467 : memref<128xi32, #tpu.memory_space<vmem>>)
          %dma_start3A_469 = arith.constant 3 : i32
          %dma_start3A_470 = arith.constant 0 : i32
          %dma_start3A_471 = arith.constant 1 : i32
          %dma_start3A_472 = arith.constant 0 : i32
          %dma_start3A_473 = arith.constant 0 : i32
          %dma_start3A_474 = tpu.memref_slice %arg7[%dma_start3A_471, %dma_start3A_472, %dma_start3A_473] : memref<3x128x128xf32, #tpu.memory_space<vmem>> -> memref<1x128x128xf32, #tpu.memory_space<vmem>>
          %dma_start3A_475 = tpu.memref_squeeze %dma_start3A_474 : memref<1x128x128xf32, #tpu.memory_space<vmem>> -> memref<128x128xf32, #tpu.memory_space<vmem>>
          %dma_start3A_476 = arith.constant 0 : i32
          %dma_start3A_477 = tpu.memref_slice %arg6[%dma_start3A_469, %dma_start3A_470, %dma_start3A_476] : memref<4x2x128xi32, #tpu.memory_space<vmem>> -> memref<1x1x128xi32, #tpu.memory_space<vmem>>
          %dma_start3A_478 = tpu.memref_squeeze %dma_start3A_477 : memref<1x1x128xi32, #tpu.memory_space<vmem>> -> memref<128xi32, #tpu.memory_space<vmem>>
          %dma_start3A_479 = arith.constant 0 : i32
          %dma_start3A_480 = arith.constant 0 : i32
          %dma_start3A_481 = tpu.memref_slice %arg2[%dma_start3A_479, %dma_start3A_480] : memref<10000x128xf32, #tpu.memory_space<hbm>> -> memref<10000x128xf32, #tpu.memory_space<hbm>>
          tpu.enqueue_indirect_dma source(%dma_start3A_481 : memref<10000x128xf32, #tpu.memory_space<hbm>>) target(%dma_start3A_475 : memref<128x128xf32, #tpu.memory_space<vmem>>) offsets(%dma_start3A_478 : memref<128xi32, #tpu.memory_space<vmem>>) semaphore(%arg14 : memref<!tpu.dma_semaphore, #tpu.memory_space<semaphore_mem>>)
        } else {
        }
      } else {
      }
      %add3A_349 = arith.constant 6 : i32
      %add3A_350 = arith.addi %add3A_267, %add3A_349 : i32
      %lt3A_351 = arith.constant 78 : i32
      %lt3A_352 = arith.cmpi slt, %add3A_350, %lt3A_351 : i32
      %convert_element_type3A_353 = arith.extui %lt3A_352 : i1 to i32
      %cond3A_354 = arith.constant 0 : i32
      %cond3A_355 = arith.cmpi ne, %convert_element_type3A_353, %cond3A_354 : i32
      scf.if %cond3A_355 {
        %dma_wait3A_391 = arith.constant 2 : i32
        %dma_wait3A_392 = arith.constant 0 : i32
        %dma_wait3A_393 = arith.constant 0 : i32
        %dma_wait3A_394 = arith.constant 0 : i32
        %dma_wait3A_395 = arith.constant 0 : i32
        %dma_wait3A_396 = tpu.memref_slice %arg7[%dma_wait3A_393, %dma_wait3A_394, %dma_wait3A_395] : memref<3x128x128xf32, #tpu.memory_space<vmem>> -> memref<1x128x128xf32, #tpu.memory_space<vmem>>
        %dma_wait3A_397 = tpu.memref_squeeze %dma_wait3A_396 : memref<1x128x128xf32, #tpu.memory_space<vmem>> -> memref<128x128xf32, #tpu.memory_space<vmem>>
        %dma_wait3A_398 = arith.constant 0 : i32
        %dma_wait3A_399 = tpu.memref_slice %arg6[%dma_wait3A_391, %dma_wait3A_392, %dma_wait3A_398] : memref<4x2x128xi32, #tpu.memory_space<vmem>> -> memref<1x1x128xi32, #tpu.memory_space<vmem>>
        %dma_wait3A_400 = tpu.memref_squeeze %dma_wait3A_399 : memref<1x1x128xi32, #tpu.memory_space<vmem>> -> memref<128xi32, #tpu.memory_space<vmem>>
        %dma_wait3A_401 = arith.constant 0 : i32
        %dma_wait3A_402 = arith.constant 0 : i32
        %dma_wait3A_403 = tpu.memref_slice %arg2[%dma_wait3A_401, %dma_wait3A_402] : memref<10000x128xf32, #tpu.memory_space<hbm>> -> memref<10000x128xf32, #tpu.memory_space<hbm>>
        tpu.wait_indirect_dma semaphore(%arg13 : memref<!tpu.dma_semaphore, #tpu.memory_space<semaphore_mem>>) src(%dma_wait3A_403 : memref<10000x128xf32, #tpu.memory_space<hbm>>) dst(%dma_wait3A_397 : memref<128x128xf32, #tpu.memory_space<vmem>>)
        %dma_start3A_404 = arith.constant 0 : i32
        %dma_start3A_405 = arith.constant 2 : i32
        %dma_start3A_406 = arith.constant 1 : i32
        %dma_start3A_407 = arith.constant 0 : i32
        %dma_start3A_408 = arith.constant 0 : i32
        %dma_start3A_409 = tpu.memref_slice %arg7[%dma_start3A_404, %dma_start3A_407, %dma_start3A_408] : memref<3x128x128xf32, #tpu.memory_space<vmem>> -> memref<1x128x128xf32, #tpu.memory_space<vmem>>
        %dma_start3A_410 = tpu.memref_squeeze %dma_start3A_409 : memref<1x128x128xf32, #tpu.memory_space<vmem>> -> memref<128x128xf32, #tpu.memory_space<vmem>>
        %dma_start3A_411 = arith.constant 0 : i32
        %dma_start3A_412 = tpu.memref_slice %arg6[%dma_start3A_405, %dma_start3A_406, %dma_start3A_411] : memref<4x2x128xi32, #tpu.memory_space<vmem>> -> memref<1x1x128xi32, #tpu.memory_space<vmem>>
        %dma_start3A_413 = tpu.memref_squeeze %dma_start3A_412 : memref<1x1x128xi32, #tpu.memory_space<vmem>> -> memref<128xi32, #tpu.memory_space<vmem>>
        %dma_start3A_414 = arith.constant 0 : i32
        %dma_start3A_415 = arith.constant 0 : i32
        %dma_start3A_416 = tpu.memref_slice %arg8[%dma_start3A_414, %dma_start3A_415] : memref<10000x128xf32, #tpu.memory_space<vmem_shared>> -> memref<10000x128xf32, #tpu.memory_space<vmem_shared>>
        tpu.enqueue_indirect_dma source(%dma_start3A_410 : memref<128x128xf32, #tpu.memory_space<vmem>>) target(%dma_start3A_416 : memref<10000x128xf32, #tpu.memory_space<vmem_shared>>) offsets(%dma_start3A_413 : memref<128xi32, #tpu.memory_space<vmem>>) semaphore(%arg16 : memref<!tpu.dma_semaphore, #tpu.memory_space<semaphore_mem>>) {add = true}
        %dma_wait3A_417 = arith.constant 2 : i32
        %dma_wait3A_418 = arith.constant 1 : i32
        %dma_wait3A_419 = arith.constant 1 : i32
        %dma_wait3A_420 = arith.constant 0 : i32
        %dma_wait3A_421 = arith.constant 0 : i32
        %dma_wait3A_422 = tpu.memref_slice %arg7[%dma_wait3A_417, %dma_wait3A_420, %dma_wait3A_421] : memref<3x128x128xf32, #tpu.memory_space<vmem>> -> memref<1x128x128xf32, #tpu.memory_space<vmem>>
        %dma_wait3A_423 = tpu.memref_squeeze %dma_wait3A_422 : memref<1x128x128xf32, #tpu.memory_space<vmem>> -> memref<128x128xf32, #tpu.memory_space<vmem>>
        %dma_wait3A_424 = arith.constant 0 : i32
        %dma_wait3A_425 = tpu.memref_slice %arg6[%dma_wait3A_418, %dma_wait3A_419, %dma_wait3A_424] : memref<4x2x128xi32, #tpu.memory_space<vmem>> -> memref<1x1x128xi32, #tpu.memory_space<vmem>>
        %dma_wait3A_426 = tpu.memref_squeeze %dma_wait3A_425 : memref<1x1x128xi32, #tpu.memory_space<vmem>> -> memref<128xi32, #tpu.memory_space<vmem>>
        %dma_wait3A_427 = arith.constant 0 : i32
        %dma_wait3A_428 = arith.constant 0 : i32
        %dma_wait3A_429 = tpu.memref_slice %arg8[%dma_wait3A_427, %dma_wait3A_428] : memref<10000x128xf32, #tpu.memory_space<vmem_shared>> -> memref<10000x128xf32, #tpu.memory_space<vmem_shared>>
        tpu.wait_indirect_dma semaphore(%arg18 : memref<!tpu.dma_semaphore, #tpu.memory_space<semaphore_mem>>) src(%dma_wait3A_423 : memref<128x128xf32, #tpu.memory_space<vmem>>) dst(%dma_wait3A_429 : memref<10000x128xf32, #tpu.memory_space<vmem_shared>>)
        %add3A_430 = arith.constant 3 : i32
        %add3A_431 = arith.addi %add3A_350, %add3A_430 : i32
        %lt3A_432 = arith.constant 78 : i32
        %lt3A_433 = arith.cmpi slt, %add3A_431, %lt3A_432 : i32
        %convert_element_type3A_434 = arith.extui %lt3A_433 : i1 to i32
        %cond3A_435 = arith.constant 0 : i32
        %cond3A_436 = arith.cmpi ne, %convert_element_type3A_434, %cond3A_435 : i32
        scf.if %cond3A_436 {
          %add3A_444 = arith.constant 3 : i32
          %add3A_445 = arith.addi %add3A_350, %add3A_444 : i32
          %mul3A_446 = arith.constant 128 : i32
          %mul3A_447 = arith.muli %add3A_445, %mul3A_446 : i32
          %add3A_448 = arith.addi %mul3A_2, %mul3A_447 : i32
          %dma_start3A_449 = arith.constant 1 : i32
          %dma_start3A_450 = arith.constant 0 : i32
          %dma_start3A_451 = arith.constant 0 : i32
          %dma_start3A_452 = tpu.memref_slice %arg6[%dma_start3A_449, %dma_start3A_450, %dma_start3A_451] : memref<4x2x128xi32, #tpu.memory_space<vmem>> -> memref<1x1x128xi32, #tpu.memory_space<vmem>>
          %dma_start3A_453 = tpu.memref_squeeze %dma_start3A_452 : memref<1x1x128xi32, #tpu.memory_space<vmem>> -> memref<128xi32, #tpu.memory_space<vmem>>
          %dma_start3A_454 = tpu.memref_slice %arg3[%add3A_448] : memref<320000xi32, #tpu.memory_space<hbm>> -> memref<128xi32, #tpu.memory_space<hbm>>
          %dma_start3A_455 = arith.constant 0 : i32
          %dma_start3A_456 = tpu.memref_slice %arg6[%dma_start3A_449, %dma_start3A_450, %dma_start3A_455] : memref<4x2x128xi32, #tpu.memory_space<vmem>> -> memref<1x1x128xi32, #tpu.memory_space<vmem>>
          %dma_start3A_457 = tpu.memref_squeeze %dma_start3A_456 : memref<1x1x128xi32, #tpu.memory_space<vmem>> -> memref<128xi32, #tpu.memory_space<vmem>>
          %dma_start3A_458 = tpu.memref_slice %arg3[%add3A_448] : memref<320000xi32, #tpu.memory_space<hbm>> -> memref<128xi32, #tpu.memory_space<hbm>>
          tpu.enqueue_dma source(%dma_start3A_458 : memref<128xi32, #tpu.memory_space<hbm>>) target(%dma_start3A_457 : memref<128xi32, #tpu.memory_space<vmem>>) target_semaphore(%arg10 : memref<!tpu.dma_semaphore, #tpu.memory_space<semaphore_mem>>)
          %dma_start3A_459 = arith.constant 1 : i32
          %dma_start3A_460 = arith.constant 1 : i32
          %dma_start3A_461 = arith.constant 0 : i32
          %dma_start3A_462 = tpu.memref_slice %arg6[%dma_start3A_459, %dma_start3A_460, %dma_start3A_461] : memref<4x2x128xi32, #tpu.memory_space<vmem>> -> memref<1x1x128xi32, #tpu.memory_space<vmem>>
          %dma_start3A_463 = tpu.memref_squeeze %dma_start3A_462 : memref<1x1x128xi32, #tpu.memory_space<vmem>> -> memref<128xi32, #tpu.memory_space<vmem>>
          %dma_start3A_464 = tpu.memref_slice %arg4[%add3A_448] : memref<320000xi32, #tpu.memory_space<hbm>> -> memref<128xi32, #tpu.memory_space<hbm>>
          %dma_start3A_465 = arith.constant 0 : i32
          %dma_start3A_466 = tpu.memref_slice %arg6[%dma_start3A_459, %dma_start3A_460, %dma_start3A_465] : memref<4x2x128xi32, #tpu.memory_space<vmem>> -> memref<1x1x128xi32, #tpu.memory_space<vmem>>
          %dma_start3A_467 = tpu.memref_squeeze %dma_start3A_466 : memref<1x1x128xi32, #tpu.memory_space<vmem>> -> memref<128xi32, #tpu.memory_space<vmem>>
          %dma_start3A_468 = tpu.memref_slice %arg4[%add3A_448] : memref<320000xi32, #tpu.memory_space<hbm>> -> memref<128xi32, #tpu.memory_space<hbm>>
          tpu.enqueue_dma source(%dma_start3A_468 : memref<128xi32, #tpu.memory_space<hbm>>) target(%dma_start3A_467 : memref<128xi32, #tpu.memory_space<vmem>>) target_semaphore(%arg10 : memref<!tpu.dma_semaphore, #tpu.memory_space<semaphore_mem>>)
        } else {
        }
        %add3A_437 = arith.constant 2 : i32
        %add3A_438 = arith.addi %add3A_350, %add3A_437 : i32
        %lt3A_439 = arith.constant 78 : i32
        %lt3A_440 = arith.cmpi slt, %add3A_438, %lt3A_439 : i32
        %convert_element_type3A_441 = arith.extui %lt3A_440 : i1 to i32
        %cond3A_442 = arith.constant 0 : i32
        %cond3A_443 = arith.cmpi ne, %convert_element_type3A_441, %cond3A_442 : i32
        scf.if %cond3A_443 {
          %add3A_444 = arith.constant 2 : i32
          %add3A_445 = arith.addi %add3A_350, %add3A_444 : i32
          %mul3A_446 = arith.constant 128 : i32
          %mul3A_447 = arith.muli %add3A_445, %mul3A_446 : i32
          %add3A_448 = arith.addi %mul3A_2, %mul3A_447 : i32
          %dma_wait3A_449 = arith.constant 0 : i32
          %dma_wait3A_450 = arith.constant 0 : i32
          %dma_wait3A_451 = arith.constant 0 : i32
          %dma_wait3A_452 = tpu.memref_slice %arg6[%dma_wait3A_449, %dma_wait3A_450, %dma_wait3A_451] : memref<4x2x128xi32, #tpu.memory_space<vmem>> -> memref<1x1x128xi32, #tpu.memory_space<vmem>>
          %dma_wait3A_453 = tpu.memref_squeeze %dma_wait3A_452 : memref<1x1x128xi32, #tpu.memory_space<vmem>> -> memref<128xi32, #tpu.memory_space<vmem>>
          %dma_wait3A_454 = tpu.memref_slice %arg3[%add3A_448] : memref<320000xi32, #tpu.memory_space<hbm>> -> memref<128xi32, #tpu.memory_space<hbm>>
          %dma_wait3A_455 = arith.constant 0 : i32
          %dma_wait3A_456 = tpu.memref_slice %arg6[%dma_wait3A_449, %dma_wait3A_450, %dma_wait3A_455] : memref<4x2x128xi32, #tpu.memory_space<vmem>> -> memref<1x1x128xi32, #tpu.memory_space<vmem>>
          %dma_wait3A_457 = tpu.memref_squeeze %dma_wait3A_456 : memref<1x1x128xi32, #tpu.memory_space<vmem>> -> memref<128xi32, #tpu.memory_space<vmem>>
          %dma_wait3A_458 = tpu.memref_slice %arg3[%add3A_448] : memref<320000xi32, #tpu.memory_space<hbm>> -> memref<128xi32, #tpu.memory_space<hbm>>
          tpu.wait_dma2 semaphore(%arg9 : memref<!tpu.dma_semaphore, #tpu.memory_space<semaphore_mem>>) src(%dma_wait3A_458 : memref<128xi32, #tpu.memory_space<hbm>>) dst(%dma_wait3A_457 : memref<128xi32, #tpu.memory_space<vmem>>)
          %dma_wait3A_459 = arith.constant 0 : i32
          %dma_wait3A_460 = arith.constant 1 : i32
          %dma_wait3A_461 = arith.constant 0 : i32
          %dma_wait3A_462 = tpu.memref_slice %arg6[%dma_wait3A_459, %dma_wait3A_460, %dma_wait3A_461] : memref<4x2x128xi32, #tpu.memory_space<vmem>> -> memref<1x1x128xi32, #tpu.memory_space<vmem>>
          %dma_wait3A_463 = tpu.memref_squeeze %dma_wait3A_462 : memref<1x1x128xi32, #tpu.memory_space<vmem>> -> memref<128xi32, #tpu.memory_space<vmem>>
          %dma_wait3A_464 = tpu.memref_slice %arg4[%add3A_448] : memref<320000xi32, #tpu.memory_space<hbm>> -> memref<128xi32, #tpu.memory_space<hbm>>
          %dma_wait3A_465 = arith.constant 0 : i32
          %dma_wait3A_466 = tpu.memref_slice %arg6[%dma_wait3A_459, %dma_wait3A_460, %dma_wait3A_465] : memref<4x2x128xi32, #tpu.memory_space<vmem>> -> memref<1x1x128xi32, #tpu.memory_space<vmem>>
          %dma_wait3A_467 = tpu.memref_squeeze %dma_wait3A_466 : memref<1x1x128xi32, #tpu.memory_space<vmem>> -> memref<128xi32, #tpu.memory_space<vmem>>
          %dma_wait3A_468 = tpu.memref_slice %arg4[%add3A_448] : memref<320000xi32, #tpu.memory_space<hbm>> -> memref<128xi32, #tpu.memory_space<hbm>>
          tpu.wait_dma2 semaphore(%arg9 : memref<!tpu.dma_semaphore, #tpu.memory_space<semaphore_mem>>) src(%dma_wait3A_468 : memref<128xi32, #tpu.memory_space<hbm>>) dst(%dma_wait3A_467 : memref<128xi32, #tpu.memory_space<vmem>>)
          %dma_start3A_469 = arith.constant 0 : i32
          %dma_start3A_470 = arith.constant 0 : i32
          %dma_start3A_471 = arith.constant 2 : i32
          %dma_start3A_472 = arith.constant 0 : i32
          %dma_start3A_473 = arith.constant 0 : i32
          %dma_start3A_474 = tpu.memref_slice %arg7[%dma_start3A_471, %dma_start3A_472, %dma_start3A_473] : memref<3x128x128xf32, #tpu.memory_space<vmem>> -> memref<1x128x128xf32, #tpu.memory_space<vmem>>
          %dma_start3A_475 = tpu.memref_squeeze %dma_start3A_474 : memref<1x128x128xf32, #tpu.memory_space<vmem>> -> memref<128x128xf32, #tpu.memory_space<vmem>>
          %dma_start3A_476 = arith.constant 0 : i32
          %dma_start3A_477 = tpu.memref_slice %arg6[%dma_start3A_469, %dma_start3A_470, %dma_start3A_476] : memref<4x2x128xi32, #tpu.memory_space<vmem>> -> memref<1x1x128xi32, #tpu.memory_space<vmem>>
          %dma_start3A_478 = tpu.memref_squeeze %dma_start3A_477 : memref<1x1x128xi32, #tpu.memory_space<vmem>> -> memref<128xi32, #tpu.memory_space<vmem>>
          %dma_start3A_479 = arith.constant 0 : i32
          %dma_start3A_480 = arith.constant 0 : i32
          %dma_start3A_481 = tpu.memref_slice %arg2[%dma_start3A_479, %dma_start3A_480] : memref<10000x128xf32, #tpu.memory_space<hbm>> -> memref<10000x128xf32, #tpu.memory_space<hbm>>
          tpu.enqueue_indirect_dma source(%dma_start3A_481 : memref<10000x128xf32, #tpu.memory_space<hbm>>) target(%dma_start3A_475 : memref<128x128xf32, #tpu.memory_space<vmem>>) offsets(%dma_start3A_478 : memref<128xi32, #tpu.memory_space<vmem>>) semaphore(%arg15 : memref<!tpu.dma_semaphore, #tpu.memory_space<semaphore_mem>>)
        } else {
        }
      } else {
      }
      %add3A_356 = arith.constant 7 : i32
      %add3A_357 = arith.addi %add3A_267, %add3A_356 : i32
      %lt3A_358 = arith.constant 78 : i32
      %lt3A_359 = arith.cmpi slt, %add3A_357, %lt3A_358 : i32
      %convert_element_type3A_360 = arith.extui %lt3A_359 : i1 to i32
      %cond3A_361 = arith.constant 0 : i32
      %cond3A_362 = arith.cmpi ne, %convert_element_type3A_360, %cond3A_361 : i32
      scf.if %cond3A_362 {
        %dma_wait3A_391 = arith.constant 3 : i32
        %dma_wait3A_392 = arith.constant 0 : i32
        %dma_wait3A_393 = arith.constant 1 : i32
        %dma_wait3A_394 = arith.constant 0 : i32
        %dma_wait3A_395 = arith.constant 0 : i32
        %dma_wait3A_396 = tpu.memref_slice %arg7[%dma_wait3A_393, %dma_wait3A_394, %dma_wait3A_395] : memref<3x128x128xf32, #tpu.memory_space<vmem>> -> memref<1x128x128xf32, #tpu.memory_space<vmem>>
        %dma_wait3A_397 = tpu.memref_squeeze %dma_wait3A_396 : memref<1x128x128xf32, #tpu.memory_space<vmem>> -> memref<128x128xf32, #tpu.memory_space<vmem>>
        %dma_wait3A_398 = arith.constant 0 : i32
        %dma_wait3A_399 = tpu.memref_slice %arg6[%dma_wait3A_391, %dma_wait3A_392, %dma_wait3A_398] : memref<4x2x128xi32, #tpu.memory_space<vmem>> -> memref<1x1x128xi32, #tpu.memory_space<vmem>>
        %dma_wait3A_400 = tpu.memref_squeeze %dma_wait3A_399 : memref<1x1x128xi32, #tpu.memory_space<vmem>> -> memref<128xi32, #tpu.memory_space<vmem>>
        %dma_wait3A_401 = arith.constant 0 : i32
        %dma_wait3A_402 = arith.constant 0 : i32
        %dma_wait3A_403 = tpu.memref_slice %arg2[%dma_wait3A_401, %dma_wait3A_402] : memref<10000x128xf32, #tpu.memory_space<hbm>> -> memref<10000x128xf32, #tpu.memory_space<hbm>>
        tpu.wait_indirect_dma semaphore(%arg14 : memref<!tpu.dma_semaphore, #tpu.memory_space<semaphore_mem>>) src(%dma_wait3A_403 : memref<10000x128xf32, #tpu.memory_space<hbm>>) dst(%dma_wait3A_397 : memref<128x128xf32, #tpu.memory_space<vmem>>)
        %dma_start3A_404 = arith.constant 1 : i32
        %dma_start3A_405 = arith.constant 3 : i32
        %dma_start3A_406 = arith.constant 1 : i32
        %dma_start3A_407 = arith.constant 0 : i32
        %dma_start3A_408 = arith.constant 0 : i32
        %dma_start3A_409 = tpu.memref_slice %arg7[%dma_start3A_404, %dma_start3A_407, %dma_start3A_408] : memref<3x128x128xf32, #tpu.memory_space<vmem>> -> memref<1x128x128xf32, #tpu.memory_space<vmem>>
        %dma_start3A_410 = tpu.memref_squeeze %dma_start3A_409 : memref<1x128x128xf32, #tpu.memory_space<vmem>> -> memref<128x128xf32, #tpu.memory_space<vmem>>
        %dma_start3A_411 = arith.constant 0 : i32
        %dma_start3A_412 = tpu.memref_slice %arg6[%dma_start3A_405, %dma_start3A_406, %dma_start3A_411] : memref<4x2x128xi32, #tpu.memory_space<vmem>> -> memref<1x1x128xi32, #tpu.memory_space<vmem>>
        %dma_start3A_413 = tpu.memref_squeeze %dma_start3A_412 : memref<1x1x128xi32, #tpu.memory_space<vmem>> -> memref<128xi32, #tpu.memory_space<vmem>>
        %dma_start3A_414 = arith.constant 0 : i32
        %dma_start3A_415 = arith.constant 0 : i32
        %dma_start3A_416 = tpu.memref_slice %arg8[%dma_start3A_414, %dma_start3A_415] : memref<10000x128xf32, #tpu.memory_space<vmem_shared>> -> memref<10000x128xf32, #tpu.memory_space<vmem_shared>>
        tpu.enqueue_indirect_dma source(%dma_start3A_410 : memref<128x128xf32, #tpu.memory_space<vmem>>) target(%dma_start3A_416 : memref<10000x128xf32, #tpu.memory_space<vmem_shared>>) offsets(%dma_start3A_413 : memref<128xi32, #tpu.memory_space<vmem>>) semaphore(%arg17 : memref<!tpu.dma_semaphore, #tpu.memory_space<semaphore_mem>>) {add = true}
        %dma_wait3A_417 = arith.constant 0 : i32
        %dma_wait3A_418 = arith.constant 2 : i32
        %dma_wait3A_419 = arith.constant 1 : i32
        %dma_wait3A_420 = arith.constant 0 : i32
        %dma_wait3A_421 = arith.constant 0 : i32
        %dma_wait3A_422 = tpu.memref_slice %arg7[%dma_wait3A_417, %dma_wait3A_420, %dma_wait3A_421] : memref<3x128x128xf32, #tpu.memory_space<vmem>> -> memref<1x128x128xf32, #tpu.memory_space<vmem>>
        %dma_wait3A_423 = tpu.memref_squeeze %dma_wait3A_422 : memref<1x128x128xf32, #tpu.memory_space<vmem>> -> memref<128x128xf32, #tpu.memory_space<vmem>>
        %dma_wait3A_424 = arith.constant 0 : i32
        %dma_wait3A_425 = tpu.memref_slice %arg6[%dma_wait3A_418, %dma_wait3A_419, %dma_wait3A_424] : memref<4x2x128xi32, #tpu.memory_space<vmem>> -> memref<1x1x128xi32, #tpu.memory_space<vmem>>
        %dma_wait3A_426 = tpu.memref_squeeze %dma_wait3A_425 : memref<1x1x128xi32, #tpu.memory_space<vmem>> -> memref<128xi32, #tpu.memory_space<vmem>>
        %dma_wait3A_427 = arith.constant 0 : i32
        %dma_wait3A_428 = arith.constant 0 : i32
        %dma_wait3A_429 = tpu.memref_slice %arg8[%dma_wait3A_427, %dma_wait3A_428] : memref<10000x128xf32, #tpu.memory_space<vmem_shared>> -> memref<10000x128xf32, #tpu.memory_space<vmem_shared>>
        tpu.wait_indirect_dma semaphore(%arg16 : memref<!tpu.dma_semaphore, #tpu.memory_space<semaphore_mem>>) src(%dma_wait3A_423 : memref<128x128xf32, #tpu.memory_space<vmem>>) dst(%dma_wait3A_429 : memref<10000x128xf32, #tpu.memory_space<vmem_shared>>)
        %add3A_430 = arith.constant 3 : i32
        %add3A_431 = arith.addi %add3A_357, %add3A_430 : i32
        %lt3A_432 = arith.constant 78 : i32
        %lt3A_433 = arith.cmpi slt, %add3A_431, %lt3A_432 : i32
        %convert_element_type3A_434 = arith.extui %lt3A_433 : i1 to i32
        %cond3A_435 = arith.constant 0 : i32
        %cond3A_436 = arith.cmpi ne, %convert_element_type3A_434, %cond3A_435 : i32
        scf.if %cond3A_436 {
          %add3A_444 = arith.constant 3 : i32
          %add3A_445 = arith.addi %add3A_357, %add3A_444 : i32
          %mul3A_446 = arith.constant 128 : i32
          %mul3A_447 = arith.muli %add3A_445, %mul3A_446 : i32
          %add3A_448 = arith.addi %mul3A_2, %mul3A_447 : i32
          %dma_start3A_449 = arith.constant 2 : i32
          %dma_start3A_450 = arith.constant 0 : i32
          %dma_start3A_451 = arith.constant 0 : i32
          %dma_start3A_452 = tpu.memref_slice %arg6[%dma_start3A_449, %dma_start3A_450, %dma_start3A_451] : memref<4x2x128xi32, #tpu.memory_space<vmem>> -> memref<1x1x128xi32, #tpu.memory_space<vmem>>
          %dma_start3A_453 = tpu.memref_squeeze %dma_start3A_452 : memref<1x1x128xi32, #tpu.memory_space<vmem>> -> memref<128xi32, #tpu.memory_space<vmem>>
          %dma_start3A_454 = tpu.memref_slice %arg3[%add3A_448] : memref<320000xi32, #tpu.memory_space<hbm>> -> memref<128xi32, #tpu.memory_space<hbm>>
          %dma_start3A_455 = arith.constant 0 : i32
          %dma_start3A_456 = tpu.memref_slice %arg6[%dma_start3A_449, %dma_start3A_450, %dma_start3A_455] : memref<4x2x128xi32, #tpu.memory_space<vmem>> -> memref<1x1x128xi32, #tpu.memory_space<vmem>>
          %dma_start3A_457 = tpu.memref_squeeze %dma_start3A_456 : memref<1x1x128xi32, #tpu.memory_space<vmem>> -> memref<128xi32, #tpu.memory_space<vmem>>
          %dma_start3A_458 = tpu.memref_slice %arg3[%add3A_448] : memref<320000xi32, #tpu.memory_space<hbm>> -> memref<128xi32, #tpu.memory_space<hbm>>
          tpu.enqueue_dma source(%dma_start3A_458 : memref<128xi32, #tpu.memory_space<hbm>>) target(%dma_start3A_457 : memref<128xi32, #tpu.memory_space<vmem>>) target_semaphore(%arg11 : memref<!tpu.dma_semaphore, #tpu.memory_space<semaphore_mem>>)
          %dma_start3A_459 = arith.constant 2 : i32
          %dma_start3A_460 = arith.constant 1 : i32
          %dma_start3A_461 = arith.constant 0 : i32
          %dma_start3A_462 = tpu.memref_slice %arg6[%dma_start3A_459, %dma_start3A_460, %dma_start3A_461] : memref<4x2x128xi32, #tpu.memory_space<vmem>> -> memref<1x1x128xi32, #tpu.memory_space<vmem>>
          %dma_start3A_463 = tpu.memref_squeeze %dma_start3A_462 : memref<1x1x128xi32, #tpu.memory_space<vmem>> -> memref<128xi32, #tpu.memory_space<vmem>>
          %dma_start3A_464 = tpu.memref_slice %arg4[%add3A_448] : memref<320000xi32, #tpu.memory_space<hbm>> -> memref<128xi32, #tpu.memory_space<hbm>>
          %dma_start3A_465 = arith.constant 0 : i32
          %dma_start3A_466 = tpu.memref_slice %arg6[%dma_start3A_459, %dma_start3A_460, %dma_start3A_465] : memref<4x2x128xi32, #tpu.memory_space<vmem>> -> memref<1x1x128xi32, #tpu.memory_space<vmem>>
          %dma_start3A_467 = tpu.memref_squeeze %dma_start3A_466 : memref<1x1x128xi32, #tpu.memory_space<vmem>> -> memref<128xi32, #tpu.memory_space<vmem>>
          %dma_start3A_468 = tpu.memref_slice %arg4[%add3A_448] : memref<320000xi32, #tpu.memory_space<hbm>> -> memref<128xi32, #tpu.memory_space<hbm>>
          tpu.enqueue_dma source(%dma_start3A_468 : memref<128xi32, #tpu.memory_space<hbm>>) target(%dma_start3A_467 : memref<128xi32, #tpu.memory_space<vmem>>) target_semaphore(%arg11 : memref<!tpu.dma_semaphore, #tpu.memory_space<semaphore_mem>>)
        } else {
        }
        %add3A_437 = arith.constant 2 : i32
        %add3A_438 = arith.addi %add3A_357, %add3A_437 : i32
        %lt3A_439 = arith.constant 78 : i32
        %lt3A_440 = arith.cmpi slt, %add3A_438, %lt3A_439 : i32
        %convert_element_type3A_441 = arith.extui %lt3A_440 : i1 to i32
        %cond3A_442 = arith.constant 0 : i32
        %cond3A_443 = arith.cmpi ne, %convert_element_type3A_441, %cond3A_442 : i32
        scf.if %cond3A_443 {
          %add3A_444 = arith.constant 2 : i32
          %add3A_445 = arith.addi %add3A_357, %add3A_444 : i32
          %mul3A_446 = arith.constant 128 : i32
          %mul3A_447 = arith.muli %add3A_445, %mul3A_446 : i32
          %add3A_448 = arith.addi %mul3A_2, %mul3A_447 : i32
          %dma_wait3A_449 = arith.constant 1 : i32
          %dma_wait3A_450 = arith.constant 0 : i32
          %dma_wait3A_451 = arith.constant 0 : i32
          %dma_wait3A_452 = tpu.memref_slice %arg6[%dma_wait3A_449, %dma_wait3A_450, %dma_wait3A_451] : memref<4x2x128xi32, #tpu.memory_space<vmem>> -> memref<1x1x128xi32, #tpu.memory_space<vmem>>
          %dma_wait3A_453 = tpu.memref_squeeze %dma_wait3A_452 : memref<1x1x128xi32, #tpu.memory_space<vmem>> -> memref<128xi32, #tpu.memory_space<vmem>>
          %dma_wait3A_454 = tpu.memref_slice %arg3[%add3A_448] : memref<320000xi32, #tpu.memory_space<hbm>> -> memref<128xi32, #tpu.memory_space<hbm>>
          %dma_wait3A_455 = arith.constant 0 : i32
          %dma_wait3A_456 = tpu.memref_slice %arg6[%dma_wait3A_449, %dma_wait3A_450, %dma_wait3A_455] : memref<4x2x128xi32, #tpu.memory_space<vmem>> -> memref<1x1x128xi32, #tpu.memory_space<vmem>>
          %dma_wait3A_457 = tpu.memref_squeeze %dma_wait3A_456 : memref<1x1x128xi32, #tpu.memory_space<vmem>> -> memref<128xi32, #tpu.memory_space<vmem>>
          %dma_wait3A_458 = tpu.memref_slice %arg3[%add3A_448] : memref<320000xi32, #tpu.memory_space<hbm>> -> memref<128xi32, #tpu.memory_space<hbm>>
          tpu.wait_dma2 semaphore(%arg10 : memref<!tpu.dma_semaphore, #tpu.memory_space<semaphore_mem>>) src(%dma_wait3A_458 : memref<128xi32, #tpu.memory_space<hbm>>) dst(%dma_wait3A_457 : memref<128xi32, #tpu.memory_space<vmem>>)
          %dma_wait3A_459 = arith.constant 1 : i32
          %dma_wait3A_460 = arith.constant 1 : i32
          %dma_wait3A_461 = arith.constant 0 : i32
          %dma_wait3A_462 = tpu.memref_slice %arg6[%dma_wait3A_459, %dma_wait3A_460, %dma_wait3A_461] : memref<4x2x128xi32, #tpu.memory_space<vmem>> -> memref<1x1x128xi32, #tpu.memory_space<vmem>>
          %dma_wait3A_463 = tpu.memref_squeeze %dma_wait3A_462 : memref<1x1x128xi32, #tpu.memory_space<vmem>> -> memref<128xi32, #tpu.memory_space<vmem>>
          %dma_wait3A_464 = tpu.memref_slice %arg4[%add3A_448] : memref<320000xi32, #tpu.memory_space<hbm>> -> memref<128xi32, #tpu.memory_space<hbm>>
          %dma_wait3A_465 = arith.constant 0 : i32
          %dma_wait3A_466 = tpu.memref_slice %arg6[%dma_wait3A_459, %dma_wait3A_460, %dma_wait3A_465] : memref<4x2x128xi32, #tpu.memory_space<vmem>> -> memref<1x1x128xi32, #tpu.memory_space<vmem>>
          %dma_wait3A_467 = tpu.memref_squeeze %dma_wait3A_466 : memref<1x1x128xi32, #tpu.memory_space<vmem>> -> memref<128xi32, #tpu.memory_space<vmem>>
          %dma_wait3A_468 = tpu.memref_slice %arg4[%add3A_448] : memref<320000xi32, #tpu.memory_space<hbm>> -> memref<128xi32, #tpu.memory_space<hbm>>
          tpu.wait_dma2 semaphore(%arg10 : memref<!tpu.dma_semaphore, #tpu.memory_space<semaphore_mem>>) src(%dma_wait3A_468 : memref<128xi32, #tpu.memory_space<hbm>>) dst(%dma_wait3A_467 : memref<128xi32, #tpu.memory_space<vmem>>)
          %dma_start3A_469 = arith.constant 1 : i32
          %dma_start3A_470 = arith.constant 0 : i32
          %dma_start3A_471 = arith.constant 0 : i32
          %dma_start3A_472 = arith.constant 0 : i32
          %dma_start3A_473 = arith.constant 0 : i32
          %dma_start3A_474 = tpu.memref_slice %arg7[%dma_start3A_471, %dma_start3A_472, %dma_start3A_473] : memref<3x128x128xf32, #tpu.memory_space<vmem>> -> memref<1x128x128xf32, #tpu.memory_space<vmem>>
          %dma_start3A_475 = tpu.memref_squeeze %dma_start3A_474 : memref<1x128x128xf32, #tpu.memory_space<vmem>> -> memref<128x128xf32, #tpu.memory_space<vmem>>
          %dma_start3A_476 = arith.constant 0 : i32
          %dma_start3A_477 = tpu.memref_slice %arg6[%dma_start3A_469, %dma_start3A_470, %dma_start3A_476] : memref<4x2x128xi32, #tpu.memory_space<vmem>> -> memref<1x1x128xi32, #tpu.memory_space<vmem>>
          %dma_start3A_478 = tpu.memref_squeeze %dma_start3A_477 : memref<1x1x128xi32, #tpu.memory_space<vmem>> -> memref<128xi32, #tpu.memory_space<vmem>>
          %dma_start3A_479 = arith.constant 0 : i32
          %dma_start3A_480 = arith.constant 0 : i32
          %dma_start3A_481 = tpu.memref_slice %arg2[%dma_start3A_479, %dma_start3A_480] : memref<10000x128xf32, #tpu.memory_space<hbm>> -> memref<10000x128xf32, #tpu.memory_space<hbm>>
          tpu.enqueue_indirect_dma source(%dma_start3A_481 : memref<10000x128xf32, #tpu.memory_space<hbm>>) target(%dma_start3A_475 : memref<128x128xf32, #tpu.memory_space<vmem>>) offsets(%dma_start3A_478 : memref<128xi32, #tpu.memory_space<vmem>>) semaphore(%arg13 : memref<!tpu.dma_semaphore, #tpu.memory_space<semaphore_mem>>)
        } else {
        }
      } else {
      }
      %add3A_363 = arith.constant 8 : i32
      %add3A_364 = arith.addi %add3A_267, %add3A_363 : i32
      %lt3A_365 = arith.constant 78 : i32
      %lt3A_366 = arith.cmpi slt, %add3A_364, %lt3A_365 : i32
      %convert_element_type3A_367 = arith.extui %lt3A_366 : i1 to i32
      %cond3A_368 = arith.constant 0 : i32
      %cond3A_369 = arith.cmpi ne, %convert_element_type3A_367, %cond3A_368 : i32
      scf.if %cond3A_369 {
        %dma_wait3A_391 = arith.constant 0 : i32
        %dma_wait3A_392 = arith.constant 0 : i32
        %dma_wait3A_393 = arith.constant 2 : i32
        %dma_wait3A_394 = arith.constant 0 : i32
        %dma_wait3A_395 = arith.constant 0 : i32
        %dma_wait3A_396 = tpu.memref_slice %arg7[%dma_wait3A_393, %dma_wait3A_394, %dma_wait3A_395] : memref<3x128x128xf32, #tpu.memory_space<vmem>> -> memref<1x128x128xf32, #tpu.memory_space<vmem>>
        %dma_wait3A_397 = tpu.memref_squeeze %dma_wait3A_396 : memref<1x128x128xf32, #tpu.memory_space<vmem>> -> memref<128x128xf32, #tpu.memory_space<vmem>>
        %dma_wait3A_398 = arith.constant 0 : i32
        %dma_wait3A_399 = tpu.memref_slice %arg6[%dma_wait3A_391, %dma_wait3A_392, %dma_wait3A_398] : memref<4x2x128xi32, #tpu.memory_space<vmem>> -> memref<1x1x128xi32, #tpu.memory_space<vmem>>
        %dma_wait3A_400 = tpu.memref_squeeze %dma_wait3A_399 : memref<1x1x128xi32, #tpu.memory_space<vmem>> -> memref<128xi32, #tpu.memory_space<vmem>>
        %dma_wait3A_401 = arith.constant 0 : i32
        %dma_wait3A_402 = arith.constant 0 : i32
        %dma_wait3A_403 = tpu.memref_slice %arg2[%dma_wait3A_401, %dma_wait3A_402] : memref<10000x128xf32, #tpu.memory_space<hbm>> -> memref<10000x128xf32, #tpu.memory_space<hbm>>
        tpu.wait_indirect_dma semaphore(%arg15 : memref<!tpu.dma_semaphore, #tpu.memory_space<semaphore_mem>>) src(%dma_wait3A_403 : memref<10000x128xf32, #tpu.memory_space<hbm>>) dst(%dma_wait3A_397 : memref<128x128xf32, #tpu.memory_space<vmem>>)
        %dma_start3A_404 = arith.constant 2 : i32
        %dma_start3A_405 = arith.constant 0 : i32
        %dma_start3A_406 = arith.constant 1 : i32
        %dma_start3A_407 = arith.constant 0 : i32
        %dma_start3A_408 = arith.constant 0 : i32
        %dma_start3A_409 = tpu.memref_slice %arg7[%dma_start3A_404, %dma_start3A_407, %dma_start3A_408] : memref<3x128x128xf32, #tpu.memory_space<vmem>> -> memref<1x128x128xf32, #tpu.memory_space<vmem>>
        %dma_start3A_410 = tpu.memref_squeeze %dma_start3A_409 : memref<1x128x128xf32, #tpu.memory_space<vmem>> -> memref<128x128xf32, #tpu.memory_space<vmem>>
        %dma_start3A_411 = arith.constant 0 : i32
        %dma_start3A_412 = tpu.memref_slice %arg6[%dma_start3A_405, %dma_start3A_406, %dma_start3A_411] : memref<4x2x128xi32, #tpu.memory_space<vmem>> -> memref<1x1x128xi32, #tpu.memory_space<vmem>>
        %dma_start3A_413 = tpu.memref_squeeze %dma_start3A_412 : memref<1x1x128xi32, #tpu.memory_space<vmem>> -> memref<128xi32, #tpu.memory_space<vmem>>
        %dma_start3A_414 = arith.constant 0 : i32
        %dma_start3A_415 = arith.constant 0 : i32
        %dma_start3A_416 = tpu.memref_slice %arg8[%dma_start3A_414, %dma_start3A_415] : memref<10000x128xf32, #tpu.memory_space<vmem_shared>> -> memref<10000x128xf32, #tpu.memory_space<vmem_shared>>
        tpu.enqueue_indirect_dma source(%dma_start3A_410 : memref<128x128xf32, #tpu.memory_space<vmem>>) target(%dma_start3A_416 : memref<10000x128xf32, #tpu.memory_space<vmem_shared>>) offsets(%dma_start3A_413 : memref<128xi32, #tpu.memory_space<vmem>>) semaphore(%arg18 : memref<!tpu.dma_semaphore, #tpu.memory_space<semaphore_mem>>) {add = true}
        %dma_wait3A_417 = arith.constant 1 : i32
        %dma_wait3A_418 = arith.constant 3 : i32
        %dma_wait3A_419 = arith.constant 1 : i32
        %dma_wait3A_420 = arith.constant 0 : i32
        %dma_wait3A_421 = arith.constant 0 : i32
        %dma_wait3A_422 = tpu.memref_slice %arg7[%dma_wait3A_417, %dma_wait3A_420, %dma_wait3A_421] : memref<3x128x128xf32, #tpu.memory_space<vmem>> -> memref<1x128x128xf32, #tpu.memory_space<vmem>>
        %dma_wait3A_423 = tpu.memref_squeeze %dma_wait3A_422 : memref<1x128x128xf32, #tpu.memory_space<vmem>> -> memref<128x128xf32, #tpu.memory_space<vmem>>
        %dma_wait3A_424 = arith.constant 0 : i32
        %dma_wait3A_425 = tpu.memref_slice %arg6[%dma_wait3A_418, %dma_wait3A_419, %dma_wait3A_424] : memref<4x2x128xi32, #tpu.memory_space<vmem>> -> memref<1x1x128xi32, #tpu.memory_space<vmem>>
        %dma_wait3A_426 = tpu.memref_squeeze %dma_wait3A_425 : memref<1x1x128xi32, #tpu.memory_space<vmem>> -> memref<128xi32, #tpu.memory_space<vmem>>
        %dma_wait3A_427 = arith.constant 0 : i32
        %dma_wait3A_428 = arith.constant 0 : i32
        %dma_wait3A_429 = tpu.memref_slice %arg8[%dma_wait3A_427, %dma_wait3A_428] : memref<10000x128xf32, #tpu.memory_space<vmem_shared>> -> memref<10000x128xf32, #tpu.memory_space<vmem_shared>>
        tpu.wait_indirect_dma semaphore(%arg17 : memref<!tpu.dma_semaphore, #tpu.memory_space<semaphore_mem>>) src(%dma_wait3A_423 : memref<128x128xf32, #tpu.memory_space<vmem>>) dst(%dma_wait3A_429 : memref<10000x128xf32, #tpu.memory_space<vmem_shared>>)
        %add3A_430 = arith.constant 3 : i32
        %add3A_431 = arith.addi %add3A_364, %add3A_430 : i32
        %lt3A_432 = arith.constant 78 : i32
        %lt3A_433 = arith.cmpi slt, %add3A_431, %lt3A_432 : i32
        %convert_element_type3A_434 = arith.extui %lt3A_433 : i1 to i32
        %cond3A_435 = arith.constant 0 : i32
        %cond3A_436 = arith.cmpi ne, %convert_element_type3A_434, %cond3A_435 : i32
        scf.if %cond3A_436 {
          %add3A_444 = arith.constant 3 : i32
          %add3A_445 = arith.addi %add3A_364, %add3A_444 : i32
          %mul3A_446 = arith.constant 128 : i32
          %mul3A_447 = arith.muli %add3A_445, %mul3A_446 : i32
          %add3A_448 = arith.addi %mul3A_2, %mul3A_447 : i32
          %dma_start3A_449 = arith.constant 3 : i32
          %dma_start3A_450 = arith.constant 0 : i32
          %dma_start3A_451 = arith.constant 0 : i32
          %dma_start3A_452 = tpu.memref_slice %arg6[%dma_start3A_449, %dma_start3A_450, %dma_start3A_451] : memref<4x2x128xi32, #tpu.memory_space<vmem>> -> memref<1x1x128xi32, #tpu.memory_space<vmem>>
          %dma_start3A_453 = tpu.memref_squeeze %dma_start3A_452 : memref<1x1x128xi32, #tpu.memory_space<vmem>> -> memref<128xi32, #tpu.memory_space<vmem>>
          %dma_start3A_454 = tpu.memref_slice %arg3[%add3A_448] : memref<320000xi32, #tpu.memory_space<hbm>> -> memref<128xi32, #tpu.memory_space<hbm>>
          %dma_start3A_455 = arith.constant 0 : i32
          %dma_start3A_456 = tpu.memref_slice %arg6[%dma_start3A_449, %dma_start3A_450, %dma_start3A_455] : memref<4x2x128xi32, #tpu.memory_space<vmem>> -> memref<1x1x128xi32, #tpu.memory_space<vmem>>
          %dma_start3A_457 = tpu.memref_squeeze %dma_start3A_456 : memref<1x1x128xi32, #tpu.memory_space<vmem>> -> memref<128xi32, #tpu.memory_space<vmem>>
          %dma_start3A_458 = tpu.memref_slice %arg3[%add3A_448] : memref<320000xi32, #tpu.memory_space<hbm>> -> memref<128xi32, #tpu.memory_space<hbm>>
          tpu.enqueue_dma source(%dma_start3A_458 : memref<128xi32, #tpu.memory_space<hbm>>) target(%dma_start3A_457 : memref<128xi32, #tpu.memory_space<vmem>>) target_semaphore(%arg12 : memref<!tpu.dma_semaphore, #tpu.memory_space<semaphore_mem>>)
          %dma_start3A_459 = arith.constant 3 : i32
          %dma_start3A_460 = arith.constant 1 : i32
          %dma_start3A_461 = arith.constant 0 : i32
          %dma_start3A_462 = tpu.memref_slice %arg6[%dma_start3A_459, %dma_start3A_460, %dma_start3A_461] : memref<4x2x128xi32, #tpu.memory_space<vmem>> -> memref<1x1x128xi32, #tpu.memory_space<vmem>>
          %dma_start3A_463 = tpu.memref_squeeze %dma_start3A_462 : memref<1x1x128xi32, #tpu.memory_space<vmem>> -> memref<128xi32, #tpu.memory_space<vmem>>
          %dma_start3A_464 = tpu.memref_slice %arg4[%add3A_448] : memref<320000xi32, #tpu.memory_space<hbm>> -> memref<128xi32, #tpu.memory_space<hbm>>
          %dma_start3A_465 = arith.constant 0 : i32
          %dma_start3A_466 = tpu.memref_slice %arg6[%dma_start3A_459, %dma_start3A_460, %dma_start3A_465] : memref<4x2x128xi32, #tpu.memory_space<vmem>> -> memref<1x1x128xi32, #tpu.memory_space<vmem>>
          %dma_start3A_467 = tpu.memref_squeeze %dma_start3A_466 : memref<1x1x128xi32, #tpu.memory_space<vmem>> -> memref<128xi32, #tpu.memory_space<vmem>>
          %dma_start3A_468 = tpu.memref_slice %arg4[%add3A_448] : memref<320000xi32, #tpu.memory_space<hbm>> -> memref<128xi32, #tpu.memory_space<hbm>>
          tpu.enqueue_dma source(%dma_start3A_468 : memref<128xi32, #tpu.memory_space<hbm>>) target(%dma_start3A_467 : memref<128xi32, #tpu.memory_space<vmem>>) target_semaphore(%arg12 : memref<!tpu.dma_semaphore, #tpu.memory_space<semaphore_mem>>)
        } else {
        }
        %add3A_437 = arith.constant 2 : i32
        %add3A_438 = arith.addi %add3A_364, %add3A_437 : i32
        %lt3A_439 = arith.constant 78 : i32
        %lt3A_440 = arith.cmpi slt, %add3A_438, %lt3A_439 : i32
        %convert_element_type3A_441 = arith.extui %lt3A_440 : i1 to i32
        %cond3A_442 = arith.constant 0 : i32
        %cond3A_443 = arith.cmpi ne, %convert_element_type3A_441, %cond3A_442 : i32
        scf.if %cond3A_443 {
          %add3A_444 = arith.constant 2 : i32
          %add3A_445 = arith.addi %add3A_364, %add3A_444 : i32
          %mul3A_446 = arith.constant 128 : i32
          %mul3A_447 = arith.muli %add3A_445, %mul3A_446 : i32
          %add3A_448 = arith.addi %mul3A_2, %mul3A_447 : i32
          %dma_wait3A_449 = arith.constant 2 : i32
          %dma_wait3A_450 = arith.constant 0 : i32
          %dma_wait3A_451 = arith.constant 0 : i32
          %dma_wait3A_452 = tpu.memref_slice %arg6[%dma_wait3A_449, %dma_wait3A_450, %dma_wait3A_451] : memref<4x2x128xi32, #tpu.memory_space<vmem>> -> memref<1x1x128xi32, #tpu.memory_space<vmem>>
          %dma_wait3A_453 = tpu.memref_squeeze %dma_wait3A_452 : memref<1x1x128xi32, #tpu.memory_space<vmem>> -> memref<128xi32, #tpu.memory_space<vmem>>
          %dma_wait3A_454 = tpu.memref_slice %arg3[%add3A_448] : memref<320000xi32, #tpu.memory_space<hbm>> -> memref<128xi32, #tpu.memory_space<hbm>>
          %dma_wait3A_455 = arith.constant 0 : i32
          %dma_wait3A_456 = tpu.memref_slice %arg6[%dma_wait3A_449, %dma_wait3A_450, %dma_wait3A_455] : memref<4x2x128xi32, #tpu.memory_space<vmem>> -> memref<1x1x128xi32, #tpu.memory_space<vmem>>
          %dma_wait3A_457 = tpu.memref_squeeze %dma_wait3A_456 : memref<1x1x128xi32, #tpu.memory_space<vmem>> -> memref<128xi32, #tpu.memory_space<vmem>>
          %dma_wait3A_458 = tpu.memref_slice %arg3[%add3A_448] : memref<320000xi32, #tpu.memory_space<hbm>> -> memref<128xi32, #tpu.memory_space<hbm>>
          tpu.wait_dma2 semaphore(%arg11 : memref<!tpu.dma_semaphore, #tpu.memory_space<semaphore_mem>>) src(%dma_wait3A_458 : memref<128xi32, #tpu.memory_space<hbm>>) dst(%dma_wait3A_457 : memref<128xi32, #tpu.memory_space<vmem>>)
          %dma_wait3A_459 = arith.constant 2 : i32
          %dma_wait3A_460 = arith.constant 1 : i32
          %dma_wait3A_461 = arith.constant 0 : i32
          %dma_wait3A_462 = tpu.memref_slice %arg6[%dma_wait3A_459, %dma_wait3A_460, %dma_wait3A_461] : memref<4x2x128xi32, #tpu.memory_space<vmem>> -> memref<1x1x128xi32, #tpu.memory_space<vmem>>
          %dma_wait3A_463 = tpu.memref_squeeze %dma_wait3A_462 : memref<1x1x128xi32, #tpu.memory_space<vmem>> -> memref<128xi32, #tpu.memory_space<vmem>>
          %dma_wait3A_464 = tpu.memref_slice %arg4[%add3A_448] : memref<320000xi32, #tpu.memory_space<hbm>> -> memref<128xi32, #tpu.memory_space<hbm>>
          %dma_wait3A_465 = arith.constant 0 : i32
          %dma_wait3A_466 = tpu.memref_slice %arg6[%dma_wait3A_459, %dma_wait3A_460, %dma_wait3A_465] : memref<4x2x128xi32, #tpu.memory_space<vmem>> -> memref<1x1x128xi32, #tpu.memory_space<vmem>>
          %dma_wait3A_467 = tpu.memref_squeeze %dma_wait3A_466 : memref<1x1x128xi32, #tpu.memory_space<vmem>> -> memref<128xi32, #tpu.memory_space<vmem>>
          %dma_wait3A_468 = tpu.memref_slice %arg4[%add3A_448] : memref<320000xi32, #tpu.memory_space<hbm>> -> memref<128xi32, #tpu.memory_space<hbm>>
          tpu.wait_dma2 semaphore(%arg11 : memref<!tpu.dma_semaphore, #tpu.memory_space<semaphore_mem>>) src(%dma_wait3A_468 : memref<128xi32, #tpu.memory_space<hbm>>) dst(%dma_wait3A_467 : memref<128xi32, #tpu.memory_space<vmem>>)
          %dma_start3A_469 = arith.constant 2 : i32
          %dma_start3A_470 = arith.constant 0 : i32
          %dma_start3A_471 = arith.constant 1 : i32
          %dma_start3A_472 = arith.constant 0 : i32
          %dma_start3A_473 = arith.constant 0 : i32
          %dma_start3A_474 = tpu.memref_slice %arg7[%dma_start3A_471, %dma_start3A_472, %dma_start3A_473] : memref<3x128x128xf32, #tpu.memory_space<vmem>> -> memref<1x128x128xf32, #tpu.memory_space<vmem>>
          %dma_start3A_475 = tpu.memref_squeeze %dma_start3A_474 : memref<1x128x128xf32, #tpu.memory_space<vmem>> -> memref<128x128xf32, #tpu.memory_space<vmem>>
          %dma_start3A_476 = arith.constant 0 : i32
          %dma_start3A_477 = tpu.memref_slice %arg6[%dma_start3A_469, %dma_start3A_470, %dma_start3A_476] : memref<4x2x128xi32, #tpu.memory_space<vmem>> -> memref<1x1x128xi32, #tpu.memory_space<vmem>>
          %dma_start3A_478 = tpu.memref_squeeze %dma_start3A_477 : memref<1x1x128xi32, #tpu.memory_space<vmem>> -> memref<128xi32, #tpu.memory_space<vmem>>
          %dma_start3A_479 = arith.constant 0 : i32
          %dma_start3A_480 = arith.constant 0 : i32
          %dma_start3A_481 = tpu.memref_slice %arg2[%dma_start3A_479, %dma_start3A_480] : memref<10000x128xf32, #tpu.memory_space<hbm>> -> memref<10000x128xf32, #tpu.memory_space<hbm>>
          tpu.enqueue_indirect_dma source(%dma_start3A_481 : memref<10000x128xf32, #tpu.memory_space<hbm>>) target(%dma_start3A_475 : memref<128x128xf32, #tpu.memory_space<vmem>>) offsets(%dma_start3A_478 : memref<128xi32, #tpu.memory_space<vmem>>) semaphore(%arg14 : memref<!tpu.dma_semaphore, #tpu.memory_space<semaphore_mem>>)
        } else {
        }
      } else {
      }
      %add3A_370 = arith.constant 9 : i32
      %add3A_371 = arith.addi %add3A_267, %add3A_370 : i32
      %lt3A_372 = arith.constant 78 : i32
      %lt3A_373 = arith.cmpi slt, %add3A_371, %lt3A_372 : i32
      %convert_element_type3A_374 = arith.extui %lt3A_373 : i1 to i32
      %cond3A_375 = arith.constant 0 : i32
      %cond3A_376 = arith.cmpi ne, %convert_element_type3A_374, %cond3A_375 : i32
      scf.if %cond3A_376 {
        %dma_wait3A_391 = arith.constant 1 : i32
        %dma_wait3A_392 = arith.constant 0 : i32
        %dma_wait3A_393 = arith.constant 0 : i32
        %dma_wait3A_394 = arith.constant 0 : i32
        %dma_wait3A_395 = arith.constant 0 : i32
        %dma_wait3A_396 = tpu.memref_slice %arg7[%dma_wait3A_393, %dma_wait3A_394, %dma_wait3A_395] : memref<3x128x128xf32, #tpu.memory_space<vmem>> -> memref<1x128x128xf32, #tpu.memory_space<vmem>>
        %dma_wait3A_397 = tpu.memref_squeeze %dma_wait3A_396 : memref<1x128x128xf32, #tpu.memory_space<vmem>> -> memref<128x128xf32, #tpu.memory_space<vmem>>
        %dma_wait3A_398 = arith.constant 0 : i32
        %dma_wait3A_399 = tpu.memref_slice %arg6[%dma_wait3A_391, %dma_wait3A_392, %dma_wait3A_398] : memref<4x2x128xi32, #tpu.memory_space<vmem>> -> memref<1x1x128xi32, #tpu.memory_space<vmem>>
        %dma_wait3A_400 = tpu.memref_squeeze %dma_wait3A_399 : memref<1x1x128xi32, #tpu.memory_space<vmem>> -> memref<128xi32, #tpu.memory_space<vmem>>
        %dma_wait3A_401 = arith.constant 0 : i32
        %dma_wait3A_402 = arith.constant 0 : i32
        %dma_wait3A_403 = tpu.memref_slice %arg2[%dma_wait3A_401, %dma_wait3A_402] : memref<10000x128xf32, #tpu.memory_space<hbm>> -> memref<10000x128xf32, #tpu.memory_space<hbm>>
        tpu.wait_indirect_dma semaphore(%arg13 : memref<!tpu.dma_semaphore, #tpu.memory_space<semaphore_mem>>) src(%dma_wait3A_403 : memref<10000x128xf32, #tpu.memory_space<hbm>>) dst(%dma_wait3A_397 : memref<128x128xf32, #tpu.memory_space<vmem>>)
        %dma_start3A_404 = arith.constant 0 : i32
        %dma_start3A_405 = arith.constant 1 : i32
        %dma_start3A_406 = arith.constant 1 : i32
        %dma_start3A_407 = arith.constant 0 : i32
        %dma_start3A_408 = arith.constant 0 : i32
        %dma_start3A_409 = tpu.memref_slice %arg7[%dma_start3A_404, %dma_start3A_407, %dma_start3A_408] : memref<3x128x128xf32, #tpu.memory_space<vmem>> -> memref<1x128x128xf32, #tpu.memory_space<vmem>>
        %dma_start3A_410 = tpu.memref_squeeze %dma_start3A_409 : memref<1x128x128xf32, #tpu.memory_space<vmem>> -> memref<128x128xf32, #tpu.memory_space<vmem>>
        %dma_start3A_411 = arith.constant 0 : i32
        %dma_start3A_412 = tpu.memref_slice %arg6[%dma_start3A_405, %dma_start3A_406, %dma_start3A_411] : memref<4x2x128xi32, #tpu.memory_space<vmem>> -> memref<1x1x128xi32, #tpu.memory_space<vmem>>
        %dma_start3A_413 = tpu.memref_squeeze %dma_start3A_412 : memref<1x1x128xi32, #tpu.memory_space<vmem>> -> memref<128xi32, #tpu.memory_space<vmem>>
        %dma_start3A_414 = arith.constant 0 : i32
        %dma_start3A_415 = arith.constant 0 : i32
        %dma_start3A_416 = tpu.memref_slice %arg8[%dma_start3A_414, %dma_start3A_415] : memref<10000x128xf32, #tpu.memory_space<vmem_shared>> -> memref<10000x128xf32, #tpu.memory_space<vmem_shared>>
        tpu.enqueue_indirect_dma source(%dma_start3A_410 : memref<128x128xf32, #tpu.memory_space<vmem>>) target(%dma_start3A_416 : memref<10000x128xf32, #tpu.memory_space<vmem_shared>>) offsets(%dma_start3A_413 : memref<128xi32, #tpu.memory_space<vmem>>) semaphore(%arg16 : memref<!tpu.dma_semaphore, #tpu.memory_space<semaphore_mem>>) {add = true}
        %dma_wait3A_417 = arith.constant 2 : i32
        %dma_wait3A_418 = arith.constant 0 : i32
        %dma_wait3A_419 = arith.constant 1 : i32
        %dma_wait3A_420 = arith.constant 0 : i32
        %dma_wait3A_421 = arith.constant 0 : i32
        %dma_wait3A_422 = tpu.memref_slice %arg7[%dma_wait3A_417, %dma_wait3A_420, %dma_wait3A_421] : memref<3x128x128xf32, #tpu.memory_space<vmem>> -> memref<1x128x128xf32, #tpu.memory_space<vmem>>
        %dma_wait3A_423 = tpu.memref_squeeze %dma_wait3A_422 : memref<1x128x128xf32, #tpu.memory_space<vmem>> -> memref<128x128xf32, #tpu.memory_space<vmem>>
        %dma_wait3A_424 = arith.constant 0 : i32
        %dma_wait3A_425 = tpu.memref_slice %arg6[%dma_wait3A_418, %dma_wait3A_419, %dma_wait3A_424] : memref<4x2x128xi32, #tpu.memory_space<vmem>> -> memref<1x1x128xi32, #tpu.memory_space<vmem>>
        %dma_wait3A_426 = tpu.memref_squeeze %dma_wait3A_425 : memref<1x1x128xi32, #tpu.memory_space<vmem>> -> memref<128xi32, #tpu.memory_space<vmem>>
        %dma_wait3A_427 = arith.constant 0 : i32
        %dma_wait3A_428 = arith.constant 0 : i32
        %dma_wait3A_429 = tpu.memref_slice %arg8[%dma_wait3A_427, %dma_wait3A_428] : memref<10000x128xf32, #tpu.memory_space<vmem_shared>> -> memref<10000x128xf32, #tpu.memory_space<vmem_shared>>
        tpu.wait_indirect_dma semaphore(%arg18 : memref<!tpu.dma_semaphore, #tpu.memory_space<semaphore_mem>>) src(%dma_wait3A_423 : memref<128x128xf32, #tpu.memory_space<vmem>>) dst(%dma_wait3A_429 : memref<10000x128xf32, #tpu.memory_space<vmem_shared>>)
        %add3A_430 = arith.constant 3 : i32
        %add3A_431 = arith.addi %add3A_371, %add3A_430 : i32
        %lt3A_432 = arith.constant 78 : i32
        %lt3A_433 = arith.cmpi slt, %add3A_431, %lt3A_432 : i32
        %convert_element_type3A_434 = arith.extui %lt3A_433 : i1 to i32
        %cond3A_435 = arith.constant 0 : i32
        %cond3A_436 = arith.cmpi ne, %convert_element_type3A_434, %cond3A_435 : i32
        scf.if %cond3A_436 {
          %add3A_444 = arith.constant 3 : i32
          %add3A_445 = arith.addi %add3A_371, %add3A_444 : i32
          %mul3A_446 = arith.constant 128 : i32
          %mul3A_447 = arith.muli %add3A_445, %mul3A_446 : i32
          %add3A_448 = arith.addi %mul3A_2, %mul3A_447 : i32
          %dma_start3A_449 = arith.constant 0 : i32
          %dma_start3A_450 = arith.constant 0 : i32
          %dma_start3A_451 = arith.constant 0 : i32
          %dma_start3A_452 = tpu.memref_slice %arg6[%dma_start3A_449, %dma_start3A_450, %dma_start3A_451] : memref<4x2x128xi32, #tpu.memory_space<vmem>> -> memref<1x1x128xi32, #tpu.memory_space<vmem>>
          %dma_start3A_453 = tpu.memref_squeeze %dma_start3A_452 : memref<1x1x128xi32, #tpu.memory_space<vmem>> -> memref<128xi32, #tpu.memory_space<vmem>>
          %dma_start3A_454 = tpu.memref_slice %arg3[%add3A_448] : memref<320000xi32, #tpu.memory_space<hbm>> -> memref<128xi32, #tpu.memory_space<hbm>>
          %dma_start3A_455 = arith.constant 0 : i32
          %dma_start3A_456 = tpu.memref_slice %arg6[%dma_start3A_449, %dma_start3A_450, %dma_start3A_455] : memref<4x2x128xi32, #tpu.memory_space<vmem>> -> memref<1x1x128xi32, #tpu.memory_space<vmem>>
          %dma_start3A_457 = tpu.memref_squeeze %dma_start3A_456 : memref<1x1x128xi32, #tpu.memory_space<vmem>> -> memref<128xi32, #tpu.memory_space<vmem>>
          %dma_start3A_458 = tpu.memref_slice %arg3[%add3A_448] : memref<320000xi32, #tpu.memory_space<hbm>> -> memref<128xi32, #tpu.memory_space<hbm>>
          tpu.enqueue_dma source(%dma_start3A_458 : memref<128xi32, #tpu.memory_space<hbm>>) target(%dma_start3A_457 : memref<128xi32, #tpu.memory_space<vmem>>) target_semaphore(%arg9 : memref<!tpu.dma_semaphore, #tpu.memory_space<semaphore_mem>>)
          %dma_start3A_459 = arith.constant 0 : i32
          %dma_start3A_460 = arith.constant 1 : i32
          %dma_start3A_461 = arith.constant 0 : i32
          %dma_start3A_462 = tpu.memref_slice %arg6[%dma_start3A_459, %dma_start3A_460, %dma_start3A_461] : memref<4x2x128xi32, #tpu.memory_space<vmem>> -> memref<1x1x128xi32, #tpu.memory_space<vmem>>
          %dma_start3A_463 = tpu.memref_squeeze %dma_start3A_462 : memref<1x1x128xi32, #tpu.memory_space<vmem>> -> memref<128xi32, #tpu.memory_space<vmem>>
          %dma_start3A_464 = tpu.memref_slice %arg4[%add3A_448] : memref<320000xi32, #tpu.memory_space<hbm>> -> memref<128xi32, #tpu.memory_space<hbm>>
          %dma_start3A_465 = arith.constant 0 : i32
          %dma_start3A_466 = tpu.memref_slice %arg6[%dma_start3A_459, %dma_start3A_460, %dma_start3A_465] : memref<4x2x128xi32, #tpu.memory_space<vmem>> -> memref<1x1x128xi32, #tpu.memory_space<vmem>>
          %dma_start3A_467 = tpu.memref_squeeze %dma_start3A_466 : memref<1x1x128xi32, #tpu.memory_space<vmem>> -> memref<128xi32, #tpu.memory_space<vmem>>
          %dma_start3A_468 = tpu.memref_slice %arg4[%add3A_448] : memref<320000xi32, #tpu.memory_space<hbm>> -> memref<128xi32, #tpu.memory_space<hbm>>
          tpu.enqueue_dma source(%dma_start3A_468 : memref<128xi32, #tpu.memory_space<hbm>>) target(%dma_start3A_467 : memref<128xi32, #tpu.memory_space<vmem>>) target_semaphore(%arg9 : memref<!tpu.dma_semaphore, #tpu.memory_space<semaphore_mem>>)
        } else {
        }
        %add3A_437 = arith.constant 2 : i32
        %add3A_438 = arith.addi %add3A_371, %add3A_437 : i32
        %lt3A_439 = arith.constant 78 : i32
        %lt3A_440 = arith.cmpi slt, %add3A_438, %lt3A_439 : i32
        %convert_element_type3A_441 = arith.extui %lt3A_440 : i1 to i32
        %cond3A_442 = arith.constant 0 : i32
        %cond3A_443 = arith.cmpi ne, %convert_element_type3A_441, %cond3A_442 : i32
        scf.if %cond3A_443 {
          %add3A_444 = arith.constant 2 : i32
          %add3A_445 = arith.addi %add3A_371, %add3A_444 : i32
          %mul3A_446 = arith.constant 128 : i32
          %mul3A_447 = arith.muli %add3A_445, %mul3A_446 : i32
          %add3A_448 = arith.addi %mul3A_2, %mul3A_447 : i32
          %dma_wait3A_449 = arith.constant 3 : i32
          %dma_wait3A_450 = arith.constant 0 : i32
          %dma_wait3A_451 = arith.constant 0 : i32
          %dma_wait3A_452 = tpu.memref_slice %arg6[%dma_wait3A_449, %dma_wait3A_450, %dma_wait3A_451] : memref<4x2x128xi32, #tpu.memory_space<vmem>> -> memref<1x1x128xi32, #tpu.memory_space<vmem>>
          %dma_wait3A_453 = tpu.memref_squeeze %dma_wait3A_452 : memref<1x1x128xi32, #tpu.memory_space<vmem>> -> memref<128xi32, #tpu.memory_space<vmem>>
          %dma_wait3A_454 = tpu.memref_slice %arg3[%add3A_448] : memref<320000xi32, #tpu.memory_space<hbm>> -> memref<128xi32, #tpu.memory_space<hbm>>
          %dma_wait3A_455 = arith.constant 0 : i32
          %dma_wait3A_456 = tpu.memref_slice %arg6[%dma_wait3A_449, %dma_wait3A_450, %dma_wait3A_455] : memref<4x2x128xi32, #tpu.memory_space<vmem>> -> memref<1x1x128xi32, #tpu.memory_space<vmem>>
          %dma_wait3A_457 = tpu.memref_squeeze %dma_wait3A_456 : memref<1x1x128xi32, #tpu.memory_space<vmem>> -> memref<128xi32, #tpu.memory_space<vmem>>
          %dma_wait3A_458 = tpu.memref_slice %arg3[%add3A_448] : memref<320000xi32, #tpu.memory_space<hbm>> -> memref<128xi32, #tpu.memory_space<hbm>>
          tpu.wait_dma2 semaphore(%arg12 : memref<!tpu.dma_semaphore, #tpu.memory_space<semaphore_mem>>) src(%dma_wait3A_458 : memref<128xi32, #tpu.memory_space<hbm>>) dst(%dma_wait3A_457 : memref<128xi32, #tpu.memory_space<vmem>>)
          %dma_wait3A_459 = arith.constant 3 : i32
          %dma_wait3A_460 = arith.constant 1 : i32
          %dma_wait3A_461 = arith.constant 0 : i32
          %dma_wait3A_462 = tpu.memref_slice %arg6[%dma_wait3A_459, %dma_wait3A_460, %dma_wait3A_461] : memref<4x2x128xi32, #tpu.memory_space<vmem>> -> memref<1x1x128xi32, #tpu.memory_space<vmem>>
          %dma_wait3A_463 = tpu.memref_squeeze %dma_wait3A_462 : memref<1x1x128xi32, #tpu.memory_space<vmem>> -> memref<128xi32, #tpu.memory_space<vmem>>
          %dma_wait3A_464 = tpu.memref_slice %arg4[%add3A_448] : memref<320000xi32, #tpu.memory_space<hbm>> -> memref<128xi32, #tpu.memory_space<hbm>>
          %dma_wait3A_465 = arith.constant 0 : i32
          %dma_wait3A_466 = tpu.memref_slice %arg6[%dma_wait3A_459, %dma_wait3A_460, %dma_wait3A_465] : memref<4x2x128xi32, #tpu.memory_space<vmem>> -> memref<1x1x128xi32, #tpu.memory_space<vmem>>
          %dma_wait3A_467 = tpu.memref_squeeze %dma_wait3A_466 : memref<1x1x128xi32, #tpu.memory_space<vmem>> -> memref<128xi32, #tpu.memory_space<vmem>>
          %dma_wait3A_468 = tpu.memref_slice %arg4[%add3A_448] : memref<320000xi32, #tpu.memory_space<hbm>> -> memref<128xi32, #tpu.memory_space<hbm>>
          tpu.wait_dma2 semaphore(%arg12 : memref<!tpu.dma_semaphore, #tpu.memory_space<semaphore_mem>>) src(%dma_wait3A_468 : memref<128xi32, #tpu.memory_space<hbm>>) dst(%dma_wait3A_467 : memref<128xi32, #tpu.memory_space<vmem>>)
          %dma_start3A_469 = arith.constant 3 : i32
          %dma_start3A_470 = arith.constant 0 : i32
          %dma_start3A_471 = arith.constant 2 : i32
          %dma_start3A_472 = arith.constant 0 : i32
          %dma_start3A_473 = arith.constant 0 : i32
          %dma_start3A_474 = tpu.memref_slice %arg7[%dma_start3A_471, %dma_start3A_472, %dma_start3A_473] : memref<3x128x128xf32, #tpu.memory_space<vmem>> -> memref<1x128x128xf32, #tpu.memory_space<vmem>>
          %dma_start3A_475 = tpu.memref_squeeze %dma_start3A_474 : memref<1x128x128xf32, #tpu.memory_space<vmem>> -> memref<128x128xf32, #tpu.memory_space<vmem>>
          %dma_start3A_476 = arith.constant 0 : i32
          %dma_start3A_477 = tpu.memref_slice %arg6[%dma_start3A_469, %dma_start3A_470, %dma_start3A_476] : memref<4x2x128xi32, #tpu.memory_space<vmem>> -> memref<1x1x128xi32, #tpu.memory_space<vmem>>
          %dma_start3A_478 = tpu.memref_squeeze %dma_start3A_477 : memref<1x1x128xi32, #tpu.memory_space<vmem>> -> memref<128xi32, #tpu.memory_space<vmem>>
          %dma_start3A_479 = arith.constant 0 : i32
          %dma_start3A_480 = arith.constant 0 : i32
          %dma_start3A_481 = tpu.memref_slice %arg2[%dma_start3A_479, %dma_start3A_480] : memref<10000x128xf32, #tpu.memory_space<hbm>> -> memref<10000x128xf32, #tpu.memory_space<hbm>>
          tpu.enqueue_indirect_dma source(%dma_start3A_481 : memref<10000x128xf32, #tpu.memory_space<hbm>>) target(%dma_start3A_475 : memref<128x128xf32, #tpu.memory_space<vmem>>) offsets(%dma_start3A_478 : memref<128xi32, #tpu.memory_space<vmem>>) semaphore(%arg15 : memref<!tpu.dma_semaphore, #tpu.memory_space<semaphore_mem>>)
        } else {
        }
      } else {
      }
      %add3A_377 = arith.constant 10 : i32
      %add3A_378 = arith.addi %add3A_267, %add3A_377 : i32
      %lt3A_379 = arith.constant 78 : i32
      %lt3A_380 = arith.cmpi slt, %add3A_378, %lt3A_379 : i32
      %convert_element_type3A_381 = arith.extui %lt3A_380 : i1 to i32
      %cond3A_382 = arith.constant 0 : i32
      %cond3A_383 = arith.cmpi ne, %convert_element_type3A_381, %cond3A_382 : i32
      scf.if %cond3A_383 {
        %dma_wait3A_391 = arith.constant 2 : i32
        %dma_wait3A_392 = arith.constant 0 : i32
        %dma_wait3A_393 = arith.constant 1 : i32
        %dma_wait3A_394 = arith.constant 0 : i32
        %dma_wait3A_395 = arith.constant 0 : i32
        %dma_wait3A_396 = tpu.memref_slice %arg7[%dma_wait3A_393, %dma_wait3A_394, %dma_wait3A_395] : memref<3x128x128xf32, #tpu.memory_space<vmem>> -> memref<1x128x128xf32, #tpu.memory_space<vmem>>
        %dma_wait3A_397 = tpu.memref_squeeze %dma_wait3A_396 : memref<1x128x128xf32, #tpu.memory_space<vmem>> -> memref<128x128xf32, #tpu.memory_space<vmem>>
        %dma_wait3A_398 = arith.constant 0 : i32
        %dma_wait3A_399 = tpu.memref_slice %arg6[%dma_wait3A_391, %dma_wait3A_392, %dma_wait3A_398] : memref<4x2x128xi32, #tpu.memory_space<vmem>> -> memref<1x1x128xi32, #tpu.memory_space<vmem>>
        %dma_wait3A_400 = tpu.memref_squeeze %dma_wait3A_399 : memref<1x1x128xi32, #tpu.memory_space<vmem>> -> memref<128xi32, #tpu.memory_space<vmem>>
        %dma_wait3A_401 = arith.constant 0 : i32
        %dma_wait3A_402 = arith.constant 0 : i32
        %dma_wait3A_403 = tpu.memref_slice %arg2[%dma_wait3A_401, %dma_wait3A_402] : memref<10000x128xf32, #tpu.memory_space<hbm>> -> memref<10000x128xf32, #tpu.memory_space<hbm>>
        tpu.wait_indirect_dma semaphore(%arg14 : memref<!tpu.dma_semaphore, #tpu.memory_space<semaphore_mem>>) src(%dma_wait3A_403 : memref<10000x128xf32, #tpu.memory_space<hbm>>) dst(%dma_wait3A_397 : memref<128x128xf32, #tpu.memory_space<vmem>>)
        %dma_start3A_404 = arith.constant 1 : i32
        %dma_start3A_405 = arith.constant 2 : i32
        %dma_start3A_406 = arith.constant 1 : i32
        %dma_start3A_407 = arith.constant 0 : i32
        %dma_start3A_408 = arith.constant 0 : i32
        %dma_start3A_409 = tpu.memref_slice %arg7[%dma_start3A_404, %dma_start3A_407, %dma_start3A_408] : memref<3x128x128xf32, #tpu.memory_space<vmem>> -> memref<1x128x128xf32, #tpu.memory_space<vmem>>
        %dma_start3A_410 = tpu.memref_squeeze %dma_start3A_409 : memref<1x128x128xf32, #tpu.memory_space<vmem>> -> memref<128x128xf32, #tpu.memory_space<vmem>>
        %dma_start3A_411 = arith.constant 0 : i32
        %dma_start3A_412 = tpu.memref_slice %arg6[%dma_start3A_405, %dma_start3A_406, %dma_start3A_411] : memref<4x2x128xi32, #tpu.memory_space<vmem>> -> memref<1x1x128xi32, #tpu.memory_space<vmem>>
        %dma_start3A_413 = tpu.memref_squeeze %dma_start3A_412 : memref<1x1x128xi32, #tpu.memory_space<vmem>> -> memref<128xi32, #tpu.memory_space<vmem>>
        %dma_start3A_414 = arith.constant 0 : i32
        %dma_start3A_415 = arith.constant 0 : i32
        %dma_start3A_416 = tpu.memref_slice %arg8[%dma_start3A_414, %dma_start3A_415] : memref<10000x128xf32, #tpu.memory_space<vmem_shared>> -> memref<10000x128xf32, #tpu.memory_space<vmem_shared>>
        tpu.enqueue_indirect_dma source(%dma_start3A_410 : memref<128x128xf32, #tpu.memory_space<vmem>>) target(%dma_start3A_416 : memref<10000x128xf32, #tpu.memory_space<vmem_shared>>) offsets(%dma_start3A_413 : memref<128xi32, #tpu.memory_space<vmem>>) semaphore(%arg17 : memref<!tpu.dma_semaphore, #tpu.memory_space<semaphore_mem>>) {add = true}
        %dma_wait3A_417 = arith.constant 0 : i32
        %dma_wait3A_418 = arith.constant 1 : i32
        %dma_wait3A_419 = arith.constant 1 : i32
        %dma_wait3A_420 = arith.constant 0 : i32
        %dma_wait3A_421 = arith.constant 0 : i32
        %dma_wait3A_422 = tpu.memref_slice %arg7[%dma_wait3A_417, %dma_wait3A_420, %dma_wait3A_421] : memref<3x128x128xf32, #tpu.memory_space<vmem>> -> memref<1x128x128xf32, #tpu.memory_space<vmem>>
        %dma_wait3A_423 = tpu.memref_squeeze %dma_wait3A_422 : memref<1x128x128xf32, #tpu.memory_space<vmem>> -> memref<128x128xf32, #tpu.memory_space<vmem>>
        %dma_wait3A_424 = arith.constant 0 : i32
        %dma_wait3A_425 = tpu.memref_slice %arg6[%dma_wait3A_418, %dma_wait3A_419, %dma_wait3A_424] : memref<4x2x128xi32, #tpu.memory_space<vmem>> -> memref<1x1x128xi32, #tpu.memory_space<vmem>>
        %dma_wait3A_426 = tpu.memref_squeeze %dma_wait3A_425 : memref<1x1x128xi32, #tpu.memory_space<vmem>> -> memref<128xi32, #tpu.memory_space<vmem>>
        %dma_wait3A_427 = arith.constant 0 : i32
        %dma_wait3A_428 = arith.constant 0 : i32
        %dma_wait3A_429 = tpu.memref_slice %arg8[%dma_wait3A_427, %dma_wait3A_428] : memref<10000x128xf32, #tpu.memory_space<vmem_shared>> -> memref<10000x128xf32, #tpu.memory_space<vmem_shared>>
        tpu.wait_indirect_dma semaphore(%arg16 : memref<!tpu.dma_semaphore, #tpu.memory_space<semaphore_mem>>) src(%dma_wait3A_423 : memref<128x128xf32, #tpu.memory_space<vmem>>) dst(%dma_wait3A_429 : memref<10000x128xf32, #tpu.memory_space<vmem_shared>>)
        %add3A_430 = arith.constant 3 : i32
        %add3A_431 = arith.addi %add3A_378, %add3A_430 : i32
        %lt3A_432 = arith.constant 78 : i32
        %lt3A_433 = arith.cmpi slt, %add3A_431, %lt3A_432 : i32
        %convert_element_type3A_434 = arith.extui %lt3A_433 : i1 to i32
        %cond3A_435 = arith.constant 0 : i32
        %cond3A_436 = arith.cmpi ne, %convert_element_type3A_434, %cond3A_435 : i32
        scf.if %cond3A_436 {
          %add3A_444 = arith.constant 3 : i32
          %add3A_445 = arith.addi %add3A_378, %add3A_444 : i32
          %mul3A_446 = arith.constant 128 : i32
          %mul3A_447 = arith.muli %add3A_445, %mul3A_446 : i32
          %add3A_448 = arith.addi %mul3A_2, %mul3A_447 : i32
          %dma_start3A_449 = arith.constant 1 : i32
          %dma_start3A_450 = arith.constant 0 : i32
          %dma_start3A_451 = arith.constant 0 : i32
          %dma_start3A_452 = tpu.memref_slice %arg6[%dma_start3A_449, %dma_start3A_450, %dma_start3A_451] : memref<4x2x128xi32, #tpu.memory_space<vmem>> -> memref<1x1x128xi32, #tpu.memory_space<vmem>>
          %dma_start3A_453 = tpu.memref_squeeze %dma_start3A_452 : memref<1x1x128xi32, #tpu.memory_space<vmem>> -> memref<128xi32, #tpu.memory_space<vmem>>
          %dma_start3A_454 = tpu.memref_slice %arg3[%add3A_448] : memref<320000xi32, #tpu.memory_space<hbm>> -> memref<128xi32, #tpu.memory_space<hbm>>
          %dma_start3A_455 = arith.constant 0 : i32
          %dma_start3A_456 = tpu.memref_slice %arg6[%dma_start3A_449, %dma_start3A_450, %dma_start3A_455] : memref<4x2x128xi32, #tpu.memory_space<vmem>> -> memref<1x1x128xi32, #tpu.memory_space<vmem>>
          %dma_start3A_457 = tpu.memref_squeeze %dma_start3A_456 : memref<1x1x128xi32, #tpu.memory_space<vmem>> -> memref<128xi32, #tpu.memory_space<vmem>>
          %dma_start3A_458 = tpu.memref_slice %arg3[%add3A_448] : memref<320000xi32, #tpu.memory_space<hbm>> -> memref<128xi32, #tpu.memory_space<hbm>>
          tpu.enqueue_dma source(%dma_start3A_458 : memref<128xi32, #tpu.memory_space<hbm>>) target(%dma_start3A_457 : memref<128xi32, #tpu.memory_space<vmem>>) target_semaphore(%arg10 : memref<!tpu.dma_semaphore, #tpu.memory_space<semaphore_mem>>)
          %dma_start3A_459 = arith.constant 1 : i32
          %dma_start3A_460 = arith.constant 1 : i32
          %dma_start3A_461 = arith.constant 0 : i32
          %dma_start3A_462 = tpu.memref_slice %arg6[%dma_start3A_459, %dma_start3A_460, %dma_start3A_461] : memref<4x2x128xi32, #tpu.memory_space<vmem>> -> memref<1x1x128xi32, #tpu.memory_space<vmem>>
          %dma_start3A_463 = tpu.memref_squeeze %dma_start3A_462 : memref<1x1x128xi32, #tpu.memory_space<vmem>> -> memref<128xi32, #tpu.memory_space<vmem>>
          %dma_start3A_464 = tpu.memref_slice %arg4[%add3A_448] : memref<320000xi32, #tpu.memory_space<hbm>> -> memref<128xi32, #tpu.memory_space<hbm>>
          %dma_start3A_465 = arith.constant 0 : i32
          %dma_start3A_466 = tpu.memref_slice %arg6[%dma_start3A_459, %dma_start3A_460, %dma_start3A_465] : memref<4x2x128xi32, #tpu.memory_space<vmem>> -> memref<1x1x128xi32, #tpu.memory_space<vmem>>
          %dma_start3A_467 = tpu.memref_squeeze %dma_start3A_466 : memref<1x1x128xi32, #tpu.memory_space<vmem>> -> memref<128xi32, #tpu.memory_space<vmem>>
          %dma_start3A_468 = tpu.memref_slice %arg4[%add3A_448] : memref<320000xi32, #tpu.memory_space<hbm>> -> memref<128xi32, #tpu.memory_space<hbm>>
          tpu.enqueue_dma source(%dma_start3A_468 : memref<128xi32, #tpu.memory_space<hbm>>) target(%dma_start3A_467 : memref<128xi32, #tpu.memory_space<vmem>>) target_semaphore(%arg10 : memref<!tpu.dma_semaphore, #tpu.memory_space<semaphore_mem>>)
        } else {
        }
        %add3A_437 = arith.constant 2 : i32
        %add3A_438 = arith.addi %add3A_378, %add3A_437 : i32
        %lt3A_439 = arith.constant 78 : i32
        %lt3A_440 = arith.cmpi slt, %add3A_438, %lt3A_439 : i32
        %convert_element_type3A_441 = arith.extui %lt3A_440 : i1 to i32
        %cond3A_442 = arith.constant 0 : i32
        %cond3A_443 = arith.cmpi ne, %convert_element_type3A_441, %cond3A_442 : i32
        scf.if %cond3A_443 {
          %add3A_444 = arith.constant 2 : i32
          %add3A_445 = arith.addi %add3A_378, %add3A_444 : i32
          %mul3A_446 = arith.constant 128 : i32
          %mul3A_447 = arith.muli %add3A_445, %mul3A_446 : i32
          %add3A_448 = arith.addi %mul3A_2, %mul3A_447 : i32
          %dma_wait3A_449 = arith.constant 0 : i32
          %dma_wait3A_450 = arith.constant 0 : i32
          %dma_wait3A_451 = arith.constant 0 : i32
          %dma_wait3A_452 = tpu.memref_slice %arg6[%dma_wait3A_449, %dma_wait3A_450, %dma_wait3A_451] : memref<4x2x128xi32, #tpu.memory_space<vmem>> -> memref<1x1x128xi32, #tpu.memory_space<vmem>>
          %dma_wait3A_453 = tpu.memref_squeeze %dma_wait3A_452 : memref<1x1x128xi32, #tpu.memory_space<vmem>> -> memref<128xi32, #tpu.memory_space<vmem>>
          %dma_wait3A_454 = tpu.memref_slice %arg3[%add3A_448] : memref<320000xi32, #tpu.memory_space<hbm>> -> memref<128xi32, #tpu.memory_space<hbm>>
          %dma_wait3A_455 = arith.constant 0 : i32
          %dma_wait3A_456 = tpu.memref_slice %arg6[%dma_wait3A_449, %dma_wait3A_450, %dma_wait3A_455] : memref<4x2x128xi32, #tpu.memory_space<vmem>> -> memref<1x1x128xi32, #tpu.memory_space<vmem>>
          %dma_wait3A_457 = tpu.memref_squeeze %dma_wait3A_456 : memref<1x1x128xi32, #tpu.memory_space<vmem>> -> memref<128xi32, #tpu.memory_space<vmem>>
          %dma_wait3A_458 = tpu.memref_slice %arg3[%add3A_448] : memref<320000xi32, #tpu.memory_space<hbm>> -> memref<128xi32, #tpu.memory_space<hbm>>
          tpu.wait_dma2 semaphore(%arg9 : memref<!tpu.dma_semaphore, #tpu.memory_space<semaphore_mem>>) src(%dma_wait3A_458 : memref<128xi32, #tpu.memory_space<hbm>>) dst(%dma_wait3A_457 : memref<128xi32, #tpu.memory_space<vmem>>)
          %dma_wait3A_459 = arith.constant 0 : i32
          %dma_wait3A_460 = arith.constant 1 : i32
          %dma_wait3A_461 = arith.constant 0 : i32
          %dma_wait3A_462 = tpu.memref_slice %arg6[%dma_wait3A_459, %dma_wait3A_460, %dma_wait3A_461] : memref<4x2x128xi32, #tpu.memory_space<vmem>> -> memref<1x1x128xi32, #tpu.memory_space<vmem>>
          %dma_wait3A_463 = tpu.memref_squeeze %dma_wait3A_462 : memref<1x1x128xi32, #tpu.memory_space<vmem>> -> memref<128xi32, #tpu.memory_space<vmem>>
          %dma_wait3A_464 = tpu.memref_slice %arg4[%add3A_448] : memref<320000xi32, #tpu.memory_space<hbm>> -> memref<128xi32, #tpu.memory_space<hbm>>
          %dma_wait3A_465 = arith.constant 0 : i32
          %dma_wait3A_466 = tpu.memref_slice %arg6[%dma_wait3A_459, %dma_wait3A_460, %dma_wait3A_465] : memref<4x2x128xi32, #tpu.memory_space<vmem>> -> memref<1x1x128xi32, #tpu.memory_space<vmem>>
          %dma_wait3A_467 = tpu.memref_squeeze %dma_wait3A_466 : memref<1x1x128xi32, #tpu.memory_space<vmem>> -> memref<128xi32, #tpu.memory_space<vmem>>
          %dma_wait3A_468 = tpu.memref_slice %arg4[%add3A_448] : memref<320000xi32, #tpu.memory_space<hbm>> -> memref<128xi32, #tpu.memory_space<hbm>>
          tpu.wait_dma2 semaphore(%arg9 : memref<!tpu.dma_semaphore, #tpu.memory_space<semaphore_mem>>) src(%dma_wait3A_468 : memref<128xi32, #tpu.memory_space<hbm>>) dst(%dma_wait3A_467 : memref<128xi32, #tpu.memory_space<vmem>>)
          %dma_start3A_469 = arith.constant 0 : i32
          %dma_start3A_470 = arith.constant 0 : i32
          %dma_start3A_471 = arith.constant 0 : i32
          %dma_start3A_472 = arith.constant 0 : i32
          %dma_start3A_473 = arith.constant 0 : i32
          %dma_start3A_474 = tpu.memref_slice %arg7[%dma_start3A_471, %dma_start3A_472, %dma_start3A_473] : memref<3x128x128xf32, #tpu.memory_space<vmem>> -> memref<1x128x128xf32, #tpu.memory_space<vmem>>
          %dma_start3A_475 = tpu.memref_squeeze %dma_start3A_474 : memref<1x128x128xf32, #tpu.memory_space<vmem>> -> memref<128x128xf32, #tpu.memory_space<vmem>>
          %dma_start3A_476 = arith.constant 0 : i32
          %dma_start3A_477 = tpu.memref_slice %arg6[%dma_start3A_469, %dma_start3A_470, %dma_start3A_476] : memref<4x2x128xi32, #tpu.memory_space<vmem>> -> memref<1x1x128xi32, #tpu.memory_space<vmem>>
          %dma_start3A_478 = tpu.memref_squeeze %dma_start3A_477 : memref<1x1x128xi32, #tpu.memory_space<vmem>> -> memref<128xi32, #tpu.memory_space<vmem>>
          %dma_start3A_479 = arith.constant 0 : i32
          %dma_start3A_480 = arith.constant 0 : i32
          %dma_start3A_481 = tpu.memref_slice %arg2[%dma_start3A_479, %dma_start3A_480] : memref<10000x128xf32, #tpu.memory_space<hbm>> -> memref<10000x128xf32, #tpu.memory_space<hbm>>
          tpu.enqueue_indirect_dma source(%dma_start3A_481 : memref<10000x128xf32, #tpu.memory_space<hbm>>) target(%dma_start3A_475 : memref<128x128xf32, #tpu.memory_space<vmem>>) offsets(%dma_start3A_478 : memref<128xi32, #tpu.memory_space<vmem>>) semaphore(%arg13 : memref<!tpu.dma_semaphore, #tpu.memory_space<semaphore_mem>>)
        } else {
        }
      } else {
      }
      %add3A_384 = arith.constant 11 : i32
      %add3A_385 = arith.addi %add3A_267, %add3A_384 : i32
      %lt3A_386 = arith.constant 78 : i32
      %lt3A_387 = arith.cmpi slt, %add3A_385, %lt3A_386 : i32
      %convert_element_type3A_388 = arith.extui %lt3A_387 : i1 to i32
      %cond3A_389 = arith.constant 0 : i32
      %cond3A_390 = arith.cmpi ne, %convert_element_type3A_388, %cond3A_389 : i32
      scf.if %cond3A_390 {
        %dma_wait3A_391 = arith.constant 3 : i32
        %dma_wait3A_392 = arith.constant 0 : i32
        %dma_wait3A_393 = arith.constant 2 : i32
        %dma_wait3A_394 = arith.constant 0 : i32
        %dma_wait3A_395 = arith.constant 0 : i32
        %dma_wait3A_396 = tpu.memref_slice %arg7[%dma_wait3A_393, %dma_wait3A_394, %dma_wait3A_395] : memref<3x128x128xf32, #tpu.memory_space<vmem>> -> memref<1x128x128xf32, #tpu.memory_space<vmem>>
        %dma_wait3A_397 = tpu.memref_squeeze %dma_wait3A_396 : memref<1x128x128xf32, #tpu.memory_space<vmem>> -> memref<128x128xf32, #tpu.memory_space<vmem>>
        %dma_wait3A_398 = arith.constant 0 : i32
        %dma_wait3A_399 = tpu.memref_slice %arg6[%dma_wait3A_391, %dma_wait3A_392, %dma_wait3A_398] : memref<4x2x128xi32, #tpu.memory_space<vmem>> -> memref<1x1x128xi32, #tpu.memory_space<vmem>>
        %dma_wait3A_400 = tpu.memref_squeeze %dma_wait3A_399 : memref<1x1x128xi32, #tpu.memory_space<vmem>> -> memref<128xi32, #tpu.memory_space<vmem>>
        %dma_wait3A_401 = arith.constant 0 : i32
        %dma_wait3A_402 = arith.constant 0 : i32
        %dma_wait3A_403 = tpu.memref_slice %arg2[%dma_wait3A_401, %dma_wait3A_402] : memref<10000x128xf32, #tpu.memory_space<hbm>> -> memref<10000x128xf32, #tpu.memory_space<hbm>>
        tpu.wait_indirect_dma semaphore(%arg15 : memref<!tpu.dma_semaphore, #tpu.memory_space<semaphore_mem>>) src(%dma_wait3A_403 : memref<10000x128xf32, #tpu.memory_space<hbm>>) dst(%dma_wait3A_397 : memref<128x128xf32, #tpu.memory_space<vmem>>)
        %dma_start3A_404 = arith.constant 2 : i32
        %dma_start3A_405 = arith.constant 3 : i32
        %dma_start3A_406 = arith.constant 1 : i32
        %dma_start3A_407 = arith.constant 0 : i32
        %dma_start3A_408 = arith.constant 0 : i32
        %dma_start3A_409 = tpu.memref_slice %arg7[%dma_start3A_404, %dma_start3A_407, %dma_start3A_408] : memref<3x128x128xf32, #tpu.memory_space<vmem>> -> memref<1x128x128xf32, #tpu.memory_space<vmem>>
        %dma_start3A_410 = tpu.memref_squeeze %dma_start3A_409 : memref<1x128x128xf32, #tpu.memory_space<vmem>> -> memref<128x128xf32, #tpu.memory_space<vmem>>
        %dma_start3A_411 = arith.constant 0 : i32
        %dma_start3A_412 = tpu.memref_slice %arg6[%dma_start3A_405, %dma_start3A_406, %dma_start3A_411] : memref<4x2x128xi32, #tpu.memory_space<vmem>> -> memref<1x1x128xi32, #tpu.memory_space<vmem>>
        %dma_start3A_413 = tpu.memref_squeeze %dma_start3A_412 : memref<1x1x128xi32, #tpu.memory_space<vmem>> -> memref<128xi32, #tpu.memory_space<vmem>>
        %dma_start3A_414 = arith.constant 0 : i32
        %dma_start3A_415 = arith.constant 0 : i32
        %dma_start3A_416 = tpu.memref_slice %arg8[%dma_start3A_414, %dma_start3A_415] : memref<10000x128xf32, #tpu.memory_space<vmem_shared>> -> memref<10000x128xf32, #tpu.memory_space<vmem_shared>>
        tpu.enqueue_indirect_dma source(%dma_start3A_410 : memref<128x128xf32, #tpu.memory_space<vmem>>) target(%dma_start3A_416 : memref<10000x128xf32, #tpu.memory_space<vmem_shared>>) offsets(%dma_start3A_413 : memref<128xi32, #tpu.memory_space<vmem>>) semaphore(%arg18 : memref<!tpu.dma_semaphore, #tpu.memory_space<semaphore_mem>>) {add = true}
        %dma_wait3A_417 = arith.constant 1 : i32
        %dma_wait3A_418 = arith.constant 2 : i32
        %dma_wait3A_419 = arith.constant 1 : i32
        %dma_wait3A_420 = arith.constant 0 : i32
        %dma_wait3A_421 = arith.constant 0 : i32
        %dma_wait3A_422 = tpu.memref_slice %arg7[%dma_wait3A_417, %dma_wait3A_420, %dma_wait3A_421] : memref<3x128x128xf32, #tpu.memory_space<vmem>> -> memref<1x128x128xf32, #tpu.memory_space<vmem>>
        %dma_wait3A_423 = tpu.memref_squeeze %dma_wait3A_422 : memref<1x128x128xf32, #tpu.memory_space<vmem>> -> memref<128x128xf32, #tpu.memory_space<vmem>>
        %dma_wait3A_424 = arith.constant 0 : i32
        %dma_wait3A_425 = tpu.memref_slice %arg6[%dma_wait3A_418, %dma_wait3A_419, %dma_wait3A_424] : memref<4x2x128xi32, #tpu.memory_space<vmem>> -> memref<1x1x128xi32, #tpu.memory_space<vmem>>
        %dma_wait3A_426 = tpu.memref_squeeze %dma_wait3A_425 : memref<1x1x128xi32, #tpu.memory_space<vmem>> -> memref<128xi32, #tpu.memory_space<vmem>>
        %dma_wait3A_427 = arith.constant 0 : i32
        %dma_wait3A_428 = arith.constant 0 : i32
        %dma_wait3A_429 = tpu.memref_slice %arg8[%dma_wait3A_427, %dma_wait3A_428] : memref<10000x128xf32, #tpu.memory_space<vmem_shared>> -> memref<10000x128xf32, #tpu.memory_space<vmem_shared>>
        tpu.wait_indirect_dma semaphore(%arg17 : memref<!tpu.dma_semaphore, #tpu.memory_space<semaphore_mem>>) src(%dma_wait3A_423 : memref<128x128xf32, #tpu.memory_space<vmem>>) dst(%dma_wait3A_429 : memref<10000x128xf32, #tpu.memory_space<vmem_shared>>)
        %add3A_430 = arith.constant 3 : i32
        %add3A_431 = arith.addi %add3A_385, %add3A_430 : i32
        %lt3A_432 = arith.constant 78 : i32
        %lt3A_433 = arith.cmpi slt, %add3A_431, %lt3A_432 : i32
        %convert_element_type3A_434 = arith.extui %lt3A_433 : i1 to i32
        %cond3A_435 = arith.constant 0 : i32
        %cond3A_436 = arith.cmpi ne, %convert_element_type3A_434, %cond3A_435 : i32
        scf.if %cond3A_436 {
          %add3A_444 = arith.constant 3 : i32
          %add3A_445 = arith.addi %add3A_385, %add3A_444 : i32
          %mul3A_446 = arith.constant 128 : i32
          %mul3A_447 = arith.muli %add3A_445, %mul3A_446 : i32
          %add3A_448 = arith.addi %mul3A_2, %mul3A_447 : i32
          %dma_start3A_449 = arith.constant 2 : i32
          %dma_start3A_450 = arith.constant 0 : i32
          %dma_start3A_451 = arith.constant 0 : i32
          %dma_start3A_452 = tpu.memref_slice %arg6[%dma_start3A_449, %dma_start3A_450, %dma_start3A_451] : memref<4x2x128xi32, #tpu.memory_space<vmem>> -> memref<1x1x128xi32, #tpu.memory_space<vmem>>
          %dma_start3A_453 = tpu.memref_squeeze %dma_start3A_452 : memref<1x1x128xi32, #tpu.memory_space<vmem>> -> memref<128xi32, #tpu.memory_space<vmem>>
          %dma_start3A_454 = tpu.memref_slice %arg3[%add3A_448] : memref<320000xi32, #tpu.memory_space<hbm>> -> memref<128xi32, #tpu.memory_space<hbm>>
          %dma_start3A_455 = arith.constant 0 : i32
          %dma_start3A_456 = tpu.memref_slice %arg6[%dma_start3A_449, %dma_start3A_450, %dma_start3A_455] : memref<4x2x128xi32, #tpu.memory_space<vmem>> -> memref<1x1x128xi32, #tpu.memory_space<vmem>>
          %dma_start3A_457 = tpu.memref_squeeze %dma_start3A_456 : memref<1x1x128xi32, #tpu.memory_space<vmem>> -> memref<128xi32, #tpu.memory_space<vmem>>
          %dma_start3A_458 = tpu.memref_slice %arg3[%add3A_448] : memref<320000xi32, #tpu.memory_space<hbm>> -> memref<128xi32, #tpu.memory_space<hbm>>
          tpu.enqueue_dma source(%dma_start3A_458 : memref<128xi32, #tpu.memory_space<hbm>>) target(%dma_start3A_457 : memref<128xi32, #tpu.memory_space<vmem>>) target_semaphore(%arg11 : memref<!tpu.dma_semaphore, #tpu.memory_space<semaphore_mem>>)
          %dma_start3A_459 = arith.constant 2 : i32
          %dma_start3A_460 = arith.constant 1 : i32
          %dma_start3A_461 = arith.constant 0 : i32
          %dma_start3A_462 = tpu.memref_slice %arg6[%dma_start3A_459, %dma_start3A_460, %dma_start3A_461] : memref<4x2x128xi32, #tpu.memory_space<vmem>> -> memref<1x1x128xi32, #tpu.memory_space<vmem>>
          %dma_start3A_463 = tpu.memref_squeeze %dma_start3A_462 : memref<1x1x128xi32, #tpu.memory_space<vmem>> -> memref<128xi32, #tpu.memory_space<vmem>>
          %dma_start3A_464 = tpu.memref_slice %arg4[%add3A_448] : memref<320000xi32, #tpu.memory_space<hbm>> -> memref<128xi32, #tpu.memory_space<hbm>>
          %dma_start3A_465 = arith.constant 0 : i32
          %dma_start3A_466 = tpu.memref_slice %arg6[%dma_start3A_459, %dma_start3A_460, %dma_start3A_465] : memref<4x2x128xi32, #tpu.memory_space<vmem>> -> memref<1x1x128xi32, #tpu.memory_space<vmem>>
          %dma_start3A_467 = tpu.memref_squeeze %dma_start3A_466 : memref<1x1x128xi32, #tpu.memory_space<vmem>> -> memref<128xi32, #tpu.memory_space<vmem>>
          %dma_start3A_468 = tpu.memref_slice %arg4[%add3A_448] : memref<320000xi32, #tpu.memory_space<hbm>> -> memref<128xi32, #tpu.memory_space<hbm>>
          tpu.enqueue_dma source(%dma_start3A_468 : memref<128xi32, #tpu.memory_space<hbm>>) target(%dma_start3A_467 : memref<128xi32, #tpu.memory_space<vmem>>) target_semaphore(%arg11 : memref<!tpu.dma_semaphore, #tpu.memory_space<semaphore_mem>>)
        } else {
        }
        %add3A_437 = arith.constant 2 : i32
        %add3A_438 = arith.addi %add3A_385, %add3A_437 : i32
        %lt3A_439 = arith.constant 78 : i32
        %lt3A_440 = arith.cmpi slt, %add3A_438, %lt3A_439 : i32
        %convert_element_type3A_441 = arith.extui %lt3A_440 : i1 to i32
        %cond3A_442 = arith.constant 0 : i32
        %cond3A_443 = arith.cmpi ne, %convert_element_type3A_441, %cond3A_442 : i32
        scf.if %cond3A_443 {
          %add3A_444 = arith.constant 2 : i32
          %add3A_445 = arith.addi %add3A_385, %add3A_444 : i32
          %mul3A_446 = arith.constant 128 : i32
          %mul3A_447 = arith.muli %add3A_445, %mul3A_446 : i32
          %add3A_448 = arith.addi %mul3A_2, %mul3A_447 : i32
          %dma_wait3A_449 = arith.constant 1 : i32
          %dma_wait3A_450 = arith.constant 0 : i32
          %dma_wait3A_451 = arith.constant 0 : i32
          %dma_wait3A_452 = tpu.memref_slice %arg6[%dma_wait3A_449, %dma_wait3A_450, %dma_wait3A_451] : memref<4x2x128xi32, #tpu.memory_space<vmem>> -> memref<1x1x128xi32, #tpu.memory_space<vmem>>
          %dma_wait3A_453 = tpu.memref_squeeze %dma_wait3A_452 : memref<1x1x128xi32, #tpu.memory_space<vmem>> -> memref<128xi32, #tpu.memory_space<vmem>>
          %dma_wait3A_454 = tpu.memref_slice %arg3[%add3A_448] : memref<320000xi32, #tpu.memory_space<hbm>> -> memref<128xi32, #tpu.memory_space<hbm>>
          %dma_wait3A_455 = arith.constant 0 : i32
          %dma_wait3A_456 = tpu.memref_slice %arg6[%dma_wait3A_449, %dma_wait3A_450, %dma_wait3A_455] : memref<4x2x128xi32, #tpu.memory_space<vmem>> -> memref<1x1x128xi32, #tpu.memory_space<vmem>>
          %dma_wait3A_457 = tpu.memref_squeeze %dma_wait3A_456 : memref<1x1x128xi32, #tpu.memory_space<vmem>> -> memref<128xi32, #tpu.memory_space<vmem>>
          %dma_wait3A_458 = tpu.memref_slice %arg3[%add3A_448] : memref<320000xi32, #tpu.memory_space<hbm>> -> memref<128xi32, #tpu.memory_space<hbm>>
          tpu.wait_dma2 semaphore(%arg10 : memref<!tpu.dma_semaphore, #tpu.memory_space<semaphore_mem>>) src(%dma_wait3A_458 : memref<128xi32, #tpu.memory_space<hbm>>) dst(%dma_wait3A_457 : memref<128xi32, #tpu.memory_space<vmem>>)
          %dma_wait3A_459 = arith.constant 1 : i32
          %dma_wait3A_460 = arith.constant 1 : i32
          %dma_wait3A_461 = arith.constant 0 : i32
          %dma_wait3A_462 = tpu.memref_slice %arg6[%dma_wait3A_459, %dma_wait3A_460, %dma_wait3A_461] : memref<4x2x128xi32, #tpu.memory_space<vmem>> -> memref<1x1x128xi32, #tpu.memory_space<vmem>>
          %dma_wait3A_463 = tpu.memref_squeeze %dma_wait3A_462 : memref<1x1x128xi32, #tpu.memory_space<vmem>> -> memref<128xi32, #tpu.memory_space<vmem>>
          %dma_wait3A_464 = tpu.memref_slice %arg4[%add3A_448] : memref<320000xi32, #tpu.memory_space<hbm>> -> memref<128xi32, #tpu.memory_space<hbm>>
          %dma_wait3A_465 = arith.constant 0 : i32
          %dma_wait3A_466 = tpu.memref_slice %arg6[%dma_wait3A_459, %dma_wait3A_460, %dma_wait3A_465] : memref<4x2x128xi32, #tpu.memory_space<vmem>> -> memref<1x1x128xi32, #tpu.memory_space<vmem>>
          %dma_wait3A_467 = tpu.memref_squeeze %dma_wait3A_466 : memref<1x1x128xi32, #tpu.memory_space<vmem>> -> memref<128xi32, #tpu.memory_space<vmem>>
          %dma_wait3A_468 = tpu.memref_slice %arg4[%add3A_448] : memref<320000xi32, #tpu.memory_space<hbm>> -> memref<128xi32, #tpu.memory_space<hbm>>
          tpu.wait_dma2 semaphore(%arg10 : memref<!tpu.dma_semaphore, #tpu.memory_space<semaphore_mem>>) src(%dma_wait3A_468 : memref<128xi32, #tpu.memory_space<hbm>>) dst(%dma_wait3A_467 : memref<128xi32, #tpu.memory_space<vmem>>)
          %dma_start3A_469 = arith.constant 1 : i32
          %dma_start3A_470 = arith.constant 0 : i32
          %dma_start3A_471 = arith.constant 1 : i32
          %dma_start3A_472 = arith.constant 0 : i32
          %dma_start3A_473 = arith.constant 0 : i32
          %dma_start3A_474 = tpu.memref_slice %arg7[%dma_start3A_471, %dma_start3A_472, %dma_start3A_473] : memref<3x128x128xf32, #tpu.memory_space<vmem>> -> memref<1x128x128xf32, #tpu.memory_space<vmem>>
          %dma_start3A_475 = tpu.memref_squeeze %dma_start3A_474 : memref<1x128x128xf32, #tpu.memory_space<vmem>> -> memref<128x128xf32, #tpu.memory_space<vmem>>
          %dma_start3A_476 = arith.constant 0 : i32
          %dma_start3A_477 = tpu.memref_slice %arg6[%dma_start3A_469, %dma_start3A_470, %dma_start3A_476] : memref<4x2x128xi32, #tpu.memory_space<vmem>> -> memref<1x1x128xi32, #tpu.memory_space<vmem>>
          %dma_start3A_478 = tpu.memref_squeeze %dma_start3A_477 : memref<1x1x128xi32, #tpu.memory_space<vmem>> -> memref<128xi32, #tpu.memory_space<vmem>>
          %dma_start3A_479 = arith.constant 0 : i32
          %dma_start3A_480 = arith.constant 0 : i32
          %dma_start3A_481 = tpu.memref_slice %arg2[%dma_start3A_479, %dma_start3A_480] : memref<10000x128xf32, #tpu.memory_space<hbm>> -> memref<10000x128xf32, #tpu.memory_space<hbm>>
          tpu.enqueue_indirect_dma source(%dma_start3A_481 : memref<10000x128xf32, #tpu.memory_space<hbm>>) target(%dma_start3A_475 : memref<128x128xf32, #tpu.memory_space<vmem>>) offsets(%dma_start3A_478 : memref<128xi32, #tpu.memory_space<vmem>>) semaphore(%arg14 : memref<!tpu.dma_semaphore, #tpu.memory_space<semaphore_mem>>)
        } else {
        }
      } else {
      }
    }
    %dma_wait3A_200 = arith.constant 2 : i32
    %dma_wait3A_201 = arith.constant 1 : i32
    %dma_wait3A_202 = arith.constant 1 : i32
    %dma_wait3A_203 = arith.constant 0 : i32
    %dma_wait3A_204 = arith.constant 0 : i32
    %dma_wait3A_205 = tpu.memref_slice %arg7[%dma_wait3A_200, %dma_wait3A_203, %dma_wait3A_204] : memref<3x128x128xf32, #tpu.memory_space<vmem>> -> memref<1x128x128xf32, #tpu.memory_space<vmem>>
    %dma_wait3A_206 = tpu.memref_squeeze %dma_wait3A_205 : memref<1x128x128xf32, #tpu.memory_space<vmem>> -> memref<128x128xf32, #tpu.memory_space<vmem>>
    %dma_wait3A_207 = arith.constant 0 : i32
    %dma_wait3A_208 = tpu.memref_slice %arg6[%dma_wait3A_201, %dma_wait3A_202, %dma_wait3A_207] : memref<4x2x128xi32, #tpu.memory_space<vmem>> -> memref<1x1x128xi32, #tpu.memory_space<vmem>>
    %dma_wait3A_209 = tpu.memref_squeeze %dma_wait3A_208 : memref<1x1x128xi32, #tpu.memory_space<vmem>> -> memref<128xi32, #tpu.memory_space<vmem>>
    %dma_wait3A_210 = arith.constant 0 : i32
    %dma_wait3A_211 = arith.constant 0 : i32
    %dma_wait3A_212 = tpu.memref_slice %arg8[%dma_wait3A_210, %dma_wait3A_211] : memref<10000x128xf32, #tpu.memory_space<vmem_shared>> -> memref<10000x128xf32, #tpu.memory_space<vmem_shared>>
    tpu.wait_indirect_dma semaphore(%arg18 : memref<!tpu.dma_semaphore, #tpu.memory_space<semaphore_mem>>) src(%dma_wait3A_206 : memref<128x128xf32, #tpu.memory_space<vmem>>) dst(%dma_wait3A_212 : memref<10000x128xf32, #tpu.memory_space<vmem_shared>>)
    %add3A_213 = arith.constant 9984 : i32
    %add3A_214 = arith.addi %mul3A_2, %add3A_213 : i32
    %run_scoped3A = arith.constant 0 : i32
    %run_scoped3A_215 = arith.constant 0 : i32
    "tpu.region"() ({
      %run_scoped3A_265 = tpu.sem_alloc : memref<!tpu.dma_semaphore, #tpu.memory_space<semaphore_mem>>
      %dma_start3A_266 = arith.constant 0 : i32
      %dma_start3A_267 = tpu.memref_slice %arg6[%run_scoped3A, %run_scoped3A_215, %dma_start3A_266] : memref<4x2x128xi32, #tpu.memory_space<vmem>> -> memref<1x1x128xi32, #tpu.memory_space<vmem>>
      %dma_start3A_268 = tpu.memref_squeeze %dma_start3A_267 : memref<1x1x128xi32, #tpu.memory_space<vmem>> -> memref<128xi32, #tpu.memory_space<vmem>>
      %dma_start3A_269 = arith.constant 0 : i32
      %dma_start3A_270 = tpu.memref_slice %dma_start3A_268[%dma_start3A_269] : memref<128xi32, #tpu.memory_space<vmem>> -> memref<16xi32, #tpu.memory_space<vmem>>
      %dma_start3A_271 = tpu.memref_slice %arg3[%add3A_214] : memref<320000xi32, #tpu.memory_space<hbm>> -> memref<16xi32, #tpu.memory_space<hbm>>
      %dma_start3A_272 = arith.constant 0 : i32
      %dma_start3A_273 = tpu.memref_slice %arg6[%run_scoped3A, %run_scoped3A_215, %dma_start3A_272] : memref<4x2x128xi32, #tpu.memory_space<vmem>> -> memref<1x1x128xi32, #tpu.memory_space<vmem>>
      %dma_start3A_274 = tpu.memref_squeeze %dma_start3A_273 : memref<1x1x128xi32, #tpu.memory_space<vmem>> -> memref<128xi32, #tpu.memory_space<vmem>>
      %dma_start3A_275 = arith.constant 0 : i32
      %dma_start3A_276 = tpu.memref_slice %dma_start3A_274[%dma_start3A_275] : memref<128xi32, #tpu.memory_space<vmem>> -> memref<16xi32, #tpu.memory_space<vmem>>
      %dma_start3A_277 = tpu.memref_slice %arg3[%add3A_214] : memref<320000xi32, #tpu.memory_space<hbm>> -> memref<16xi32, #tpu.memory_space<hbm>>
      tpu.enqueue_dma source(%dma_start3A_277 : memref<16xi32, #tpu.memory_space<hbm>>) target(%dma_start3A_276 : memref<16xi32, #tpu.memory_space<vmem>>) target_semaphore(%run_scoped3A_265 : memref<!tpu.dma_semaphore, #tpu.memory_space<semaphore_mem>>)
      %dma_wait3A_278 = arith.constant 0 : i32
      %dma_wait3A_279 = tpu.memref_slice %arg6[%run_scoped3A, %run_scoped3A_215, %dma_wait3A_278] : memref<4x2x128xi32, #tpu.memory_space<vmem>> -> memref<1x1x128xi32, #tpu.memory_space<vmem>>
      %dma_wait3A_280 = tpu.memref_squeeze %dma_wait3A_279 : memref<1x1x128xi32, #tpu.memory_space<vmem>> -> memref<128xi32, #tpu.memory_space<vmem>>
      %dma_wait3A_281 = arith.constant 0 : i32
      %dma_wait3A_282 = tpu.memref_slice %dma_wait3A_280[%dma_wait3A_281] : memref<128xi32, #tpu.memory_space<vmem>> -> memref<16xi32, #tpu.memory_space<vmem>>
      %dma_wait3A_283 = tpu.memref_slice %arg3[%add3A_214] : memref<320000xi32, #tpu.memory_space<hbm>> -> memref<16xi32, #tpu.memory_space<hbm>>
      %dma_wait3A_284 = arith.constant 0 : i32
      %dma_wait3A_285 = tpu.memref_slice %arg6[%run_scoped3A, %run_scoped3A_215, %dma_wait3A_284] : memref<4x2x128xi32, #tpu.memory_space<vmem>> -> memref<1x1x128xi32, #tpu.memory_space<vmem>>
      %dma_wait3A_286 = tpu.memref_squeeze %dma_wait3A_285 : memref<1x1x128xi32, #tpu.memory_space<vmem>> -> memref<128xi32, #tpu.memory_space<vmem>>
      %dma_wait3A_287 = arith.constant 0 : i32
      %dma_wait3A_288 = tpu.memref_slice %dma_wait3A_286[%dma_wait3A_287] : memref<128xi32, #tpu.memory_space<vmem>> -> memref<16xi32, #tpu.memory_space<vmem>>
      %dma_wait3A_289 = tpu.memref_slice %arg3[%add3A_214] : memref<320000xi32, #tpu.memory_space<hbm>> -> memref<16xi32, #tpu.memory_space<hbm>>
      tpu.wait_dma2 semaphore(%run_scoped3A_265 : memref<!tpu.dma_semaphore, #tpu.memory_space<semaphore_mem>>) src(%dma_wait3A_289 : memref<16xi32, #tpu.memory_space<hbm>>) dst(%dma_wait3A_288 : memref<16xi32, #tpu.memory_space<vmem>>)
      tpu.yield
    }) : () -> ()
    %run_scoped3A_216 = arith.constant 0 : i32
    %run_scoped3A_217 = arith.constant 1 : i32
    "tpu.region"() ({
      %run_scoped3A_265 = tpu.sem_alloc : memref<!tpu.dma_semaphore, #tpu.memory_space<semaphore_mem>>
      %dma_start3A_266 = arith.constant 0 : i32
      %dma_start3A_267 = tpu.memref_slice %arg6[%run_scoped3A_216, %run_scoped3A_217, %dma_start3A_266] : memref<4x2x128xi32, #tpu.memory_space<vmem>> -> memref<1x1x128xi32, #tpu.memory_space<vmem>>
      %dma_start3A_268 = tpu.memref_squeeze %dma_start3A_267 : memref<1x1x128xi32, #tpu.memory_space<vmem>> -> memref<128xi32, #tpu.memory_space<vmem>>
      %dma_start3A_269 = arith.constant 0 : i32
      %dma_start3A_270 = tpu.memref_slice %dma_start3A_268[%dma_start3A_269] : memref<128xi32, #tpu.memory_space<vmem>> -> memref<16xi32, #tpu.memory_space<vmem>>
      %dma_start3A_271 = tpu.memref_slice %arg4[%add3A_214] : memref<320000xi32, #tpu.memory_space<hbm>> -> memref<16xi32, #tpu.memory_space<hbm>>
      %dma_start3A_272 = arith.constant 0 : i32
      %dma_start3A_273 = tpu.memref_slice %arg6[%run_scoped3A_216, %run_scoped3A_217, %dma_start3A_272] : memref<4x2x128xi32, #tpu.memory_space<vmem>> -> memref<1x1x128xi32, #tpu.memory_space<vmem>>
      %dma_start3A_274 = tpu.memref_squeeze %dma_start3A_273 : memref<1x1x128xi32, #tpu.memory_space<vmem>> -> memref<128xi32, #tpu.memory_space<vmem>>
      %dma_start3A_275 = arith.constant 0 : i32
      %dma_start3A_276 = tpu.memref_slice %dma_start3A_274[%dma_start3A_275] : memref<128xi32, #tpu.memory_space<vmem>> -> memref<16xi32, #tpu.memory_space<vmem>>
      %dma_start3A_277 = tpu.memref_slice %arg4[%add3A_214] : memref<320000xi32, #tpu.memory_space<hbm>> -> memref<16xi32, #tpu.memory_space<hbm>>
      tpu.enqueue_dma source(%dma_start3A_277 : memref<16xi32, #tpu.memory_space<hbm>>) target(%dma_start3A_276 : memref<16xi32, #tpu.memory_space<vmem>>) target_semaphore(%run_scoped3A_265 : memref<!tpu.dma_semaphore, #tpu.memory_space<semaphore_mem>>)
      %dma_wait3A_278 = arith.constant 0 : i32
      %dma_wait3A_279 = tpu.memref_slice %arg6[%run_scoped3A_216, %run_scoped3A_217, %dma_wait3A_278] : memref<4x2x128xi32, #tpu.memory_space<vmem>> -> memref<1x1x128xi32, #tpu.memory_space<vmem>>
      %dma_wait3A_280 = tpu.memref_squeeze %dma_wait3A_279 : memref<1x1x128xi32, #tpu.memory_space<vmem>> -> memref<128xi32, #tpu.memory_space<vmem>>
      %dma_wait3A_281 = arith.constant 0 : i32
      %dma_wait3A_282 = tpu.memref_slice %dma_wait3A_280[%dma_wait3A_281] : memref<128xi32, #tpu.memory_space<vmem>> -> memref<16xi32, #tpu.memory_space<vmem>>
      %dma_wait3A_283 = tpu.memref_slice %arg4[%add3A_214] : memref<320000xi32, #tpu.memory_space<hbm>> -> memref<16xi32, #tpu.memory_space<hbm>>
      %dma_wait3A_284 = arith.constant 0 : i32
      %dma_wait3A_285 = tpu.memref_slice %arg6[%run_scoped3A_216, %run_scoped3A_217, %dma_wait3A_284] : memref<4x2x128xi32, #tpu.memory_space<vmem>> -> memref<1x1x128xi32, #tpu.memory_space<vmem>>
      %dma_wait3A_286 = tpu.memref_squeeze %dma_wait3A_285 : memref<1x1x128xi32, #tpu.memory_space<vmem>> -> memref<128xi32, #tpu.memory_space<vmem>>
      %dma_wait3A_287 = arith.constant 0 : i32
      %dma_wait3A_288 = tpu.memref_slice %dma_wait3A_286[%dma_wait3A_287] : memref<128xi32, #tpu.memory_space<vmem>> -> memref<16xi32, #tpu.memory_space<vmem>>
      %dma_wait3A_289 = tpu.memref_slice %arg4[%add3A_214] : memref<320000xi32, #tpu.memory_space<hbm>> -> memref<16xi32, #tpu.memory_space<hbm>>
      tpu.wait_dma2 semaphore(%run_scoped3A_265 : memref<!tpu.dma_semaphore, #tpu.memory_space<semaphore_mem>>) src(%dma_wait3A_289 : memref<16xi32, #tpu.memory_space<hbm>>) dst(%dma_wait3A_288 : memref<16xi32, #tpu.memory_space<vmem>>)
      tpu.yield
    }) : () -> ()
    %get3A = arith.constant 0 : i32
    %get3A_218 = arith.constant 0 : i32
    %get3A_219 = arith.index_cast %get3A : i32 to index
    %get3A_220 = arith.index_cast %get3A_218 : i32 to index
    %get3A_221 = arith.constant 0 : index
    %get3A_222 = tpu.vector_load %arg6[%get3A_219, %get3A_220, %get3A_221] {strides = array<i32>} : memref<4x2x128xi32, #tpu.memory_space<vmem>>, vector<1x1x16xi32>,
    %get3A_223 = vector.shape_cast %get3A_222 : vector<1x1x16xi32> to vector<16xi32>
    %get3A_224 = arith.constant 0 : i32
    %get3A_225 = arith.constant 1 : i32
    %get3A_226 = arith.index_cast %get3A_224 : i32 to index
    %get3A_227 = arith.index_cast %get3A_225 : i32 to index
    %get3A_228 = arith.constant 0 : index
    %get3A_229 = tpu.vector_load %arg6[%get3A_226, %get3A_227, %get3A_228] {strides = array<i32>} : memref<4x2x128xi32, #tpu.memory_space<vmem>>, vector<1x1x16xi32>,
    %get3A_230 = vector.shape_cast %get3A_229 : vector<1x1x16xi32> to vector<16xi32>
    %dma_start3A_231 = arith.constant 0 : i32
    %dma_start3A_232 = arith.constant 0 : i32
    %dma_start3A_233 = arith.constant 0 : i32
    %dma_start3A_234 = tpu.memref_slice %arg7[%dma_start3A_231, %dma_start3A_232, %dma_start3A_233] : memref<3x128x128xf32, #tpu.memory_space<vmem>> -> memref<1x128x128xf32, #tpu.memory_space<vmem>>
    %dma_start3A_235 = tpu.memref_squeeze %dma_start3A_234 : memref<1x128x128xf32, #tpu.memory_space<vmem>> -> memref<128x128xf32, #tpu.memory_space<vmem>>
    %dma_start3A_236 = arith.constant 0 : i32
    %dma_start3A_237 = arith.constant 0 : i32
    %dma_start3A_238 = tpu.memref_slice %dma_start3A_235[%dma_start3A_236, %dma_start3A_237] : memref<128x128xf32, #tpu.memory_space<vmem>> -> memref<16x128xf32, #tpu.memory_space<vmem>>
    %dma_start3A_239 = arith.constant 0 : i32
    %dma_start3A_240 = arith.constant 0 : i32
    %dma_start3A_241 = tpu.memref_slice %arg2[%dma_start3A_239, %dma_start3A_240] : memref<10000x128xf32, #tpu.memory_space<hbm>> -> memref<10000x128xf32, #tpu.memory_space<hbm>>
    tpu.enqueue_indirect_dma source(%dma_start3A_241 : memref<10000x128xf32, #tpu.memory_space<hbm>>) target(%dma_start3A_238 : memref<16x128xf32, #tpu.memory_space<vmem>>) offsets(%get3A_223 : vector<16xi32>) semaphore(%arg13 : memref<!tpu.dma_semaphore, #tpu.memory_space<semaphore_mem>>)
    %dma_wait3A_242 = arith.constant 0 : i32
    %dma_wait3A_243 = arith.constant 0 : i32
    %dma_wait3A_244 = arith.constant 0 : i32
    %dma_wait3A_245 = tpu.memref_slice %arg7[%dma_wait3A_242, %dma_wait3A_243, %dma_wait3A_244] : memref<3x128x128xf32, #tpu.memory_space<vmem>> -> memref<1x128x128xf32, #tpu.memory_space<vmem>>
    %dma_wait3A_246 = tpu.memref_squeeze %dma_wait3A_245 : memref<1x128x128xf32, #tpu.memory_space<vmem>> -> memref<128x128xf32, #tpu.memory_space<vmem>>
    %dma_wait3A_247 = arith.constant 0 : i32
    %dma_wait3A_248 = arith.constant 0 : i32
    %dma_wait3A_249 = tpu.memref_slice %dma_wait3A_246[%dma_wait3A_247, %dma_wait3A_248] : memref<128x128xf32, #tpu.memory_space<vmem>> -> memref<16x128xf32, #tpu.memory_space<vmem>>
    %dma_wait3A_250 = arith.constant 0 : i32
    %dma_wait3A_251 = arith.constant 0 : i32
    %dma_wait3A_252 = tpu.memref_slice %arg2[%dma_wait3A_250, %dma_wait3A_251] : memref<10000x128xf32, #tpu.memory_space<hbm>> -> memref<10000x128xf32, #tpu.memory_space<hbm>>
    tpu.wait_indirect_dma semaphore(%arg13 : memref<!tpu.dma_semaphore, #tpu.memory_space<semaphore_mem>>) src(%dma_wait3A_252 : memref<10000x128xf32, #tpu.memory_space<hbm>>) dst(%dma_wait3A_249 : memref<16x128xf32, #tpu.memory_space<vmem>>)
    %run_scoped3A_253 = arith.constant 0 : i32
    "tpu.region"() ({
      %run_scoped3A_265 = tpu.sem_alloc : memref<!tpu.dma_semaphore, #tpu.memory_space<semaphore_mem>>
      %dma_start3A_266 = arith.constant 0 : i32
      %dma_start3A_267 = arith.constant 0 : i32
      %dma_start3A_268 = tpu.memref_slice %arg7[%run_scoped3A_253, %dma_start3A_266, %dma_start3A_267] : memref<3x128x128xf32, #tpu.memory_space<vmem>> -> memref<1x128x128xf32, #tpu.memory_space<vmem>>
      %dma_start3A_269 = tpu.memref_squeeze %dma_start3A_268 : memref<1x128x128xf32, #tpu.memory_space<vmem>> -> memref<128x128xf32, #tpu.memory_space<vmem>>
      %dma_start3A_270 = arith.constant 0 : i32
      %dma_start3A_271 = arith.constant 0 : i32
      %dma_start3A_272 = tpu.memref_slice %dma_start3A_269[%dma_start3A_270, %dma_start3A_271] : memref<128x128xf32, #tpu.memory_space<vmem>> -> memref<16x128xf32, #tpu.memory_space<vmem>>
      %dma_start3A_273 = arith.constant 0 : i32
      %dma_start3A_274 = arith.constant 0 : i32
      %dma_start3A_275 = tpu.memref_slice %arg8[%dma_start3A_273, %dma_start3A_274] : memref<10000x128xf32, #tpu.memory_space<vmem_shared>> -> memref<10000x128xf32, #tpu.memory_space<vmem_shared>>
      tpu.enqueue_indirect_dma source(%dma_start3A_272 : memref<16x128xf32, #tpu.memory_space<vmem>>) target(%dma_start3A_275 : memref<10000x128xf32, #tpu.memory_space<vmem_shared>>) offsets(%get3A_230 : vector<16xi32>) semaphore(%run_scoped3A_265 : memref<!tpu.dma_semaphore, #tpu.memory_space<semaphore_mem>>) {add = true}
      %dma_wait3A_276 = arith.constant 0 : i32
      %dma_wait3A_277 = arith.constant 0 : i32
      %dma_wait3A_278 = tpu.memref_slice %arg7[%run_scoped3A_253, %dma_wait3A_276, %dma_wait3A_277] : memref<3x128x128xf32, #tpu.memory_space<vmem>> -> memref<1x128x128xf32, #tpu.memory_space<vmem>>
      %dma_wait3A_279 = tpu.memref_squeeze %dma_wait3A_278 : memref<1x128x128xf32, #tpu.memory_space<vmem>> -> memref<128x128xf32, #tpu.memory_space<vmem>>
      %dma_wait3A_280 = arith.constant 0 : i32
      %dma_wait3A_281 = arith.constant 0 : i32
      %dma_wait3A_282 = tpu.memref_slice %dma_wait3A_279[%dma_wait3A_280, %dma_wait3A_281] : memref<128x128xf32, #tpu.memory_space<vmem>> -> memref<16x128xf32, #tpu.memory_space<vmem>>
      %dma_wait3A_283 = arith.constant 0 : i32
      %dma_wait3A_284 = arith.constant 0 : i32
      %dma_wait3A_285 = tpu.memref_slice %arg8[%dma_wait3A_283, %dma_wait3A_284] : memref<10000x128xf32, #tpu.memory_space<vmem_shared>> -> memref<10000x128xf32, #tpu.memory_space<vmem_shared>>
      tpu.wait_indirect_dma semaphore(%run_scoped3A_265 : memref<!tpu.dma_semaphore, #tpu.memory_space<semaphore_mem>>) src(%dma_wait3A_282 : memref<16x128xf32, #tpu.memory_space<vmem>>) dst(%dma_wait3A_285 : memref<10000x128xf32, #tpu.memory_space<vmem_shared>>)
      tpu.yield
    }) : () -> ()
    %barrier3A_254 = arith.constant 0 : index
    tpu.barrier barrier_id(%barrier3A_254)
    %eq3A_255 = arith.constant 0 : i32
    %eq3A_256 = arith.cmpi eq, %arg1, %eq3A_255 : i32
    %convert_element_type3A_257 = arith.extui %eq3A_256 : i1 to i32
    %cond3A_258 = arith.constant 0 : i32
    %cond3A_259 = arith.cmpi ne, %convert_element_type3A_257, %cond3A_258 : i32
    scf.if %cond3A_259 {
      "tpu.region"() ({
        %run_scoped3A_265 = tpu.sem_alloc : memref<!tpu.dma_semaphore, #tpu.memory_space<semaphore_mem>>
        %dma_start3A_266 = arith.constant 0 : i32
        %dma_start3A_267 = arith.constant 0 : i32
        %dma_start3A_268 = tpu.memref_slice %arg5[%arg0, %dma_start3A_266, %dma_start3A_267] : memref<2x10000x128xf32, #tpu.memory_space<hbm>> -> memref<1x640x128xf32, #tpu.memory_space<hbm>>
        %dma_start3A_269 = tpu.memref_squeeze %dma_start3A_268 : memref<1x640x128xf32, #tpu.memory_space<hbm>> -> memref<640x128xf32, #tpu.memory_space<hbm>>
        %dma_start3A_270 = arith.constant 0 : i32
        %dma_start3A_271 = arith.constant 0 : i32
        %dma_start3A_272 = tpu.memref_slice %arg8[%dma_start3A_270, %dma_start3A_271] : memref<10000x128xf32, #tpu.memory_space<vmem_shared>> -> memref<640x128xf32, #tpu.memory_space<vmem_shared>>
        tpu.enqueue_dma source(%dma_start3A_272 : memref<640x128xf32, #tpu.memory_space<vmem_shared>>) target(%dma_start3A_269 : memref<640x128xf32, #tpu.memory_space<hbm>>) target_semaphore(%run_scoped3A_265 : memref<!tpu.dma_semaphore, #tpu.memory_space<semaphore_mem>>)
        %dma_wait3A_273 = arith.constant 0 : i32
        %dma_wait3A_274 = arith.constant 0 : i32
        %dma_wait3A_275 = tpu.memref_slice %arg5[%arg0, %dma_wait3A_273, %dma_wait3A_274] : memref<2x10000x128xf32, #tpu.memory_space<hbm>> -> memref<1x640x128xf32, #tpu.memory_space<hbm>>
        %dma_wait3A_276 = tpu.memref_squeeze %dma_wait3A_275 : memref<1x640x128xf32, #tpu.memory_space<hbm>> -> memref<640x128xf32, #tpu.memory_space<hbm>>
        %dma_wait3A_277 = arith.constant 0 : i32
        %dma_wait3A_278 = arith.constant 0 : i32
        %dma_wait3A_279 = tpu.memref_slice %arg8[%dma_wait3A_277, %dma_wait3A_278] : memref<10000x128xf32, #tpu.memory_space<vmem_shared>> -> memref<640x128xf32, #tpu.memory_space<vmem_shared>>
        tpu.wait_dma2 semaphore(%run_scoped3A_265 : memref<!tpu.dma_semaphore, #tpu.memory_space<semaphore_mem>>) src(%dma_wait3A_279 : memref<640x128xf32, #tpu.memory_space<vmem_shared>>) dst(%dma_wait3A_276 : memref<640x128xf32, #tpu.memory_space<hbm>>)
        tpu.yield
      }) : () -> ()
    } else {
    }
    %gt3A_260 = arith.constant 0 : i32
    %gt3A_261 = arith.cmpi sgt, %arg1, %gt3A_260 : i32
    %convert_element_type3A_262 = arith.extui %gt3A_261 : i1 to i32
    %cond3A_263 = arith.constant 0 : i32
    %cond3A_264 = arith.cmpi ne, %convert_element_type3A_262, %cond3A_263 : i32
    scf.if %cond3A_264 {
      %sub3A_265 = arith.constant 1 : i32
      %sub3A_266 = arith.subi %arg1, %sub3A_265 : i32
      %mul3A_267 = arith.constant 624 : i32
      %mul3A_268 = arith.muli %sub3A_266, %mul3A_267 : i32
      %add3A_269 = arith.constant 640 : i32
      %add3A_270 = arith.addi %add3A_269, %mul3A_268 : i32
      "tpu.region"() ({
        %run_scoped3A_271 = tpu.sem_alloc : memref<!tpu.dma_semaphore, #tpu.memory_space<semaphore_mem>>
        %dma_start3A_272 = arith.constant 0 : i32
        %dma_start3A_273 = tpu.memref_slice %arg5[%arg0, %add3A_270, %dma_start3A_272] : memref<2x10000x128xf32, #tpu.memory_space<hbm>> -> memref<1x624x128xf32, #tpu.memory_space<hbm>>
        %dma_start3A_274 = tpu.memref_squeeze %dma_start3A_273 : memref<1x624x128xf32, #tpu.memory_space<hbm>> -> memref<624x128xf32, #tpu.memory_space<hbm>>
        %dma_start3A_275 = arith.constant 0 : i32
        %dma_start3A_276 = tpu.memref_slice %arg8[%add3A_270, %dma_start3A_275] : memref<10000x128xf32, #tpu.memory_space<vmem_shared>> -> memref<624x128xf32, #tpu.memory_space<vmem_shared>>
        tpu.enqueue_dma source(%dma_start3A_276 : memref<624x128xf32, #tpu.memory_space<vmem_shared>>) target(%dma_start3A_274 : memref<624x128xf32, #tpu.memory_space<hbm>>) target_semaphore(%run_scoped3A_271 : memref<!tpu.dma_semaphore, #tpu.memory_space<semaphore_mem>>)
        %dma_wait3A_277 = arith.constant 0 : i32
        %dma_wait3A_278 = tpu.memref_slice %arg5[%arg0, %add3A_270, %dma_wait3A_277] : memref<2x10000x128xf32, #tpu.memory_space<hbm>> -> memref<1x624x128xf32, #tpu.memory_space<hbm>>
        %dma_wait3A_279 = tpu.memref_squeeze %dma_wait3A_278 : memref<1x624x128xf32, #tpu.memory_space<hbm>> -> memref<624x128xf32, #tpu.memory_space<hbm>>
        %dma_wait3A_280 = arith.constant 0 : i32
        %dma_wait3A_281 = tpu.memref_slice %arg8[%add3A_270, %dma_wait3A_280] : memref<10000x128xf32, #tpu.memory_space<vmem_shared>> -> memref<624x128xf32, #tpu.memory_space<vmem_shared>>
        tpu.wait_dma2 semaphore(%run_scoped3A_271 : memref<!tpu.dma_semaphore, #tpu.memory_space<semaphore_mem>>) src(%dma_wait3A_281 : memref<624x128xf32, #tpu.memory_space<vmem_shared>>) dst(%dma_wait3A_279 : memref<624x128xf32, #tpu.memory_space<hbm>>)
        tpu.yield
      }) : () -> ()
    } else {
    }
    return
  }
}

module attributes {stable_mosaic.version = 14 : i64} {
  func.func @body(%arg0: i32, %arg1: memref<2x2000x128xf32, #tpu.memory_space<vmem>>, %arg2: memref<2000x128xf32, #tpu.memory_space<vmem>>) attributes {dimension_semantics = [#tpu.dimension_semantics<arbitrary>], iteration_bounds = array<i64: 5>, scalar_prefetch = 0 : i64, scratch_operands = 0 : i64, tpu.core_type = #tpu.core_type<tc>, window_params = [{transform_indices = @transform_0, window_bounds = array<i64: 2, 2000, 128>}, {transform_indices = @transform_1, window_bounds = array<i64: 2000, 128>}]} {
    %get3A = arith.constant 0 : index
    %get3A_0 = arith.constant 0 : index
    %get3A_1 = arith.constant 0 : index
    %get3A_2 = vector.load %arg1[%get3A, %get3A_0, %get3A_1] : memref<2x2000x128xf32, #tpu.memory_space<vmem>>, vector<2x2000x128xf32>
    %reduce_sum3A = arith.constant dense<0.000000e+00> : vector<2000x128xf32>
    %reduce_sum3A_3 = vector.multi_reduction <add>, %get3A_2, %reduce_sum3A [0] : vector<2x2000x128xf32> to vector<2000x128xf32>
    %swap3A = arith.constant 0 : index
    %swap3A_4 = arith.constant 0 : index
    %swap3A_5 = vector.load %arg2[%swap3A, %swap3A_4] : memref<2000x128xf32, #tpu.memory_space<vmem>>, vector<2000x128xf32>
    tpu.vector_store %arg2[%swap3A, %swap3A_4], %reduce_sum3A_3 {strides = array<i32>} : memref<2000x128xf32, #tpu.memory_space<vmem>>, vector<2000x128xf32>,
    return
  }
  func.func @transform_0(%arg0: i32) -> (i32, i32, i32) {
    %mul3A = arith.constant 0 : i32
    %mul3A_0 = arith.muli %arg0, %mul3A : i32
    %mul3A_1 = arith.constant 0 : i32
    %mul3A_2 = arith.muli %arg0, %mul3A_1 : i32
    %c0_i32 = arith.constant 0 : i32
    return %mul3A_0, %arg0, %mul3A_2 : i32, i32, i32
  }
  func.func @transform_1(%arg0: i32) -> (i32, i32) {
    %mul3A = arith.constant 0 : i32
    %mul3A_0 = arith.muli %arg0, %mul3A : i32
    %c0_i32 = arith.constant 0 : i32
    return %arg0, %mul3A_0 : i32, i32
  }
}

</mosaic_0001>

<sc_bundles>
// kernel: kernel.4.cloned.1.call-start
scs
__scs_entry_jumppad:
0x0: {  	(pc) =	sbr.rel $0x88, $3  }
0x1: {  	(tag) =	ssettag $0x0;
	lr =	simm.s32 $0x1  }
0x2: {  	[smem:$0x3F9F] =	sst lr;
	_ =	strace $0xD0000000  }
0x3: {  	_ = 	snop  }
0x4: {  	_ = 	snop  }
0x5: {  	_ = 	snop  }
0x6: {  	_ = 	snop  }
0x7: {  	_ = 	snop  }
__scs_overlays_trampoline_lowered:
0x8: {  	[smem:$0x3FAE] =	sst s0  }
0x9: {  	[smem:$0x3FAF] =	sst s1  }
0xa: {  	[smem:$0x3FB0] =	sst s2  }
0xb: {  	[smem:$0x3FB1] =	sst s3  }
0xc: {  	[smem:$0x3FB2] =	sst s4  }
0xd: {  	[smem:$0x3FB3] =	sst s5  }
0xe: {  	[smem:$0x3FB4] =	sst s6  }
0xf: {  	[smem:$0x3FB5] =	sst s7  }
0x10: {  	[smem:$0x3FB6] =	sst s8  }
0x11: {  	[smem:$0x3FB7] =	sst s9;
	s0 =	simm.s32 @!p0 $0x0  }
0x12: {  	s1 =	sld [smem:$0x3F9D];
	s0 =	simm.s32 @p0 $0x1  }
0x13: {  	[smem:$0x3FB8] =	sst s0;
	s0 =	simm.s32 @!p1 $0x0  }
0x14: {  	s2 =	sld [smem:$0x3F9C];
	s0 =	simm.s32 @p1 $0x1  }
0x15: {  	[smem:$0x3FB9] =	sst s0;
	s0 =	simm.s32 @!p2 $0x0  }
0x16: {  	s3 =	sld [smem:$0x3FDB];
	s0 =	simm.s32 @p2 $0x1  }
0x17: {  	s4 =	simm.s32 $0x1BF5;
	[smem:$0x3FBB] =	sst s0  }
0x18: {  	s0 =	sld [smem:$0x3F9E];
	_ =	swait.ge [sflag:s4], $0x0  }
0x19: {  	s7 =	sld [smem:$0x3F9F]  }
0x1a: {  	s8 =	sadd.s32 $0xFFFFE003, lr  }
0x1b: {  	s9 =	sadd.s32 $0xFFFFFEF7, lr;
	s5 =	simm.s32 $0xFFFFFFFF;
	p2 =	slt.u32 s8, $0xFFFFF086  }
0x1c: {  	p1 =	slt.u32 s9, $0xF7A;
	s5 =	simm.s32 @!p2 $0x0  }
0x1d: {  	s5 =	simm.s32 @p1 $0x1;
	p0 =	seq.s32 s7, s2  }
0x1e: {  	s7 =	smul.u32 @!p0 $0xF7A, s2;
	p2 =	seq.s32 @!p0 s5, $0x0  }
0x1f: {  	s9 =	smul.u32 $0xF7A, s1;
	s8 =	simm.s32 @!p0 $0x1BF5;
	p2 =	por !p2, p0  }
0x20: {  	[sflag:s8] =	ssyncset.s32 @!p0 $0xFFFFF086;
	s6 =	sadd.s32 @!p0 s3, s7;
	s7 =	simm.s32 @!p0 $0x108  }
0x21: {  	s3 =	sadd.s32 s3, s9;
	s6 =	sadd.s32 @!p0 $0x88, s6;
	s7 =	simm.s32 @p2 $0x1082  }
0x22: {  	[simem:s7], [sflag:s8] =	dma.local @!p0 [hbm:s6], $0xF7A  }
0x23: {  	s9 =	sor.u32 $0xD0000000, s2;
	s6 =	simm.s32 $0x108;
	_ =	swait.ge @!p0 [sflag:s8], $0x0  }
0x24: {  	s3 =	sadd.s32 $0x88, s3;
	s6 =	simm.s32 @!p1 $0x1082;
	[sflag:s4] =	ssyncset.s32 $0xFFFFF086  }
0x25: {  	[simem:s6], [sflag:s4] =	dma.local [hbm:s3], $0xF7A  }
0x26: {  	[smem:$0x3F9F] =	sst s1;
	(tag) =	ssettag s2;
	_ =	strace s9  }
0x27: {  	s1 =	sld [smem:$0x3FAF]  }
0x28: {  	s2 =	sld [smem:$0x3FB0]  }
0x29: {  	s4 =	sld [smem:$0x3FB2]  }
0x2a: {  	p0 =	seq.s32 s5, $0x0;
	s5 =	sld [smem:$0x3FB3]  }
0x2b: {  	s6 =	sld [smem:$0x3FB4]  }
0x2c: {  	s7 =	sld [smem:$0x3FB5]  }
0x2d: {  	s3 =	simm.s32 $0x108;
	s8 =	sld [smem:$0x3FB6]  }
0x2e: {  	s3 =	simm.s32 @!p0 $0x1082;
	s9 =	sld [smem:$0x3FB7]  }
0x2f: {  	lr =	sadd.s32 s0, s3;
	s0 =	sld [smem:$0x3FAE]  }
0x30: {  	s3 =	sld [smem:$0x3FB1]  }
0x31: {  	[smem:$0x3FBA] =	sst s10  }
0x32: {  	s10 =	sld [smem:$0x3FB8];
	_ =	sdelay $0x3  }
0x33: {  	p0 =	seq.s32 s10, $0x1;
	s10 =	sld [smem:$0x3FBA];
	_ =	sdelay $0x3  }
0x34: {  	[smem:$0x3FBA] =	sst s10  }
0x35: {  	s10 =	sld [smem:$0x3FB9];
	_ =	sdelay $0x3  }
0x36: {  	p1 =	seq.s32 s10, $0x1;
	s10 =	sld [smem:$0x3FBA];
	_ =	sdelay $0x3  }
0x37: {  	[smem:$0x3FBA] =	sst s10  }
0x38: {  	s10 =	sld [smem:$0x3FBB]  }
0x39: {  	_ = 	snop;
	(pc) =	sbr.ind lr, $3  }
0x3a: {  	_ = 	snop  }
0x3b: {  	_ = 	snop  }
0x3c: {  	p2 =	seq.s32 s10, $0x1;
	s10 =	sld [smem:$0x3FBA]  }
0x3d: {  	_ =	shalt  }
0x3e: {  	_ =	shalt  }
0x3f: {  	_ =	shalt  }
0x40: {  	_ =	shalt  }
0x41: {  	_ =	shalt  }
0x42: {  	_ =	shalt  }
0x43: {  	_ =	shalt  }
0x44: {  	_ =	shalt  }
0x45: {  	_ =	shalt  }
0x46: {  	_ =	shalt  }
0x47: {  	_ =	shalt  }
0x48: {  	_ =	shalt  }
0x49: {  	_ =	shalt  }
0x4a: {  	_ =	shalt  }
0x4b: {  	_ =	shalt  }
0x4c: {  	_ =	shalt  }
0x4d: {  	_ =	shalt  }
0x4e: {  	_ =	shalt  }
0x4f: {  	_ =	shalt  }
0x50: {  	_ =	shalt  }
0x51: {  	_ =	shalt  }
0x52: {  	_ =	shalt  }
0x53: {  	_ =	shalt  }
0x54: {  	_ =	shalt  }
0x55: {  	_ =	shalt  }
0x56: {  	_ =	shalt  }
0x57: {  	_ =	shalt  }
0x58: {  	_ =	shalt  }
0x59: {  	_ =	shalt  }
0x5a: {  	_ =	shalt  }
0x5b: {  	_ =	shalt  }
0x5c: {  	_ =	shalt  }
0x5d: {  	_ =	shalt  }
0x5e: {  	_ =	shalt  }
0x5f: {  	_ =	shalt  }
0x60: {  	_ =	shalt  }
0x61: {  	_ =	shalt  }
0x62: {  	_ =	shalt  }
0x63: {  	_ =	shalt  }
0x64: {  	_ =	shalt  }
0x65: {  	_ =	shalt  }
0x66: {  	_ =	shalt  }
0x67: {  	_ =	shalt  }
0x68: {  	_ =	shalt  }
0x69: {  	_ =	shalt  }
0x6a: {  	_ =	shalt  }
0x6b: {  	_ =	shalt  }
0x6c: {  	_ =	shalt  }
0x6d: {  	_ =	shalt  }
0x6e: {  	_ =	shalt  }
0x6f: {  	_ =	shalt  }
0x70: {  	_ =	shalt  }
0x71: {  	_ =	shalt  }
0x72: {  	_ =	shalt  }
0x73: {  	_ =	shalt  }
0x74: {  	_ =	shalt  }
0x75: {  	_ =	shalt  }
0x76: {  	_ =	shalt  }
0x77: {  	_ =	shalt  }
0x78: {  	_ =	shalt  }
0x79: {  	_ =	shalt  }
0x7a: {  	_ =	shalt  }
0x7b: {  	_ =	shalt  }
0x7c: {  	_ =	shalt  }
0x7d: {  	_ =	shalt  }
0x7e: {  	_ =	shalt  }
0x7f: {  	_ =	shalt  }
0x80: {  	_ =	shalt  }
0x81: {  	_ =	shalt  }
0x82: {  	_ =	shalt  }
0x83: {  	_ =	shalt  }
0x84: {  	_ =	shalt  }
0x85: {  	_ =	shalt  }
0x86: {  	_ =	shalt  }
0x87: {  	_ =	shalt  }
.Lfunc_end0:
.L_simem_size_0:
called_computation_lowered:
.L_overlay_start_0:
0x88: {  	s2 =	sld [smem:$0x3FD9]  }
0x89: {  	s3 =	sld [smem:$0x3FFE];
	_ =	sdelay $0x1  }
0x8a: {  	s1 =	srdreg.scid  }
0x8b: {  	s0 =	sand.u32 $0x1, s1  }
0x8c: {  	s17 =	sshll.u32 s0, $0xA;
	s2 =	sadd.s32 s3, s2  }
0x8d: {  	s2 =	sadd.s32 s2, s17  }
0x8e: {  	[smem:$0x3FC6] =	sst s2  }
0x8f: {  	_ = 	snop  }
0x90: {  	s2 =	sld [smem:$0x3FC9]  }
0x91: {  	s18 =	sld [smem:$0x3FD0];
	(tm) =	ssettm $0x1  }
0x92: {  	s4 =	sld [smem:$0x3FFB];
	_ =	sdelay $0x3  }
0x93: {  	_ =	strace s4  }
0x94: {  	s4 =	sld [smem:$0x3FFC];
	_ =	sdelay $0x3  }
0x95: {  	_ =	strace s4  }
0x96: {  	s4 =	sld [smem:$0x3FFD];
	_ =	sdelay $0x3  }
0x97: {  	_ =	strace s4  }
0x98: {  	_ =	strace $0x8FFFFFFF  }
0x99: {  	s19 =	sld [smem:$0x3FDB];
	_ =	sdelay $0x1  }
0x9a: {  	s5 =	simm.s32 $_scs_section_size  }
0x9b: {  	s6 =	simm.s32 $_size__tile_overlayer_lowered;
	s7 =	simm.s32 $_tile_overlayer_lowered  }
0x9c: {  	s22 =	simm.s32 $0x1BFF;
	s21 =	sshll.u32 s7, $0x1;
	s4 =	sadd.s32 s5, s19  }
0x9d: {  	s8 =	simm.s32 $0x0;
	s20 =	sshll.u32 s6, $0x1;
	s6 =	sadd.s32 s21, s4  }
0x9e: {  	[timem:s8], [sflag:s22] =	dma.local [hbm:s6], s20  }
0x9f: {  	_ =	swait.ge [sflag:s22], s20  }
0xa0: {  	s5 =	ssub.s32 $0x0, s20;
	[sflag:s22] =	ssyncset.done $0x0  }
0xa1: {  	[sflag:s22] =	ssyncadd.s32 s5;
	_ =	sdelay $0x1  }
0xa2: {  	s23 =	simm.s32 $0x1B8B  }
0xa3: {  	_ =	swait.ge [sflag:s23], $0x1  }
0xa4: {  	[sflag:s23] =	ssyncset.done $0x0  }
0xa5: {  	s25 =	simm.s32 $0x1B8E;
	s24 =	sld [smem:$0x3FFE];
	[sflag:s23] =	ssyncadd.s32 $0xFFFFFFFF  }
0xa6: {  	s26 =	simm.s32 $execute0_lowered;
	[smem:$0x3FD2] =	sst s25  }
0xa7: {  	s6 =	sshll.u32 s26, $0x1;
	_ =	strace $0x80000046;
	[dreg:$0x1] =	wrdreg $0xFFFFFFFF  }
0xa8: {  	s28 =	simm.s32 $_size_execute0_lowered;
	s4 =	sadd.s32 s4, s6;
	[dreg:$0x0] =	wrdreg $0x0  }
0xa9: {  	s6 =	sshll.u32 s28, $0x1;
	[dreg:$0x2] =	wrdreg s4  }
0xaa: {  	[dreg:$0x3] =	wrdreg s6  }
0xab: {  	[dreg:$0x4] =	wrdreg $0xC0  }
0xac: {  	_ =	task [dreg:s8], $0x5FFFF  }
0xad: {  	[dreg:$0x1] =	wrdreg $0xFFFFFFFF  }
0xae: {  	[dreg:$0x0] =	wrdreg $0x60  }
0xaf: {  	[dreg:$0x2] =	wrdreg s2  }
0xb0: {  	[dreg:$0x3] =	wrdreg s24  }
0xb1: {  	[dreg:$0x4] =	wrdreg s18  }
0xb2: {  	[dreg:$0x5] =	wrdreg $0xC4000  }
0xb3: {  	[dreg:$0x6] =	wrdreg $0x9  }
0xb4: {  	_ =	task.clear_ibuf [dreg:s8], $0x7FFFF;
	_ =	strace $0x90000046  }
0xb5: {  	s29 =	simm.s32 $0x9;
	_ =	strace $0x80000048  }
0xb6: {  	_ =	swait.ge [sflag:s29], $0x1  }
0xb7: {  	[sflag:s29] =	ssyncadd.s32 $0xFFFFFFFF  }
0xb8: {  	_ =	strace $0x90000048  }
0xb9: {  	_ =	sfence  }
0xba: {  	s30 =	sld [smem:$0x0];
	_ =	sdelay $0x2  }
0xbb: {  	s31 =	sshll.u32 s1, $0xD;
	s1 =	sshrl.u32 s1, $0x2  }
0xbc: {  	s3 =	sand.u32 $0x4000, s31;
	s1 =	sadd.s32 s1, s30  }
0xbd: {  	s0 =	sor.u32 s3, s0;
	s1 =	sshll.u32 s1, $0x11  }
0xbe: {  	s0 =	sor.u32 s1, s0  }
0xbf: {  	s0 =	sadd.s32 $0x8F2B, s0  }
0xc0: {  	[sflag:s0] =	ssyncadd.remote.s32 $0x1  }
0xc1: {  	_ =	sfence.sel $0xFFFF  }
0xc2: {  	[dreg:$0x0] =	wrdreg $0xFFFFFFFF;
	(pc) =	sbr.abs _section_cstart, $3  }
0xc3: {  	[dreg:$0x1] =	wrdreg $0xFFFFFFFF  }
0xc4: {  	_ =	task.clear_ibuf [dreg:s8], $0x2FFFF;
	_ =	strace $0x9FFFFFFF  }
0xc5: {  	(tm) =	ssettm $0x7FFFFFFF  }
tec
execute0_lowered:
.L_overlay_start_1:
0x0: {  	(tag) =	ssettag $0x1  }
0x1: {  	s0 =	rddreg [dreg:$0x0]  }
0x2: {  	s1 =	rddreg [dreg:$0x1]  }
0x3: {  	s2 =	rddreg [dreg:$0x2];
	s3 =	srdreg.scid  }
0x4: {  	s12 =	stileid.u32;
	s5 =	rddreg [dreg:$0x3]  }
0x5: {  	s6 =	simm.s32 $0x0;
	s3 =	sand.u32 $0x1, s3;
	s4 =	sshll.u32 s12, $0x1  }
0x6: {  	[smem:$0x7FF] =	sst s6;
	s10 =	smul.u32 $0x4E000, s12;
	s31 =	sadd.s32 $0x4000, s5  }
0x7: {  	s15 =	sadd.s32 $0x8000, s5;
	s16 =	sadd.s32 $0xC000, s5;
	s4 =	sor.u32 s3, s4  }
0x8: {  	_ =	strace $0x80000047;
	s25 =	smul.u32 $0x138800, s3;
	[dreg:$0x11] =	wrdreg s31  }
0x9: {  	s17 =	ssub.s32 $0x2, s3;
	s3 =	smul.u32 $0x27100, s3;
	[dreg:$0x18] =	wrdreg s15  }
0xa: {  	s7 =	sadd.s32 $0x9E00, s1;
	[dreg:$0x19] =	wrdreg s16;
	s13 =	smul.u32 $0x2710, s4  }
0xb: {  	s8 =	sshrl.u32 s17, $0x1;
	s10 =	sshrl.u32 s10, $0x2;
	s3 =	sadd.s32 s7, s3  }
0xc: {  	s4 =	ssub.s32 s17, s8;
	s17 =	sadd.s32 $0x10000, s5;
	[dreg:$0x13] =	wrdreg s3  }
0xd: {  	s10 =	sadd.s32 s10, s5;
	[dreg:$0x1a] =	wrdreg s17  }
0xe: {  	s24 =	sadd.s32 $0x800, s10;
	[dreg:$0x5] =	wrdreg s13  }
0xf: {  	s14 =	sadd.s32 $0x4800, s10;
	[dreg:$0xc] =	wrdreg s24  }
0x10: {  	s26 =	sadd.s32 $0x8800, s10;
	[dreg:$0xd] =	wrdreg s14  }
0x11: {  	s28 =	simm.s32 $0x380;
	s30 =	sadd.s32 $0xC800, s10;
	[dreg:$0xe] =	wrdreg s26  }
0x12: {  	s29 =	simm.s32 $0x3;
	s10 =	sadd.s32 $0x10800, s10;
	[dreg:$0xf] =	wrdreg s30  }
0x13: {  	s23 =	smul.u32 $0x13800, s12;
	s4 =	smax.u32 s4, $0x1;
	[dreg:$0x10] =	wrdreg s10  }
0x14: {  	s9 =	sshrl.u32 s13, $0x3;
	s31 =	sadd.s32 $0x700, s13;
	[dreg:$0x16] =	wrdreg s4  }
0x15: {  	p0 =	sne.s32 s12, $0x0;
	s11 =	sadd.s32 s1, s9;
	[smem:$0x7FD] =	sst s31  }
0x16: {  	s15 =	simm.s32 $0x80;
	s19 =	sadd.s32 s2, s9;
	[dreg:$0x6] =	wrdreg s11  }
0x17: {  	s16 =	simm.s32 $0x100;
	s24 =	sadd.s32 $0x500, s13;
	[dreg:$0x7] =	wrdreg s19  }
0x18: {  	s17 =	simm.s32 $0x180;
	s26 =	sadd.s32 $0x600, s13;
	[smem:$0x7F9] =	sst s24  }
0x19: {  	s18 =	sadd.s32 $0x10, s9;
	s30 =	sadd.s32 $0x680, s13;
	[smem:$0x7FB] =	sst s26  }
0x1a: {  	s21 =	sadd.s32 $0x20, s9;
	s20 =	sadd.s32 s1, s18;
	[smem:$0x7FC] =	sst s30  }
0x1b: {  	s9 =	sadd.s32 $0x4E0, s9;
	s8 =	sadd.s32 s2, s18;
	[dreg:$0x8] =	wrdreg s20  }
0x1c: {  	s4 =	simm.s32 $0x6;
	s22 =	sadd.s32 s1, s21;
	[dreg:$0x9] =	wrdreg s8  }
0x1d: {  	s11 =	sadd.s32 $0x800, s23;
	s10 =	sadd.s32 s1, s9;
	[dreg:$0xa] =	wrdreg s22  }
0x1e: {  	s14 =	sadd.s32 s2, s9;
	s18 =	sadd.s32 $0x200, s13;
	[dreg:$0x14] =	wrdreg s10  }
0x1f: {  	s19 =	sadd.s32 $0x280, s13;
	s23 =	sadd.s32 $0x480, s13;
	[dreg:$0x15] =	wrdreg s14  }
0x20: {  	s24 =	simm.s32 $0xA;
	s26 =	simm.s32 $0x300;
	[dreg:$0x1b] =	wrdreg s18  }
0x21: {  	s9 =	simm.s32 $0x4;
	s8 =	sadd.s32 s2, s21;
	[dreg:$0x1c] =	wrdreg s19  }
0x22: {  	s3 =	sadd.s32 s11, s5;
	s20 =	sadd.s32 $0x300, s13;
	[smem:$0x7F8] =	sst s23  }
0x23: {  	s21 =	sadd.s32 $0x380, s13;
	s22 =	sadd.s32 $0x400, s13;
	[dreg:$0xb] =	wrdreg s8  }
0x24: {  	s18 =	simm.s32 $0x200;
	s19 =	simm.s32 $0x280;
	[dreg:$0x1d] =	wrdreg s20  }
0x25: {  	s23 =	simm.s32 $0x4400;
	s10 =	simm.s32 $0x7;
	[dreg:$0x1e] =	wrdreg s21  }
0x26: {  	s8 =	sadd.s32 s25, s11;
	s3 =	sshrl.u32 @p0 s3, $0x3;
	[dreg:$0x1f] =	wrdreg s22  }
.Ltmp0:
0x27: {  	s25 =	sadd.s32 $0x580, s13;
	s20 =	simm.s32 $0x1;
	(pc) =	sbr.rel .LBB2_1-.Ltmp0, $4  }
0x28: {  	s21 =	simm.s32 $0x400;
	s22 =	simm.s32 $0x2;
	s11 =	simm.s32 $0x9  }
0x29: {  	s13 =	simm.s32 $0x0;
	s8 =	sshrl.u32 s8, $0x3;
	[dreg:$0x17] =	wrdreg s3  }
0x2a: {  	[smem:$0x7FA] =	sst s25;
	s25 =	simm.s32 $0x5;
	s8 =	sadd.s32 s7, s8  }
0x2b: {  	v0 =	vimm.f32 $0.0e+00;
	vm0 =	vmmov $0xffff;
	s7 =	simm.s32 $0x8400;
	[dreg:$0x12] =	wrdreg s8;
	s8 =	simm.s32 $0x8  }
.LBB2_6:
0x2c: {  	_ =	swait.ge [sflag:s10], $0x4000  }
0x2d: {  	[sflag:s10] =	ssyncset.done $0x0  }
0x2e: {  	[sflag:s10] =	ssyncadd.s32 $0xFFFFC000  }
0x2f: {  	[spmem:s5] =	stream.indirect.scatter.add.f32 [tilespmem:s7], [sflag:$0xA], $0x80, s17, s15, $0xb8;
	[tilespmem:$0x1FC80] =	vst v63  }
0x30: {  	_ =	swait.ge [sflag:s11], $0x4000  }
0x31: {  	[sflag:s11] =	ssyncset.done $0x0  }
0x32: {  	[sflag:s11] =	ssyncadd.s32 $0xFFFFC000  }
0x33: {  	_ =	swait.ge [sflag:s24], $0x4000  }
0x34: {  	[sflag:s24] =	ssyncset.done $0x0  }
0x35: {  	s12 =	simm.s32 $0xB;
	s3 =	rddreg [dreg:$0x14];
	[sflag:s24] =	ssyncadd.s32 $0xFFFFC000  }
0x36: {  	[tilespmem:s6], [sflag:$0xB] =	stream.linear.gather [hbm4b:s3+s6], $0x10, $0x38;
	[tilespmem:$0x1FC80] =	vst v63  }
0x37: {  	_ =	swait.ge [sflag:s12], $0x10  }
0x38: {  	[sflag:s12] =	ssyncset.done $0x0  }
0x39: {  	s14 =	rddreg [dreg:$0x15];
	[sflag:s12] =	ssyncadd.s32 $0xFFFFFFF0  }
0x3a: {  	[tilespmem:s15], [sflag:$0xB] =	stream.linear.gather [hbm4b:s14+s6], $0x10, $0x38;
	[tilespmem:$0x1FC80] =	vst v63  }
0x3b: {  	_ =	swait.ge [sflag:s12], $0x10  }
0x3c: {  	[sflag:s12] =	ssyncset.done $0x0  }
0x3d: {  	[sflag:s12] =	ssyncadd.s32 $0xFFFFFFF0  }
0x3e: {  	v1 =	vld [tilespmem:$0x0];
	_ =	sdelay $0x3  }
0x3f: {  	v2 =	vld [tilespmem:$0x80];
	_ =	sdelay $0x3  }
0x40: {  	[tilespmem:s21], [sflag:$0x5] =	stream.indirect_vreg.gather [hbm4b:s0+s6], $0x80, v1, vm0, $0xb8;
	[tilespmem:$0x1FC80] =	vst v63  }
0x41: {  	_ =	swait.ge [sflag:s25], $0x800  }
0x42: {  	[sflag:s25] =	ssyncset.done $0x0  }
0x43: {  	[sflag:s25] =	ssyncadd.s32 $0xFFFFF800  }
0x44: {  	[spmem:s5] =	stream.indirect_vreg.scatter.add.f32 [tilespmem:s21], [sflag:$0xB], $0x80, v2, vm0, $0xb8;
	[tilespmem:$0x1FC80] =	vst v63  }
0x45: {  	_ =	swait.ge [sflag:s12], $0x800  }
0x46: {  	[sflag:s12] =	ssyncset.done $0x0  }
0x47: {  	[sflag:s12] =	ssyncadd.s32 $0xFFFFF800  }
0x48: {  	s3 =	stileid.u32;
	[bflag:$0x0] =	sbarrier.arrive $0xFFFF  }
0x49: {  	s3 =	sshll.u32 @p0 s3, $0x6;
	s12 =	rddreg [dreg:$0x12]  }
0x4a: {  	s3 =	sor.u32 @p0 $0x1C0B, s3;
	s13 =	rddreg [dreg:$0x17]  }
0x4b: {  	[hbm:s12], [sflag:s3] =	dma.local @p0 [spmem:s13], $0x2700  }
0x4c: {  	s3 =	simm.s32 @p0 $0xB  }
0x4d: {  	_ =	swait.ge @p0 [sflag:s3], $0x2700  }
0x4e: {  	s12 =	simm.s32 @!p0 $0x1C0B;
	[sflag:s3] =	ssyncset.done @p0 $0x0  }
0x4f: {  	s13 =	rddreg [dreg:$0x13];
	[sflag:s3] =	ssyncadd.s32 @p0 $0xFFFFD900;
	s3 =	sshrl.u32 @!p0 s5, $0x3  }
0x50: {  	[hbm:s13], [sflag:s12] =	dma.local @!p0 [spmem:s3], $0x2800  }
0x51: {  	s3 =	simm.s32 @!p0 $0xB  }
0x52: {  	_ =	swait.ge @!p0 [sflag:s3], $0x2800  }
0x53: {  	s30 =	sld [smem:$0x7F7];
	_ =	sdelay $0x2  }
0x54: {  	s31 =	rddreg [dreg:$0x16];
	s13 =	sadd.s32 $0x1, s30  }
0x55: {  	p1 =	sne.s32 s13, s31  }
.Ltmp1:
0x56: {  	_ = 	snop;
	(pc) =	sbr.rel @!p1 .LBB2_7-.Ltmp1, $3  }
0x57: {  	_ =	sdelay $0x1  }
0x58: {  	[sflag:s3] =	ssyncset.done @!p0 $0x0  }
0x59: {  	[sflag:s3] =	ssyncadd.s32 @!p0 $0xFFFFD800  }
.LBB2_1:
0x5a: {  	[smem:$0x7F7] =	sst s13  }
0x5b: {  	s3 =	rddreg [dreg:$0x6]  }
0x5c: {  	[tilespmem:s6], [sflag:$0x1] =	stream.linear.gather [hbm4b:s3+s6], $0x80, $0x38;
	[tilespmem:$0x1FC80] =	vst v63  }
0x5d: {  	s12 =	rddreg [dreg:$0x7]  }
0x5e: {  	[tilespmem:s15], [sflag:$0x1] =	stream.linear.gather [hbm4b:s12+s6], $0x80, $0x38;
	[tilespmem:$0x1FC80] =	vst v63  }
0x5f: {  	s13 =	rddreg [dreg:$0x8]  }
0x60: {  	[tilespmem:s16], [sflag:$0x2] =	stream.linear.gather [hbm4b:s13+s6], $0x80, $0x38;
	[tilespmem:$0x1FC80] =	vst v63  }
0x61: {  	s14 =	rddreg [dreg:$0x9]  }
0x62: {  	[tilespmem:s17], [sflag:$0x2] =	stream.linear.gather [hbm4b:s14+s6], $0x80, $0x38;
	[tilespmem:$0x1FC80] =	vst v63  }
0x63: {  	s30 =	rddreg [dreg:$0xa]  }
0x64: {  	[tilespmem:s18], [sflag:$0x3] =	stream.linear.gather [hbm4b:s30+s6], $0x80, $0x38;
	[tilespmem:$0x1FC80] =	vst v63  }
0x65: {  	s31 =	rddreg [dreg:$0xb];
	s12 =	simm.s32 $0x0;
	s13 =	simm.s32 $0x200  }
0x66: {  	[tilespmem:s19], [sflag:$0x3] =	stream.linear.gather [hbm4b:s31+s6], $0x80, $0x38;
	[tilespmem:$0x1FC80] =	vst v63  }
.LBB2_2:
0x67: {  	p1 =	sne.s32 s13, $0xFE00;
	[tilespmem:s12+$0x8470] =	vst v0  }
0x68: {  	[tilespmem:s12+$0x8400] =	vst v0  }
0x69: {  	[tilespmem:s12+$0x8410] =	vst v0  }
.Ltmp2:
0x6a: {  	[tilespmem:s12+$0x8420] =	vst v0;
	(pc) =	sbr.rel @p1 .LBB2_2-.Ltmp2, $4  }
0x6b: {  	[tilespmem:s12+$0x8430] =	vst v0  }
0x6c: {  	[tilespmem:s12+$0x8440] =	vst v0  }
0x6d: {  	[tilespmem:s12+$0x8450] =	vst v0  }
0x6e: {  	[tilespmem:s12+$0x8460] =	vst v0;
	s12 =	sshra.s32 s13, $0x2;
	s13 =	sadd.s32 $0x200, s13  }
0x6f: {  	[tilespmem:s12+$0x8470] =	vst v0  }
0x70: {  	[tilespmem:s12+$0x8400] =	vst v0  }
0x71: {  	[tilespmem:s12+$0x8410] =	vst v0  }
0x72: {  	[tilespmem:s12+$0x8420] =	vst v0  }
0x73: {  	[tilespmem:s12+$0x8430] =	vst v0  }
0x74: {  	[tilespmem:s12+$0x8440] =	vst v0  }
0x75: {  	[tilespmem:s12+$0x8450] =	vst v0  }
0x76: {  	[tilespmem:s12+$0x8460] =	vst v0;
	s12 =	simm.s32 @p0 $0x8400;
	s3 =	rddreg [dreg:$0xc]  }
0x77: {  	[spmem:s3] =	stream.linear.scatter @p0 [tilespmem:s12], [sflag:$0xA], $0x4000, $0x38;
	[tilespmem:$0x1FC80] =	vst v63  }
0x78: {  	s3 =	rddreg [dreg:$0xd]  }
0x79: {  	[spmem:s3] =	stream.linear.scatter @p0 [tilespmem:s12], [sflag:$0xA], $0x4000, $0x38;
	[tilespmem:$0x1FC80] =	vst v63  }
0x7a: {  	s3 =	rddreg [dreg:$0xe]  }
0x7b: {  	[spmem:s3] =	stream.linear.scatter @p0 [tilespmem:s12], [sflag:$0xA], $0x4000, $0x38;
	[tilespmem:$0x1FC80] =	vst v63  }
0x7c: {  	s3 =	rddreg [dreg:$0xf]  }
0x7d: {  	[spmem:s3] =	stream.linear.scatter @p0 [tilespmem:s12], [sflag:$0xA], $0x4000, $0x38;
	[tilespmem:$0x1FC80] =	vst v63  }
0x7e: {  	s3 =	rddreg [dreg:$0x10]  }
0x7f: {  	[spmem:s3] =	stream.linear.scatter @p0 [tilespmem:s12], [sflag:$0xA], $0x3800, $0x38;
	[tilespmem:$0x1FC80] =	vst v63  }
0x80: {  	s12 =	simm.s32 @!p0 $0x8400  }
0x81: {  	[spmem:s5] =	stream.linear.scatter @!p0 [tilespmem:s12], [sflag:$0xA], $0x4000, $0x38;
	[tilespmem:$0x1FC80] =	vst v63  }
0x82: {  	s3 =	rddreg [dreg:$0x11]  }
0x83: {  	[spmem:s3] =	stream.linear.scatter @!p0 [tilespmem:s12], [sflag:$0xA], $0x4000, $0x38;
	[tilespmem:$0x1FC80] =	vst v63  }
0x84: {  	s3 =	rddreg [dreg:$0x18]  }
0x85: {  	[spmem:s3] =	stream.linear.scatter @!p0 [tilespmem:s12], [sflag:$0xA], $0x4000, $0x38;
	[tilespmem:$0x1FC80] =	vst v63  }
0x86: {  	s3 =	rddreg [dreg:$0x19]  }
0x87: {  	[spmem:s3] =	stream.linear.scatter @!p0 [tilespmem:s12], [sflag:$0xA], $0x4000, $0x38;
	[tilespmem:$0x1FC80] =	vst v63  }
0x88: {  	s3 =	rddreg [dreg:$0x1a]  }
0x89: {  	[spmem:s3] =	stream.linear.scatter @!p0 [tilespmem:s12], [sflag:$0xA], $0x4000, $0x38;
	[tilespmem:$0x1FC80] =	vst v63  }
0x8a: {  	_ =	swait.ge [sflag:s20], $0x80  }
0x8b: {  	[sflag:s20] =	ssyncset.done $0x0  }
0x8c: {  	[sflag:s20] =	ssyncadd.s32 $0xFFFFFF80  }
0x8d: {  	_ =	swait.ge [sflag:s20], $0x80  }
0x8e: {  	[sflag:s20] =	ssyncset.done $0x0  }
0x8f: {  	[sflag:s20] =	ssyncadd.s32 $0xFFFFFF80  }
0x90: {  	[tilespmem:s21], [sflag:$0x5] =	stream.indirect.gather [hbm4b:s0+s15], $0x80, s6, s15, $0xb8;
	[tilespmem:$0x1FC80] =	vst v63  }
0x91: {  	_ =	swait.ge [sflag:s22], $0x80  }
0x92: {  	[sflag:s22] =	ssyncset.done $0x0  }
0x93: {  	[sflag:s22] =	ssyncadd.s32 $0xFFFFFF80  }
0x94: {  	_ =	swait.ge [sflag:s22], $0x80  }
0x95: {  	[sflag:s22] =	ssyncset.done $0x0  }
0x96: {  	[sflag:s22] =	ssyncadd.s32 $0xFFFFFF80  }
0x97: {  	[tilespmem:s23], [sflag:$0x6] =	stream.indirect.gather [hbm4b:s0+s15], $0x80, s16, s15, $0xb8;
	[tilespmem:$0x1FC80] =	vst v63  }
0x98: {  	_ =	swait.ge [sflag:s24], $0x4000  }
0x99: {  	[sflag:s24] =	ssyncset.done $0x0  }
0x9a: {  	[sflag:s24] =	ssyncadd.s32 $0xFFFFC000  }
0x9b: {  	_ =	swait.ge [sflag:s24], $0x4000  }
0x9c: {  	[sflag:s24] =	ssyncset.done $0x0  }
0x9d: {  	[sflag:s24] =	ssyncadd.s32 $0xFFFFC000  }
0x9e: {  	_ =	swait.ge [sflag:s24], $0x4000  }
0x9f: {  	[sflag:s24] =	ssyncset.done $0x0  }
0xa0: {  	[sflag:s24] =	ssyncadd.s32 $0xFFFFC000  }
0xa1: {  	_ =	swait.ge [sflag:s24], $0x4000  }
0xa2: {  	[sflag:s24] =	ssyncset.done $0x0  }
0xa3: {  	s12 =	simm.s32 @p0 $0xA;
	[sflag:s24] =	ssyncadd.s32 $0xFFFFC000  }
0xa4: {  	_ =	swait.ge @p0 [sflag:s12], $0x3800  }
0xa5: {  	[sflag:s12] =	ssyncset.done @p0 $0x0  }
0xa6: {  	[sflag:s12] =	ssyncadd.s32 @p0 $0xFFFFC800;
	s12 =	simm.s32 @!p0 $0xA  }
0xa7: {  	_ =	swait.ge @!p0 [sflag:s12], $0x4000  }
0xa8: {  	[sflag:s12] =	ssyncset.done @!p0 $0x0  }
0xa9: {  	[sflag:s12] =	ssyncadd.s32 @!p0 $0xFFFFC000  }
0xaa: {  	s13 =	simm.s32 $0x0;
	[bflag:$0x0] =	sbarrier.arrive $0xFFFF  }
.LBB2_4:
0xab: {  	_ =	swait.ge [sflag:s25], $0x4000  }
0xac: {  	p1 =	seq.s32 s13, $0x0;
	[sflag:s25] =	ssyncset.done $0x0  }
0xad: {  	s14 =	simm.s32 @!p1 $0xA;
	[sflag:s25] =	ssyncadd.s32 $0xFFFFC000  }
0xae: {  	[spmem:s5] =	stream.indirect.scatter.add.f32 [tilespmem:s21], [sflag:$0x8], $0x80, s15, s15, $0xb8;
	[tilespmem:$0x1FC80] =	vst v63  }
0xaf: {  	s12 =	sadd.s32 @!p1 $0x180, s13;
	_ =	swait.ge @!p1 [sflag:s14], $0x4000  }
0xb0: {  	s12 =	simm.s32 @p1 $0x180;
	s3 =	rddreg [dreg:$0x5]  }
0xb1: {  	s12 =	sadd.s32 s3, s12  }
0xb2: {  	[sflag:s14] =	ssyncset.done @!p1 $0x0;
	s12 =	sshrl.u32 s12, $0x3  }
0xb3: {  	[sflag:s14] =	ssyncadd.s32 @!p1 $0xFFFFC000;
	s30 =	sadd.s32 s1, s12  }
0xb4: {  	[tilespmem:s26], [sflag:$0x4] =	stream.linear.gather [hbm4b:s30+s6], $0x80, $0x38;
	[tilespmem:$0x1FC80] =	vst v63  }
0xb5: {  	s12 =	sadd.s32 s2, s12  }
0xb6: {  	[tilespmem:s28], [sflag:$0x4] =	stream.linear.gather [hbm4b:s12+s6], $0x80, $0x38;
	[tilespmem:$0x1FC80] =	vst v63  }
0xb7: {  	_ =	swait.ge [sflag:s29], $0x80  }
0xb8: {  	[sflag:s29] =	ssyncset.done $0x0  }
0xb9: {  	[sflag:s29] =	ssyncadd.s32 $0xFFFFFF80  }
0xba: {  	_ =	swait.ge [sflag:s29], $0x80  }
0xbb: {  	[sflag:s29] =	ssyncset.done $0x0  }
0xbc: {  	[sflag:s29] =	ssyncadd.s32 $0xFFFFFF80  }
0xbd: {  	[tilespmem:s7], [sflag:$0x7] =	stream.indirect.gather [hbm4b:s0+s15], $0x80, s18, s15, $0xb8;
	[tilespmem:$0x1FC80] =	vst v63  }
0xbe: {  	_ =	swait.ge [sflag:s4], $0x4000  }
0xbf: {  	[sflag:s4] =	ssyncset.done $0x0  }
0xc0: {  	[sflag:s4] =	ssyncadd.s32 $0xFFFFC000  }
0xc1: {  	[spmem:s5] =	stream.indirect.scatter.add.f32 [tilespmem:s23], [sflag:$0x9], $0x80, s17, s15, $0xb8;
	[tilespmem:$0x1FC80] =	vst v63  }
0xc2: {  	s12 =	smov.u32 s13;
	_ =	swait.ge [sflag:s8], $0x4000  }
0xc3: {  	s12 =	simm.s32 @p1 $0x0;
	s31 =	rddreg [dreg:$0x1b]  }
0xc4: {  	s3 =	sadd.s32 s12, s31  }
0xc5: {  	[sflag:s8] =	ssyncset.done $0x0;
	s14 =	sshrl.u32 s3, $0x3  }
0xc6: {  	[sflag:s8] =	ssyncadd.s32 $0xFFFFC000;
	s30 =	sadd.s32 s1, s14  }
0xc7: {  	[tilespmem:s6], [sflag:$0x1] =	stream.linear.gather [hbm4b:s30+s6], $0x80, $0x38;
	[tilespmem:$0x1FC80] =	vst v63  }
0xc8: {  	s14 =	sadd.s32 s2, s14  }
0xc9: {  	[tilespmem:s15], [sflag:$0x1] =	stream.linear.gather [hbm4b:s14+s6], $0x80, $0x38;
	[tilespmem:$0x1FC80] =	vst v63  }
0xca: {  	_ =	swait.ge [sflag:s9], $0x80  }
0xcb: {  	[sflag:s9] =	ssyncset.done $0x0  }
0xcc: {  	[sflag:s9] =	ssyncadd.s32 $0xFFFFFF80  }
0xcd: {  	_ =	swait.ge [sflag:s9], $0x80  }
0xce: {  	[sflag:s9] =	ssyncset.done $0x0  }
0xcf: {  	[sflag:s9] =	ssyncadd.s32 $0xFFFFFF80  }
0xd0: {  	[tilespmem:s21], [sflag:$0x5] =	stream.indirect.gather [hbm4b:s0+s15], $0x80, s26, s15, $0xb8;
	[tilespmem:$0x1FC80] =	vst v63  }
0xd1: {  	_ =	swait.ge [sflag:s10], $0x4000  }
0xd2: {  	[sflag:s10] =	ssyncset.done $0x0  }
0xd3: {  	[sflag:s10] =	ssyncadd.s32 $0xFFFFC000  }
0xd4: {  	[spmem:s5] =	stream.indirect.scatter.add.f32 [tilespmem:s7], [sflag:$0xA], $0x80, s19, s15, $0xb8;
	[tilespmem:$0x1FC80] =	vst v63  }
0xd5: {  	_ =	swait.ge [sflag:s11], $0x4000  }
0xd6: {  	s14 =	rddreg [dreg:$0x1c]  }
0xd7: {  	s30 =	sadd.s32 s12, s14  }
0xd8: {  	[sflag:s11] =	ssyncset.done $0x0;
	s14 =	sshrl.u32 s30, $0x3  }
0xd9: {  	[sflag:s11] =	ssyncadd.s32 $0xFFFFC000;
	s31 =	sadd.s32 s1, s14  }
0xda: {  	[tilespmem:s16], [sflag:$0x2] =	stream.linear.gather [hbm4b:s31+s6], $0x80, $0x38;
	[tilespmem:$0x1FC80] =	vst v63  }
0xdb: {  	s14 =	sadd.s32 s2, s14  }
0xdc: {  	[tilespmem:s17], [sflag:$0x2] =	stream.linear.gather [hbm4b:s14+s6], $0x80, $0x38;
	[tilespmem:$0x1FC80] =	vst v63  }
0xdd: {  	_ =	swait.ge [sflag:s20], $0x80  }
0xde: {  	[sflag:s20] =	ssyncset.done $0x0  }
0xdf: {  	[sflag:s20] =	ssyncadd.s32 $0xFFFFFF80  }
0xe0: {  	_ =	swait.ge [sflag:s20], $0x80  }
0xe1: {  	[sflag:s20] =	ssyncset.done $0x0  }
0xe2: {  	[sflag:s20] =	ssyncadd.s32 $0xFFFFFF80  }
0xe3: {  	[tilespmem:s23], [sflag:$0x6] =	stream.indirect.gather [hbm4b:s0+s15], $0x80, s6, s15, $0xb8;
	[tilespmem:$0x1FC80] =	vst v63  }
0xe4: {  	_ =	swait.ge [sflag:s25], $0x4000  }
0xe5: {  	[sflag:s25] =	ssyncset.done $0x0  }
0xe6: {  	[sflag:s25] =	ssyncadd.s32 $0xFFFFC000  }
0xe7: {  	[spmem:s5] =	stream.indirect.scatter.add.f32 [tilespmem:s21], [sflag:$0x8], $0x80, s28, s15, $0xb8;
	[tilespmem:$0x1FC80] =	vst v63  }
0xe8: {  	_ =	swait.ge [sflag:s24], $0x4000  }
0xe9: {  	p1 =	seq.s32 s13, $0x2400;
	s3 =	rddreg [dreg:$0x1d]  }
0xea: {  	s14 =	sadd.s32 @!p1 s12, s3  }
0xeb: {  	s31 =	simm.s32 @!p1 $0x0;
	[sflag:s24] =	ssyncset.done $0x0;
	s14 =	sshrl.u32 @!p1 s14, $0x3  }
0xec: {  	[sflag:s24] =	ssyncadd.s32 $0xFFFFC000;
	s3 =	simm.s32 @!p1 $0x200;
	s30 =	sadd.s32 @!p1 s1, s14  }
0xed: {  	[tilespmem:s3], [sflag:$0x3] =	stream.linear.gather @!p1 [hbm4b:s30+s31], $0x80, $0x38;
	[tilespmem:$0x1FC80] =	vst v63  }
0xee: {  	s3 =	sadd.s32 @!p1 s2, s14;
	s14 =	simm.s32 @!p1 $0x280  }
0xef: {  	[tilespmem:s14], [sflag:$0x3] =	stream.linear.gather @!p1 [hbm4b:s3+s31], $0x80, $0x38;
	[tilespmem:$0x1FC80] =	vst v63  }
0xf0: {  	_ =	swait.ge [sflag:s22], $0x80  }
0xf1: {  	[sflag:s22] =	ssyncset.done $0x0  }
0xf2: {  	[sflag:s22] =	ssyncadd.s32 $0xFFFFFF80  }
0xf3: {  	_ =	swait.ge [sflag:s22], $0x80  }
0xf4: {  	[sflag:s22] =	ssyncset.done $0x0  }
0xf5: {  	[sflag:s22] =	ssyncadd.s32 $0xFFFFFF80  }
0xf6: {  	[tilespmem:s7], [sflag:$0x7] =	stream.indirect.gather [hbm4b:s0+s15], $0x80, s16, s15, $0xb8;
	[tilespmem:$0x1FC80] =	vst v63  }
0xf7: {  	_ =	swait.ge [sflag:s4], $0x4000  }
0xf8: {  	[sflag:s4] =	ssyncset.done $0x0  }
.Ltmp3:
0xf9: {  	[sflag:s4] =	ssyncadd.s32 $0xFFFFC000;
	(pc) =	sbr.rel @p1 .LBB2_6-.Ltmp3, $4  }
0xfa: {  	[spmem:s5] =	stream.indirect.scatter.add.f32 [tilespmem:s23], [sflag:$0x9], $0x80, s15, s15, $0xb8;
	[tilespmem:$0x1FC80] =	vst v63  }
0xfb: {  	_ =	swait.ge [sflag:s8], $0x4000  }
0xfc: {  	[sflag:s8] =	ssyncset.done $0x0  }
0xfd: {  	[sflag:s8] =	ssyncadd.s32 $0xFFFFC000  }
0xfe: {  	s3 =	rddreg [dreg:$0x1e]  }
0xff: {  	s3 =	sadd.s32 s12, s3  }
0x100: {  	s3 =	sshrl.u32 s3, $0x3  }
0x101: {  	s14 =	sadd.s32 s1, s3  }
0x102: {  	[tilespmem:s26], [sflag:$0x4] =	stream.linear.gather [hbm4b:s14+s6], $0x80, $0x38;
	[tilespmem:$0x1FC80] =	vst v63  }
0x103: {  	s3 =	sadd.s32 s2, s3  }
0x104: {  	[tilespmem:s28], [sflag:$0x4] =	stream.linear.gather [hbm4b:s3+s6], $0x80, $0x38;
	[tilespmem:$0x1FC80] =	vst v63  }
0x105: {  	_ =	swait.ge [sflag:s29], $0x80  }
0x106: {  	[sflag:s29] =	ssyncset.done $0x0  }
0x107: {  	[sflag:s29] =	ssyncadd.s32 $0xFFFFFF80  }
0x108: {  	_ =	swait.ge [sflag:s29], $0x80  }
0x109: {  	[sflag:s29] =	ssyncset.done $0x0  }
0x10a: {  	[sflag:s29] =	ssyncadd.s32 $0xFFFFFF80  }
0x10b: {  	[tilespmem:s21], [sflag:$0x5] =	stream.indirect.gather [hbm4b:s0+s15], $0x80, s18, s15, $0xb8;
	[tilespmem:$0x1FC80] =	vst v63  }
0x10c: {  	_ =	swait.ge [sflag:s10], $0x4000  }
0x10d: {  	[sflag:s10] =	ssyncset.done $0x0  }
0x10e: {  	[sflag:s10] =	ssyncadd.s32 $0xFFFFC000  }
0x10f: {  	[spmem:s5] =	stream.indirect.scatter.add.f32 [tilespmem:s7], [sflag:$0xA], $0x80, s17, s15, $0xb8;
	[tilespmem:$0x1FC80] =	vst v63  }
0x110: {  	_ =	swait.ge [sflag:s11], $0x4000  }
0x111: {  	s30 =	rddreg [dreg:$0x1f]  }
0x112: {  	s3 =	sadd.s32 s12, s30  }
0x113: {  	[sflag:s11] =	ssyncset.done $0x0;
	s3 =	sshrl.u32 s3, $0x3  }
0x114: {  	[sflag:s11] =	ssyncadd.s32 $0xFFFFC000;
	s31 =	sadd.s32 s1, s3  }
0x115: {  	[tilespmem:s6], [sflag:$0x1] =	stream.linear.gather [hbm4b:s31+s6], $0x80, $0x38;
	[tilespmem:$0x1FC80] =	vst v63  }
0x116: {  	s3 =	sadd.s32 s2, s3  }
0x117: {  	[tilespmem:s15], [sflag:$0x1] =	stream.linear.gather [hbm4b:s3+s6], $0x80, $0x38;
	[tilespmem:$0x1FC80] =	vst v63  }
0x118: {  	_ =	swait.ge [sflag:s9], $0x80  }
0x119: {  	[sflag:s9] =	ssyncset.done $0x0  }
0x11a: {  	[sflag:s9] =	ssyncadd.s32 $0xFFFFFF80  }
0x11b: {  	_ =	swait.ge [sflag:s9], $0x80  }
0x11c: {  	[sflag:s9] =	ssyncset.done $0x0  }
0x11d: {  	[sflag:s9] =	ssyncadd.s32 $0xFFFFFF80  }
0x11e: {  	[tilespmem:s23], [sflag:$0x6] =	stream.indirect.gather [hbm4b:s0+s15], $0x80, s26, s15, $0xb8;
	[tilespmem:$0x1FC80] =	vst v63  }
0x11f: {  	_ =	swait.ge [sflag:s25], $0x4000  }
0x120: {  	[sflag:s25] =	ssyncset.done $0x0  }
0x121: {  	[sflag:s25] =	ssyncadd.s32 $0xFFFFC000  }
0x122: {  	[spmem:s5] =	stream.indirect.scatter.add.f32 [tilespmem:s21], [sflag:$0x8], $0x80, s19, s15, $0xb8;
	[tilespmem:$0x1FC80] =	vst v63  }
0x123: {  	_ =	swait.ge [sflag:s24], $0x4000  }
0x124: {  	s30 =	sld [smem:$0x7F8];
	_ =	sdelay $0x2  }
0x125: {  	s3 =	sadd.s32 s12, s30  }
0x126: {  	[sflag:s24] =	ssyncset.done $0x0;
	s3 =	sshrl.u32 s3, $0x3  }
0x127: {  	[sflag:s24] =	ssyncadd.s32 $0xFFFFC000;
	s31 =	sadd.s32 s1, s3  }
0x128: {  	[tilespmem:s16], [sflag:$0x2] =	stream.linear.gather [hbm4b:s31+s6], $0x80, $0x38;
	[tilespmem:$0x1FC80] =	vst v63  }
0x129: {  	s3 =	sadd.s32 s2, s3  }
0x12a: {  	[tilespmem:s17], [sflag:$0x2] =	stream.linear.gather [hbm4b:s3+s6], $0x80, $0x38;
	[tilespmem:$0x1FC80] =	vst v63  }
0x12b: {  	_ =	swait.ge [sflag:s20], $0x80  }
0x12c: {  	[sflag:s20] =	ssyncset.done $0x0  }
0x12d: {  	[sflag:s20] =	ssyncadd.s32 $0xFFFFFF80  }
0x12e: {  	_ =	swait.ge [sflag:s20], $0x80  }
0x12f: {  	[sflag:s20] =	ssyncset.done $0x0  }
0x130: {  	[sflag:s20] =	ssyncadd.s32 $0xFFFFFF80  }
0x131: {  	[tilespmem:s7], [sflag:$0x7] =	stream.indirect.gather [hbm4b:s0+s15], $0x80, s6, s15, $0xb8;
	[tilespmem:$0x1FC80] =	vst v63  }
0x132: {  	_ =	swait.ge [sflag:s4], $0x4000  }
0x133: {  	[sflag:s4] =	ssyncset.done $0x0  }
0x134: {  	[sflag:s4] =	ssyncadd.s32 $0xFFFFC000  }
0x135: {  	[spmem:s5] =	stream.indirect.scatter.add.f32 [tilespmem:s23], [sflag:$0x9], $0x80, s28, s15, $0xb8;
	[tilespmem:$0x1FC80] =	vst v63  }
0x136: {  	_ =	swait.ge [sflag:s8], $0x4000  }
0x137: {  	s30 =	sld [smem:$0x7F9];
	_ =	sdelay $0x2  }
0x138: {  	s3 =	sadd.s32 s12, s30  }
0x139: {  	[sflag:s8] =	ssyncset.done $0x0;
	s3 =	sshrl.u32 s3, $0x3  }
0x13a: {  	[sflag:s8] =	ssyncadd.s32 $0xFFFFC000;
	s31 =	sadd.s32 s1, s3  }
0x13b: {  	[tilespmem:s18], [sflag:$0x3] =	stream.linear.gather [hbm4b:s31+s6], $0x80, $0x38;
	[tilespmem:$0x1FC80] =	vst v63  }
0x13c: {  	s3 =	sadd.s32 s2, s3  }
0x13d: {  	[tilespmem:s19], [sflag:$0x3] =	stream.linear.gather [hbm4b:s3+s6], $0x80, $0x38;
	[tilespmem:$0x1FC80] =	vst v63  }
0x13e: {  	_ =	swait.ge [sflag:s22], $0x80  }
0x13f: {  	[sflag:s22] =	ssyncset.done $0x0  }
0x140: {  	[sflag:s22] =	ssyncadd.s32 $0xFFFFFF80  }
0x141: {  	_ =	swait.ge [sflag:s22], $0x80  }
0x142: {  	[sflag:s22] =	ssyncset.done $0x0  }
0x143: {  	[sflag:s22] =	ssyncadd.s32 $0xFFFFFF80  }
0x144: {  	[tilespmem:s21], [sflag:$0x5] =	stream.indirect.gather [hbm4b:s0+s15], $0x80, s16, s15, $0xb8;
	[tilespmem:$0x1FC80] =	vst v63  }
0x145: {  	_ =	swait.ge [sflag:s10], $0x4000  }
0x146: {  	[sflag:s10] =	ssyncset.done $0x0  }
0x147: {  	[sflag:s10] =	ssyncadd.s32 $0xFFFFC000  }
0x148: {  	[spmem:s5] =	stream.indirect.scatter.add.f32 [tilespmem:s7], [sflag:$0xA], $0x80, s15, s15, $0xb8;
	[tilespmem:$0x1FC80] =	vst v63  }
0x149: {  	_ =	swait.ge [sflag:s11], $0x4000  }
0x14a: {  	s30 =	sld [smem:$0x7FA];
	_ =	sdelay $0x2  }
0x14b: {  	s3 =	sadd.s32 s12, s30  }
0x14c: {  	[sflag:s11] =	ssyncset.done $0x0;
	s3 =	sshrl.u32 s3, $0x3  }
0x14d: {  	[sflag:s11] =	ssyncadd.s32 $0xFFFFC000;
	s31 =	sadd.s32 s1, s3  }
0x14e: {  	[tilespmem:s26], [sflag:$0x4] =	stream.linear.gather [hbm4b:s31+s6], $0x80, $0x38;
	[tilespmem:$0x1FC80] =	vst v63  }
0x14f: {  	s3 =	sadd.s32 s2, s3  }
0x150: {  	[tilespmem:s28], [sflag:$0x4] =	stream.linear.gather [hbm4b:s3+s6], $0x80, $0x38;
	[tilespmem:$0x1FC80] =	vst v63  }
0x151: {  	_ =	swait.ge [sflag:s29], $0x80  }
0x152: {  	[sflag:s29] =	ssyncset.done $0x0  }
0x153: {  	[sflag:s29] =	ssyncadd.s32 $0xFFFFFF80  }
0x154: {  	_ =	swait.ge [sflag:s29], $0x80  }
0x155: {  	[sflag:s29] =	ssyncset.done $0x0  }
0x156: {  	[sflag:s29] =	ssyncadd.s32 $0xFFFFFF80  }
0x157: {  	[tilespmem:s23], [sflag:$0x6] =	stream.indirect.gather [hbm4b:s0+s15], $0x80, s18, s15, $0xb8;
	[tilespmem:$0x1FC80] =	vst v63  }
0x158: {  	_ =	swait.ge [sflag:s25], $0x4000  }
0x159: {  	[sflag:s25] =	ssyncset.done $0x0  }
0x15a: {  	[sflag:s25] =	ssyncadd.s32 $0xFFFFC000  }
0x15b: {  	[spmem:s5] =	stream.indirect.scatter.add.f32 [tilespmem:s21], [sflag:$0x8], $0x80, s17, s15, $0xb8;
	[tilespmem:$0x1FC80] =	vst v63  }
0x15c: {  	_ =	swait.ge [sflag:s24], $0x4000  }
0x15d: {  	s30 =	sld [smem:$0x7FB];
	_ =	sdelay $0x2  }
0x15e: {  	s3 =	sadd.s32 s12, s30  }
0x15f: {  	[sflag:s24] =	ssyncset.done $0x0;
	s3 =	sshrl.u32 s3, $0x3  }
0x160: {  	[sflag:s24] =	ssyncadd.s32 $0xFFFFC000;
	s31 =	sadd.s32 s1, s3  }
0x161: {  	[tilespmem:s6], [sflag:$0x1] =	stream.linear.gather [hbm4b:s31+s6], $0x80, $0x38;
	[tilespmem:$0x1FC80] =	vst v63  }
0x162: {  	s3 =	sadd.s32 s2, s3  }
0x163: {  	[tilespmem:s15], [sflag:$0x1] =	stream.linear.gather [hbm4b:s3+s6], $0x80, $0x38;
	[tilespmem:$0x1FC80] =	vst v63  }
0x164: {  	_ =	swait.ge [sflag:s9], $0x80  }
0x165: {  	[sflag:s9] =	ssyncset.done $0x0  }
0x166: {  	[sflag:s9] =	ssyncadd.s32 $0xFFFFFF80  }
0x167: {  	_ =	swait.ge [sflag:s9], $0x80  }
0x168: {  	[sflag:s9] =	ssyncset.done $0x0  }
0x169: {  	[sflag:s9] =	ssyncadd.s32 $0xFFFFFF80  }
0x16a: {  	[tilespmem:s7], [sflag:$0x7] =	stream.indirect.gather [hbm4b:s0+s15], $0x80, s26, s15, $0xb8;
	[tilespmem:$0x1FC80] =	vst v63  }
0x16b: {  	_ =	swait.ge [sflag:s4], $0x4000  }
0x16c: {  	[sflag:s4] =	ssyncset.done $0x0  }
0x16d: {  	[sflag:s4] =	ssyncadd.s32 $0xFFFFC000  }
0x16e: {  	[spmem:s5] =	stream.indirect.scatter.add.f32 [tilespmem:s23], [sflag:$0x9], $0x80, s19, s15, $0xb8;
	[tilespmem:$0x1FC80] =	vst v63  }
0x16f: {  	_ =	swait.ge [sflag:s8], $0x4000  }
0x170: {  	s30 =	sld [smem:$0x7FC];
	_ =	sdelay $0x2  }
0x171: {  	s3 =	sadd.s32 s12, s30  }
0x172: {  	[sflag:s8] =	ssyncset.done $0x0;
	s3 =	sshrl.u32 s3, $0x3  }
0x173: {  	[sflag:s8] =	ssyncadd.s32 $0xFFFFC000;
	s31 =	sadd.s32 s1, s3  }
0x174: {  	[tilespmem:s16], [sflag:$0x2] =	stream.linear.gather [hbm4b:s31+s6], $0x80, $0x38;
	[tilespmem:$0x1FC80] =	vst v63  }
0x175: {  	s3 =	sadd.s32 s2, s3  }
0x176: {  	[tilespmem:s17], [sflag:$0x2] =	stream.linear.gather [hbm4b:s3+s6], $0x80, $0x38;
	[tilespmem:$0x1FC80] =	vst v63  }
0x177: {  	_ =	swait.ge [sflag:s20], $0x80  }
0x178: {  	[sflag:s20] =	ssyncset.done $0x0  }
0x179: {  	[sflag:s20] =	ssyncadd.s32 $0xFFFFFF80  }
0x17a: {  	_ =	swait.ge [sflag:s20], $0x80  }
0x17b: {  	[sflag:s20] =	ssyncset.done $0x0  }
0x17c: {  	[sflag:s20] =	ssyncadd.s32 $0xFFFFFF80  }
0x17d: {  	[tilespmem:s21], [sflag:$0x5] =	stream.indirect.gather [hbm4b:s0+s15], $0x80, s6, s15, $0xb8;
	[tilespmem:$0x1FC80] =	vst v63  }
0x17e: {  	_ =	swait.ge [sflag:s10], $0x4000  }
0x17f: {  	[sflag:s10] =	ssyncset.done $0x0  }
0x180: {  	[sflag:s10] =	ssyncadd.s32 $0xFFFFC000  }
0x181: {  	[spmem:s5] =	stream.indirect.scatter.add.f32 [tilespmem:s7], [sflag:$0xA], $0x80, s28, s15, $0xb8;
	[tilespmem:$0x1FC80] =	vst v63  }
0x182: {  	_ =	swait.ge [sflag:s11], $0x4000  }
0x183: {  	s30 =	sld [smem:$0x7FD];
	_ =	sdelay $0x2  }
0x184: {  	s3 =	sadd.s32 s12, s30  }
0x185: {  	[sflag:s11] =	ssyncset.done $0x0;
	s3 =	sshrl.u32 s3, $0x3  }
0x186: {  	[sflag:s11] =	ssyncadd.s32 $0xFFFFC000;
	s31 =	sadd.s32 s1, s3  }
0x187: {  	[tilespmem:s18], [sflag:$0x3] =	stream.linear.gather [hbm4b:s31+s6], $0x80, $0x38;
	[tilespmem:$0x1FC80] =	vst v63  }
0x188: {  	s3 =	sadd.s32 s2, s3  }
0x189: {  	[tilespmem:s19], [sflag:$0x3] =	stream.linear.gather [hbm4b:s3+s6], $0x80, $0x38;
	[tilespmem:$0x1FC80] =	vst v63  }
0x18a: {  	_ =	swait.ge [sflag:s22], $0x80  }
0x18b: {  	[sflag:s22] =	ssyncset.done $0x0  }
.Ltmp4:
0x18c: {  	[sflag:s22] =	ssyncadd.s32 $0xFFFFFF80;
	(pc) =	sbr.rel .LBB2_4-.Ltmp4, $4  }
0x18d: {  	_ =	swait.ge [sflag:s22], $0x80  }
0x18e: {  	[sflag:s22] =	ssyncset.done $0x0  }
0x18f: {  	s13 =	sadd.s32 $0x600, s13;
	[sflag:s22] =	ssyncadd.s32 $0xFFFFFF80  }
0x190: {  	[tilespmem:s23], [sflag:$0x6] =	stream.indirect.gather [hbm4b:s0+s15], $0x80, s16, s15, $0xb8;
	[tilespmem:$0x1FC80] =	vst v63  }
.LBB2_7:
0x191: {  	_ =	sfence.sel $0x180000  }
0x192: {  	[bflag:$0x0] =	sbarrier.arrive $0xFFFF  }
0x193: {  	_ =	strace $0x90000047  }
0x194: {  	[bflag:$0x2] =	sbarrier.arrive $0xFFFF  }
0x195: {  	s0 =	rddreg [dreg:$0x4]  }
0x196: {  	s0 =	sadd.s32 @!p0 $0x100000, s0  }
0x197: {  	[sflag:s0] =	ssyncadd.tile.s32 @!p0 $0x1;
	_ =	shalt  }
.Lfunc_end2:
_tile_overlayer_lowered:
.L_overlay_start_2:
0x198: {  	(tag) =	ssettag $0x2  }
0x199: {  	s0 =	rddreg [dreg:$0x0];
	s2 =	stileid.u32  }
0x19a: {  	s1 =	rddreg [dreg:$0x1];
	p0 =	sne.s32 s2, $0x0  }
0x19b: {  	s3 =	rddreg [dreg:$0x2];
	[bflag:$0x3] =	sbarrier.arrive $0xFFFF;
	s2 =	simm.s32 @!p0 $0x1C0B  }
0x19c: {  	[timem:s3], [sflag:s2] =	dma.local @!p0 [hbm:s0], s1  }
0x19d: {  	s0 =	simm.s32 @!p0 $0xB  }
0x19e: {  	_ =	swait.ge @!p0 [sflag:s0], s1  }
0x19f: {  	s1 =	ssub.s32 @!p0 $0x0, s1;
	[sflag:s0] =	ssyncset.done @!p0 $0x0  }
0x1a0: {  	[sflag:s0] =	ssyncadd.s32 @!p0 s1  }
0x1a1: {  	[bflag:$0x3] =	sbarrier.arrive $0xFFFF  }
0x1a2: {  	_ =	shalt  }

</sc_bundles>
